<compile_context>
chip_gen: v7x
topology: tpu7x:2x2x1
jax: 0.10.2.dev20260603
libtpu: 0.0.44.dev20260713+nightly
codegen_flags: <defaults>
</compile_context>

<pallas_src>
import functools

import jax
import jax.numpy as jnp
from jax import lax
from jax.experimental import pallas as pl
from jax.experimental.pallas import tpu as pltpu
from jax.experimental.pallas import tpu_sc as plsc

N = 10000
E = 320000
D = 128

NC = 2
NS = 16
RPT = 624
TAIL = N - NS * RPT


def _make_pipeline(dst_hbm, idx_s, acc, bufs, ebase, nchunk, k):
  idx_da, idx_db, rows_a, rows_b, sem_ga, sem_gb = bufs

  def issue_g(i, rows_buf, idx_buf, sem, table):
    pltpu.async_copy(table.at[idx_s.at[pl.ds(i * k, k)]], rows_buf, sem)
    pltpu.async_copy(dst_hbm.at[pl.ds(ebase + i * k, k)], idx_buf, sem)

  def wait_g(rows_buf, idx_buf, sem, table):
    pltpu.make_async_copy(table.at[idx_s.at[pl.ds(0, k)]],
                          rows_buf, sem).wait()
    pltpu.make_async_copy(dst_hbm.at[pl.ds(0, k)], idx_buf, sem).wait()

  def run(table):
    issue_g(0, rows_a, idx_da, sem_ga, table)

    def body(j, carry):
      issue_g(2 * j + 1, rows_b, idx_db, sem_gb, table)
      wait_g(rows_a, idx_da, sem_ga, table)
      pltpu.sync_copy(rows_a, acc.at[idx_da], add=True)
      issue_g(2 * j + 2, rows_a, idx_da, sem_ga, table)
      wait_g(rows_b, idx_db, sem_gb, table)
      pltpu.sync_copy(rows_b, acc.at[idx_db], add=True)
      return carry

    if nchunk % 2 == 1:
      lax.fori_loop(0, (nchunk - 1) // 2, body, 0)
    else:
      lax.fori_loop(0, nchunk // 2 - 1, body, 0)
      issue_g(nchunk - 1, rows_b, idx_db, sem_gb, table)
    wait_g(rows_a, idx_da, sem_ga, table)
    pltpu.sync_copy(rows_a, acc.at[idx_da], add=True)
    if nchunk % 2 == 0:
      wait_g(rows_b, idx_db, sem_gb, table)
      pltpu.sync_copy(rows_b, acc.at[idx_db], add=True)

  return run


_SC_MESH = plsc.VectorSubcoreMesh(core_axis_name="c", subcore_axis_name="s")


def _zero_acc(zeros_hbm, acc, row0, s):
  pltpu.sync_copy(zeros_hbm, acc.at[pl.ds(row0, RPT)])

  @pl.when(s == NS - 1)
  def _tail():
    pltpu.sync_copy(zeros_hbm.at[pl.ds(0, TAIL)],
                    acc.at[pl.ds(NS * RPT, TAIL)])


def _dump_acc(acc, out, out_base, row0, s):
  pltpu.sync_copy(acc.at[pl.ds(row0, RPT)],
                  out.at[pl.ds(out_base + row0, RPT)])

  @pl.when(s == NS - 1)
  def _tail():
    pltpu.sync_copy(acc.at[pl.ds(NS * RPT, TAIL)],
                    out.at[pl.ds(out_base + NS * RPT, TAIL)])


_EPT2 = E // NS
_K2 = 160
_SUBS = ((0, 8000), (8000, 8000), (16000, 4000))


@functools.partial(
    pl.kernel,
    out_type=(jax.ShapeDtypeStruct((N, D), jnp.float32),
              jax.ShapeDtypeStruct((N, D), jnp.float32)),
    mesh=_SC_MESH,
    scratch_types=[
        pltpu.VMEM((8000,), jnp.int32),
        pltpu.VMEM((_K2,), jnp.int32),
        pltpu.VMEM((_K2,), jnp.int32),
        pltpu.VMEM((_K2, D), jnp.float32),
        pltpu.VMEM((_K2, D), jnp.float32),
        pltpu.VMEM_SHARED((N, D), jnp.float32),
        pltpu.SemaphoreType.DMA,
        pltpu.SemaphoreType.DMA,
    ])
def _agg2(feat_hbm, state_hbm, src_hbm, dst_hbm, zeros_hbm, p_out, q_out,
          idx_s, idx_da, idx_db, rows_a, rows_b, acc, sem_ga, sem_gb):
  c = lax.axis_index("c")
  s = lax.axis_index("s")
  ebase = s * _EPT2
  row0 = s * RPT

  _zero_acc(zeros_hbm, acc, row0, s)
  plsc.subcore_barrier()

  def run(table):
    for off, ln in _SUBS:
      pltpu.sync_copy(src_hbm.at[pl.ds(ebase + off, ln)],
                      idx_s.at[pl.ds(0, ln)])
      _make_pipeline(dst_hbm, idx_s, acc,
                     (idx_da, idx_db, rows_a, rows_b, sem_ga, sem_gb),
                     ebase + off, ln // _K2, k=_K2)(table)

  @pl.when(c == 0)
  def _feat():
    run(feat_hbm)

  @pl.when(c == 1)
  def _state():
    run(state_hbm)

  plsc.subcore_barrier()

  @pl.when(c == 0)
  def _dump_p():
    _dump_acc(acc, p_out, 0, row0, s)

  @pl.when(c == 1)
  def _dump_q():
    _dump_acc(acc, q_out, 0, row0, s)


_E0 = 9920
_E1 = 10080
_SUBS0 = ((0, 4800), (4800, 4800), (9600, 320))
_SUBS1 = ((0, 4800), (4800, 4800), (9600, 480))


@functools.partial(
    pl.kernel,
    out_type=jax.ShapeDtypeStruct((NC * N, D), jnp.float32),
    mesh=_SC_MESH,
    scratch_types=[
        pltpu.VMEM((4800,), jnp.int32),
        pltpu.VMEM((_K2,), jnp.int32),
        pltpu.VMEM((_K2,), jnp.int32),
        pltpu.VMEM((_K2, D), jnp.float32),
        pltpu.VMEM((_K2, D), jnp.float32),
        pltpu.VMEM_SHARED((N, D), jnp.float32),
        pltpu.SemaphoreType.DMA,
        pltpu.SemaphoreType.DMA,
    ])
def _agg1(table_hbm, src_hbm, dst_hbm, zeros_hbm, out,
          idx_s, idx_da, idx_db, rows_a, rows_b, acc, sem_ga, sem_gb):
  c = lax.axis_index("c")
  s = lax.axis_index("s")
  row0 = s * RPT

  _zero_acc(zeros_hbm, acc, row0, s)
  plsc.subcore_barrier()

  def run(ebase, subs):
    for off, ln in subs:
      pltpu.sync_copy(src_hbm.at[pl.ds(ebase + off, ln)],
                      idx_s.at[pl.ds(0, ln)])
      _make_pipeline(dst_hbm, idx_s, acc,
                     (idx_da, idx_db, rows_a, rows_b, sem_ga, sem_gb),
                     ebase + off, ln // _K2, k=_K2)(table_hbm)

  @pl.when(c == 0)
  def _lo():
    run(s * _E0, _SUBS0)

  @pl.when(c == 1)
  def _hi():
    run(NS * _E0 + s * _E1, _SUBS1)

  plsc.subcore_barrier()
  _dump_acc(acc, out, c * N, row0, s)


_R = 2000


def _row_spec(off_blocks, width=D):
  return pl.BlockSpec((_R, width), lambda i, o=off_blocks: (o + i, 0))


def _full_spec(shape):
  return pl.BlockSpec(shape, lambda i: (0, 0))


def _gate1_body(p, q, f, st, wnt, wnb, wst, wsb, b, z_o, rs_o):
  acc = jnp.dot(p[...], wnt[...], preferred_element_type=jnp.float32)
  acc += jnp.dot(q[...], wnb[...], preferred_element_type=jnp.float32)
  acc += jnp.dot(f[...], wst[...], preferred_element_type=jnp.float32)
  acc += jnp.dot(st[...], wsb[...], preferred_element_type=jnp.float32)
  zr = jax.nn.sigmoid(acc + b[...])
  z_o[...] = zr[:, :D]
  rs_o[...] = zr[:, D:] * st[...]


def _half_spec(half, width):
  return pl.BlockSpec((D, width), lambda i, h=half: (h, 0))


def _gate1(p, q, feat, state, w_nbr, w_self, b):
  in_specs = [
      _row_spec(0), _row_spec(0),
      _row_spec(0), _row_spec(0),
      _half_spec(0, 2 * D), _half_spec(1, 2 * D),
      _half_spec(0, 2 * D), _half_spec(1, 2 * D),
      _full_spec((1, 2 * D)),
  ]
  return pl.pallas_call(
      _gate1_body, grid=(N // _R,), in_specs=in_specs,
      out_specs=[_row_spec(0)] * 2,
      out_shape=[jax.ShapeDtypeStruct((N, D), jnp.float32)] * 2,
  )(p, q, feat, state, w_nbr, w_nbr, w_self, w_self, b)


def _gate2_body(p, s0, s1, f, rs, z, st, wnt, wnb, wst, wsb, b, out):
  acc = jnp.dot(p[...], wnt[...], preferred_element_type=jnp.float32)
  acc += jnp.dot(s0[...] + s1[...], wnb[...],
                 preferred_element_type=jnp.float32)
  acc += jnp.dot(f[...], wst[...], preferred_element_type=jnp.float32)
  acc += jnp.dot(rs[...], wsb[...], preferred_element_type=jnp.float32)
  c = jnp.tanh(acc + b[...])
  zz = z[...]
  out[...] = zz * st[...] + (1.0 - zz) * c


def _gate2(p, s2, feat, rs, z, state, w_nbr, w_self, b):
  nb = N // _R
  in_specs = [
      _row_spec(0),
      _row_spec(0), _row_spec(nb),
      _row_spec(0), _row_spec(0), _row_spec(0), _row_spec(0),
      _half_spec(0, D), _half_spec(1, D),
      _half_spec(0, D), _half_spec(1, D),
      _full_spec((1, D)),
  ]
  return pl.pallas_call(
      _gate2_body, grid=(nb,), in_specs=in_specs,
      out_specs=_row_spec(0),
      out_shape=jax.ShapeDtypeStruct((N, D), jnp.float32),
  )(p, s2, s2, feat, rs, z, state, w_nbr, w_nbr, w_self, w_self, b)


def kernel(feat, state, edge_index, W_zr_nbr, W_zr_self, b_zr,
           W_c_nbr, W_c_self, b_c):
  src = edge_index[0].astype(jnp.int32)
  dst = edge_index[1].astype(jnp.int32)
  zeros = jnp.zeros((RPT, D), jnp.float32)

  p, q = _agg2(feat, state, src, dst, zeros)
  z, rs = _gate1(p, q, feat, state, W_zr_nbr, W_zr_self,
                 b_zr.reshape(1, 2 * D))
  s2 = _agg1(rs, src, dst, zeros)
  return _gate2(p, s2, feat, rs, z, state, W_c_nbr, W_c_self,
                b_c.reshape(1, D))

# --- scband reference (transcript-rebuilt; emitter-appended) ---
"""Pipeline reference for scband-dcgrucell-60533269069993 (READ-ONLY COPY).

The authoritative reference and input builder live on the scoring server;
editing this copy changes nothing except your own understanding.
"""

import jax, jax.numpy as jnp
import numpy as np

N_NODES = 10000
N_EDGES = 320000
D = 128


def setup_inputs(seed: int = 0) -> dict:
    key = jax.random.key(seed)
    ks = jax.random.split(key, 10)
    feat = jax.random.normal(ks[0], (N_NODES, D), dtype=jnp.float32)
    state = jax.random.normal(ks[1], (N_NODES, D), dtype=jnp.float32)
    edge_index = jax.random.randint(ks[2], (2, N_EDGES), 0, N_NODES, dtype=jnp.int64)
    # zrgate params: in 2*D -> out 2*D (z and r)
    W_zr_nbr = jax.random.normal(ks[3], (2 * D, 2 * D), dtype=jnp.float32) * (1.0 / np.sqrt(2 * D))
    W_zr_self = jax.random.normal(ks[4], (2 * D, 2 * D), dtype=jnp.float32) * (1.0 / np.sqrt(2 * D))
    b_zr = jnp.zeros((2 * D,), dtype=jnp.float32)
    # cgate params: in 2*D -> out D
    W_c_nbr = jax.random.normal(ks[5], (2 * D, D), dtype=jnp.float32) * (1.0 / np.sqrt(2 * D))
    W_c_self = jax.random.normal(ks[6], (2 * D, D), dtype=jnp.float32) * (1.0 / np.sqrt(2 * D))
    b_c = jnp.zeros((D,), dtype=jnp.float32)
    return {
        "feat": feat,
        "state": state,
        "edge_index": edge_index,
        "W_zr_nbr": W_zr_nbr,
        "W_zr_self": W_zr_self,
        "b_zr": b_zr,
        "W_c_nbr": W_c_nbr,
        "W_c_self": W_c_self,
        "b_c": b_c,
    }


def _graph_gate(x, src, dst, n_nodes, W_nbr, W_self, b):
    # diffusion/graph conv: aggregate neighbor features (scatter-add by dst),
    # then linear combine with self features
    msgs = x[src]  # gather [E, 2D]
    agg = jax.ops.segment_sum(msgs, dst, num_segments=n_nodes)  # scatter-add [N, 2D]
    return agg @ W_nbr + x @ W_self + b


def reference(feat, state, edge_index, W_zr_nbr, W_zr_self, b_zr, W_c_nbr, W_c_self, b_c):
    n_nodes = feat.shape[0]
    src = edge_index[0]
    dst = edge_index[1]
    feat_and_state = jnp.concatenate([feat, state], axis=-1)
    zr = jax.nn.sigmoid(_graph_gate(feat_and_state, src, dst, n_nodes, W_zr_nbr, W_zr_self, b_zr))
    z, r = jnp.split(zr, 2, axis=-1)
    feat_and_rstate = jnp.concatenate([feat, r * state], axis=-1)
    c = jnp.tanh(_graph_gate(feat_and_rstate, src, dst, n_nodes, W_c_nbr, W_c_self, b_c))
    new_state = z * state + (1.0 - z) * c
    return new_state

if __name__ == "__main__":
    import jax
    _d = setup_inputs()
    print(jax.jit(kernel)(*tuple(_d.values())))

</pallas_src>

<mosaic_0001>
#map = affine_map<(d0, d1) -> (0, 0)>
#map1 = affine_map<(d0, d1) -> (0)>
module attributes {stable_mosaic.version = 14 : i64} {
  func.func @_agg1(%arg0: i32, %arg1: i32, %arg2: memref<10000x128xf32, #tpu.memory_space<hbm>>, %arg3: memref<320000xi32, #tpu.memory_space<hbm>>, %arg4: memref<320000xi32, #tpu.memory_space<hbm>>, %arg5: memref<624x128xf32, #tpu.memory_space<hbm>>, %arg6: memref<20000x128xf32, #tpu.memory_space<hbm>>, %arg7: memref<4800xi32, #tpu.memory_space<vmem>>, %arg8: memref<160xi32, #tpu.memory_space<vmem>>, %arg9: memref<160xi32, #tpu.memory_space<vmem>>, %arg10: memref<160x128xf32, #tpu.memory_space<vmem>>, %arg11: memref<160x128xf32, #tpu.memory_space<vmem>>, %arg12: memref<10000x128xf32, #tpu.memory_space<vmem_shared>>, %arg13: memref<!tpu.dma_semaphore, #tpu.memory_space<semaphore_mem>>, %arg14: memref<!tpu.dma_semaphore, #tpu.memory_space<semaphore_mem>>) attributes {dimension_semantics = [#tpu.dimension_semantics<core_parallel>, #tpu.dimension_semantics<subcore_parallel>], iteration_bounds = array<i64: 2, 16>, scalar_prefetch = 0 : i64, scratch_operands = 8 : i64, tpu.core_type = #tpu.core_type<sc_vector_subcore>, window_params = [{transform_indices = #map}, {transform_indices = #map1}, {transform_indices = #map1}, {transform_indices = #map}, {transform_indices = #map}]} {
    %mul3A = arith.constant 624 : i32
    %mul3A_0 = arith.muli %arg1, %mul3A : i32
    "tpu.region"() ({
      %run_scoped3A = tpu.sem_alloc : memref<!tpu.dma_semaphore, #tpu.memory_space<semaphore_mem>>
      %dma_start3A = arith.constant 0 : i32
      %dma_start3A_21 = tpu.memref_slice %arg12[%mul3A_0, %dma_start3A] : memref<10000x128xf32, #tpu.memory_space<vmem_shared>> -> memref<624x128xf32, #tpu.memory_space<vmem_shared>>
      tpu.enqueue_dma source(%arg5 : memref<624x128xf32, #tpu.memory_space<hbm>>) target(%dma_start3A_21 : memref<624x128xf32, #tpu.memory_space<vmem_shared>>) target_semaphore(%run_scoped3A : memref<!tpu.dma_semaphore, #tpu.memory_space<semaphore_mem>>)
      %dma_wait3A = arith.constant 0 : i32
      %dma_wait3A_22 = tpu.memref_slice %arg12[%mul3A_0, %dma_wait3A] : memref<10000x128xf32, #tpu.memory_space<vmem_shared>> -> memref<624x128xf32, #tpu.memory_space<vmem_shared>>
      tpu.wait_dma2 semaphore(%run_scoped3A : memref<!tpu.dma_semaphore, #tpu.memory_space<semaphore_mem>>) src(%arg5 : memref<624x128xf32, #tpu.memory_space<hbm>>) dst(%dma_wait3A_22 : memref<624x128xf32, #tpu.memory_space<vmem_shared>>)
      tpu.yield
    }) : () -> ()
    %eq3A = arith.constant 15 : i32
    %eq3A_1 = arith.cmpi eq, %arg1, %eq3A : i32
    %convert_element_type3A = arith.extui %eq3A_1 : i1 to i32
    %cond3A = arith.constant 0 : i32
    %cond3A_2 = arith.cmpi ne, %convert_element_type3A, %cond3A : i32
    scf.if %cond3A_2 {
      "tpu.region"() ({
        %run_scoped3A = tpu.sem_alloc : memref<!tpu.dma_semaphore, #tpu.memory_space<semaphore_mem>>
        %dma_start3A = arith.constant 9984 : i32
        %dma_start3A_21 = arith.constant 0 : i32
        %dma_start3A_22 = tpu.memref_slice %arg12[%dma_start3A, %dma_start3A_21] : memref<10000x128xf32, #tpu.memory_space<vmem_shared>> -> memref<16x128xf32, #tpu.memory_space<vmem_shared>>
        %dma_start3A_23 = arith.constant 0 : i32
        %dma_start3A_24 = arith.constant 0 : i32
        %dma_start3A_25 = tpu.memref_slice %arg5[%dma_start3A_23, %dma_start3A_24] : memref<624x128xf32, #tpu.memory_space<hbm>> -> memref<16x128xf32, #tpu.memory_space<hbm>>
        tpu.enqueue_dma source(%dma_start3A_25 : memref<16x128xf32, #tpu.memory_space<hbm>>) target(%dma_start3A_22 : memref<16x128xf32, #tpu.memory_space<vmem_shared>>) target_semaphore(%run_scoped3A : memref<!tpu.dma_semaphore, #tpu.memory_space<semaphore_mem>>)
        %dma_wait3A = arith.constant 9984 : i32
        %dma_wait3A_26 = arith.constant 0 : i32
        %dma_wait3A_27 = tpu.memref_slice %arg12[%dma_wait3A, %dma_wait3A_26] : memref<10000x128xf32, #tpu.memory_space<vmem_shared>> -> memref<16x128xf32, #tpu.memory_space<vmem_shared>>
        %dma_wait3A_28 = arith.constant 0 : i32
        %dma_wait3A_29 = arith.constant 0 : i32
        %dma_wait3A_30 = tpu.memref_slice %arg5[%dma_wait3A_28, %dma_wait3A_29] : memref<624x128xf32, #tpu.memory_space<hbm>> -> memref<16x128xf32, #tpu.memory_space<hbm>>
        tpu.wait_dma2 semaphore(%run_scoped3A : memref<!tpu.dma_semaphore, #tpu.memory_space<semaphore_mem>>) src(%dma_wait3A_30 : memref<16x128xf32, #tpu.memory_space<hbm>>) dst(%dma_wait3A_27 : memref<16x128xf32, #tpu.memory_space<vmem_shared>>)
        tpu.yield
      }) : () -> ()
    } else {
    }
    %barrier3A = arith.constant 0 : index
    tpu.barrier barrier_id(%barrier3A)
    %eq3A_3 = arith.constant 0 : i32
    %eq3A_4 = arith.cmpi eq, %arg0, %eq3A_3 : i32
    %convert_element_type3A_5 = arith.extui %eq3A_4 : i1 to i32
    %cond3A_6 = arith.constant 0 : i32
    %cond3A_7 = arith.cmpi ne, %convert_element_type3A_5, %cond3A_6 : i32
    scf.if %cond3A_7 {
      %mul3A_21 = arith.constant 9920 : i32
      %mul3A_22 = arith.muli %arg1, %mul3A_21 : i32
      %add3A_23 = arith.constant 0 : i32
      %add3A_24 = arith.addi %mul3A_22, %add3A_23 : i32
      "tpu.region"() ({
        %run_scoped3A = tpu.sem_alloc : memref<!tpu.dma_semaphore, #tpu.memory_space<semaphore_mem>>
        %dma_start3A_157 = arith.constant 0 : i32
        %dma_start3A_158 = tpu.memref_slice %arg7[%dma_start3A_157] : memref<4800xi32, #tpu.memory_space<vmem>> -> memref<4800xi32, #tpu.memory_space<vmem>>
        %dma_start3A_159 = tpu.memref_slice %arg3[%add3A_24] : memref<320000xi32, #tpu.memory_space<hbm>> -> memref<4800xi32, #tpu.memory_space<hbm>>
        %dma_start3A_160 = arith.constant 0 : i32
        %dma_start3A_161 = tpu.memref_slice %arg7[%dma_start3A_160] : memref<4800xi32, #tpu.memory_space<vmem>> -> memref<4800xi32, #tpu.memory_space<vmem>>
        %dma_start3A_162 = tpu.memref_slice %arg3[%add3A_24] : memref<320000xi32, #tpu.memory_space<hbm>> -> memref<4800xi32, #tpu.memory_space<hbm>>
        tpu.enqueue_dma source(%dma_start3A_162 : memref<4800xi32, #tpu.memory_space<hbm>>) target(%dma_start3A_161 : memref<4800xi32, #tpu.memory_space<vmem>>) target_semaphore(%run_scoped3A : memref<!tpu.dma_semaphore, #tpu.memory_space<semaphore_mem>>)
        %dma_wait3A_163 = arith.constant 0 : i32
        %dma_wait3A_164 = tpu.memref_slice %arg7[%dma_wait3A_163] : memref<4800xi32, #tpu.memory_space<vmem>> -> memref<4800xi32, #tpu.memory_space<vmem>>
        %dma_wait3A_165 = tpu.memref_slice %arg3[%add3A_24] : memref<320000xi32, #tpu.memory_space<hbm>> -> memref<4800xi32, #tpu.memory_space<hbm>>
        %dma_wait3A_166 = arith.constant 0 : i32
        %dma_wait3A_167 = tpu.memref_slice %arg7[%dma_wait3A_166] : memref<4800xi32, #tpu.memory_space<vmem>> -> memref<4800xi32, #tpu.memory_space<vmem>>
        %dma_wait3A_168 = tpu.memref_slice %arg3[%add3A_24] : memref<320000xi32, #tpu.memory_space<hbm>> -> memref<4800xi32, #tpu.memory_space<hbm>>
        tpu.wait_dma2 semaphore(%run_scoped3A : memref<!tpu.dma_semaphore, #tpu.memory_space<semaphore_mem>>) src(%dma_wait3A_168 : memref<4800xi32, #tpu.memory_space<hbm>>) dst(%dma_wait3A_167 : memref<4800xi32, #tpu.memory_space<vmem>>)
        tpu.yield
      }) : () -> ()
      %add3A_25 = arith.constant 0 : i32
      %add3A_26 = arith.addi %mul3A_22, %add3A_25 : i32
      %dma_start3A = arith.constant 0 : i32
      %dma_start3A_27 = tpu.memref_slice %arg7[%dma_start3A] : memref<4800xi32, #tpu.memory_space<vmem>> -> memref<160xi32, #tpu.memory_space<vmem>>
      %dma_start3A_28 = arith.constant 0 : i32
      %dma_start3A_29 = arith.constant 0 : i32
      %dma_start3A_30 = tpu.memref_slice %arg2[%dma_start3A_28, %dma_start3A_29] : memref<10000x128xf32, #tpu.memory_space<hbm>> -> memref<10000x128xf32, #tpu.memory_space<hbm>>
      tpu.enqueue_indirect_dma source(%dma_start3A_30 : memref<10000x128xf32, #tpu.memory_space<hbm>>) target(%arg10 : memref<160x128xf32, #tpu.memory_space<vmem>>) offsets(%dma_start3A_27 : memref<160xi32, #tpu.memory_space<vmem>>) semaphore(%arg13 : memref<!tpu.dma_semaphore, #tpu.memory_space<semaphore_mem>>)
      %add3A_31 = arith.constant 0 : i32
      %add3A_32 = arith.addi %add3A_26, %add3A_31 : i32
      %dma_start3A_33 = tpu.memref_slice %arg4[%add3A_32] : memref<320000xi32, #tpu.memory_space<hbm>> -> memref<160xi32, #tpu.memory_space<hbm>>
      %dma_start3A_34 = tpu.memref_slice %arg4[%add3A_32] : memref<320000xi32, #tpu.memory_space<hbm>> -> memref<160xi32, #tpu.memory_space<hbm>>
      tpu.enqueue_dma source(%dma_start3A_34 : memref<160xi32, #tpu.memory_space<hbm>>) target(%arg8 : memref<160xi32, #tpu.memory_space<vmem>>) target_semaphore(%arg13 : memref<!tpu.dma_semaphore, #tpu.memory_space<semaphore_mem>>)
      %scan3A = arith.constant 0 : i32
      %scan3A_35 = arith.constant 0 : i32
      %scan3A_36 = arith.constant 14 : i32
      %scan3A_37 = arith.addi %scan3A_35, %scan3A_36 : i32
      %scan3A_38 = arith.constant 1 : i32
      scf.for %scan3A_157 = %scan3A_35 to %scan3A_37 step %scan3A_38  : i32 {
        %mul3A_158 = arith.constant 2 : i32
        %mul3A_159 = arith.muli %mul3A_158, %scan3A_157 : i32
        %add3A_160 = arith.constant 1 : i32
        %add3A_161 = arith.addi %mul3A_159, %add3A_160 : i32
        %mul3A_162 = arith.constant 160 : i32
        %mul3A_163 = arith.muli %add3A_161, %mul3A_162 : i32
        %dma_start3A_164 = tpu.memref_slice %arg7[%mul3A_163] : memref<4800xi32, #tpu.memory_space<vmem>> -> memref<160xi32, #tpu.memory_space<vmem>>
        %dma_start3A_165 = arith.constant 0 : i32
        %dma_start3A_166 = arith.constant 0 : i32
        %dma_start3A_167 = tpu.memref_slice %arg2[%dma_start3A_165, %dma_start3A_166] : memref<10000x128xf32, #tpu.memory_space<hbm>> -> memref<10000x128xf32, #tpu.memory_space<hbm>>
        tpu.enqueue_indirect_dma source(%dma_start3A_167 : memref<10000x128xf32, #tpu.memory_space<hbm>>) target(%arg11 : memref<160x128xf32, #tpu.memory_space<vmem>>) offsets(%dma_start3A_164 : memref<160xi32, #tpu.memory_space<vmem>>) semaphore(%arg14 : memref<!tpu.dma_semaphore, #tpu.memory_space<semaphore_mem>>)
        %mul3A_168 = arith.constant 160 : i32
        %mul3A_169 = arith.muli %add3A_161, %mul3A_168 : i32
        %add3A_170 = arith.addi %add3A_26, %mul3A_169 : i32
        %dma_start3A_171 = tpu.memref_slice %arg4[%add3A_170] : memref<320000xi32, #tpu.memory_space<hbm>> -> memref<160xi32, #tpu.memory_space<hbm>>
        %dma_start3A_172 = tpu.memref_slice %arg4[%add3A_170] : memref<320000xi32, #tpu.memory_space<hbm>> -> memref<160xi32, #tpu.memory_space<hbm>>
        tpu.enqueue_dma source(%dma_start3A_172 : memref<160xi32, #tpu.memory_space<hbm>>) target(%arg9 : memref<160xi32, #tpu.memory_space<vmem>>) target_semaphore(%arg14 : memref<!tpu.dma_semaphore, #tpu.memory_space<semaphore_mem>>)
        %dma_wait3A_173 = arith.constant 0 : i32
        %dma_wait3A_174 = tpu.memref_slice %arg7[%dma_wait3A_173] : memref<4800xi32, #tpu.memory_space<vmem>> -> memref<160xi32, #tpu.memory_space<vmem>>
        %dma_wait3A_175 = arith.constant 0 : i32
        %dma_wait3A_176 = arith.constant 0 : i32
        %dma_wait3A_177 = tpu.memref_slice %arg2[%dma_wait3A_175, %dma_wait3A_176] : memref<10000x128xf32, #tpu.memory_space<hbm>> -> memref<10000x128xf32, #tpu.memory_space<hbm>>
        tpu.wait_indirect_dma semaphore(%arg13 : memref<!tpu.dma_semaphore, #tpu.memory_space<semaphore_mem>>) src(%dma_wait3A_177 : memref<10000x128xf32, #tpu.memory_space<hbm>>) dst(%arg10 : memref<160x128xf32, #tpu.memory_space<vmem>>)
        %dma_wait3A_178 = arith.constant 0 : i32
        %dma_wait3A_179 = tpu.memref_slice %arg4[%dma_wait3A_178] : memref<320000xi32, #tpu.memory_space<hbm>> -> memref<160xi32, #tpu.memory_space<hbm>>
        %dma_wait3A_180 = arith.constant 0 : i32
        %dma_wait3A_181 = tpu.memref_slice %arg4[%dma_wait3A_180] : memref<320000xi32, #tpu.memory_space<hbm>> -> memref<160xi32, #tpu.memory_space<hbm>>
        tpu.wait_dma2 semaphore(%arg13 : memref<!tpu.dma_semaphore, #tpu.memory_space<semaphore_mem>>) src(%dma_wait3A_181 : memref<160xi32, #tpu.memory_space<hbm>>) dst(%arg8 : memref<160xi32, #tpu.memory_space<vmem>>)
        "tpu.region"() ({
          %run_scoped3A = tpu.sem_alloc : memref<!tpu.dma_semaphore, #tpu.memory_space<semaphore_mem>>
          %dma_start3A_206 = arith.constant 0 : i32
          %dma_start3A_207 = arith.constant 0 : i32
          %dma_start3A_208 = tpu.memref_slice %arg12[%dma_start3A_206, %dma_start3A_207] : memref<10000x128xf32, #tpu.memory_space<vmem_shared>> -> memref<10000x128xf32, #tpu.memory_space<vmem_shared>>
          tpu.enqueue_indirect_dma source(%arg10 : memref<160x128xf32, #tpu.memory_space<vmem>>) target(%dma_start3A_208 : memref<10000x128xf32, #tpu.memory_space<vmem_shared>>) offsets(%arg8 : memref<160xi32, #tpu.memory_space<vmem>>) semaphore(%run_scoped3A : memref<!tpu.dma_semaphore, #tpu.memory_space<semaphore_mem>>) {add = true}
          %dma_wait3A_209 = arith.constant 0 : i32
          %dma_wait3A_210 = arith.constant 0 : i32
          %dma_wait3A_211 = tpu.memref_slice %arg12[%dma_wait3A_209, %dma_wait3A_210] : memref<10000x128xf32, #tpu.memory_space<vmem_shared>> -> memref<10000x128xf32, #tpu.memory_space<vmem_shared>>
          tpu.wait_indirect_dma semaphore(%run_scoped3A : memref<!tpu.dma_semaphore, #tpu.memory_space<semaphore_mem>>) src(%arg10 : memref<160x128xf32, #tpu.memory_space<vmem>>) dst(%dma_wait3A_211 : memref<10000x128xf32, #tpu.memory_space<vmem_shared>>)
          tpu.yield
        }) : () -> ()
        %mul3A_182 = arith.constant 2 : i32
        %mul3A_183 = arith.muli %mul3A_182, %scan3A_157 : i32
        %add3A_184 = arith.constant 2 : i32
        %add3A_185 = arith.addi %mul3A_183, %add3A_184 : i32
        %mul3A_186 = arith.constant 160 : i32
        %mul3A_187 = arith.muli %add3A_185, %mul3A_186 : i32
        %dma_start3A_188 = tpu.memref_slice %arg7[%mul3A_187] : memref<4800xi32, #tpu.memory_space<vmem>> -> memref<160xi32, #tpu.memory_space<vmem>>
        %dma_start3A_189 = arith.constant 0 : i32
        %dma_start3A_190 = arith.constant 0 : i32
        %dma_start3A_191 = tpu.memref_slice %arg2[%dma_start3A_189, %dma_start3A_190] : memref<10000x128xf32, #tpu.memory_space<hbm>> -> memref<10000x128xf32, #tpu.memory_space<hbm>>
        tpu.enqueue_indirect_dma source(%dma_start3A_191 : memref<10000x128xf32, #tpu.memory_space<hbm>>) target(%arg10 : memref<160x128xf32, #tpu.memory_space<vmem>>) offsets(%dma_start3A_188 : memref<160xi32, #tpu.memory_space<vmem>>) semaphore(%arg13 : memref<!tpu.dma_semaphore, #tpu.memory_space<semaphore_mem>>)
        %mul3A_192 = arith.constant 160 : i32
        %mul3A_193 = arith.muli %add3A_185, %mul3A_192 : i32
        %add3A_194 = arith.addi %add3A_26, %mul3A_193 : i32
        %dma_start3A_195 = tpu.memref_slice %arg4[%add3A_194] : memref<320000xi32, #tpu.memory_space<hbm>> -> memref<160xi32, #tpu.memory_space<hbm>>
        %dma_start3A_196 = tpu.memref_slice %arg4[%add3A_194] : memref<320000xi32, #tpu.memory_space<hbm>> -> memref<160xi32, #tpu.memory_space<hbm>>
        tpu.enqueue_dma source(%dma_start3A_196 : memref<160xi32, #tpu.memory_space<hbm>>) target(%arg8 : memref<160xi32, #tpu.memory_space<vmem>>) target_semaphore(%arg13 : memref<!tpu.dma_semaphore, #tpu.memory_space<semaphore_mem>>)
        %dma_wait3A_197 = arith.constant 0 : i32
        %dma_wait3A_198 = tpu.memref_slice %arg7[%dma_wait3A_197] : memref<4800xi32, #tpu.memory_space<vmem>> -> memref<160xi32, #tpu.memory_space<vmem>>
        %dma_wait3A_199 = arith.constant 0 : i32
        %dma_wait3A_200 = arith.constant 0 : i32
        %dma_wait3A_201 = tpu.memref_slice %arg2[%dma_wait3A_199, %dma_wait3A_200] : memref<10000x128xf32, #tpu.memory_space<hbm>> -> memref<10000x128xf32, #tpu.memory_space<hbm>>
        tpu.wait_indirect_dma semaphore(%arg14 : memref<!tpu.dma_semaphore, #tpu.memory_space<semaphore_mem>>) src(%dma_wait3A_201 : memref<10000x128xf32, #tpu.memory_space<hbm>>) dst(%arg11 : memref<160x128xf32, #tpu.memory_space<vmem>>)
        %dma_wait3A_202 = arith.constant 0 : i32
        %dma_wait3A_203 = tpu.memref_slice %arg4[%dma_wait3A_202] : memref<320000xi32, #tpu.memory_space<hbm>> -> memref<160xi32, #tpu.memory_space<hbm>>
        %dma_wait3A_204 = arith.constant 0 : i32
        %dma_wait3A_205 = tpu.memref_slice %arg4[%dma_wait3A_204] : memref<320000xi32, #tpu.memory_space<hbm>> -> memref<160xi32, #tpu.memory_space<hbm>>
        tpu.wait_dma2 semaphore(%arg14 : memref<!tpu.dma_semaphore, #tpu.memory_space<semaphore_mem>>) src(%dma_wait3A_205 : memref<160xi32, #tpu.memory_space<hbm>>) dst(%arg9 : memref<160xi32, #tpu.memory_space<vmem>>)
        "tpu.region"() ({
          %run_scoped3A = tpu.sem_alloc : memref<!tpu.dma_semaphore, #tpu.memory_space<semaphore_mem>>
          %dma_start3A_206 = arith.constant 0 : i32
          %dma_start3A_207 = arith.constant 0 : i32
          %dma_start3A_208 = tpu.memref_slice %arg12[%dma_start3A_206, %dma_start3A_207] : memref<10000x128xf32, #tpu.memory_space<vmem_shared>> -> memref<10000x128xf32, #tpu.memory_space<vmem_shared>>
          tpu.enqueue_indirect_dma source(%arg11 : memref<160x128xf32, #tpu.memory_space<vmem>>) target(%dma_start3A_208 : memref<10000x128xf32, #tpu.memory_space<vmem_shared>>) offsets(%arg9 : memref<160xi32, #tpu.memory_space<vmem>>) semaphore(%run_scoped3A : memref<!tpu.dma_semaphore, #tpu.memory_space<semaphore_mem>>) {add = true}
          %dma_wait3A_209 = arith.constant 0 : i32
          %dma_wait3A_210 = arith.constant 0 : i32
          %dma_wait3A_211 = tpu.memref_slice %arg12[%dma_wait3A_209, %dma_wait3A_210] : memref<10000x128xf32, #tpu.memory_space<vmem_shared>> -> memref<10000x128xf32, #tpu.memory_space<vmem_shared>>
          tpu.wait_indirect_dma semaphore(%run_scoped3A : memref<!tpu.dma_semaphore, #tpu.memory_space<semaphore_mem>>) src(%arg11 : memref<160x128xf32, #tpu.memory_space<vmem>>) dst(%dma_wait3A_211 : memref<10000x128xf32, #tpu.memory_space<vmem_shared>>)
          tpu.yield
        }) : () -> ()
      }
      %scan3A_39 = arith.constant 14 : i32
      %dma_start3A_40 = arith.constant 4640 : i32
      %dma_start3A_41 = tpu.memref_slice %arg7[%dma_start3A_40] : memref<4800xi32, #tpu.memory_space<vmem>> -> memref<160xi32, #tpu.memory_space<vmem>>
      %dma_start3A_42 = arith.constant 0 : i32
      %dma_start3A_43 = arith.constant 0 : i32
      %dma_start3A_44 = tpu.memref_slice %arg2[%dma_start3A_42, %dma_start3A_43] : memref<10000x128xf32, #tpu.memory_space<hbm>> -> memref<10000x128xf32, #tpu.memory_space<hbm>>
      tpu.enqueue_indirect_dma source(%dma_start3A_44 : memref<10000x128xf32, #tpu.memory_space<hbm>>) target(%arg11 : memref<160x128xf32, #tpu.memory_space<vmem>>) offsets(%dma_start3A_41 : memref<160xi32, #tpu.memory_space<vmem>>) semaphore(%arg14 : memref<!tpu.dma_semaphore, #tpu.memory_space<semaphore_mem>>)
      %add3A_45 = arith.constant 4640 : i32
      %add3A_46 = arith.addi %add3A_26, %add3A_45 : i32
      %dma_start3A_47 = tpu.memref_slice %arg4[%add3A_46] : memref<320000xi32, #tpu.memory_space<hbm>> -> memref<160xi32, #tpu.memory_space<hbm>>
      %dma_start3A_48 = tpu.memref_slice %arg4[%add3A_46] : memref<320000xi32, #tpu.memory_space<hbm>> -> memref<160xi32, #tpu.memory_space<hbm>>
      tpu.enqueue_dma source(%dma_start3A_48 : memref<160xi32, #tpu.memory_space<hbm>>) target(%arg9 : memref<160xi32, #tpu.memory_space<vmem>>) target_semaphore(%arg14 : memref<!tpu.dma_semaphore, #tpu.memory_space<semaphore_mem>>)
      %dma_wait3A = arith.constant 0 : i32
      %dma_wait3A_49 = tpu.memref_slice %arg7[%dma_wait3A] : memref<4800xi32, #tpu.memory_space<vmem>> -> memref<160xi32, #tpu.memory_space<vmem>>
      %dma_wait3A_50 = arith.constant 0 : i32
      %dma_wait3A_51 = arith.constant 0 : i32
      %dma_wait3A_52 = tpu.memref_slice %arg2[%dma_wait3A_50, %dma_wait3A_51] : memref<10000x128xf32, #tpu.memory_space<hbm>> -> memref<10000x128xf32, #tpu.memory_space<hbm>>
      tpu.wait_indirect_dma semaphore(%arg13 : memref<!tpu.dma_semaphore, #tpu.memory_space<semaphore_mem>>) src(%dma_wait3A_52 : memref<10000x128xf32, #tpu.memory_space<hbm>>) dst(%arg10 : memref<160x128xf32, #tpu.memory_space<vmem>>)
      %dma_wait3A_53 = arith.constant 0 : i32
      %dma_wait3A_54 = tpu.memref_slice %arg4[%dma_wait3A_53] : memref<320000xi32, #tpu.memory_space<hbm>> -> memref<160xi32, #tpu.memory_space<hbm>>
      %dma_wait3A_55 = arith.constant 0 : i32
      %dma_wait3A_56 = tpu.memref_slice %arg4[%dma_wait3A_55] : memref<320000xi32, #tpu.memory_space<hbm>> -> memref<160xi32, #tpu.memory_space<hbm>>
      tpu.wait_dma2 semaphore(%arg13 : memref<!tpu.dma_semaphore, #tpu.memory_space<semaphore_mem>>) src(%dma_wait3A_56 : memref<160xi32, #tpu.memory_space<hbm>>) dst(%arg8 : memref<160xi32, #tpu.memory_space<vmem>>)
      "tpu.region"() ({
        %run_scoped3A = tpu.sem_alloc : memref<!tpu.dma_semaphore, #tpu.memory_space<semaphore_mem>>
        %dma_start3A_157 = arith.constant 0 : i32
        %dma_start3A_158 = arith.constant 0 : i32
        %dma_start3A_159 = tpu.memref_slice %arg12[%dma_start3A_157, %dma_start3A_158] : memref<10000x128xf32, #tpu.memory_space<vmem_shared>> -> memref<10000x128xf32, #tpu.memory_space<vmem_shared>>
        tpu.enqueue_indirect_dma source(%arg10 : memref<160x128xf32, #tpu.memory_space<vmem>>) target(%dma_start3A_159 : memref<10000x128xf32, #tpu.memory_space<vmem_shared>>) offsets(%arg8 : memref<160xi32, #tpu.memory_space<vmem>>) semaphore(%run_scoped3A : memref<!tpu.dma_semaphore, #tpu.memory_space<semaphore_mem>>) {add = true}
        %dma_wait3A_160 = arith.constant 0 : i32
        %dma_wait3A_161 = arith.constant 0 : i32
        %dma_wait3A_162 = tpu.memref_slice %arg12[%dma_wait3A_160, %dma_wait3A_161] : memref<10000x128xf32, #tpu.memory_space<vmem_shared>> -> memref<10000x128xf32, #tpu.memory_space<vmem_shared>>
        tpu.wait_indirect_dma semaphore(%run_scoped3A : memref<!tpu.dma_semaphore, #tpu.memory_space<semaphore_mem>>) src(%arg10 : memref<160x128xf32, #tpu.memory_space<vmem>>) dst(%dma_wait3A_162 : memref<10000x128xf32, #tpu.memory_space<vmem_shared>>)
        tpu.yield
      }) : () -> ()
      %dma_wait3A_57 = arith.constant 0 : i32
      %dma_wait3A_58 = tpu.memref_slice %arg7[%dma_wait3A_57] : memref<4800xi32, #tpu.memory_space<vmem>> -> memref<160xi32, #tpu.memory_space<vmem>>
      %dma_wait3A_59 = arith.constant 0 : i32
      %dma_wait3A_60 = arith.constant 0 : i32
      %dma_wait3A_61 = tpu.memref_slice %arg2[%dma_wait3A_59, %dma_wait3A_60] : memref<10000x128xf32, #tpu.memory_space<hbm>> -> memref<10000x128xf32, #tpu.memory_space<hbm>>
      tpu.wait_indirect_dma semaphore(%arg14 : memref<!tpu.dma_semaphore, #tpu.memory_space<semaphore_mem>>) src(%dma_wait3A_61 : memref<10000x128xf32, #tpu.memory_space<hbm>>) dst(%arg11 : memref<160x128xf32, #tpu.memory_space<vmem>>)
      %dma_wait3A_62 = arith.constant 0 : i32
      %dma_wait3A_63 = tpu.memref_slice %arg4[%dma_wait3A_62] : memref<320000xi32, #tpu.memory_space<hbm>> -> memref<160xi32, #tpu.memory_space<hbm>>
      %dma_wait3A_64 = arith.constant 0 : i32
      %dma_wait3A_65 = tpu.memref_slice %arg4[%dma_wait3A_64] : memref<320000xi32, #tpu.memory_space<hbm>> -> memref<160xi32, #tpu.memory_space<hbm>>
      tpu.wait_dma2 semaphore(%arg14 : memref<!tpu.dma_semaphore, #tpu.memory_space<semaphore_mem>>) src(%dma_wait3A_65 : memref<160xi32, #tpu.memory_space<hbm>>) dst(%arg9 : memref<160xi32, #tpu.memory_space<vmem>>)
      "tpu.region"() ({
        %run_scoped3A = tpu.sem_alloc : memref<!tpu.dma_semaphore, #tpu.memory_space<semaphore_mem>>
        %dma_start3A_157 = arith.constant 0 : i32
        %dma_start3A_158 = arith.constant 0 : i32
        %dma_start3A_159 = tpu.memref_slice %arg12[%dma_start3A_157, %dma_start3A_158] : memref<10000x128xf32, #tpu.memory_space<vmem_shared>> -> memref<10000x128xf32, #tpu.memory_space<vmem_shared>>
        tpu.enqueue_indirect_dma source(%arg11 : memref<160x128xf32, #tpu.memory_space<vmem>>) target(%dma_start3A_159 : memref<10000x128xf32, #tpu.memory_space<vmem_shared>>) offsets(%arg9 : memref<160xi32, #tpu.memory_space<vmem>>) semaphore(%run_scoped3A : memref<!tpu.dma_semaphore, #tpu.memory_space<semaphore_mem>>) {add = true}
        %dma_wait3A_160 = arith.constant 0 : i32
        %dma_wait3A_161 = arith.constant 0 : i32
        %dma_wait3A_162 = tpu.memref_slice %arg12[%dma_wait3A_160, %dma_wait3A_161] : memref<10000x128xf32, #tpu.memory_space<vmem_shared>> -> memref<10000x128xf32, #tpu.memory_space<vmem_shared>>
        tpu.wait_indirect_dma semaphore(%run_scoped3A : memref<!tpu.dma_semaphore, #tpu.memory_space<semaphore_mem>>) src(%arg11 : memref<160x128xf32, #tpu.memory_space<vmem>>) dst(%dma_wait3A_162 : memref<10000x128xf32, #tpu.memory_space<vmem_shared>>)
        tpu.yield
      }) : () -> ()
      %add3A_66 = arith.constant 4800 : i32
      %add3A_67 = arith.addi %mul3A_22, %add3A_66 : i32
      "tpu.region"() ({
        %run_scoped3A = tpu.sem_alloc : memref<!tpu.dma_semaphore, #tpu.memory_space<semaphore_mem>>
        %dma_start3A_157 = arith.constant 0 : i32
        %dma_start3A_158 = tpu.memref_slice %arg7[%dma_start3A_157] : memref<4800xi32, #tpu.memory_space<vmem>> -> memref<4800xi32, #tpu.memory_space<vmem>>
        %dma_start3A_159 = tpu.memref_slice %arg3[%add3A_67] : memref<320000xi32, #tpu.memory_space<hbm>> -> memref<4800xi32, #tpu.memory_space<hbm>>
        %dma_start3A_160 = arith.constant 0 : i32
        %dma_start3A_161 = tpu.memref_slice %arg7[%dma_start3A_160] : memref<4800xi32, #tpu.memory_space<vmem>> -> memref<4800xi32, #tpu.memory_space<vmem>>
        %dma_start3A_162 = tpu.memref_slice %arg3[%add3A_67] : memref<320000xi32, #tpu.memory_space<hbm>> -> memref<4800xi32, #tpu.memory_space<hbm>>
        tpu.enqueue_dma source(%dma_start3A_162 : memref<4800xi32, #tpu.memory_space<hbm>>) target(%dma_start3A_161 : memref<4800xi32, #tpu.memory_space<vmem>>) target_semaphore(%run_scoped3A : memref<!tpu.dma_semaphore, #tpu.memory_space<semaphore_mem>>)
        %dma_wait3A_163 = arith.constant 0 : i32
        %dma_wait3A_164 = tpu.memref_slice %arg7[%dma_wait3A_163] : memref<4800xi32, #tpu.memory_space<vmem>> -> memref<4800xi32, #tpu.memory_space<vmem>>
        %dma_wait3A_165 = tpu.memref_slice %arg3[%add3A_67] : memref<320000xi32, #tpu.memory_space<hbm>> -> memref<4800xi32, #tpu.memory_space<hbm>>
        %dma_wait3A_166 = arith.constant 0 : i32
        %dma_wait3A_167 = tpu.memref_slice %arg7[%dma_wait3A_166] : memref<4800xi32, #tpu.memory_space<vmem>> -> memref<4800xi32, #tpu.memory_space<vmem>>
        %dma_wait3A_168 = tpu.memref_slice %arg3[%add3A_67] : memref<320000xi32, #tpu.memory_space<hbm>> -> memref<4800xi32, #tpu.memory_space<hbm>>
        tpu.wait_dma2 semaphore(%run_scoped3A : memref<!tpu.dma_semaphore, #tpu.memory_space<semaphore_mem>>) src(%dma_wait3A_168 : memref<4800xi32, #tpu.memory_space<hbm>>) dst(%dma_wait3A_167 : memref<4800xi32, #tpu.memory_space<vmem>>)
        tpu.yield
      }) : () -> ()
      %add3A_68 = arith.constant 4800 : i32
      %add3A_69 = arith.addi %mul3A_22, %add3A_68 : i32
      %dma_start3A_70 = arith.constant 0 : i32
      %dma_start3A_71 = tpu.memref_slice %arg7[%dma_start3A_70] : memref<4800xi32, #tpu.memory_space<vmem>> -> memref<160xi32, #tpu.memory_space<vmem>>
      %dma_start3A_72 = arith.constant 0 : i32
      %dma_start3A_73 = arith.constant 0 : i32
      %dma_start3A_74 = tpu.memref_slice %arg2[%dma_start3A_72, %dma_start3A_73] : memref<10000x128xf32, #tpu.memory_space<hbm>> -> memref<10000x128xf32, #tpu.memory_space<hbm>>
      tpu.enqueue_indirect_dma source(%dma_start3A_74 : memref<10000x128xf32, #tpu.memory_space<hbm>>) target(%arg10 : memref<160x128xf32, #tpu.memory_space<vmem>>) offsets(%dma_start3A_71 : memref<160xi32, #tpu.memory_space<vmem>>) semaphore(%arg13 : memref<!tpu.dma_semaphore, #tpu.memory_space<semaphore_mem>>)
      %add3A_75 = arith.constant 0 : i32
      %add3A_76 = arith.addi %add3A_69, %add3A_75 : i32
      %dma_start3A_77 = tpu.memref_slice %arg4[%add3A_76] : memref<320000xi32, #tpu.memory_space<hbm>> -> memref<160xi32, #tpu.memory_space<hbm>>
      %dma_start3A_78 = tpu.memref_slice %arg4[%add3A_76] : memref<320000xi32, #tpu.memory_space<hbm>> -> memref<160xi32, #tpu.memory_space<hbm>>
      tpu.enqueue_dma source(%dma_start3A_78 : memref<160xi32, #tpu.memory_space<hbm>>) target(%arg8 : memref<160xi32, #tpu.memory_space<vmem>>) target_semaphore(%arg13 : memref<!tpu.dma_semaphore, #tpu.memory_space<semaphore_mem>>)
      %scan3A_79 = arith.constant 0 : i32
      %scan3A_80 = arith.constant 0 : i32
      %scan3A_81 = arith.constant 14 : i32
      %scan3A_82 = arith.addi %scan3A_80, %scan3A_81 : i32
      %scan3A_83 = arith.constant 1 : i32
      scf.for %scan3A_157 = %scan3A_80 to %scan3A_82 step %scan3A_83  : i32 {
        %mul3A_158 = arith.constant 2 : i32
        %mul3A_159 = arith.muli %mul3A_158, %scan3A_157 : i32
        %add3A_160 = arith.constant 1 : i32
        %add3A_161 = arith.addi %mul3A_159, %add3A_160 : i32
        %mul3A_162 = arith.constant 160 : i32
        %mul3A_163 = arith.muli %add3A_161, %mul3A_162 : i32
        %dma_start3A_164 = tpu.memref_slice %arg7[%mul3A_163] : memref<4800xi32, #tpu.memory_space<vmem>> -> memref<160xi32, #tpu.memory_space<vmem>>
        %dma_start3A_165 = arith.constant 0 : i32
        %dma_start3A_166 = arith.constant 0 : i32
        %dma_start3A_167 = tpu.memref_slice %arg2[%dma_start3A_165, %dma_start3A_166] : memref<10000x128xf32, #tpu.memory_space<hbm>> -> memref<10000x128xf32, #tpu.memory_space<hbm>>
        tpu.enqueue_indirect_dma source(%dma_start3A_167 : memref<10000x128xf32, #tpu.memory_space<hbm>>) target(%arg11 : memref<160x128xf32, #tpu.memory_space<vmem>>) offsets(%dma_start3A_164 : memref<160xi32, #tpu.memory_space<vmem>>) semaphore(%arg14 : memref<!tpu.dma_semaphore, #tpu.memory_space<semaphore_mem>>)
        %mul3A_168 = arith.constant 160 : i32
        %mul3A_169 = arith.muli %add3A_161, %mul3A_168 : i32
        %add3A_170 = arith.addi %add3A_69, %mul3A_169 : i32
        %dma_start3A_171 = tpu.memref_slice %arg4[%add3A_170] : memref<320000xi32, #tpu.memory_space<hbm>> -> memref<160xi32, #tpu.memory_space<hbm>>
        %dma_start3A_172 = tpu.memref_slice %arg4[%add3A_170] : memref<320000xi32, #tpu.memory_space<hbm>> -> memref<160xi32, #tpu.memory_space<hbm>>
        tpu.enqueue_dma source(%dma_start3A_172 : memref<160xi32, #tpu.memory_space<hbm>>) target(%arg9 : memref<160xi32, #tpu.memory_space<vmem>>) target_semaphore(%arg14 : memref<!tpu.dma_semaphore, #tpu.memory_space<semaphore_mem>>)
        %dma_wait3A_173 = arith.constant 0 : i32
        %dma_wait3A_174 = tpu.memref_slice %arg7[%dma_wait3A_173] : memref<4800xi32, #tpu.memory_space<vmem>> -> memref<160xi32, #tpu.memory_space<vmem>>
        %dma_wait3A_175 = arith.constant 0 : i32
        %dma_wait3A_176 = arith.constant 0 : i32
        %dma_wait3A_177 = tpu.memref_slice %arg2[%dma_wait3A_175, %dma_wait3A_176] : memref<10000x128xf32, #tpu.memory_space<hbm>> -> memref<10000x128xf32, #tpu.memory_space<hbm>>
        tpu.wait_indirect_dma semaphore(%arg13 : memref<!tpu.dma_semaphore, #tpu.memory_space<semaphore_mem>>) src(%dma_wait3A_177 : memref<10000x128xf32, #tpu.memory_space<hbm>>) dst(%arg10 : memref<160x128xf32, #tpu.memory_space<vmem>>)
        %dma_wait3A_178 = arith.constant 0 : i32
        %dma_wait3A_179 = tpu.memref_slice %arg4[%dma_wait3A_178] : memref<320000xi32, #tpu.memory_space<hbm>> -> memref<160xi32, #tpu.memory_space<hbm>>
        %dma_wait3A_180 = arith.constant 0 : i32
        %dma_wait3A_181 = tpu.memref_slice %arg4[%dma_wait3A_180] : memref<320000xi32, #tpu.memory_space<hbm>> -> memref<160xi32, #tpu.memory_space<hbm>>
        tpu.wait_dma2 semaphore(%arg13 : memref<!tpu.dma_semaphore, #tpu.memory_space<semaphore_mem>>) src(%dma_wait3A_181 : memref<160xi32, #tpu.memory_space<hbm>>) dst(%arg8 : memref<160xi32, #tpu.memory_space<vmem>>)
        "tpu.region"() ({
          %run_scoped3A = tpu.sem_alloc : memref<!tpu.dma_semaphore, #tpu.memory_space<semaphore_mem>>
          %dma_start3A_206 = arith.constant 0 : i32
          %dma_start3A_207 = arith.constant 0 : i32
          %dma_start3A_208 = tpu.memref_slice %arg12[%dma_start3A_206, %dma_start3A_207] : memref<10000x128xf32, #tpu.memory_space<vmem_shared>> -> memref<10000x128xf32, #tpu.memory_space<vmem_shared>>
          tpu.enqueue_indirect_dma source(%arg10 : memref<160x128xf32, #tpu.memory_space<vmem>>) target(%dma_start3A_208 : memref<10000x128xf32, #tpu.memory_space<vmem_shared>>) offsets(%arg8 : memref<160xi32, #tpu.memory_space<vmem>>) semaphore(%run_scoped3A : memref<!tpu.dma_semaphore, #tpu.memory_space<semaphore_mem>>) {add = true}
          %dma_wait3A_209 = arith.constant 0 : i32
          %dma_wait3A_210 = arith.constant 0 : i32
          %dma_wait3A_211 = tpu.memref_slice %arg12[%dma_wait3A_209, %dma_wait3A_210] : memref<10000x128xf32, #tpu.memory_space<vmem_shared>> -> memref<10000x128xf32, #tpu.memory_space<vmem_shared>>
          tpu.wait_indirect_dma semaphore(%run_scoped3A : memref<!tpu.dma_semaphore, #tpu.memory_space<semaphore_mem>>) src(%arg10 : memref<160x128xf32, #tpu.memory_space<vmem>>) dst(%dma_wait3A_211 : memref<10000x128xf32, #tpu.memory_space<vmem_shared>>)
          tpu.yield
        }) : () -> ()
        %mul3A_182 = arith.constant 2 : i32
        %mul3A_183 = arith.muli %mul3A_182, %scan3A_157 : i32
        %add3A_184 = arith.constant 2 : i32
        %add3A_185 = arith.addi %mul3A_183, %add3A_184 : i32
        %mul3A_186 = arith.constant 160 : i32
        %mul3A_187 = arith.muli %add3A_185, %mul3A_186 : i32
        %dma_start3A_188 = tpu.memref_slice %arg7[%mul3A_187] : memref<4800xi32, #tpu.memory_space<vmem>> -> memref<160xi32, #tpu.memory_space<vmem>>
        %dma_start3A_189 = arith.constant 0 : i32
        %dma_start3A_190 = arith.constant 0 : i32
        %dma_start3A_191 = tpu.memref_slice %arg2[%dma_start3A_189, %dma_start3A_190] : memref<10000x128xf32, #tpu.memory_space<hbm>> -> memref<10000x128xf32, #tpu.memory_space<hbm>>
        tpu.enqueue_indirect_dma source(%dma_start3A_191 : memref<10000x128xf32, #tpu.memory_space<hbm>>) target(%arg10 : memref<160x128xf32, #tpu.memory_space<vmem>>) offsets(%dma_start3A_188 : memref<160xi32, #tpu.memory_space<vmem>>) semaphore(%arg13 : memref<!tpu.dma_semaphore, #tpu.memory_space<semaphore_mem>>)
        %mul3A_192 = arith.constant 160 : i32
        %mul3A_193 = arith.muli %add3A_185, %mul3A_192 : i32
        %add3A_194 = arith.addi %add3A_69, %mul3A_193 : i32
        %dma_start3A_195 = tpu.memref_slice %arg4[%add3A_194] : memref<320000xi32, #tpu.memory_space<hbm>> -> memref<160xi32, #tpu.memory_space<hbm>>
        %dma_start3A_196 = tpu.memref_slice %arg4[%add3A_194] : memref<320000xi32, #tpu.memory_space<hbm>> -> memref<160xi32, #tpu.memory_space<hbm>>
        tpu.enqueue_dma source(%dma_start3A_196 : memref<160xi32, #tpu.memory_space<hbm>>) target(%arg8 : memref<160xi32, #tpu.memory_space<vmem>>) target_semaphore(%arg13 : memref<!tpu.dma_semaphore, #tpu.memory_space<semaphore_mem>>)
        %dma_wait3A_197 = arith.constant 0 : i32
        %dma_wait3A_198 = tpu.memref_slice %arg7[%dma_wait3A_197] : memref<4800xi32, #tpu.memory_space<vmem>> -> memref<160xi32, #tpu.memory_space<vmem>>
        %dma_wait3A_199 = arith.constant 0 : i32
        %dma_wait3A_200 = arith.constant 0 : i32
        %dma_wait3A_201 = tpu.memref_slice %arg2[%dma_wait3A_199, %dma_wait3A_200] : memref<10000x128xf32, #tpu.memory_space<hbm>> -> memref<10000x128xf32, #tpu.memory_space<hbm>>
        tpu.wait_indirect_dma semaphore(%arg14 : memref<!tpu.dma_semaphore, #tpu.memory_space<semaphore_mem>>) src(%dma_wait3A_201 : memref<10000x128xf32, #tpu.memory_space<hbm>>) dst(%arg11 : memref<160x128xf32, #tpu.memory_space<vmem>>)
        %dma_wait3A_202 = arith.constant 0 : i32
        %dma_wait3A_203 = tpu.memref_slice %arg4[%dma_wait3A_202] : memref<320000xi32, #tpu.memory_space<hbm>> -> memref<160xi32, #tpu.memory_space<hbm>>
        %dma_wait3A_204 = arith.constant 0 : i32
        %dma_wait3A_205 = tpu.memref_slice %arg4[%dma_wait3A_204] : memref<320000xi32, #tpu.memory_space<hbm>> -> memref<160xi32, #tpu.memory_space<hbm>>
        tpu.wait_dma2 semaphore(%arg14 : memref<!tpu.dma_semaphore, #tpu.memory_space<semaphore_mem>>) src(%dma_wait3A_205 : memref<160xi32, #tpu.memory_space<hbm>>) dst(%arg9 : memref<160xi32, #tpu.memory_space<vmem>>)
        "tpu.region"() ({
          %run_scoped3A = tpu.sem_alloc : memref<!tpu.dma_semaphore, #tpu.memory_space<semaphore_mem>>
          %dma_start3A_206 = arith.constant 0 : i32
          %dma_start3A_207 = arith.constant 0 : i32
          %dma_start3A_208 = tpu.memref_slice %arg12[%dma_start3A_206, %dma_start3A_207] : memref<10000x128xf32, #tpu.memory_space<vmem_shared>> -> memref<10000x128xf32, #tpu.memory_space<vmem_shared>>
          tpu.enqueue_indirect_dma source(%arg11 : memref<160x128xf32, #tpu.memory_space<vmem>>) target(%dma_start3A_208 : memref<10000x128xf32, #tpu.memory_space<vmem_shared>>) offsets(%arg9 : memref<160xi32, #tpu.memory_space<vmem>>) semaphore(%run_scoped3A : memref<!tpu.dma_semaphore, #tpu.memory_space<semaphore_mem>>) {add = true}
          %dma_wait3A_209 = arith.constant 0 : i32
          %dma_wait3A_210 = arith.constant 0 : i32
          %dma_wait3A_211 = tpu.memref_slice %arg12[%dma_wait3A_209, %dma_wait3A_210] : memref<10000x128xf32, #tpu.memory_space<vmem_shared>> -> memref<10000x128xf32, #tpu.memory_space<vmem_shared>>
          tpu.wait_indirect_dma semaphore(%run_scoped3A : memref<!tpu.dma_semaphore, #tpu.memory_space<semaphore_mem>>) src(%arg11 : memref<160x128xf32, #tpu.memory_space<vmem>>) dst(%dma_wait3A_211 : memref<10000x128xf32, #tpu.memory_space<vmem_shared>>)
          tpu.yield
        }) : () -> ()
      }
      %scan3A_84 = arith.constant 14 : i32
      %dma_start3A_85 = arith.constant 4640 : i32
      %dma_start3A_86 = tpu.memref_slice %arg7[%dma_start3A_85] : memref<4800xi32, #tpu.memory_space<vmem>> -> memref<160xi32, #tpu.memory_space<vmem>>
      %dma_start3A_87 = arith.constant 0 : i32
      %dma_start3A_88 = arith.constant 0 : i32
      %dma_start3A_89 = tpu.memref_slice %arg2[%dma_start3A_87, %dma_start3A_88] : memref<10000x128xf32, #tpu.memory_space<hbm>> -> memref<10000x128xf32, #tpu.memory_space<hbm>>
      tpu.enqueue_indirect_dma source(%dma_start3A_89 : memref<10000x128xf32, #tpu.memory_space<hbm>>) target(%arg11 : memref<160x128xf32, #tpu.memory_space<vmem>>) offsets(%dma_start3A_86 : memref<160xi32, #tpu.memory_space<vmem>>) semaphore(%arg14 : memref<!tpu.dma_semaphore, #tpu.memory_space<semaphore_mem>>)
      %add3A_90 = arith.constant 4640 : i32
      %add3A_91 = arith.addi %add3A_69, %add3A_90 : i32
      %dma_start3A_92 = tpu.memref_slice %arg4[%add3A_91] : memref<320000xi32, #tpu.memory_space<hbm>> -> memref<160xi32, #tpu.memory_space<hbm>>
      %dma_start3A_93 = tpu.memref_slice %arg4[%add3A_91] : memref<320000xi32, #tpu.memory_space<hbm>> -> memref<160xi32, #tpu.memory_space<hbm>>
      tpu.enqueue_dma source(%dma_start3A_93 : memref<160xi32, #tpu.memory_space<hbm>>) target(%arg9 : memref<160xi32, #tpu.memory_space<vmem>>) target_semaphore(%arg14 : memref<!tpu.dma_semaphore, #tpu.memory_space<semaphore_mem>>)
      %dma_wait3A_94 = arith.constant 0 : i32
      %dma_wait3A_95 = tpu.memref_slice %arg7[%dma_wait3A_94] : memref<4800xi32, #tpu.memory_space<vmem>> -> memref<160xi32, #tpu.memory_space<vmem>>
      %dma_wait3A_96 = arith.constant 0 : i32
      %dma_wait3A_97 = arith.constant 0 : i32
      %dma_wait3A_98 = tpu.memref_slice %arg2[%dma_wait3A_96, %dma_wait3A_97] : memref<10000x128xf32, #tpu.memory_space<hbm>> -> memref<10000x128xf32, #tpu.memory_space<hbm>>
      tpu.wait_indirect_dma semaphore(%arg13 : memref<!tpu.dma_semaphore, #tpu.memory_space<semaphore_mem>>) src(%dma_wait3A_98 : memref<10000x128xf32, #tpu.memory_space<hbm>>) dst(%arg10 : memref<160x128xf32, #tpu.memory_space<vmem>>)
      %dma_wait3A_99 = arith.constant 0 : i32
      %dma_wait3A_100 = tpu.memref_slice %arg4[%dma_wait3A_99] : memref<320000xi32, #tpu.memory_space<hbm>> -> memref<160xi32, #tpu.memory_space<hbm>>
      %dma_wait3A_101 = arith.constant 0 : i32
      %dma_wait3A_102 = tpu.memref_slice %arg4[%dma_wait3A_101] : memref<320000xi32, #tpu.memory_space<hbm>> -> memref<160xi32, #tpu.memory_space<hbm>>
      tpu.wait_dma2 semaphore(%arg13 : memref<!tpu.dma_semaphore, #tpu.memory_space<semaphore_mem>>) src(%dma_wait3A_102 : memref<160xi32, #tpu.memory_space<hbm>>) dst(%arg8 : memref<160xi32, #tpu.memory_space<vmem>>)
      "tpu.region"() ({
        %run_scoped3A = tpu.sem_alloc : memref<!tpu.dma_semaphore, #tpu.memory_space<semaphore_mem>>
        %dma_start3A_157 = arith.constant 0 : i32
        %dma_start3A_158 = arith.constant 0 : i32
        %dma_start3A_159 = tpu.memref_slice %arg12[%dma_start3A_157, %dma_start3A_158] : memref<10000x128xf32, #tpu.memory_space<vmem_shared>> -> memref<10000x128xf32, #tpu.memory_space<vmem_shared>>
        tpu.enqueue_indirect_dma source(%arg10 : memref<160x128xf32, #tpu.memory_space<vmem>>) target(%dma_start3A_159 : memref<10000x128xf32, #tpu.memory_space<vmem_shared>>) offsets(%arg8 : memref<160xi32, #tpu.memory_space<vmem>>) semaphore(%run_scoped3A : memref<!tpu.dma_semaphore, #tpu.memory_space<semaphore_mem>>) {add = true}
        %dma_wait3A_160 = arith.constant 0 : i32
        %dma_wait3A_161 = arith.constant 0 : i32
        %dma_wait3A_162 = tpu.memref_slice %arg12[%dma_wait3A_160, %dma_wait3A_161] : memref<10000x128xf32, #tpu.memory_space<vmem_shared>> -> memref<10000x128xf32, #tpu.memory_space<vmem_shared>>
        tpu.wait_indirect_dma semaphore(%run_scoped3A : memref<!tpu.dma_semaphore, #tpu.memory_space<semaphore_mem>>) src(%arg10 : memref<160x128xf32, #tpu.memory_space<vmem>>) dst(%dma_wait3A_162 : memref<10000x128xf32, #tpu.memory_space<vmem_shared>>)
        tpu.yield
      }) : () -> ()
      %dma_wait3A_103 = arith.constant 0 : i32
      %dma_wait3A_104 = tpu.memref_slice %arg7[%dma_wait3A_103] : memref<4800xi32, #tpu.memory_space<vmem>> -> memref<160xi32, #tpu.memory_space<vmem>>
      %dma_wait3A_105 = arith.constant 0 : i32
      %dma_wait3A_106 = arith.constant 0 : i32
      %dma_wait3A_107 = tpu.memref_slice %arg2[%dma_wait3A_105, %dma_wait3A_106] : memref<10000x128xf32, #tpu.memory_space<hbm>> -> memref<10000x128xf32, #tpu.memory_space<hbm>>
      tpu.wait_indirect_dma semaphore(%arg14 : memref<!tpu.dma_semaphore, #tpu.memory_space<semaphore_mem>>) src(%dma_wait3A_107 : memref<10000x128xf32, #tpu.memory_space<hbm>>) dst(%arg11 : memref<160x128xf32, #tpu.memory_space<vmem>>)
      %dma_wait3A_108 = arith.constant 0 : i32
      %dma_wait3A_109 = tpu.memref_slice %arg4[%dma_wait3A_108] : memref<320000xi32, #tpu.memory_space<hbm>> -> memref<160xi32, #tpu.memory_space<hbm>>
      %dma_wait3A_110 = arith.constant 0 : i32
      %dma_wait3A_111 = tpu.memref_slice %arg4[%dma_wait3A_110] : memref<320000xi32, #tpu.memory_space<hbm>> -> memref<160xi32, #tpu.memory_space<hbm>>
      tpu.wait_dma2 semaphore(%arg14 : memref<!tpu.dma_semaphore, #tpu.memory_space<semaphore_mem>>) src(%dma_wait3A_111 : memref<160xi32, #tpu.memory_space<hbm>>) dst(%arg9 : memref<160xi32, #tpu.memory_space<vmem>>)
      "tpu.region"() ({
        %run_scoped3A = tpu.sem_alloc : memref<!tpu.dma_semaphore, #tpu.memory_space<semaphore_mem>>
        %dma_start3A_157 = arith.constant 0 : i32
        %dma_start3A_158 = arith.constant 0 : i32
        %dma_start3A_159 = tpu.memref_slice %arg12[%dma_start3A_157, %dma_start3A_158] : memref<10000x128xf32, #tpu.memory_space<vmem_shared>> -> memref<10000x128xf32, #tpu.memory_space<vmem_shared>>
        tpu.enqueue_indirect_dma source(%arg11 : memref<160x128xf32, #tpu.memory_space<vmem>>) target(%dma_start3A_159 : memref<10000x128xf32, #tpu.memory_space<vmem_shared>>) offsets(%arg9 : memref<160xi32, #tpu.memory_space<vmem>>) semaphore(%run_scoped3A : memref<!tpu.dma_semaphore, #tpu.memory_space<semaphore_mem>>) {add = true}
        %dma_wait3A_160 = arith.constant 0 : i32
        %dma_wait3A_161 = arith.constant 0 : i32
        %dma_wait3A_162 = tpu.memref_slice %arg12[%dma_wait3A_160, %dma_wait3A_161] : memref<10000x128xf32, #tpu.memory_space<vmem_shared>> -> memref<10000x128xf32, #tpu.memory_space<vmem_shared>>
        tpu.wait_indirect_dma semaphore(%run_scoped3A : memref<!tpu.dma_semaphore, #tpu.memory_space<semaphore_mem>>) src(%arg11 : memref<160x128xf32, #tpu.memory_space<vmem>>) dst(%dma_wait3A_162 : memref<10000x128xf32, #tpu.memory_space<vmem_shared>>)
        tpu.yield
      }) : () -> ()
      %add3A_112 = arith.constant 9600 : i32
      %add3A_113 = arith.addi %mul3A_22, %add3A_112 : i32
      "tpu.region"() ({
        %run_scoped3A = tpu.sem_alloc : memref<!tpu.dma_semaphore, #tpu.memory_space<semaphore_mem>>
        %dma_start3A_157 = arith.constant 0 : i32
        %dma_start3A_158 = tpu.memref_slice %arg7[%dma_start3A_157] : memref<4800xi32, #tpu.memory_space<vmem>> -> memref<320xi32, #tpu.memory_space<vmem>>
        %dma_start3A_159 = tpu.memref_slice %arg3[%add3A_113] : memref<320000xi32, #tpu.memory_space<hbm>> -> memref<320xi32, #tpu.memory_space<hbm>>
        %dma_start3A_160 = arith.constant 0 : i32
        %dma_start3A_161 = tpu.memref_slice %arg7[%dma_start3A_160] : memref<4800xi32, #tpu.memory_space<vmem>> -> memref<320xi32, #tpu.memory_space<vmem>>
        %dma_start3A_162 = tpu.memref_slice %arg3[%add3A_113] : memref<320000xi32, #tpu.memory_space<hbm>> -> memref<320xi32, #tpu.memory_space<hbm>>
        tpu.enqueue_dma source(%dma_start3A_162 : memref<320xi32, #tpu.memory_space<hbm>>) target(%dma_start3A_161 : memref<320xi32, #tpu.memory_space<vmem>>) target_semaphore(%run_scoped3A : memref<!tpu.dma_semaphore, #tpu.memory_space<semaphore_mem>>)
        %dma_wait3A_163 = arith.constant 0 : i32
        %dma_wait3A_164 = tpu.memref_slice %arg7[%dma_wait3A_163] : memref<4800xi32, #tpu.memory_space<vmem>> -> memref<320xi32, #tpu.memory_space<vmem>>
        %dma_wait3A_165 = tpu.memref_slice %arg3[%add3A_113] : memref<320000xi32, #tpu.memory_space<hbm>> -> memref<320xi32, #tpu.memory_space<hbm>>
        %dma_wait3A_166 = arith.constant 0 : i32
        %dma_wait3A_167 = tpu.memref_slice %arg7[%dma_wait3A_166] : memref<4800xi32, #tpu.memory_space<vmem>> -> memref<320xi32, #tpu.memory_space<vmem>>
        %dma_wait3A_168 = tpu.memref_slice %arg3[%add3A_113] : memref<320000xi32, #tpu.memory_space<hbm>> -> memref<320xi32, #tpu.memory_space<hbm>>
        tpu.wait_dma2 semaphore(%run_scoped3A : memref<!tpu.dma_semaphore, #tpu.memory_space<semaphore_mem>>) src(%dma_wait3A_168 : memref<320xi32, #tpu.memory_space<hbm>>) dst(%dma_wait3A_167 : memref<320xi32, #tpu.memory_space<vmem>>)
        tpu.yield
      }) : () -> ()
      %add3A_114 = arith.constant 9600 : i32
      %add3A_115 = arith.addi %mul3A_22, %add3A_114 : i32
      %dma_start3A_116 = arith.constant 0 : i32
      %dma_start3A_117 = tpu.memref_slice %arg7[%dma_start3A_116] : memref<4800xi32, #tpu.memory_space<vmem>> -> memref<160xi32, #tpu.memory_space<vmem>>
      %dma_start3A_118 = arith.constant 0 : i32
      %dma_start3A_119 = arith.constant 0 : i32
      %dma_start3A_120 = tpu.memref_slice %arg2[%dma_start3A_118, %dma_start3A_119] : memref<10000x128xf32, #tpu.memory_space<hbm>> -> memref<10000x128xf32, #tpu.memory_space<hbm>>
      tpu.enqueue_indirect_dma source(%dma_start3A_120 : memref<10000x128xf32, #tpu.memory_space<hbm>>) target(%arg10 : memref<160x128xf32, #tpu.memory_space<vmem>>) offsets(%dma_start3A_117 : memref<160xi32, #tpu.memory_space<vmem>>) semaphore(%arg13 : memref<!tpu.dma_semaphore, #tpu.memory_space<semaphore_mem>>)
      %add3A_121 = arith.constant 0 : i32
      %add3A_122 = arith.addi %add3A_115, %add3A_121 : i32
      %dma_start3A_123 = tpu.memref_slice %arg4[%add3A_122] : memref<320000xi32, #tpu.memory_space<hbm>> -> memref<160xi32, #tpu.memory_space<hbm>>
      %dma_start3A_124 = tpu.memref_slice %arg4[%add3A_122] : memref<320000xi32, #tpu.memory_space<hbm>> -> memref<160xi32, #tpu.memory_space<hbm>>
      tpu.enqueue_dma source(%dma_start3A_124 : memref<160xi32, #tpu.memory_space<hbm>>) target(%arg8 : memref<160xi32, #tpu.memory_space<vmem>>) target_semaphore(%arg13 : memref<!tpu.dma_semaphore, #tpu.memory_space<semaphore_mem>>)
      %scan3A_125 = arith.constant 0 : i32
      %scan3A_126 = arith.constant 0 : i32
      %scan3A_127 = arith.constant 0 : i32
      %scan3A_128 = arith.addi %scan3A_126, %scan3A_127 : i32
      %scan3A_129 = arith.constant 0 : i32
      %dma_start3A_130 = arith.constant 160 : i32
      %dma_start3A_131 = tpu.memref_slice %arg7[%dma_start3A_130] : memref<4800xi32, #tpu.memory_space<vmem>> -> memref<160xi32, #tpu.memory_space<vmem>>
      %dma_start3A_132 = arith.constant 0 : i32
      %dma_start3A_133 = arith.constant 0 : i32
      %dma_start3A_134 = tpu.memref_slice %arg2[%dma_start3A_132, %dma_start3A_133] : memref<10000x128xf32, #tpu.memory_space<hbm>> -> memref<10000x128xf32, #tpu.memory_space<hbm>>
      tpu.enqueue_indirect_dma source(%dma_start3A_134 : memref<10000x128xf32, #tpu.memory_space<hbm>>) target(%arg11 : memref<160x128xf32, #tpu.memory_space<vmem>>) offsets(%dma_start3A_131 : memref<160xi32, #tpu.memory_space<vmem>>) semaphore(%arg14 : memref<!tpu.dma_semaphore, #tpu.memory_space<semaphore_mem>>)
      %add3A_135 = arith.constant 160 : i32
      %add3A_136 = arith.addi %add3A_115, %add3A_135 : i32
      %dma_start3A_137 = tpu.memref_slice %arg4[%add3A_136] : memref<320000xi32, #tpu.memory_space<hbm>> -> memref<160xi32, #tpu.memory_space<hbm>>
      %dma_start3A_138 = tpu.memref_slice %arg4[%add3A_136] : memref<320000xi32, #tpu.memory_space<hbm>> -> memref<160xi32, #tpu.memory_space<hbm>>
      tpu.enqueue_dma source(%dma_start3A_138 : memref<160xi32, #tpu.memory_space<hbm>>) target(%arg9 : memref<160xi32, #tpu.memory_space<vmem>>) target_semaphore(%arg14 : memref<!tpu.dma_semaphore, #tpu.memory_space<semaphore_mem>>)
      %dma_wait3A_139 = arith.constant 0 : i32
      %dma_wait3A_140 = tpu.memref_slice %arg7[%dma_wait3A_139] : memref<4800xi32, #tpu.memory_space<vmem>> -> memref<160xi32, #tpu.memory_space<vmem>>
      %dma_wait3A_141 = arith.constant 0 : i32
      %dma_wait3A_142 = arith.constant 0 : i32
      %dma_wait3A_143 = tpu.memref_slice %arg2[%dma_wait3A_141, %dma_wait3A_142] : memref<10000x128xf32, #tpu.memory_space<hbm>> -> memref<10000x128xf32, #tpu.memory_space<hbm>>
      tpu.wait_indirect_dma semaphore(%arg13 : memref<!tpu.dma_semaphore, #tpu.memory_space<semaphore_mem>>) src(%dma_wait3A_143 : memref<10000x128xf32, #tpu.memory_space<hbm>>) dst(%arg10 : memref<160x128xf32, #tpu.memory_space<vmem>>)
      %dma_wait3A_144 = arith.constant 0 : i32
      %dma_wait3A_145 = tpu.memref_slice %arg4[%dma_wait3A_144] : memref<320000xi32, #tpu.memory_space<hbm>> -> memref<160xi32, #tpu.memory_space<hbm>>
      %dma_wait3A_146 = arith.constant 0 : i32
      %dma_wait3A_147 = tpu.memref_slice %arg4[%dma_wait3A_146] : memref<320000xi32, #tpu.memory_space<hbm>> -> memref<160xi32, #tpu.memory_space<hbm>>
      tpu.wait_dma2 semaphore(%arg13 : memref<!tpu.dma_semaphore, #tpu.memory_space<semaphore_mem>>) src(%dma_wait3A_147 : memref<160xi32, #tpu.memory_space<hbm>>) dst(%arg8 : memref<160xi32, #tpu.memory_space<vmem>>)
      "tpu.region"() ({
        %run_scoped3A = tpu.sem_alloc : memref<!tpu.dma_semaphore, #tpu.memory_space<semaphore_mem>>
        %dma_start3A_157 = arith.constant 0 : i32
        %dma_start3A_158 = arith.constant 0 : i32
        %dma_start3A_159 = tpu.memref_slice %arg12[%dma_start3A_157, %dma_start3A_158] : memref<10000x128xf32, #tpu.memory_space<vmem_shared>> -> memref<10000x128xf32, #tpu.memory_space<vmem_shared>>
        tpu.enqueue_indirect_dma source(%arg10 : memref<160x128xf32, #tpu.memory_space<vmem>>) target(%dma_start3A_159 : memref<10000x128xf32, #tpu.memory_space<vmem_shared>>) offsets(%arg8 : memref<160xi32, #tpu.memory_space<vmem>>) semaphore(%run_scoped3A : memref<!tpu.dma_semaphore, #tpu.memory_space<semaphore_mem>>) {add = true}
        %dma_wait3A_160 = arith.constant 0 : i32
        %dma_wait3A_161 = arith.constant 0 : i32
        %dma_wait3A_162 = tpu.memref_slice %arg12[%dma_wait3A_160, %dma_wait3A_161] : memref<10000x128xf32, #tpu.memory_space<vmem_shared>> -> memref<10000x128xf32, #tpu.memory_space<vmem_shared>>
        tpu.wait_indirect_dma semaphore(%run_scoped3A : memref<!tpu.dma_semaphore, #tpu.memory_space<semaphore_mem>>) src(%arg10 : memref<160x128xf32, #tpu.memory_space<vmem>>) dst(%dma_wait3A_162 : memref<10000x128xf32, #tpu.memory_space<vmem_shared>>)
        tpu.yield
      }) : () -> ()
      %dma_wait3A_148 = arith.constant 0 : i32
      %dma_wait3A_149 = tpu.memref_slice %arg7[%dma_wait3A_148] : memref<4800xi32, #tpu.memory_space<vmem>> -> memref<160xi32, #tpu.memory_space<vmem>>
      %dma_wait3A_150 = arith.constant 0 : i32
      %dma_wait3A_151 = arith.constant 0 : i32
      %dma_wait3A_152 = tpu.memref_slice %arg2[%dma_wait3A_150, %dma_wait3A_151] : memref<10000x128xf32, #tpu.memory_space<hbm>> -> memref<10000x128xf32, #tpu.memory_space<hbm>>
      tpu.wait_indirect_dma semaphore(%arg14 : memref<!tpu.dma_semaphore, #tpu.memory_space<semaphore_mem>>) src(%dma_wait3A_152 : memref<10000x128xf32, #tpu.memory_space<hbm>>) dst(%arg11 : memref<160x128xf32, #tpu.memory_space<vmem>>)
      %dma_wait3A_153 = arith.constant 0 : i32
      %dma_wait3A_154 = tpu.memref_slice %arg4[%dma_wait3A_153] : memref<320000xi32, #tpu.memory_space<hbm>> -> memref<160xi32, #tpu.memory_space<hbm>>
      %dma_wait3A_155 = arith.constant 0 : i32
      %dma_wait3A_156 = tpu.memref_slice %arg4[%dma_wait3A_155] : memref<320000xi32, #tpu.memory_space<hbm>> -> memref<160xi32, #tpu.memory_space<hbm>>
      tpu.wait_dma2 semaphore(%arg14 : memref<!tpu.dma_semaphore, #tpu.memory_space<semaphore_mem>>) src(%dma_wait3A_156 : memref<160xi32, #tpu.memory_space<hbm>>) dst(%arg9 : memref<160xi32, #tpu.memory_space<vmem>>)
      "tpu.region"() ({
        %run_scoped3A = tpu.sem_alloc : memref<!tpu.dma_semaphore, #tpu.memory_space<semaphore_mem>>
        %dma_start3A_157 = arith.constant 0 : i32
        %dma_start3A_158 = arith.constant 0 : i32
        %dma_start3A_159 = tpu.memref_slice %arg12[%dma_start3A_157, %dma_start3A_158] : memref<10000x128xf32, #tpu.memory_space<vmem_shared>> -> memref<10000x128xf32, #tpu.memory_space<vmem_shared>>
        tpu.enqueue_indirect_dma source(%arg11 : memref<160x128xf32, #tpu.memory_space<vmem>>) target(%dma_start3A_159 : memref<10000x128xf32, #tpu.memory_space<vmem_shared>>) offsets(%arg9 : memref<160xi32, #tpu.memory_space<vmem>>) semaphore(%run_scoped3A : memref<!tpu.dma_semaphore, #tpu.memory_space<semaphore_mem>>) {add = true}
        %dma_wait3A_160 = arith.constant 0 : i32
        %dma_wait3A_161 = arith.constant 0 : i32
        %dma_wait3A_162 = tpu.memref_slice %arg12[%dma_wait3A_160, %dma_wait3A_161] : memref<10000x128xf32, #tpu.memory_space<vmem_shared>> -> memref<10000x128xf32, #tpu.memory_space<vmem_shared>>
        tpu.wait_indirect_dma semaphore(%run_scoped3A : memref<!tpu.dma_semaphore, #tpu.memory_space<semaphore_mem>>) src(%arg11 : memref<160x128xf32, #tpu.memory_space<vmem>>) dst(%dma_wait3A_162 : memref<10000x128xf32, #tpu.memory_space<vmem_shared>>)
        tpu.yield
      }) : () -> ()
    } else {
    }
    %eq3A_8 = arith.constant 1 : i32
    %eq3A_9 = arith.cmpi eq, %arg0, %eq3A_8 : i32
    %convert_element_type3A_10 = arith.extui %eq3A_9 : i1 to i32
    %cond3A_11 = arith.constant 0 : i32
    %cond3A_12 = arith.cmpi ne, %convert_element_type3A_10, %cond3A_11 : i32
    scf.if %cond3A_12 {
      %mul3A_21 = arith.constant 10080 : i32
      %mul3A_22 = arith.muli %arg1, %mul3A_21 : i32
      %add3A_23 = arith.constant 158720 : i32
      %add3A_24 = arith.addi %add3A_23, %mul3A_22 : i32
      %add3A_25 = arith.constant 0 : i32
      %add3A_26 = arith.addi %add3A_24, %add3A_25 : i32
      "tpu.region"() ({
        %run_scoped3A = tpu.sem_alloc : memref<!tpu.dma_semaphore, #tpu.memory_space<semaphore_mem>>
        %dma_start3A_187 = arith.constant 0 : i32
        %dma_start3A_188 = tpu.memref_slice %arg7[%dma_start3A_187] : memref<4800xi32, #tpu.memory_space<vmem>> -> memref<4800xi32, #tpu.memory_space<vmem>>
        %dma_start3A_189 = tpu.memref_slice %arg3[%add3A_26] : memref<320000xi32, #tpu.memory_space<hbm>> -> memref<4800xi32, #tpu.memory_space<hbm>>
        %dma_start3A_190 = arith.constant 0 : i32
        %dma_start3A_191 = tpu.memref_slice %arg7[%dma_start3A_190] : memref<4800xi32, #tpu.memory_space<vmem>> -> memref<4800xi32, #tpu.memory_space<vmem>>
        %dma_start3A_192 = tpu.memref_slice %arg3[%add3A_26] : memref<320000xi32, #tpu.memory_space<hbm>> -> memref<4800xi32, #tpu.memory_space<hbm>>
        tpu.enqueue_dma source(%dma_start3A_192 : memref<4800xi32, #tpu.memory_space<hbm>>) target(%dma_start3A_191 : memref<4800xi32, #tpu.memory_space<vmem>>) target_semaphore(%run_scoped3A : memref<!tpu.dma_semaphore, #tpu.memory_space<semaphore_mem>>)
        %dma_wait3A_193 = arith.constant 0 : i32
        %dma_wait3A_194 = tpu.memref_slice %arg7[%dma_wait3A_193] : memref<4800xi32, #tpu.memory_space<vmem>> -> memref<4800xi32, #tpu.memory_space<vmem>>
        %dma_wait3A_195 = tpu.memref_slice %arg3[%add3A_26] : memref<320000xi32, #tpu.memory_space<hbm>> -> memref<4800xi32, #tpu.memory_space<hbm>>
        %dma_wait3A_196 = arith.constant 0 : i32
        %dma_wait3A_197 = tpu.memref_slice %arg7[%dma_wait3A_196] : memref<4800xi32, #tpu.memory_space<vmem>> -> memref<4800xi32, #tpu.memory_space<vmem>>
        %dma_wait3A_198 = tpu.memref_slice %arg3[%add3A_26] : memref<320000xi32, #tpu.memory_space<hbm>> -> memref<4800xi32, #tpu.memory_space<hbm>>
        tpu.wait_dma2 semaphore(%run_scoped3A : memref<!tpu.dma_semaphore, #tpu.memory_space<semaphore_mem>>) src(%dma_wait3A_198 : memref<4800xi32, #tpu.memory_space<hbm>>) dst(%dma_wait3A_197 : memref<4800xi32, #tpu.memory_space<vmem>>)
        tpu.yield
      }) : () -> ()
      %add3A_27 = arith.constant 0 : i32
      %add3A_28 = arith.addi %add3A_24, %add3A_27 : i32
      %dma_start3A = arith.constant 0 : i32
      %dma_start3A_29 = tpu.memref_slice %arg7[%dma_start3A] : memref<4800xi32, #tpu.memory_space<vmem>> -> memref<160xi32, #tpu.memory_space<vmem>>
      %dma_start3A_30 = arith.constant 0 : i32
      %dma_start3A_31 = arith.constant 0 : i32
      %dma_start3A_32 = tpu.memref_slice %arg2[%dma_start3A_30, %dma_start3A_31] : memref<10000x128xf32, #tpu.memory_space<hbm>> -> memref<10000x128xf32, #tpu.memory_space<hbm>>
      tpu.enqueue_indirect_dma source(%dma_start3A_32 : memref<10000x128xf32, #tpu.memory_space<hbm>>) target(%arg10 : memref<160x128xf32, #tpu.memory_space<vmem>>) offsets(%dma_start3A_29 : memref<160xi32, #tpu.memory_space<vmem>>) semaphore(%arg13 : memref<!tpu.dma_semaphore, #tpu.memory_space<semaphore_mem>>)
      %add3A_33 = arith.constant 0 : i32
      %add3A_34 = arith.addi %add3A_28, %add3A_33 : i32
      %dma_start3A_35 = tpu.memref_slice %arg4[%add3A_34] : memref<320000xi32, #tpu.memory_space<hbm>> -> memref<160xi32, #tpu.memory_space<hbm>>
      %dma_start3A_36 = tpu.memref_slice %arg4[%add3A_34] : memref<320000xi32, #tpu.memory_space<hbm>> -> memref<160xi32, #tpu.memory_space<hbm>>
      tpu.enqueue_dma source(%dma_start3A_36 : memref<160xi32, #tpu.memory_space<hbm>>) target(%arg8 : memref<160xi32, #tpu.memory_space<vmem>>) target_semaphore(%arg13 : memref<!tpu.dma_semaphore, #tpu.memory_space<semaphore_mem>>)
      %scan3A = arith.constant 0 : i32
      %scan3A_37 = arith.constant 0 : i32
      %scan3A_38 = arith.constant 14 : i32
      %scan3A_39 = arith.addi %scan3A_37, %scan3A_38 : i32
      %scan3A_40 = arith.constant 1 : i32
      scf.for %scan3A_187 = %scan3A_37 to %scan3A_39 step %scan3A_40  : i32 {
        %mul3A_188 = arith.constant 2 : i32
        %mul3A_189 = arith.muli %mul3A_188, %scan3A_187 : i32
        %add3A_190 = arith.constant 1 : i32
        %add3A_191 = arith.addi %mul3A_189, %add3A_190 : i32
        %mul3A_192 = arith.constant 160 : i32
        %mul3A_193 = arith.muli %add3A_191, %mul3A_192 : i32
        %dma_start3A_194 = tpu.memref_slice %arg7[%mul3A_193] : memref<4800xi32, #tpu.memory_space<vmem>> -> memref<160xi32, #tpu.memory_space<vmem>>
        %dma_start3A_195 = arith.constant 0 : i32
        %dma_start3A_196 = arith.constant 0 : i32
        %dma_start3A_197 = tpu.memref_slice %arg2[%dma_start3A_195, %dma_start3A_196] : memref<10000x128xf32, #tpu.memory_space<hbm>> -> memref<10000x128xf32, #tpu.memory_space<hbm>>
        tpu.enqueue_indirect_dma source(%dma_start3A_197 : memref<10000x128xf32, #tpu.memory_space<hbm>>) target(%arg11 : memref<160x128xf32, #tpu.memory_space<vmem>>) offsets(%dma_start3A_194 : memref<160xi32, #tpu.memory_space<vmem>>) semaphore(%arg14 : memref<!tpu.dma_semaphore, #tpu.memory_space<semaphore_mem>>)
        %mul3A_198 = arith.constant 160 : i32
        %mul3A_199 = arith.muli %add3A_191, %mul3A_198 : i32
        %add3A_200 = arith.addi %add3A_28, %mul3A_199 : i32
        %dma_start3A_201 = tpu.memref_slice %arg4[%add3A_200] : memref<320000xi32, #tpu.memory_space<hbm>> -> memref<160xi32, #tpu.memory_space<hbm>>
        %dma_start3A_202 = tpu.memref_slice %arg4[%add3A_200] : memref<320000xi32, #tpu.memory_space<hbm>> -> memref<160xi32, #tpu.memory_space<hbm>>
        tpu.enqueue_dma source(%dma_start3A_202 : memref<160xi32, #tpu.memory_space<hbm>>) target(%arg9 : memref<160xi32, #tpu.memory_space<vmem>>) target_semaphore(%arg14 : memref<!tpu.dma_semaphore, #tpu.memory_space<semaphore_mem>>)
        %dma_wait3A_203 = arith.constant 0 : i32
        %dma_wait3A_204 = tpu.memref_slice %arg7[%dma_wait3A_203] : memref<4800xi32, #tpu.memory_space<vmem>> -> memref<160xi32, #tpu.memory_space<vmem>>
        %dma_wait3A_205 = arith.constant 0 : i32
        %dma_wait3A_206 = arith.constant 0 : i32
        %dma_wait3A_207 = tpu.memref_slice %arg2[%dma_wait3A_205, %dma_wait3A_206] : memref<10000x128xf32, #tpu.memory_space<hbm>> -> memref<10000x128xf32, #tpu.memory_space<hbm>>
        tpu.wait_indirect_dma semaphore(%arg13 : memref<!tpu.dma_semaphore, #tpu.memory_space<semaphore_mem>>) src(%dma_wait3A_207 : memref<10000x128xf32, #tpu.memory_space<hbm>>) dst(%arg10 : memref<160x128xf32, #tpu.memory_space<vmem>>)
        %dma_wait3A_208 = arith.constant 0 : i32
        %dma_wait3A_209 = tpu.memref_slice %arg4[%dma_wait3A_208] : memref<320000xi32, #tpu.memory_space<hbm>> -> memref<160xi32, #tpu.memory_space<hbm>>
        %dma_wait3A_210 = arith.constant 0 : i32
        %dma_wait3A_211 = tpu.memref_slice %arg4[%dma_wait3A_210] : memref<320000xi32, #tpu.memory_space<hbm>> -> memref<160xi32, #tpu.memory_space<hbm>>
        tpu.wait_dma2 semaphore(%arg13 : memref<!tpu.dma_semaphore, #tpu.memory_space<semaphore_mem>>) src(%dma_wait3A_211 : memref<160xi32, #tpu.memory_space<hbm>>) dst(%arg8 : memref<160xi32, #tpu.memory_space<vmem>>)
        "tpu.region"() ({
          %run_scoped3A = tpu.sem_alloc : memref<!tpu.dma_semaphore, #tpu.memory_space<semaphore_mem>>
          %dma_start3A_236 = arith.constant 0 : i32
          %dma_start3A_237 = arith.constant 0 : i32
          %dma_start3A_238 = tpu.memref_slice %arg12[%dma_start3A_236, %dma_start3A_237] : memref<10000x128xf32, #tpu.memory_space<vmem_shared>> -> memref<10000x128xf32, #tpu.memory_space<vmem_shared>>
          tpu.enqueue_indirect_dma source(%arg10 : memref<160x128xf32, #tpu.memory_space<vmem>>) target(%dma_start3A_238 : memref<10000x128xf32, #tpu.memory_space<vmem_shared>>) offsets(%arg8 : memref<160xi32, #tpu.memory_space<vmem>>) semaphore(%run_scoped3A : memref<!tpu.dma_semaphore, #tpu.memory_space<semaphore_mem>>) {add = true}
          %dma_wait3A_239 = arith.constant 0 : i32
          %dma_wait3A_240 = arith.constant 0 : i32
          %dma_wait3A_241 = tpu.memref_slice %arg12[%dma_wait3A_239, %dma_wait3A_240] : memref<10000x128xf32, #tpu.memory_space<vmem_shared>> -> memref<10000x128xf32, #tpu.memory_space<vmem_shared>>
          tpu.wait_indirect_dma semaphore(%run_scoped3A : memref<!tpu.dma_semaphore, #tpu.memory_space<semaphore_mem>>) src(%arg10 : memref<160x128xf32, #tpu.memory_space<vmem>>) dst(%dma_wait3A_241 : memref<10000x128xf32, #tpu.memory_space<vmem_shared>>)
          tpu.yield
        }) : () -> ()
        %mul3A_212 = arith.constant 2 : i32
        %mul3A_213 = arith.muli %mul3A_212, %scan3A_187 : i32
        %add3A_214 = arith.constant 2 : i32
        %add3A_215 = arith.addi %mul3A_213, %add3A_214 : i32
        %mul3A_216 = arith.constant 160 : i32
        %mul3A_217 = arith.muli %add3A_215, %mul3A_216 : i32
        %dma_start3A_218 = tpu.memref_slice %arg7[%mul3A_217] : memref<4800xi32, #tpu.memory_space<vmem>> -> memref<160xi32, #tpu.memory_space<vmem>>
        %dma_start3A_219 = arith.constant 0 : i32
        %dma_start3A_220 = arith.constant 0 : i32
        %dma_start3A_221 = tpu.memref_slice %arg2[%dma_start3A_219, %dma_start3A_220] : memref<10000x128xf32, #tpu.memory_space<hbm>> -> memref<10000x128xf32, #tpu.memory_space<hbm>>
        tpu.enqueue_indirect_dma source(%dma_start3A_221 : memref<10000x128xf32, #tpu.memory_space<hbm>>) target(%arg10 : memref<160x128xf32, #tpu.memory_space<vmem>>) offsets(%dma_start3A_218 : memref<160xi32, #tpu.memory_space<vmem>>) semaphore(%arg13 : memref<!tpu.dma_semaphore, #tpu.memory_space<semaphore_mem>>)
        %mul3A_222 = arith.constant 160 : i32
        %mul3A_223 = arith.muli %add3A_215, %mul3A_222 : i32
        %add3A_224 = arith.addi %add3A_28, %mul3A_223 : i32
        %dma_start3A_225 = tpu.memref_slice %arg4[%add3A_224] : memref<320000xi32, #tpu.memory_space<hbm>> -> memref<160xi32, #tpu.memory_space<hbm>>
        %dma_start3A_226 = tpu.memref_slice %arg4[%add3A_224] : memref<320000xi32, #tpu.memory_space<hbm>> -> memref<160xi32, #tpu.memory_space<hbm>>
        tpu.enqueue_dma source(%dma_start3A_226 : memref<160xi32, #tpu.memory_space<hbm>>) target(%arg8 : memref<160xi32, #tpu.memory_space<vmem>>) target_semaphore(%arg13 : memref<!tpu.dma_semaphore, #tpu.memory_space<semaphore_mem>>)
        %dma_wait3A_227 = arith.constant 0 : i32
        %dma_wait3A_228 = tpu.memref_slice %arg7[%dma_wait3A_227] : memref<4800xi32, #tpu.memory_space<vmem>> -> memref<160xi32, #tpu.memory_space<vmem>>
        %dma_wait3A_229 = arith.constant 0 : i32
        %dma_wait3A_230 = arith.constant 0 : i32
        %dma_wait3A_231 = tpu.memref_slice %arg2[%dma_wait3A_229, %dma_wait3A_230] : memref<10000x128xf32, #tpu.memory_space<hbm>> -> memref<10000x128xf32, #tpu.memory_space<hbm>>
        tpu.wait_indirect_dma semaphore(%arg14 : memref<!tpu.dma_semaphore, #tpu.memory_space<semaphore_mem>>) src(%dma_wait3A_231 : memref<10000x128xf32, #tpu.memory_space<hbm>>) dst(%arg11 : memref<160x128xf32, #tpu.memory_space<vmem>>)
        %dma_wait3A_232 = arith.constant 0 : i32
        %dma_wait3A_233 = tpu.memref_slice %arg4[%dma_wait3A_232] : memref<320000xi32, #tpu.memory_space<hbm>> -> memref<160xi32, #tpu.memory_space<hbm>>
        %dma_wait3A_234 = arith.constant 0 : i32
        %dma_wait3A_235 = tpu.memref_slice %arg4[%dma_wait3A_234] : memref<320000xi32, #tpu.memory_space<hbm>> -> memref<160xi32, #tpu.memory_space<hbm>>
        tpu.wait_dma2 semaphore(%arg14 : memref<!tpu.dma_semaphore, #tpu.memory_space<semaphore_mem>>) src(%dma_wait3A_235 : memref<160xi32, #tpu.memory_space<hbm>>) dst(%arg9 : memref<160xi32, #tpu.memory_space<vmem>>)
        "tpu.region"() ({
          %run_scoped3A = tpu.sem_alloc : memref<!tpu.dma_semaphore, #tpu.memory_space<semaphore_mem>>
          %dma_start3A_236 = arith.constant 0 : i32
          %dma_start3A_237 = arith.constant 0 : i32
          %dma_start3A_238 = tpu.memref_slice %arg12[%dma_start3A_236, %dma_start3A_237] : memref<10000x128xf32, #tpu.memory_space<vmem_shared>> -> memref<10000x128xf32, #tpu.memory_space<vmem_shared>>
          tpu.enqueue_indirect_dma source(%arg11 : memref<160x128xf32, #tpu.memory_space<vmem>>) target(%dma_start3A_238 : memref<10000x128xf32, #tpu.memory_space<vmem_shared>>) offsets(%arg9 : memref<160xi32, #tpu.memory_space<vmem>>) semaphore(%run_scoped3A : memref<!tpu.dma_semaphore, #tpu.memory_space<semaphore_mem>>) {add = true}
          %dma_wait3A_239 = arith.constant 0 : i32
          %dma_wait3A_240 = arith.constant 0 : i32
          %dma_wait3A_241 = tpu.memref_slice %arg12[%dma_wait3A_239, %dma_wait3A_240] : memref<10000x128xf32, #tpu.memory_space<vmem_shared>> -> memref<10000x128xf32, #tpu.memory_space<vmem_shared>>
          tpu.wait_indirect_dma semaphore(%run_scoped3A : memref<!tpu.dma_semaphore, #tpu.memory_space<semaphore_mem>>) src(%arg11 : memref<160x128xf32, #tpu.memory_space<vmem>>) dst(%dma_wait3A_241 : memref<10000x128xf32, #tpu.memory_space<vmem_shared>>)
          tpu.yield
        }) : () -> ()
      }
      %scan3A_41 = arith.constant 14 : i32
      %dma_start3A_42 = arith.constant 4640 : i32
      %dma_start3A_43 = tpu.memref_slice %arg7[%dma_start3A_42] : memref<4800xi32, #tpu.memory_space<vmem>> -> memref<160xi32, #tpu.memory_space<vmem>>
      %dma_start3A_44 = arith.constant 0 : i32
      %dma_start3A_45 = arith.constant 0 : i32
      %dma_start3A_46 = tpu.memref_slice %arg2[%dma_start3A_44, %dma_start3A_45] : memref<10000x128xf32, #tpu.memory_space<hbm>> -> memref<10000x128xf32, #tpu.memory_space<hbm>>
      tpu.enqueue_indirect_dma source(%dma_start3A_46 : memref<10000x128xf32, #tpu.memory_space<hbm>>) target(%arg11 : memref<160x128xf32, #tpu.memory_space<vmem>>) offsets(%dma_start3A_43 : memref<160xi32, #tpu.memory_space<vmem>>) semaphore(%arg14 : memref<!tpu.dma_semaphore, #tpu.memory_space<semaphore_mem>>)
      %add3A_47 = arith.constant 4640 : i32
      %add3A_48 = arith.addi %add3A_28, %add3A_47 : i32
      %dma_start3A_49 = tpu.memref_slice %arg4[%add3A_48] : memref<320000xi32, #tpu.memory_space<hbm>> -> memref<160xi32, #tpu.memory_space<hbm>>
      %dma_start3A_50 = tpu.memref_slice %arg4[%add3A_48] : memref<320000xi32, #tpu.memory_space<hbm>> -> memref<160xi32, #tpu.memory_space<hbm>>
      tpu.enqueue_dma source(%dma_start3A_50 : memref<160xi32, #tpu.memory_space<hbm>>) target(%arg9 : memref<160xi32, #tpu.memory_space<vmem>>) target_semaphore(%arg14 : memref<!tpu.dma_semaphore, #tpu.memory_space<semaphore_mem>>)
      %dma_wait3A = arith.constant 0 : i32
      %dma_wait3A_51 = tpu.memref_slice %arg7[%dma_wait3A] : memref<4800xi32, #tpu.memory_space<vmem>> -> memref<160xi32, #tpu.memory_space<vmem>>
      %dma_wait3A_52 = arith.constant 0 : i32
      %dma_wait3A_53 = arith.constant 0 : i32
      %dma_wait3A_54 = tpu.memref_slice %arg2[%dma_wait3A_52, %dma_wait3A_53] : memref<10000x128xf32, #tpu.memory_space<hbm>> -> memref<10000x128xf32, #tpu.memory_space<hbm>>
      tpu.wait_indirect_dma semaphore(%arg13 : memref<!tpu.dma_semaphore, #tpu.memory_space<semaphore_mem>>) src(%dma_wait3A_54 : memref<10000x128xf32, #tpu.memory_space<hbm>>) dst(%arg10 : memref<160x128xf32, #tpu.memory_space<vmem>>)
      %dma_wait3A_55 = arith.constant 0 : i32
      %dma_wait3A_56 = tpu.memref_slice %arg4[%dma_wait3A_55] : memref<320000xi32, #tpu.memory_space<hbm>> -> memref<160xi32, #tpu.memory_space<hbm>>
      %dma_wait3A_57 = arith.constant 0 : i32
      %dma_wait3A_58 = tpu.memref_slice %arg4[%dma_wait3A_57] : memref<320000xi32, #tpu.memory_space<hbm>> -> memref<160xi32, #tpu.memory_space<hbm>>
      tpu.wait_dma2 semaphore(%arg13 : memref<!tpu.dma_semaphore, #tpu.memory_space<semaphore_mem>>) src(%dma_wait3A_58 : memref<160xi32, #tpu.memory_space<hbm>>) dst(%arg8 : memref<160xi32, #tpu.memory_space<vmem>>)
      "tpu.region"() ({
        %run_scoped3A = tpu.sem_alloc : memref<!tpu.dma_semaphore, #tpu.memory_space<semaphore_mem>>
        %dma_start3A_187 = arith.constant 0 : i32
        %dma_start3A_188 = arith.constant 0 : i32
        %dma_start3A_189 = tpu.memref_slice %arg12[%dma_start3A_187, %dma_start3A_188] : memref<10000x128xf32, #tpu.memory_space<vmem_shared>> -> memref<10000x128xf32, #tpu.memory_space<vmem_shared>>
        tpu.enqueue_indirect_dma source(%arg10 : memref<160x128xf32, #tpu.memory_space<vmem>>) target(%dma_start3A_189 : memref<10000x128xf32, #tpu.memory_space<vmem_shared>>) offsets(%arg8 : memref<160xi32, #tpu.memory_space<vmem>>) semaphore(%run_scoped3A : memref<!tpu.dma_semaphore, #tpu.memory_space<semaphore_mem>>) {add = true}
        %dma_wait3A_190 = arith.constant 0 : i32
        %dma_wait3A_191 = arith.constant 0 : i32
        %dma_wait3A_192 = tpu.memref_slice %arg12[%dma_wait3A_190, %dma_wait3A_191] : memref<10000x128xf32, #tpu.memory_space<vmem_shared>> -> memref<10000x128xf32, #tpu.memory_space<vmem_shared>>
        tpu.wait_indirect_dma semaphore(%run_scoped3A : memref<!tpu.dma_semaphore, #tpu.memory_space<semaphore_mem>>) src(%arg10 : memref<160x128xf32, #tpu.memory_space<vmem>>) dst(%dma_wait3A_192 : memref<10000x128xf32, #tpu.memory_space<vmem_shared>>)
        tpu.yield
      }) : () -> ()
      %dma_wait3A_59 = arith.constant 0 : i32
      %dma_wait3A_60 = tpu.memref_slice %arg7[%dma_wait3A_59] : memref<4800xi32, #tpu.memory_space<vmem>> -> memref<160xi32, #tpu.memory_space<vmem>>
      %dma_wait3A_61 = arith.constant 0 : i32
      %dma_wait3A_62 = arith.constant 0 : i32
      %dma_wait3A_63 = tpu.memref_slice %arg2[%dma_wait3A_61, %dma_wait3A_62] : memref<10000x128xf32, #tpu.memory_space<hbm>> -> memref<10000x128xf32, #tpu.memory_space<hbm>>
      tpu.wait_indirect_dma semaphore(%arg14 : memref<!tpu.dma_semaphore, #tpu.memory_space<semaphore_mem>>) src(%dma_wait3A_63 : memref<10000x128xf32, #tpu.memory_space<hbm>>) dst(%arg11 : memref<160x128xf32, #tpu.memory_space<vmem>>)
      %dma_wait3A_64 = arith.constant 0 : i32
      %dma_wait3A_65 = tpu.memref_slice %arg4[%dma_wait3A_64] : memref<320000xi32, #tpu.memory_space<hbm>> -> memref<160xi32, #tpu.memory_space<hbm>>
      %dma_wait3A_66 = arith.constant 0 : i32
      %dma_wait3A_67 = tpu.memref_slice %arg4[%dma_wait3A_66] : memref<320000xi32, #tpu.memory_space<hbm>> -> memref<160xi32, #tpu.memory_space<hbm>>
      tpu.wait_dma2 semaphore(%arg14 : memref<!tpu.dma_semaphore, #tpu.memory_space<semaphore_mem>>) src(%dma_wait3A_67 : memref<160xi32, #tpu.memory_space<hbm>>) dst(%arg9 : memref<160xi32, #tpu.memory_space<vmem>>)
      "tpu.region"() ({
        %run_scoped3A = tpu.sem_alloc : memref<!tpu.dma_semaphore, #tpu.memory_space<semaphore_mem>>
        %dma_start3A_187 = arith.constant 0 : i32
        %dma_start3A_188 = arith.constant 0 : i32
        %dma_start3A_189 = tpu.memref_slice %arg12[%dma_start3A_187, %dma_start3A_188] : memref<10000x128xf32, #tpu.memory_space<vmem_shared>> -> memref<10000x128xf32, #tpu.memory_space<vmem_shared>>
        tpu.enqueue_indirect_dma source(%arg11 : memref<160x128xf32, #tpu.memory_space<vmem>>) target(%dma_start3A_189 : memref<10000x128xf32, #tpu.memory_space<vmem_shared>>) offsets(%arg9 : memref<160xi32, #tpu.memory_space<vmem>>) semaphore(%run_scoped3A : memref<!tpu.dma_semaphore, #tpu.memory_space<semaphore_mem>>) {add = true}
        %dma_wait3A_190 = arith.constant 0 : i32
        %dma_wait3A_191 = arith.constant 0 : i32
        %dma_wait3A_192 = tpu.memref_slice %arg12[%dma_wait3A_190, %dma_wait3A_191] : memref<10000x128xf32, #tpu.memory_space<vmem_shared>> -> memref<10000x128xf32, #tpu.memory_space<vmem_shared>>
        tpu.wait_indirect_dma semaphore(%run_scoped3A : memref<!tpu.dma_semaphore, #tpu.memory_space<semaphore_mem>>) src(%arg11 : memref<160x128xf32, #tpu.memory_space<vmem>>) dst(%dma_wait3A_192 : memref<10000x128xf32, #tpu.memory_space<vmem_shared>>)
        tpu.yield
      }) : () -> ()
      %add3A_68 = arith.constant 4800 : i32
      %add3A_69 = arith.addi %add3A_24, %add3A_68 : i32
      "tpu.region"() ({
        %run_scoped3A = tpu.sem_alloc : memref<!tpu.dma_semaphore, #tpu.memory_space<semaphore_mem>>
        %dma_start3A_187 = arith.constant 0 : i32
        %dma_start3A_188 = tpu.memref_slice %arg7[%dma_start3A_187] : memref<4800xi32, #tpu.memory_space<vmem>> -> memref<4800xi32, #tpu.memory_space<vmem>>
        %dma_start3A_189 = tpu.memref_slice %arg3[%add3A_69] : memref<320000xi32, #tpu.memory_space<hbm>> -> memref<4800xi32, #tpu.memory_space<hbm>>
        %dma_start3A_190 = arith.constant 0 : i32
        %dma_start3A_191 = tpu.memref_slice %arg7[%dma_start3A_190] : memref<4800xi32, #tpu.memory_space<vmem>> -> memref<4800xi32, #tpu.memory_space<vmem>>
        %dma_start3A_192 = tpu.memref_slice %arg3[%add3A_69] : memref<320000xi32, #tpu.memory_space<hbm>> -> memref<4800xi32, #tpu.memory_space<hbm>>
        tpu.enqueue_dma source(%dma_start3A_192 : memref<4800xi32, #tpu.memory_space<hbm>>) target(%dma_start3A_191 : memref<4800xi32, #tpu.memory_space<vmem>>) target_semaphore(%run_scoped3A : memref<!tpu.dma_semaphore, #tpu.memory_space<semaphore_mem>>)
        %dma_wait3A_193 = arith.constant 0 : i32
        %dma_wait3A_194 = tpu.memref_slice %arg7[%dma_wait3A_193] : memref<4800xi32, #tpu.memory_space<vmem>> -> memref<4800xi32, #tpu.memory_space<vmem>>
        %dma_wait3A_195 = tpu.memref_slice %arg3[%add3A_69] : memref<320000xi32, #tpu.memory_space<hbm>> -> memref<4800xi32, #tpu.memory_space<hbm>>
        %dma_wait3A_196 = arith.constant 0 : i32
        %dma_wait3A_197 = tpu.memref_slice %arg7[%dma_wait3A_196] : memref<4800xi32, #tpu.memory_space<vmem>> -> memref<4800xi32, #tpu.memory_space<vmem>>
        %dma_wait3A_198 = tpu.memref_slice %arg3[%add3A_69] : memref<320000xi32, #tpu.memory_space<hbm>> -> memref<4800xi32, #tpu.memory_space<hbm>>
        tpu.wait_dma2 semaphore(%run_scoped3A : memref<!tpu.dma_semaphore, #tpu.memory_space<semaphore_mem>>) src(%dma_wait3A_198 : memref<4800xi32, #tpu.memory_space<hbm>>) dst(%dma_wait3A_197 : memref<4800xi32, #tpu.memory_space<vmem>>)
        tpu.yield
      }) : () -> ()
      %add3A_70 = arith.constant 4800 : i32
      %add3A_71 = arith.addi %add3A_24, %add3A_70 : i32
      %dma_start3A_72 = arith.constant 0 : i32
      %dma_start3A_73 = tpu.memref_slice %arg7[%dma_start3A_72] : memref<4800xi32, #tpu.memory_space<vmem>> -> memref<160xi32, #tpu.memory_space<vmem>>
      %dma_start3A_74 = arith.constant 0 : i32
      %dma_start3A_75 = arith.constant 0 : i32
      %dma_start3A_76 = tpu.memref_slice %arg2[%dma_start3A_74, %dma_start3A_75] : memref<10000x128xf32, #tpu.memory_space<hbm>> -> memref<10000x128xf32, #tpu.memory_space<hbm>>
      tpu.enqueue_indirect_dma source(%dma_start3A_76 : memref<10000x128xf32, #tpu.memory_space<hbm>>) target(%arg10 : memref<160x128xf32, #tpu.memory_space<vmem>>) offsets(%dma_start3A_73 : memref<160xi32, #tpu.memory_space<vmem>>) semaphore(%arg13 : memref<!tpu.dma_semaphore, #tpu.memory_space<semaphore_mem>>)
      %add3A_77 = arith.constant 0 : i32
      %add3A_78 = arith.addi %add3A_71, %add3A_77 : i32
      %dma_start3A_79 = tpu.memref_slice %arg4[%add3A_78] : memref<320000xi32, #tpu.memory_space<hbm>> -> memref<160xi32, #tpu.memory_space<hbm>>
      %dma_start3A_80 = tpu.memref_slice %arg4[%add3A_78] : memref<320000xi32, #tpu.memory_space<hbm>> -> memref<160xi32, #tpu.memory_space<hbm>>
      tpu.enqueue_dma source(%dma_start3A_80 : memref<160xi32, #tpu.memory_space<hbm>>) target(%arg8 : memref<160xi32, #tpu.memory_space<vmem>>) target_semaphore(%arg13 : memref<!tpu.dma_semaphore, #tpu.memory_space<semaphore_mem>>)
      %scan3A_81 = arith.constant 0 : i32
      %scan3A_82 = arith.constant 0 : i32
      %scan3A_83 = arith.constant 14 : i32
      %scan3A_84 = arith.addi %scan3A_82, %scan3A_83 : i32
      %scan3A_85 = arith.constant 1 : i32
      scf.for %scan3A_187 = %scan3A_82 to %scan3A_84 step %scan3A_85  : i32 {
        %mul3A_188 = arith.constant 2 : i32
        %mul3A_189 = arith.muli %mul3A_188, %scan3A_187 : i32
        %add3A_190 = arith.constant 1 : i32
        %add3A_191 = arith.addi %mul3A_189, %add3A_190 : i32
        %mul3A_192 = arith.constant 160 : i32
        %mul3A_193 = arith.muli %add3A_191, %mul3A_192 : i32
        %dma_start3A_194 = tpu.memref_slice %arg7[%mul3A_193] : memref<4800xi32, #tpu.memory_space<vmem>> -> memref<160xi32, #tpu.memory_space<vmem>>
        %dma_start3A_195 = arith.constant 0 : i32
        %dma_start3A_196 = arith.constant 0 : i32
        %dma_start3A_197 = tpu.memref_slice %arg2[%dma_start3A_195, %dma_start3A_196] : memref<10000x128xf32, #tpu.memory_space<hbm>> -> memref<10000x128xf32, #tpu.memory_space<hbm>>
        tpu.enqueue_indirect_dma source(%dma_start3A_197 : memref<10000x128xf32, #tpu.memory_space<hbm>>) target(%arg11 : memref<160x128xf32, #tpu.memory_space<vmem>>) offsets(%dma_start3A_194 : memref<160xi32, #tpu.memory_space<vmem>>) semaphore(%arg14 : memref<!tpu.dma_semaphore, #tpu.memory_space<semaphore_mem>>)
        %mul3A_198 = arith.constant 160 : i32
        %mul3A_199 = arith.muli %add3A_191, %mul3A_198 : i32
        %add3A_200 = arith.addi %add3A_71, %mul3A_199 : i32
        %dma_start3A_201 = tpu.memref_slice %arg4[%add3A_200] : memref<320000xi32, #tpu.memory_space<hbm>> -> memref<160xi32, #tpu.memory_space<hbm>>
        %dma_start3A_202 = tpu.memref_slice %arg4[%add3A_200] : memref<320000xi32, #tpu.memory_space<hbm>> -> memref<160xi32, #tpu.memory_space<hbm>>
        tpu.enqueue_dma source(%dma_start3A_202 : memref<160xi32, #tpu.memory_space<hbm>>) target(%arg9 : memref<160xi32, #tpu.memory_space<vmem>>) target_semaphore(%arg14 : memref<!tpu.dma_semaphore, #tpu.memory_space<semaphore_mem>>)
        %dma_wait3A_203 = arith.constant 0 : i32
        %dma_wait3A_204 = tpu.memref_slice %arg7[%dma_wait3A_203] : memref<4800xi32, #tpu.memory_space<vmem>> -> memref<160xi32, #tpu.memory_space<vmem>>
        %dma_wait3A_205 = arith.constant 0 : i32
        %dma_wait3A_206 = arith.constant 0 : i32
        %dma_wait3A_207 = tpu.memref_slice %arg2[%dma_wait3A_205, %dma_wait3A_206] : memref<10000x128xf32, #tpu.memory_space<hbm>> -> memref<10000x128xf32, #tpu.memory_space<hbm>>
        tpu.wait_indirect_dma semaphore(%arg13 : memref<!tpu.dma_semaphore, #tpu.memory_space<semaphore_mem>>) src(%dma_wait3A_207 : memref<10000x128xf32, #tpu.memory_space<hbm>>) dst(%arg10 : memref<160x128xf32, #tpu.memory_space<vmem>>)
        %dma_wait3A_208 = arith.constant 0 : i32
        %dma_wait3A_209 = tpu.memref_slice %arg4[%dma_wait3A_208] : memref<320000xi32, #tpu.memory_space<hbm>> -> memref<160xi32, #tpu.memory_space<hbm>>
        %dma_wait3A_210 = arith.constant 0 : i32
        %dma_wait3A_211 = tpu.memref_slice %arg4[%dma_wait3A_210] : memref<320000xi32, #tpu.memory_space<hbm>> -> memref<160xi32, #tpu.memory_space<hbm>>
        tpu.wait_dma2 semaphore(%arg13 : memref<!tpu.dma_semaphore, #tpu.memory_space<semaphore_mem>>) src(%dma_wait3A_211 : memref<160xi32, #tpu.memory_space<hbm>>) dst(%arg8 : memref<160xi32, #tpu.memory_space<vmem>>)
        "tpu.region"() ({
          %run_scoped3A = tpu.sem_alloc : memref<!tpu.dma_semaphore, #tpu.memory_space<semaphore_mem>>
          %dma_start3A_236 = arith.constant 0 : i32
          %dma_start3A_237 = arith.constant 0 : i32
          %dma_start3A_238 = tpu.memref_slice %arg12[%dma_start3A_236, %dma_start3A_237] : memref<10000x128xf32, #tpu.memory_space<vmem_shared>> -> memref<10000x128xf32, #tpu.memory_space<vmem_shared>>
          tpu.enqueue_indirect_dma source(%arg10 : memref<160x128xf32, #tpu.memory_space<vmem>>) target(%dma_start3A_238 : memref<10000x128xf32, #tpu.memory_space<vmem_shared>>) offsets(%arg8 : memref<160xi32, #tpu.memory_space<vmem>>) semaphore(%run_scoped3A : memref<!tpu.dma_semaphore, #tpu.memory_space<semaphore_mem>>) {add = true}
          %dma_wait3A_239 = arith.constant 0 : i32
          %dma_wait3A_240 = arith.constant 0 : i32
          %dma_wait3A_241 = tpu.memref_slice %arg12[%dma_wait3A_239, %dma_wait3A_240] : memref<10000x128xf32, #tpu.memory_space<vmem_shared>> -> memref<10000x128xf32, #tpu.memory_space<vmem_shared>>
          tpu.wait_indirect_dma semaphore(%run_scoped3A : memref<!tpu.dma_semaphore, #tpu.memory_space<semaphore_mem>>) src(%arg10 : memref<160x128xf32, #tpu.memory_space<vmem>>) dst(%dma_wait3A_241 : memref<10000x128xf32, #tpu.memory_space<vmem_shared>>)
          tpu.yield
        }) : () -> ()
        %mul3A_212 = arith.constant 2 : i32
        %mul3A_213 = arith.muli %mul3A_212, %scan3A_187 : i32
        %add3A_214 = arith.constant 2 : i32
        %add3A_215 = arith.addi %mul3A_213, %add3A_214 : i32
        %mul3A_216 = arith.constant 160 : i32
        %mul3A_217 = arith.muli %add3A_215, %mul3A_216 : i32
        %dma_start3A_218 = tpu.memref_slice %arg7[%mul3A_217] : memref<4800xi32, #tpu.memory_space<vmem>> -> memref<160xi32, #tpu.memory_space<vmem>>
        %dma_start3A_219 = arith.constant 0 : i32
        %dma_start3A_220 = arith.constant 0 : i32
        %dma_start3A_221 = tpu.memref_slice %arg2[%dma_start3A_219, %dma_start3A_220] : memref<10000x128xf32, #tpu.memory_space<hbm>> -> memref<10000x128xf32, #tpu.memory_space<hbm>>
        tpu.enqueue_indirect_dma source(%dma_start3A_221 : memref<10000x128xf32, #tpu.memory_space<hbm>>) target(%arg10 : memref<160x128xf32, #tpu.memory_space<vmem>>) offsets(%dma_start3A_218 : memref<160xi32, #tpu.memory_space<vmem>>) semaphore(%arg13 : memref<!tpu.dma_semaphore, #tpu.memory_space<semaphore_mem>>)
        %mul3A_222 = arith.constant 160 : i32
        %mul3A_223 = arith.muli %add3A_215, %mul3A_222 : i32
        %add3A_224 = arith.addi %add3A_71, %mul3A_223 : i32
        %dma_start3A_225 = tpu.memref_slice %arg4[%add3A_224] : memref<320000xi32, #tpu.memory_space<hbm>> -> memref<160xi32, #tpu.memory_space<hbm>>
        %dma_start3A_226 = tpu.memref_slice %arg4[%add3A_224] : memref<320000xi32, #tpu.memory_space<hbm>> -> memref<160xi32, #tpu.memory_space<hbm>>
        tpu.enqueue_dma source(%dma_start3A_226 : memref<160xi32, #tpu.memory_space<hbm>>) target(%arg8 : memref<160xi32, #tpu.memory_space<vmem>>) target_semaphore(%arg13 : memref<!tpu.dma_semaphore, #tpu.memory_space<semaphore_mem>>)
        %dma_wait3A_227 = arith.constant 0 : i32
        %dma_wait3A_228 = tpu.memref_slice %arg7[%dma_wait3A_227] : memref<4800xi32, #tpu.memory_space<vmem>> -> memref<160xi32, #tpu.memory_space<vmem>>
        %dma_wait3A_229 = arith.constant 0 : i32
        %dma_wait3A_230 = arith.constant 0 : i32
        %dma_wait3A_231 = tpu.memref_slice %arg2[%dma_wait3A_229, %dma_wait3A_230] : memref<10000x128xf32, #tpu.memory_space<hbm>> -> memref<10000x128xf32, #tpu.memory_space<hbm>>
        tpu.wait_indirect_dma semaphore(%arg14 : memref<!tpu.dma_semaphore, #tpu.memory_space<semaphore_mem>>) src(%dma_wait3A_231 : memref<10000x128xf32, #tpu.memory_space<hbm>>) dst(%arg11 : memref<160x128xf32, #tpu.memory_space<vmem>>)
        %dma_wait3A_232 = arith.constant 0 : i32
        %dma_wait3A_233 = tpu.memref_slice %arg4[%dma_wait3A_232] : memref<320000xi32, #tpu.memory_space<hbm>> -> memref<160xi32, #tpu.memory_space<hbm>>
        %dma_wait3A_234 = arith.constant 0 : i32
        %dma_wait3A_235 = tpu.memref_slice %arg4[%dma_wait3A_234] : memref<320000xi32, #tpu.memory_space<hbm>> -> memref<160xi32, #tpu.memory_space<hbm>>
        tpu.wait_dma2 semaphore(%arg14 : memref<!tpu.dma_semaphore, #tpu.memory_space<semaphore_mem>>) src(%dma_wait3A_235 : memref<160xi32, #tpu.memory_space<hbm>>) dst(%arg9 : memref<160xi32, #tpu.memory_space<vmem>>)
        "tpu.region"() ({
          %run_scoped3A = tpu.sem_alloc : memref<!tpu.dma_semaphore, #tpu.memory_space<semaphore_mem>>
          %dma_start3A_236 = arith.constant 0 : i32
          %dma_start3A_237 = arith.constant 0 : i32
          %dma_start3A_238 = tpu.memref_slice %arg12[%dma_start3A_236, %dma_start3A_237] : memref<10000x128xf32, #tpu.memory_space<vmem_shared>> -> memref<10000x128xf32, #tpu.memory_space<vmem_shared>>
          tpu.enqueue_indirect_dma source(%arg11 : memref<160x128xf32, #tpu.memory_space<vmem>>) target(%dma_start3A_238 : memref<10000x128xf32, #tpu.memory_space<vmem_shared>>) offsets(%arg9 : memref<160xi32, #tpu.memory_space<vmem>>) semaphore(%run_scoped3A : memref<!tpu.dma_semaphore, #tpu.memory_space<semaphore_mem>>) {add = true}
          %dma_wait3A_239 = arith.constant 0 : i32
          %dma_wait3A_240 = arith.constant 0 : i32
          %dma_wait3A_241 = tpu.memref_slice %arg12[%dma_wait3A_239, %dma_wait3A_240] : memref<10000x128xf32, #tpu.memory_space<vmem_shared>> -> memref<10000x128xf32, #tpu.memory_space<vmem_shared>>
          tpu.wait_indirect_dma semaphore(%run_scoped3A : memref<!tpu.dma_semaphore, #tpu.memory_space<semaphore_mem>>) src(%arg11 : memref<160x128xf32, #tpu.memory_space<vmem>>) dst(%dma_wait3A_241 : memref<10000x128xf32, #tpu.memory_space<vmem_shared>>)
          tpu.yield
        }) : () -> ()
      }
      %scan3A_86 = arith.constant 14 : i32
      %dma_start3A_87 = arith.constant 4640 : i32
      %dma_start3A_88 = tpu.memref_slice %arg7[%dma_start3A_87] : memref<4800xi32, #tpu.memory_space<vmem>> -> memref<160xi32, #tpu.memory_space<vmem>>
      %dma_start3A_89 = arith.constant 0 : i32
      %dma_start3A_90 = arith.constant 0 : i32
      %dma_start3A_91 = tpu.memref_slice %arg2[%dma_start3A_89, %dma_start3A_90] : memref<10000x128xf32, #tpu.memory_space<hbm>> -> memref<10000x128xf32, #tpu.memory_space<hbm>>
      tpu.enqueue_indirect_dma source(%dma_start3A_91 : memref<10000x128xf32, #tpu.memory_space<hbm>>) target(%arg11 : memref<160x128xf32, #tpu.memory_space<vmem>>) offsets(%dma_start3A_88 : memref<160xi32, #tpu.memory_space<vmem>>) semaphore(%arg14 : memref<!tpu.dma_semaphore, #tpu.memory_space<semaphore_mem>>)
      %add3A_92 = arith.constant 4640 : i32
      %add3A_93 = arith.addi %add3A_71, %add3A_92 : i32
      %dma_start3A_94 = tpu.memref_slice %arg4[%add3A_93] : memref<320000xi32, #tpu.memory_space<hbm>> -> memref<160xi32, #tpu.memory_space<hbm>>
      %dma_start3A_95 = tpu.memref_slice %arg4[%add3A_93] : memref<320000xi32, #tpu.memory_space<hbm>> -> memref<160xi32, #tpu.memory_space<hbm>>
      tpu.enqueue_dma source(%dma_start3A_95 : memref<160xi32, #tpu.memory_space<hbm>>) target(%arg9 : memref<160xi32, #tpu.memory_space<vmem>>) target_semaphore(%arg14 : memref<!tpu.dma_semaphore, #tpu.memory_space<semaphore_mem>>)
      %dma_wait3A_96 = arith.constant 0 : i32
      %dma_wait3A_97 = tpu.memref_slice %arg7[%dma_wait3A_96] : memref<4800xi32, #tpu.memory_space<vmem>> -> memref<160xi32, #tpu.memory_space<vmem>>
      %dma_wait3A_98 = arith.constant 0 : i32
      %dma_wait3A_99 = arith.constant 0 : i32
      %dma_wait3A_100 = tpu.memref_slice %arg2[%dma_wait3A_98, %dma_wait3A_99] : memref<10000x128xf32, #tpu.memory_space<hbm>> -> memref<10000x128xf32, #tpu.memory_space<hbm>>
      tpu.wait_indirect_dma semaphore(%arg13 : memref<!tpu.dma_semaphore, #tpu.memory_space<semaphore_mem>>) src(%dma_wait3A_100 : memref<10000x128xf32, #tpu.memory_space<hbm>>) dst(%arg10 : memref<160x128xf32, #tpu.memory_space<vmem>>)
      %dma_wait3A_101 = arith.constant 0 : i32
      %dma_wait3A_102 = tpu.memref_slice %arg4[%dma_wait3A_101] : memref<320000xi32, #tpu.memory_space<hbm>> -> memref<160xi32, #tpu.memory_space<hbm>>
      %dma_wait3A_103 = arith.constant 0 : i32
      %dma_wait3A_104 = tpu.memref_slice %arg4[%dma_wait3A_103] : memref<320000xi32, #tpu.memory_space<hbm>> -> memref<160xi32, #tpu.memory_space<hbm>>
      tpu.wait_dma2 semaphore(%arg13 : memref<!tpu.dma_semaphore, #tpu.memory_space<semaphore_mem>>) src(%dma_wait3A_104 : memref<160xi32, #tpu.memory_space<hbm>>) dst(%arg8 : memref<160xi32, #tpu.memory_space<vmem>>)
      "tpu.region"() ({
        %run_scoped3A = tpu.sem_alloc : memref<!tpu.dma_semaphore, #tpu.memory_space<semaphore_mem>>
        %dma_start3A_187 = arith.constant 0 : i32
        %dma_start3A_188 = arith.constant 0 : i32
        %dma_start3A_189 = tpu.memref_slice %arg12[%dma_start3A_187, %dma_start3A_188] : memref<10000x128xf32, #tpu.memory_space<vmem_shared>> -> memref<10000x128xf32, #tpu.memory_space<vmem_shared>>
        tpu.enqueue_indirect_dma source(%arg10 : memref<160x128xf32, #tpu.memory_space<vmem>>) target(%dma_start3A_189 : memref<10000x128xf32, #tpu.memory_space<vmem_shared>>) offsets(%arg8 : memref<160xi32, #tpu.memory_space<vmem>>) semaphore(%run_scoped3A : memref<!tpu.dma_semaphore, #tpu.memory_space<semaphore_mem>>) {add = true}
        %dma_wait3A_190 = arith.constant 0 : i32
        %dma_wait3A_191 = arith.constant 0 : i32
        %dma_wait3A_192 = tpu.memref_slice %arg12[%dma_wait3A_190, %dma_wait3A_191] : memref<10000x128xf32, #tpu.memory_space<vmem_shared>> -> memref<10000x128xf32, #tpu.memory_space<vmem_shared>>
        tpu.wait_indirect_dma semaphore(%run_scoped3A : memref<!tpu.dma_semaphore, #tpu.memory_space<semaphore_mem>>) src(%arg10 : memref<160x128xf32, #tpu.memory_space<vmem>>) dst(%dma_wait3A_192 : memref<10000x128xf32, #tpu.memory_space<vmem_shared>>)
        tpu.yield
      }) : () -> ()
      %dma_wait3A_105 = arith.constant 0 : i32
      %dma_wait3A_106 = tpu.memref_slice %arg7[%dma_wait3A_105] : memref<4800xi32, #tpu.memory_space<vmem>> -> memref<160xi32, #tpu.memory_space<vmem>>
      %dma_wait3A_107 = arith.constant 0 : i32
      %dma_wait3A_108 = arith.constant 0 : i32
      %dma_wait3A_109 = tpu.memref_slice %arg2[%dma_wait3A_107, %dma_wait3A_108] : memref<10000x128xf32, #tpu.memory_space<hbm>> -> memref<10000x128xf32, #tpu.memory_space<hbm>>
      tpu.wait_indirect_dma semaphore(%arg14 : memref<!tpu.dma_semaphore, #tpu.memory_space<semaphore_mem>>) src(%dma_wait3A_109 : memref<10000x128xf32, #tpu.memory_space<hbm>>) dst(%arg11 : memref<160x128xf32, #tpu.memory_space<vmem>>)
      %dma_wait3A_110 = arith.constant 0 : i32
      %dma_wait3A_111 = tpu.memref_slice %arg4[%dma_wait3A_110] : memref<320000xi32, #tpu.memory_space<hbm>> -> memref<160xi32, #tpu.memory_space<hbm>>
      %dma_wait3A_112 = arith.constant 0 : i32
      %dma_wait3A_113 = tpu.memref_slice %arg4[%dma_wait3A_112] : memref<320000xi32, #tpu.memory_space<hbm>> -> memref<160xi32, #tpu.memory_space<hbm>>
      tpu.wait_dma2 semaphore(%arg14 : memref<!tpu.dma_semaphore, #tpu.memory_space<semaphore_mem>>) src(%dma_wait3A_113 : memref<160xi32, #tpu.memory_space<hbm>>) dst(%arg9 : memref<160xi32, #tpu.memory_space<vmem>>)
      "tpu.region"() ({
        %run_scoped3A = tpu.sem_alloc : memref<!tpu.dma_semaphore, #tpu.memory_space<semaphore_mem>>
        %dma_start3A_187 = arith.constant 0 : i32
        %dma_start3A_188 = arith.constant 0 : i32
        %dma_start3A_189 = tpu.memref_slice %arg12[%dma_start3A_187, %dma_start3A_188] : memref<10000x128xf32, #tpu.memory_space<vmem_shared>> -> memref<10000x128xf32, #tpu.memory_space<vmem_shared>>
        tpu.enqueue_indirect_dma source(%arg11 : memref<160x128xf32, #tpu.memory_space<vmem>>) target(%dma_start3A_189 : memref<10000x128xf32, #tpu.memory_space<vmem_shared>>) offsets(%arg9 : memref<160xi32, #tpu.memory_space<vmem>>) semaphore(%run_scoped3A : memref<!tpu.dma_semaphore, #tpu.memory_space<semaphore_mem>>) {add = true}
        %dma_wait3A_190 = arith.constant 0 : i32
        %dma_wait3A_191 = arith.constant 0 : i32
        %dma_wait3A_192 = tpu.memref_slice %arg12[%dma_wait3A_190, %dma_wait3A_191] : memref<10000x128xf32, #tpu.memory_space<vmem_shared>> -> memref<10000x128xf32, #tpu.memory_space<vmem_shared>>
        tpu.wait_indirect_dma semaphore(%run_scoped3A : memref<!tpu.dma_semaphore, #tpu.memory_space<semaphore_mem>>) src(%arg11 : memref<160x128xf32, #tpu.memory_space<vmem>>) dst(%dma_wait3A_192 : memref<10000x128xf32, #tpu.memory_space<vmem_shared>>)
        tpu.yield
      }) : () -> ()
      %add3A_114 = arith.constant 9600 : i32
      %add3A_115 = arith.addi %add3A_24, %add3A_114 : i32
      "tpu.region"() ({
        %run_scoped3A = tpu.sem_alloc : memref<!tpu.dma_semaphore, #tpu.memory_space<semaphore_mem>>
        %dma_start3A_187 = arith.constant 0 : i32
        %dma_start3A_188 = tpu.memref_slice %arg7[%dma_start3A_187] : memref<4800xi32, #tpu.memory_space<vmem>> -> memref<480xi32, #tpu.memory_space<vmem>>
        %dma_start3A_189 = tpu.memref_slice %arg3[%add3A_115] : memref<320000xi32, #tpu.memory_space<hbm>> -> memref<480xi32, #tpu.memory_space<hbm>>
        %dma_start3A_190 = arith.constant 0 : i32
        %dma_start3A_191 = tpu.memref_slice %arg7[%dma_start3A_190] : memref<4800xi32, #tpu.memory_space<vmem>> -> memref<480xi32, #tpu.memory_space<vmem>>
        %dma_start3A_192 = tpu.memref_slice %arg3[%add3A_115] : memref<320000xi32, #tpu.memory_space<hbm>> -> memref<480xi32, #tpu.memory_space<hbm>>
        tpu.enqueue_dma source(%dma_start3A_192 : memref<480xi32, #tpu.memory_space<hbm>>) target(%dma_start3A_191 : memref<480xi32, #tpu.memory_space<vmem>>) target_semaphore(%run_scoped3A : memref<!tpu.dma_semaphore, #tpu.memory_space<semaphore_mem>>)
        %dma_wait3A_193 = arith.constant 0 : i32
        %dma_wait3A_194 = tpu.memref_slice %arg7[%dma_wait3A_193] : memref<4800xi32, #tpu.memory_space<vmem>> -> memref<480xi32, #tpu.memory_space<vmem>>
        %dma_wait3A_195 = tpu.memref_slice %arg3[%add3A_115] : memref<320000xi32, #tpu.memory_space<hbm>> -> memref<480xi32, #tpu.memory_space<hbm>>
        %dma_wait3A_196 = arith.constant 0 : i32
        %dma_wait3A_197 = tpu.memref_slice %arg7[%dma_wait3A_196] : memref<4800xi32, #tpu.memory_space<vmem>> -> memref<480xi32, #tpu.memory_space<vmem>>
        %dma_wait3A_198 = tpu.memref_slice %arg3[%add3A_115] : memref<320000xi32, #tpu.memory_space<hbm>> -> memref<480xi32, #tpu.memory_space<hbm>>
        tpu.wait_dma2 semaphore(%run_scoped3A : memref<!tpu.dma_semaphore, #tpu.memory_space<semaphore_mem>>) src(%dma_wait3A_198 : memref<480xi32, #tpu.memory_space<hbm>>) dst(%dma_wait3A_197 : memref<480xi32, #tpu.memory_space<vmem>>)
        tpu.yield
      }) : () -> ()
      %add3A_116 = arith.constant 9600 : i32
      %add3A_117 = arith.addi %add3A_24, %add3A_116 : i32
      %dma_start3A_118 = arith.constant 0 : i32
      %dma_start3A_119 = tpu.memref_slice %arg7[%dma_start3A_118] : memref<4800xi32, #tpu.memory_space<vmem>> -> memref<160xi32, #tpu.memory_space<vmem>>
      %dma_start3A_120 = arith.constant 0 : i32
      %dma_start3A_121 = arith.constant 0 : i32
      %dma_start3A_122 = tpu.memref_slice %arg2[%dma_start3A_120, %dma_start3A_121] : memref<10000x128xf32, #tpu.memory_space<hbm>> -> memref<10000x128xf32, #tpu.memory_space<hbm>>
      tpu.enqueue_indirect_dma source(%dma_start3A_122 : memref<10000x128xf32, #tpu.memory_space<hbm>>) target(%arg10 : memref<160x128xf32, #tpu.memory_space<vmem>>) offsets(%dma_start3A_119 : memref<160xi32, #tpu.memory_space<vmem>>) semaphore(%arg13 : memref<!tpu.dma_semaphore, #tpu.memory_space<semaphore_mem>>)
      %add3A_123 = arith.constant 0 : i32
      %add3A_124 = arith.addi %add3A_117, %add3A_123 : i32
      %dma_start3A_125 = tpu.memref_slice %arg4[%add3A_124] : memref<320000xi32, #tpu.memory_space<hbm>> -> memref<160xi32, #tpu.memory_space<hbm>>
      %dma_start3A_126 = tpu.memref_slice %arg4[%add3A_124] : memref<320000xi32, #tpu.memory_space<hbm>> -> memref<160xi32, #tpu.memory_space<hbm>>
      tpu.enqueue_dma source(%dma_start3A_126 : memref<160xi32, #tpu.memory_space<hbm>>) target(%arg8 : memref<160xi32, #tpu.memory_space<vmem>>) target_semaphore(%arg13 : memref<!tpu.dma_semaphore, #tpu.memory_space<semaphore_mem>>)
      %scan3A_127 = arith.constant 0 : i32
      %scan3A_128 = arith.constant 0 : i32
      %mul3A_129 = arith.constant 2 : i32
      %mul3A_130 = arith.muli %mul3A_129, %scan3A_128 : i32
      %add3A_131 = arith.constant 1 : i32
      %add3A_132 = arith.addi %mul3A_130, %add3A_131 : i32
      %mul3A_133 = arith.constant 160 : i32
      %mul3A_134 = arith.muli %add3A_132, %mul3A_133 : i32
      %dma_start3A_135 = tpu.memref_slice %arg7[%mul3A_134] : memref<4800xi32, #tpu.memory_space<vmem>> -> memref<160xi32, #tpu.memory_space<vmem>>
      %dma_start3A_136 = arith.constant 0 : i32
      %dma_start3A_137 = arith.constant 0 : i32
      %dma_start3A_138 = tpu.memref_slice %arg2[%dma_start3A_136, %dma_start3A_137] : memref<10000x128xf32, #tpu.memory_space<hbm>> -> memref<10000x128xf32, #tpu.memory_space<hbm>>
      tpu.enqueue_indirect_dma source(%dma_start3A_138 : memref<10000x128xf32, #tpu.memory_space<hbm>>) target(%arg11 : memref<160x128xf32, #tpu.memory_space<vmem>>) offsets(%dma_start3A_135 : memref<160xi32, #tpu.memory_space<vmem>>) semaphore(%arg14 : memref<!tpu.dma_semaphore, #tpu.memory_space<semaphore_mem>>)
      %mul3A_139 = arith.constant 160 : i32
      %mul3A_140 = arith.muli %add3A_132, %mul3A_139 : i32
      %add3A_141 = arith.addi %add3A_117, %mul3A_140 : i32
      %dma_start3A_142 = tpu.memref_slice %arg4[%add3A_141] : memref<320000xi32, #tpu.memory_space<hbm>> -> memref<160xi32, #tpu.memory_space<hbm>>
      %dma_start3A_143 = tpu.memref_slice %arg4[%add3A_141] : memref<320000xi32, #tpu.memory_space<hbm>> -> memref<160xi32, #tpu.memory_space<hbm>>
      tpu.enqueue_dma source(%dma_start3A_143 : memref<160xi32, #tpu.memory_space<hbm>>) target(%arg9 : memref<160xi32, #tpu.memory_space<vmem>>) target_semaphore(%arg14 : memref<!tpu.dma_semaphore, #tpu.memory_space<semaphore_mem>>)
      %dma_wait3A_144 = arith.constant 0 : i32
      %dma_wait3A_145 = tpu.memref_slice %arg7[%dma_wait3A_144] : memref<4800xi32, #tpu.memory_space<vmem>> -> memref<160xi32, #tpu.memory_space<vmem>>
      %dma_wait3A_146 = arith.constant 0 : i32
      %dma_wait3A_147 = arith.constant 0 : i32
      %dma_wait3A_148 = tpu.memref_slice %arg2[%dma_wait3A_146, %dma_wait3A_147] : memref<10000x128xf32, #tpu.memory_space<hbm>> -> memref<10000x128xf32, #tpu.memory_space<hbm>>
      tpu.wait_indirect_dma semaphore(%arg13 : memref<!tpu.dma_semaphore, #tpu.memory_space<semaphore_mem>>) src(%dma_wait3A_148 : memref<10000x128xf32, #tpu.memory_space<hbm>>) dst(%arg10 : memref<160x128xf32, #tpu.memory_space<vmem>>)
      %dma_wait3A_149 = arith.constant 0 : i32
      %dma_wait3A_150 = tpu.memref_slice %arg4[%dma_wait3A_149] : memref<320000xi32, #tpu.memory_space<hbm>> -> memref<160xi32, #tpu.memory_space<hbm>>
      %dma_wait3A_151 = arith.constant 0 : i32
      %dma_wait3A_152 = tpu.memref_slice %arg4[%dma_wait3A_151] : memref<320000xi32, #tpu.memory_space<hbm>> -> memref<160xi32, #tpu.memory_space<hbm>>
      tpu.wait_dma2 semaphore(%arg13 : memref<!tpu.dma_semaphore, #tpu.memory_space<semaphore_mem>>) src(%dma_wait3A_152 : memref<160xi32, #tpu.memory_space<hbm>>) dst(%arg8 : memref<160xi32, #tpu.memory_space<vmem>>)
      "tpu.region"() ({
        %run_scoped3A = tpu.sem_alloc : memref<!tpu.dma_semaphore, #tpu.memory_space<semaphore_mem>>
        %dma_start3A_187 = arith.constant 0 : i32
        %dma_start3A_188 = arith.constant 0 : i32
        %dma_start3A_189 = tpu.memref_slice %arg12[%dma_start3A_187, %dma_start3A_188] : memref<10000x128xf32, #tpu.memory_space<vmem_shared>> -> memref<10000x128xf32, #tpu.memory_space<vmem_shared>>
        tpu.enqueue_indirect_dma source(%arg10 : memref<160x128xf32, #tpu.memory_space<vmem>>) target(%dma_start3A_189 : memref<10000x128xf32, #tpu.memory_space<vmem_shared>>) offsets(%arg8 : memref<160xi32, #tpu.memory_space<vmem>>) semaphore(%run_scoped3A : memref<!tpu.dma_semaphore, #tpu.memory_space<semaphore_mem>>) {add = true}
        %dma_wait3A_190 = arith.constant 0 : i32
        %dma_wait3A_191 = arith.constant 0 : i32
        %dma_wait3A_192 = tpu.memref_slice %arg12[%dma_wait3A_190, %dma_wait3A_191] : memref<10000x128xf32, #tpu.memory_space<vmem_shared>> -> memref<10000x128xf32, #tpu.memory_space<vmem_shared>>
        tpu.wait_indirect_dma semaphore(%run_scoped3A : memref<!tpu.dma_semaphore, #tpu.memory_space<semaphore_mem>>) src(%arg10 : memref<160x128xf32, #tpu.memory_space<vmem>>) dst(%dma_wait3A_192 : memref<10000x128xf32, #tpu.memory_space<vmem_shared>>)
        tpu.yield
      }) : () -> ()
      %mul3A_153 = arith.constant 2 : i32
      %mul3A_154 = arith.muli %mul3A_153, %scan3A_128 : i32
      %add3A_155 = arith.constant 2 : i32
      %add3A_156 = arith.addi %mul3A_154, %add3A_155 : i32
      %mul3A_157 = arith.constant 160 : i32
      %mul3A_158 = arith.muli %add3A_156, %mul3A_157 : i32
      %dma_start3A_159 = tpu.memref_slice %arg7[%mul3A_158] : memref<4800xi32, #tpu.memory_space<vmem>> -> memref<160xi32, #tpu.memory_space<vmem>>
      %dma_start3A_160 = arith.constant 0 : i32
      %dma_start3A_161 = arith.constant 0 : i32
      %dma_start3A_162 = tpu.memref_slice %arg2[%dma_start3A_160, %dma_start3A_161] : memref<10000x128xf32, #tpu.memory_space<hbm>> -> memref<10000x128xf32, #tpu.memory_space<hbm>>
      tpu.enqueue_indirect_dma source(%dma_start3A_162 : memref<10000x128xf32, #tpu.memory_space<hbm>>) target(%arg10 : memref<160x128xf32, #tpu.memory_space<vmem>>) offsets(%dma_start3A_159 : memref<160xi32, #tpu.memory_space<vmem>>) semaphore(%arg13 : memref<!tpu.dma_semaphore, #tpu.memory_space<semaphore_mem>>)
      %mul3A_163 = arith.constant 160 : i32
      %mul3A_164 = arith.muli %add3A_156, %mul3A_163 : i32
      %add3A_165 = arith.addi %add3A_117, %mul3A_164 : i32
      %dma_start3A_166 = tpu.memref_slice %arg4[%add3A_165] : memref<320000xi32, #tpu.memory_space<hbm>> -> memref<160xi32, #tpu.memory_space<hbm>>
      %dma_start3A_167 = tpu.memref_slice %arg4[%add3A_165] : memref<320000xi32, #tpu.memory_space<hbm>> -> memref<160xi32, #tpu.memory_space<hbm>>
      tpu.enqueue_dma source(%dma_start3A_167 : memref<160xi32, #tpu.memory_space<hbm>>) target(%arg8 : memref<160xi32, #tpu.memory_space<vmem>>) target_semaphore(%arg13 : memref<!tpu.dma_semaphore, #tpu.memory_space<semaphore_mem>>)
      %dma_wait3A_168 = arith.constant 0 : i32
      %dma_wait3A_169 = tpu.memref_slice %arg7[%dma_wait3A_168] : memref<4800xi32, #tpu.memory_space<vmem>> -> memref<160xi32, #tpu.memory_space<vmem>>
      %dma_wait3A_170 = arith.constant 0 : i32
      %dma_wait3A_171 = arith.constant 0 : i32
      %dma_wait3A_172 = tpu.memref_slice %arg2[%dma_wait3A_170, %dma_wait3A_171] : memref<10000x128xf32, #tpu.memory_space<hbm>> -> memref<10000x128xf32, #tpu.memory_space<hbm>>
      tpu.wait_indirect_dma semaphore(%arg14 : memref<!tpu.dma_semaphore, #tpu.memory_space<semaphore_mem>>) src(%dma_wait3A_172 : memref<10000x128xf32, #tpu.memory_space<hbm>>) dst(%arg11 : memref<160x128xf32, #tpu.memory_space<vmem>>)
      %dma_wait3A_173 = arith.constant 0 : i32
      %dma_wait3A_174 = tpu.memref_slice %arg4[%dma_wait3A_173] : memref<320000xi32, #tpu.memory_space<hbm>> -> memref<160xi32, #tpu.memory_space<hbm>>
      %dma_wait3A_175 = arith.constant 0 : i32
      %dma_wait3A_176 = tpu.memref_slice %arg4[%dma_wait3A_175] : memref<320000xi32, #tpu.memory_space<hbm>> -> memref<160xi32, #tpu.memory_space<hbm>>
      tpu.wait_dma2 semaphore(%arg14 : memref<!tpu.dma_semaphore, #tpu.memory_space<semaphore_mem>>) src(%dma_wait3A_176 : memref<160xi32, #tpu.memory_space<hbm>>) dst(%arg9 : memref<160xi32, #tpu.memory_space<vmem>>)
      "tpu.region"() ({
        %run_scoped3A = tpu.sem_alloc : memref<!tpu.dma_semaphore, #tpu.memory_space<semaphore_mem>>
        %dma_start3A_187 = arith.constant 0 : i32
        %dma_start3A_188 = arith.constant 0 : i32
        %dma_start3A_189 = tpu.memref_slice %arg12[%dma_start3A_187, %dma_start3A_188] : memref<10000x128xf32, #tpu.memory_space<vmem_shared>> -> memref<10000x128xf32, #tpu.memory_space<vmem_shared>>
        tpu.enqueue_indirect_dma source(%arg11 : memref<160x128xf32, #tpu.memory_space<vmem>>) target(%dma_start3A_189 : memref<10000x128xf32, #tpu.memory_space<vmem_shared>>) offsets(%arg9 : memref<160xi32, #tpu.memory_space<vmem>>) semaphore(%run_scoped3A : memref<!tpu.dma_semaphore, #tpu.memory_space<semaphore_mem>>) {add = true}
        %dma_wait3A_190 = arith.constant 0 : i32
        %dma_wait3A_191 = arith.constant 0 : i32
        %dma_wait3A_192 = tpu.memref_slice %arg12[%dma_wait3A_190, %dma_wait3A_191] : memref<10000x128xf32, #tpu.memory_space<vmem_shared>> -> memref<10000x128xf32, #tpu.memory_space<vmem_shared>>
        tpu.wait_indirect_dma semaphore(%run_scoped3A : memref<!tpu.dma_semaphore, #tpu.memory_space<semaphore_mem>>) src(%arg11 : memref<160x128xf32, #tpu.memory_space<vmem>>) dst(%dma_wait3A_192 : memref<10000x128xf32, #tpu.memory_space<vmem_shared>>)
        tpu.yield
      }) : () -> ()
      %scan3A_177 = arith.constant 1 : i32
      %dma_wait3A_178 = arith.constant 0 : i32
      %dma_wait3A_179 = tpu.memref_slice %arg7[%dma_wait3A_178] : memref<4800xi32, #tpu.memory_space<vmem>> -> memref<160xi32, #tpu.memory_space<vmem>>
      %dma_wait3A_180 = arith.constant 0 : i32
      %dma_wait3A_181 = arith.constant 0 : i32
      %dma_wait3A_182 = tpu.memref_slice %arg2[%dma_wait3A_180, %dma_wait3A_181] : memref<10000x128xf32, #tpu.memory_space<hbm>> -> memref<10000x128xf32, #tpu.memory_space<hbm>>
      tpu.wait_indirect_dma semaphore(%arg13 : memref<!tpu.dma_semaphore, #tpu.memory_space<semaphore_mem>>) src(%dma_wait3A_182 : memref<10000x128xf32, #tpu.memory_space<hbm>>) dst(%arg10 : memref<160x128xf32, #tpu.memory_space<vmem>>)
      %dma_wait3A_183 = arith.constant 0 : i32
      %dma_wait3A_184 = tpu.memref_slice %arg4[%dma_wait3A_183] : memref<320000xi32, #tpu.memory_space<hbm>> -> memref<160xi32, #tpu.memory_space<hbm>>
      %dma_wait3A_185 = arith.constant 0 : i32
      %dma_wait3A_186 = tpu.memref_slice %arg4[%dma_wait3A_185] : memref<320000xi32, #tpu.memory_space<hbm>> -> memref<160xi32, #tpu.memory_space<hbm>>
      tpu.wait_dma2 semaphore(%arg13 : memref<!tpu.dma_semaphore, #tpu.memory_space<semaphore_mem>>) src(%dma_wait3A_186 : memref<160xi32, #tpu.memory_space<hbm>>) dst(%arg8 : memref<160xi32, #tpu.memory_space<vmem>>)
      "tpu.region"() ({
        %run_scoped3A = tpu.sem_alloc : memref<!tpu.dma_semaphore, #tpu.memory_space<semaphore_mem>>
        %dma_start3A_187 = arith.constant 0 : i32
        %dma_start3A_188 = arith.constant 0 : i32
        %dma_start3A_189 = tpu.memref_slice %arg12[%dma_start3A_187, %dma_start3A_188] : memref<10000x128xf32, #tpu.memory_space<vmem_shared>> -> memref<10000x128xf32, #tpu.memory_space<vmem_shared>>
        tpu.enqueue_indirect_dma source(%arg10 : memref<160x128xf32, #tpu.memory_space<vmem>>) target(%dma_start3A_189 : memref<10000x128xf32, #tpu.memory_space<vmem_shared>>) offsets(%arg8 : memref<160xi32, #tpu.memory_space<vmem>>) semaphore(%run_scoped3A : memref<!tpu.dma_semaphore, #tpu.memory_space<semaphore_mem>>) {add = true}
        %dma_wait3A_190 = arith.constant 0 : i32
        %dma_wait3A_191 = arith.constant 0 : i32
        %dma_wait3A_192 = tpu.memref_slice %arg12[%dma_wait3A_190, %dma_wait3A_191] : memref<10000x128xf32, #tpu.memory_space<vmem_shared>> -> memref<10000x128xf32, #tpu.memory_space<vmem_shared>>
        tpu.wait_indirect_dma semaphore(%run_scoped3A : memref<!tpu.dma_semaphore, #tpu.memory_space<semaphore_mem>>) src(%arg10 : memref<160x128xf32, #tpu.memory_space<vmem>>) dst(%dma_wait3A_192 : memref<10000x128xf32, #tpu.memory_space<vmem_shared>>)
        tpu.yield
      }) : () -> ()
    } else {
    }
    %barrier3A_13 = arith.constant 0 : index
    tpu.barrier barrier_id(%barrier3A_13)
    %mul3A_14 = arith.constant 10000 : i32
    %mul3A_15 = arith.muli %arg0, %mul3A_14 : i32
    %add3A = arith.addi %mul3A_15, %mul3A_0 : i32
    "tpu.region"() ({
      %run_scoped3A = tpu.sem_alloc : memref<!tpu.dma_semaphore, #tpu.memory_space<semaphore_mem>>
      %dma_start3A = arith.constant 0 : i32
      %dma_start3A_21 = tpu.memref_slice %arg6[%add3A, %dma_start3A] : memref<20000x128xf32, #tpu.memory_space<hbm>> -> memref<624x128xf32, #tpu.memory_space<hbm>>
      %dma_start3A_22 = arith.constant 0 : i32
      %dma_start3A_23 = tpu.memref_slice %arg12[%mul3A_0, %dma_start3A_22] : memref<10000x128xf32, #tpu.memory_space<vmem_shared>> -> memref<624x128xf32, #tpu.memory_space<vmem_shared>>
      tpu.enqueue_dma source(%dma_start3A_23 : memref<624x128xf32, #tpu.memory_space<vmem_shared>>) target(%dma_start3A_21 : memref<624x128xf32, #tpu.memory_space<hbm>>) target_semaphore(%run_scoped3A : memref<!tpu.dma_semaphore, #tpu.memory_space<semaphore_mem>>)
      %dma_wait3A = arith.constant 0 : i32
      %dma_wait3A_24 = tpu.memref_slice %arg6[%add3A, %dma_wait3A] : memref<20000x128xf32, #tpu.memory_space<hbm>> -> memref<624x128xf32, #tpu.memory_space<hbm>>
      %dma_wait3A_25 = arith.constant 0 : i32
      %dma_wait3A_26 = tpu.memref_slice %arg12[%mul3A_0, %dma_wait3A_25] : memref<10000x128xf32, #tpu.memory_space<vmem_shared>> -> memref<624x128xf32, #tpu.memory_space<vmem_shared>>
      tpu.wait_dma2 semaphore(%run_scoped3A : memref<!tpu.dma_semaphore, #tpu.memory_space<semaphore_mem>>) src(%dma_wait3A_26 : memref<624x128xf32, #tpu.memory_space<vmem_shared>>) dst(%dma_wait3A_24 : memref<624x128xf32, #tpu.memory_space<hbm>>)
      tpu.yield
    }) : () -> ()
    %eq3A_16 = arith.constant 15 : i32
    %eq3A_17 = arith.cmpi eq, %arg1, %eq3A_16 : i32
    %convert_element_type3A_18 = arith.extui %eq3A_17 : i1 to i32
    %cond3A_19 = arith.constant 0 : i32
    %cond3A_20 = arith.cmpi ne, %convert_element_type3A_18, %cond3A_19 : i32
    scf.if %cond3A_20 {
      %add3A_21 = arith.constant 9984 : i32
      %add3A_22 = arith.addi %mul3A_15, %add3A_21 : i32
      "tpu.region"() ({
        %run_scoped3A = tpu.sem_alloc : memref<!tpu.dma_semaphore, #tpu.memory_space<semaphore_mem>>
        %dma_start3A = arith.constant 0 : i32
        %dma_start3A_23 = tpu.memref_slice %arg6[%add3A_22, %dma_start3A] : memref<20000x128xf32, #tpu.memory_space<hbm>> -> memref<16x128xf32, #tpu.memory_space<hbm>>
        %dma_start3A_24 = arith.constant 9984 : i32
        %dma_start3A_25 = arith.constant 0 : i32
        %dma_start3A_26 = tpu.memref_slice %arg12[%dma_start3A_24, %dma_start3A_25] : memref<10000x128xf32, #tpu.memory_space<vmem_shared>> -> memref<16x128xf32, #tpu.memory_space<vmem_shared>>
        tpu.enqueue_dma source(%dma_start3A_26 : memref<16x128xf32, #tpu.memory_space<vmem_shared>>) target(%dma_start3A_23 : memref<16x128xf32, #tpu.memory_space<hbm>>) target_semaphore(%run_scoped3A : memref<!tpu.dma_semaphore, #tpu.memory_space<semaphore_mem>>)
        %dma_wait3A = arith.constant 0 : i32
        %dma_wait3A_27 = tpu.memref_slice %arg6[%add3A_22, %dma_wait3A] : memref<20000x128xf32, #tpu.memory_space<hbm>> -> memref<16x128xf32, #tpu.memory_space<hbm>>
        %dma_wait3A_28 = arith.constant 9984 : i32
        %dma_wait3A_29 = arith.constant 0 : i32
        %dma_wait3A_30 = tpu.memref_slice %arg12[%dma_wait3A_28, %dma_wait3A_29] : memref<10000x128xf32, #tpu.memory_space<vmem_shared>> -> memref<16x128xf32, #tpu.memory_space<vmem_shared>>
        tpu.wait_dma2 semaphore(%run_scoped3A : memref<!tpu.dma_semaphore, #tpu.memory_space<semaphore_mem>>) src(%dma_wait3A_30 : memref<16x128xf32, #tpu.memory_space<vmem_shared>>) dst(%dma_wait3A_27 : memref<16x128xf32, #tpu.memory_space<hbm>>)
        tpu.yield
      }) : () -> ()
    } else {
    }
    return
  }
}

#map = affine_map<(d0, d1) -> (0, 0)>
#map1 = affine_map<(d0, d1) -> (0)>
module attributes {stable_mosaic.version = 14 : i64} {
  func.func @_agg2(%arg0: i32, %arg1: i32, %arg2: memref<10000x128xf32, #tpu.memory_space<hbm>>, %arg3: memref<10000x128xf32, #tpu.memory_space<hbm>>, %arg4: memref<320000xi32, #tpu.memory_space<hbm>>, %arg5: memref<320000xi32, #tpu.memory_space<hbm>>, %arg6: memref<624x128xf32, #tpu.memory_space<hbm>>, %arg7: memref<10000x128xf32, #tpu.memory_space<hbm>>, %arg8: memref<10000x128xf32, #tpu.memory_space<hbm>>, %arg9: memref<8000xi32, #tpu.memory_space<vmem>>, %arg10: memref<160xi32, #tpu.memory_space<vmem>>, %arg11: memref<160xi32, #tpu.memory_space<vmem>>, %arg12: memref<160x128xf32, #tpu.memory_space<vmem>>, %arg13: memref<160x128xf32, #tpu.memory_space<vmem>>, %arg14: memref<10000x128xf32, #tpu.memory_space<vmem_shared>>, %arg15: memref<!tpu.dma_semaphore, #tpu.memory_space<semaphore_mem>>, %arg16: memref<!tpu.dma_semaphore, #tpu.memory_space<semaphore_mem>>) attributes {dimension_semantics = [#tpu.dimension_semantics<core_parallel>, #tpu.dimension_semantics<subcore_parallel>], iteration_bounds = array<i64: 2, 16>, scalar_prefetch = 0 : i64, scratch_operands = 8 : i64, tpu.core_type = #tpu.core_type<sc_vector_subcore>, window_params = [{transform_indices = #map}, {transform_indices = #map}, {transform_indices = #map1}, {transform_indices = #map1}, {transform_indices = #map}, {transform_indices = #map}, {transform_indices = #map}]} {
    %mul3A = arith.constant 20000 : i32
    %mul3A_0 = arith.muli %arg1, %mul3A : i32
    %mul3A_1 = arith.constant 624 : i32
    %mul3A_2 = arith.muli %arg1, %mul3A_1 : i32
    "tpu.region"() ({
      %run_scoped3A = tpu.sem_alloc : memref<!tpu.dma_semaphore, #tpu.memory_space<semaphore_mem>>
      %dma_start3A = arith.constant 0 : i32
      %dma_start3A_26 = tpu.memref_slice %arg14[%mul3A_2, %dma_start3A] : memref<10000x128xf32, #tpu.memory_space<vmem_shared>> -> memref<624x128xf32, #tpu.memory_space<vmem_shared>>
      tpu.enqueue_dma source(%arg6 : memref<624x128xf32, #tpu.memory_space<hbm>>) target(%dma_start3A_26 : memref<624x128xf32, #tpu.memory_space<vmem_shared>>) target_semaphore(%run_scoped3A : memref<!tpu.dma_semaphore, #tpu.memory_space<semaphore_mem>>)
      %dma_wait3A = arith.constant 0 : i32
      %dma_wait3A_27 = tpu.memref_slice %arg14[%mul3A_2, %dma_wait3A] : memref<10000x128xf32, #tpu.memory_space<vmem_shared>> -> memref<624x128xf32, #tpu.memory_space<vmem_shared>>
      tpu.wait_dma2 semaphore(%run_scoped3A : memref<!tpu.dma_semaphore, #tpu.memory_space<semaphore_mem>>) src(%arg6 : memref<624x128xf32, #tpu.memory_space<hbm>>) dst(%dma_wait3A_27 : memref<624x128xf32, #tpu.memory_space<vmem_shared>>)
      tpu.yield
    }) : () -> ()
    %eq3A = arith.constant 15 : i32
    %eq3A_3 = arith.cmpi eq, %arg1, %eq3A : i32
    %convert_element_type3A = arith.extui %eq3A_3 : i1 to i32
    %cond3A = arith.constant 0 : i32
    %cond3A_4 = arith.cmpi ne, %convert_element_type3A, %cond3A : i32
    scf.if %cond3A_4 {
      "tpu.region"() ({
        %run_scoped3A = tpu.sem_alloc : memref<!tpu.dma_semaphore, #tpu.memory_space<semaphore_mem>>
        %dma_start3A = arith.constant 9984 : i32
        %dma_start3A_26 = arith.constant 0 : i32
        %dma_start3A_27 = tpu.memref_slice %arg14[%dma_start3A, %dma_start3A_26] : memref<10000x128xf32, #tpu.memory_space<vmem_shared>> -> memref<16x128xf32, #tpu.memory_space<vmem_shared>>
        %dma_start3A_28 = arith.constant 0 : i32
        %dma_start3A_29 = arith.constant 0 : i32
        %dma_start3A_30 = tpu.memref_slice %arg6[%dma_start3A_28, %dma_start3A_29] : memref<624x128xf32, #tpu.memory_space<hbm>> -> memref<16x128xf32, #tpu.memory_space<hbm>>
        tpu.enqueue_dma source(%dma_start3A_30 : memref<16x128xf32, #tpu.memory_space<hbm>>) target(%dma_start3A_27 : memref<16x128xf32, #tpu.memory_space<vmem_shared>>) target_semaphore(%run_scoped3A : memref<!tpu.dma_semaphore, #tpu.memory_space<semaphore_mem>>)
        %dma_wait3A = arith.constant 9984 : i32
        %dma_wait3A_31 = arith.constant 0 : i32
        %dma_wait3A_32 = tpu.memref_slice %arg14[%dma_wait3A, %dma_wait3A_31] : memref<10000x128xf32, #tpu.memory_space<vmem_shared>> -> memref<16x128xf32, #tpu.memory_space<vmem_shared>>
        %dma_wait3A_33 = arith.constant 0 : i32
        %dma_wait3A_34 = arith.constant 0 : i32
        %dma_wait3A_35 = tpu.memref_slice %arg6[%dma_wait3A_33, %dma_wait3A_34] : memref<624x128xf32, #tpu.memory_space<hbm>> -> memref<16x128xf32, #tpu.memory_space<hbm>>
        tpu.wait_dma2 semaphore(%run_scoped3A : memref<!tpu.dma_semaphore, #tpu.memory_space<semaphore_mem>>) src(%dma_wait3A_35 : memref<16x128xf32, #tpu.memory_space<hbm>>) dst(%dma_wait3A_32 : memref<16x128xf32, #tpu.memory_space<vmem_shared>>)
        tpu.yield
      }) : () -> ()
    } else {
    }
    %barrier3A = arith.constant 0 : index
    tpu.barrier barrier_id(%barrier3A)
    %eq3A_5 = arith.constant 0 : i32
    %eq3A_6 = arith.cmpi eq, %arg0, %eq3A_5 : i32
    %convert_element_type3A_7 = arith.extui %eq3A_6 : i1 to i32
    %cond3A_8 = arith.constant 0 : i32
    %cond3A_9 = arith.cmpi ne, %convert_element_type3A_7, %cond3A_8 : i32
    scf.if %cond3A_9 {
      %add3A = arith.constant 0 : i32
      %add3A_26 = arith.addi %mul3A_0, %add3A : i32
      "tpu.region"() ({
        %run_scoped3A = tpu.sem_alloc : memref<!tpu.dma_semaphore, #tpu.memory_space<semaphore_mem>>
        %dma_start3A_142 = arith.constant 0 : i32
        %dma_start3A_143 = tpu.memref_slice %arg9[%dma_start3A_142] : memref<8000xi32, #tpu.memory_space<vmem>> -> memref<8000xi32, #tpu.memory_space<vmem>>
        %dma_start3A_144 = tpu.memref_slice %arg4[%add3A_26] : memref<320000xi32, #tpu.memory_space<hbm>> -> memref<8000xi32, #tpu.memory_space<hbm>>
        %dma_start3A_145 = arith.constant 0 : i32
        %dma_start3A_146 = tpu.memref_slice %arg9[%dma_start3A_145] : memref<8000xi32, #tpu.memory_space<vmem>> -> memref<8000xi32, #tpu.memory_space<vmem>>
        %dma_start3A_147 = tpu.memref_slice %arg4[%add3A_26] : memref<320000xi32, #tpu.memory_space<hbm>> -> memref<8000xi32, #tpu.memory_space<hbm>>
        tpu.enqueue_dma source(%dma_start3A_147 : memref<8000xi32, #tpu.memory_space<hbm>>) target(%dma_start3A_146 : memref<8000xi32, #tpu.memory_space<vmem>>) target_semaphore(%run_scoped3A : memref<!tpu.dma_semaphore, #tpu.memory_space<semaphore_mem>>)
        %dma_wait3A_148 = arith.constant 0 : i32
        %dma_wait3A_149 = tpu.memref_slice %arg9[%dma_wait3A_148] : memref<8000xi32, #tpu.memory_space<vmem>> -> memref<8000xi32, #tpu.memory_space<vmem>>
        %dma_wait3A_150 = tpu.memref_slice %arg4[%add3A_26] : memref<320000xi32, #tpu.memory_space<hbm>> -> memref<8000xi32, #tpu.memory_space<hbm>>
        %dma_wait3A_151 = arith.constant 0 : i32
        %dma_wait3A_152 = tpu.memref_slice %arg9[%dma_wait3A_151] : memref<8000xi32, #tpu.memory_space<vmem>> -> memref<8000xi32, #tpu.memory_space<vmem>>
        %dma_wait3A_153 = tpu.memref_slice %arg4[%add3A_26] : memref<320000xi32, #tpu.memory_space<hbm>> -> memref<8000xi32, #tpu.memory_space<hbm>>
        tpu.wait_dma2 semaphore(%run_scoped3A : memref<!tpu.dma_semaphore, #tpu.memory_space<semaphore_mem>>) src(%dma_wait3A_153 : memref<8000xi32, #tpu.memory_space<hbm>>) dst(%dma_wait3A_152 : memref<8000xi32, #tpu.memory_space<vmem>>)
        tpu.yield
      }) : () -> ()
      %add3A_27 = arith.constant 0 : i32
      %add3A_28 = arith.addi %mul3A_0, %add3A_27 : i32
      %dma_start3A = arith.constant 0 : i32
      %dma_start3A_29 = tpu.memref_slice %arg9[%dma_start3A] : memref<8000xi32, #tpu.memory_space<vmem>> -> memref<160xi32, #tpu.memory_space<vmem>>
      %dma_start3A_30 = arith.constant 0 : i32
      %dma_start3A_31 = arith.constant 0 : i32
      %dma_start3A_32 = tpu.memref_slice %arg2[%dma_start3A_30, %dma_start3A_31] : memref<10000x128xf32, #tpu.memory_space<hbm>> -> memref<10000x128xf32, #tpu.memory_space<hbm>>
      tpu.enqueue_indirect_dma source(%dma_start3A_32 : memref<10000x128xf32, #tpu.memory_space<hbm>>) target(%arg12 : memref<160x128xf32, #tpu.memory_space<vmem>>) offsets(%dma_start3A_29 : memref<160xi32, #tpu.memory_space<vmem>>) semaphore(%arg15 : memref<!tpu.dma_semaphore, #tpu.memory_space<semaphore_mem>>)
      %add3A_33 = arith.constant 0 : i32
      %add3A_34 = arith.addi %add3A_28, %add3A_33 : i32
      %dma_start3A_35 = tpu.memref_slice %arg5[%add3A_34] : memref<320000xi32, #tpu.memory_space<hbm>> -> memref<160xi32, #tpu.memory_space<hbm>>
      %dma_start3A_36 = tpu.memref_slice %arg5[%add3A_34] : memref<320000xi32, #tpu.memory_space<hbm>> -> memref<160xi32, #tpu.memory_space<hbm>>
      tpu.enqueue_dma source(%dma_start3A_36 : memref<160xi32, #tpu.memory_space<hbm>>) target(%arg10 : memref<160xi32, #tpu.memory_space<vmem>>) target_semaphore(%arg15 : memref<!tpu.dma_semaphore, #tpu.memory_space<semaphore_mem>>)
      %scan3A = arith.constant 0 : i32
      %scan3A_37 = arith.constant 0 : i32
      %scan3A_38 = arith.constant 24 : i32
      %scan3A_39 = arith.addi %scan3A_37, %scan3A_38 : i32
      %scan3A_40 = arith.constant 1 : i32
      scf.for %scan3A_142 = %scan3A_37 to %scan3A_39 step %scan3A_40  : i32 {
        %mul3A_143 = arith.constant 2 : i32
        %mul3A_144 = arith.muli %mul3A_143, %scan3A_142 : i32
        %add3A_145 = arith.constant 1 : i32
        %add3A_146 = arith.addi %mul3A_144, %add3A_145 : i32
        %mul3A_147 = arith.constant 160 : i32
        %mul3A_148 = arith.muli %add3A_146, %mul3A_147 : i32
        %dma_start3A_149 = tpu.memref_slice %arg9[%mul3A_148] : memref<8000xi32, #tpu.memory_space<vmem>> -> memref<160xi32, #tpu.memory_space<vmem>>
        %dma_start3A_150 = arith.constant 0 : i32
        %dma_start3A_151 = arith.constant 0 : i32
        %dma_start3A_152 = tpu.memref_slice %arg2[%dma_start3A_150, %dma_start3A_151] : memref<10000x128xf32, #tpu.memory_space<hbm>> -> memref<10000x128xf32, #tpu.memory_space<hbm>>
        tpu.enqueue_indirect_dma source(%dma_start3A_152 : memref<10000x128xf32, #tpu.memory_space<hbm>>) target(%arg13 : memref<160x128xf32, #tpu.memory_space<vmem>>) offsets(%dma_start3A_149 : memref<160xi32, #tpu.memory_space<vmem>>) semaphore(%arg16 : memref<!tpu.dma_semaphore, #tpu.memory_space<semaphore_mem>>)
        %mul3A_153 = arith.constant 160 : i32
        %mul3A_154 = arith.muli %add3A_146, %mul3A_153 : i32
        %add3A_155 = arith.addi %add3A_28, %mul3A_154 : i32
        %dma_start3A_156 = tpu.memref_slice %arg5[%add3A_155] : memref<320000xi32, #tpu.memory_space<hbm>> -> memref<160xi32, #tpu.memory_space<hbm>>
        %dma_start3A_157 = tpu.memref_slice %arg5[%add3A_155] : memref<320000xi32, #tpu.memory_space<hbm>> -> memref<160xi32, #tpu.memory_space<hbm>>
        tpu.enqueue_dma source(%dma_start3A_157 : memref<160xi32, #tpu.memory_space<hbm>>) target(%arg11 : memref<160xi32, #tpu.memory_space<vmem>>) target_semaphore(%arg16 : memref<!tpu.dma_semaphore, #tpu.memory_space<semaphore_mem>>)
        %dma_wait3A_158 = arith.constant 0 : i32
        %dma_wait3A_159 = tpu.memref_slice %arg9[%dma_wait3A_158] : memref<8000xi32, #tpu.memory_space<vmem>> -> memref<160xi32, #tpu.memory_space<vmem>>
        %dma_wait3A_160 = arith.constant 0 : i32
        %dma_wait3A_161 = arith.constant 0 : i32
        %dma_wait3A_162 = tpu.memref_slice %arg2[%dma_wait3A_160, %dma_wait3A_161] : memref<10000x128xf32, #tpu.memory_space<hbm>> -> memref<10000x128xf32, #tpu.memory_space<hbm>>
        tpu.wait_indirect_dma semaphore(%arg15 : memref<!tpu.dma_semaphore, #tpu.memory_space<semaphore_mem>>) src(%dma_wait3A_162 : memref<10000x128xf32, #tpu.memory_space<hbm>>) dst(%arg12 : memref<160x128xf32, #tpu.memory_space<vmem>>)
        %dma_wait3A_163 = arith.constant 0 : i32
        %dma_wait3A_164 = tpu.memref_slice %arg5[%dma_wait3A_163] : memref<320000xi32, #tpu.memory_space<hbm>> -> memref<160xi32, #tpu.memory_space<hbm>>
        %dma_wait3A_165 = arith.constant 0 : i32
        %dma_wait3A_166 = tpu.memref_slice %arg5[%dma_wait3A_165] : memref<320000xi32, #tpu.memory_space<hbm>> -> memref<160xi32, #tpu.memory_space<hbm>>
        tpu.wait_dma2 semaphore(%arg15 : memref<!tpu.dma_semaphore, #tpu.memory_space<semaphore_mem>>) src(%dma_wait3A_166 : memref<160xi32, #tpu.memory_space<hbm>>) dst(%arg10 : memref<160xi32, #tpu.memory_space<vmem>>)
        "tpu.region"() ({
          %run_scoped3A = tpu.sem_alloc : memref<!tpu.dma_semaphore, #tpu.memory_space<semaphore_mem>>
          %dma_start3A_191 = arith.constant 0 : i32
          %dma_start3A_192 = arith.constant 0 : i32
          %dma_start3A_193 = tpu.memref_slice %arg14[%dma_start3A_191, %dma_start3A_192] : memref<10000x128xf32, #tpu.memory_space<vmem_shared>> -> memref<10000x128xf32, #tpu.memory_space<vmem_shared>>
          tpu.enqueue_indirect_dma source(%arg12 : memref<160x128xf32, #tpu.memory_space<vmem>>) target(%dma_start3A_193 : memref<10000x128xf32, #tpu.memory_space<vmem_shared>>) offsets(%arg10 : memref<160xi32, #tpu.memory_space<vmem>>) semaphore(%run_scoped3A : memref<!tpu.dma_semaphore, #tpu.memory_space<semaphore_mem>>) {add = true}
          %dma_wait3A_194 = arith.constant 0 : i32
          %dma_wait3A_195 = arith.constant 0 : i32
          %dma_wait3A_196 = tpu.memref_slice %arg14[%dma_wait3A_194, %dma_wait3A_195] : memref<10000x128xf32, #tpu.memory_space<vmem_shared>> -> memref<10000x128xf32, #tpu.memory_space<vmem_shared>>
          tpu.wait_indirect_dma semaphore(%run_scoped3A : memref<!tpu.dma_semaphore, #tpu.memory_space<semaphore_mem>>) src(%arg12 : memref<160x128xf32, #tpu.memory_space<vmem>>) dst(%dma_wait3A_196 : memref<10000x128xf32, #tpu.memory_space<vmem_shared>>)
          tpu.yield
        }) : () -> ()
        %mul3A_167 = arith.constant 2 : i32
        %mul3A_168 = arith.muli %mul3A_167, %scan3A_142 : i32
        %add3A_169 = arith.constant 2 : i32
        %add3A_170 = arith.addi %mul3A_168, %add3A_169 : i32
        %mul3A_171 = arith.constant 160 : i32
        %mul3A_172 = arith.muli %add3A_170, %mul3A_171 : i32
        %dma_start3A_173 = tpu.memref_slice %arg9[%mul3A_172] : memref<8000xi32, #tpu.memory_space<vmem>> -> memref<160xi32, #tpu.memory_space<vmem>>
        %dma_start3A_174 = arith.constant 0 : i32
        %dma_start3A_175 = arith.constant 0 : i32
        %dma_start3A_176 = tpu.memref_slice %arg2[%dma_start3A_174, %dma_start3A_175] : memref<10000x128xf32, #tpu.memory_space<hbm>> -> memref<10000x128xf32, #tpu.memory_space<hbm>>
        tpu.enqueue_indirect_dma source(%dma_start3A_176 : memref<10000x128xf32, #tpu.memory_space<hbm>>) target(%arg12 : memref<160x128xf32, #tpu.memory_space<vmem>>) offsets(%dma_start3A_173 : memref<160xi32, #tpu.memory_space<vmem>>) semaphore(%arg15 : memref<!tpu.dma_semaphore, #tpu.memory_space<semaphore_mem>>)
        %mul3A_177 = arith.constant 160 : i32
        %mul3A_178 = arith.muli %add3A_170, %mul3A_177 : i32
        %add3A_179 = arith.addi %add3A_28, %mul3A_178 : i32
        %dma_start3A_180 = tpu.memref_slice %arg5[%add3A_179] : memref<320000xi32, #tpu.memory_space<hbm>> -> memref<160xi32, #tpu.memory_space<hbm>>
        %dma_start3A_181 = tpu.memref_slice %arg5[%add3A_179] : memref<320000xi32, #tpu.memory_space<hbm>> -> memref<160xi32, #tpu.memory_space<hbm>>
        tpu.enqueue_dma source(%dma_start3A_181 : memref<160xi32, #tpu.memory_space<hbm>>) target(%arg10 : memref<160xi32, #tpu.memory_space<vmem>>) target_semaphore(%arg15 : memref<!tpu.dma_semaphore, #tpu.memory_space<semaphore_mem>>)
        %dma_wait3A_182 = arith.constant 0 : i32
        %dma_wait3A_183 = tpu.memref_slice %arg9[%dma_wait3A_182] : memref<8000xi32, #tpu.memory_space<vmem>> -> memref<160xi32, #tpu.memory_space<vmem>>
        %dma_wait3A_184 = arith.constant 0 : i32
        %dma_wait3A_185 = arith.constant 0 : i32
        %dma_wait3A_186 = tpu.memref_slice %arg2[%dma_wait3A_184, %dma_wait3A_185] : memref<10000x128xf32, #tpu.memory_space<hbm>> -> memref<10000x128xf32, #tpu.memory_space<hbm>>
        tpu.wait_indirect_dma semaphore(%arg16 : memref<!tpu.dma_semaphore, #tpu.memory_space<semaphore_mem>>) src(%dma_wait3A_186 : memref<10000x128xf32, #tpu.memory_space<hbm>>) dst(%arg13 : memref<160x128xf32, #tpu.memory_space<vmem>>)
        %dma_wait3A_187 = arith.constant 0 : i32
        %dma_wait3A_188 = tpu.memref_slice %arg5[%dma_wait3A_187] : memref<320000xi32, #tpu.memory_space<hbm>> -> memref<160xi32, #tpu.memory_space<hbm>>
        %dma_wait3A_189 = arith.constant 0 : i32
        %dma_wait3A_190 = tpu.memref_slice %arg5[%dma_wait3A_189] : memref<320000xi32, #tpu.memory_space<hbm>> -> memref<160xi32, #tpu.memory_space<hbm>>
        tpu.wait_dma2 semaphore(%arg16 : memref<!tpu.dma_semaphore, #tpu.memory_space<semaphore_mem>>) src(%dma_wait3A_190 : memref<160xi32, #tpu.memory_space<hbm>>) dst(%arg11 : memref<160xi32, #tpu.memory_space<vmem>>)
        "tpu.region"() ({
          %run_scoped3A = tpu.sem_alloc : memref<!tpu.dma_semaphore, #tpu.memory_space<semaphore_mem>>
          %dma_start3A_191 = arith.constant 0 : i32
          %dma_start3A_192 = arith.constant 0 : i32
          %dma_start3A_193 = tpu.memref_slice %arg14[%dma_start3A_191, %dma_start3A_192] : memref<10000x128xf32, #tpu.memory_space<vmem_shared>> -> memref<10000x128xf32, #tpu.memory_space<vmem_shared>>
          tpu.enqueue_indirect_dma source(%arg13 : memref<160x128xf32, #tpu.memory_space<vmem>>) target(%dma_start3A_193 : memref<10000x128xf32, #tpu.memory_space<vmem_shared>>) offsets(%arg11 : memref<160xi32, #tpu.memory_space<vmem>>) semaphore(%run_scoped3A : memref<!tpu.dma_semaphore, #tpu.memory_space<semaphore_mem>>) {add = true}
          %dma_wait3A_194 = arith.constant 0 : i32
          %dma_wait3A_195 = arith.constant 0 : i32
          %dma_wait3A_196 = tpu.memref_slice %arg14[%dma_wait3A_194, %dma_wait3A_195] : memref<10000x128xf32, #tpu.memory_space<vmem_shared>> -> memref<10000x128xf32, #tpu.memory_space<vmem_shared>>
          tpu.wait_indirect_dma semaphore(%run_scoped3A : memref<!tpu.dma_semaphore, #tpu.memory_space<semaphore_mem>>) src(%arg13 : memref<160x128xf32, #tpu.memory_space<vmem>>) dst(%dma_wait3A_196 : memref<10000x128xf32, #tpu.memory_space<vmem_shared>>)
          tpu.yield
        }) : () -> ()
      }
      %scan3A_41 = arith.constant 24 : i32
      %dma_start3A_42 = arith.constant 7840 : i32
      %dma_start3A_43 = tpu.memref_slice %arg9[%dma_start3A_42] : memref<8000xi32, #tpu.memory_space<vmem>> -> memref<160xi32, #tpu.memory_space<vmem>>
      %dma_start3A_44 = arith.constant 0 : i32
      %dma_start3A_45 = arith.constant 0 : i32
      %dma_start3A_46 = tpu.memref_slice %arg2[%dma_start3A_44, %dma_start3A_45] : memref<10000x128xf32, #tpu.memory_space<hbm>> -> memref<10000x128xf32, #tpu.memory_space<hbm>>
      tpu.enqueue_indirect_dma source(%dma_start3A_46 : memref<10000x128xf32, #tpu.memory_space<hbm>>) target(%arg13 : memref<160x128xf32, #tpu.memory_space<vmem>>) offsets(%dma_start3A_43 : memref<160xi32, #tpu.memory_space<vmem>>) semaphore(%arg16 : memref<!tpu.dma_semaphore, #tpu.memory_space<semaphore_mem>>)
      %add3A_47 = arith.constant 7840 : i32
      %add3A_48 = arith.addi %add3A_28, %add3A_47 : i32
      %dma_start3A_49 = tpu.memref_slice %arg5[%add3A_48] : memref<320000xi32, #tpu.memory_space<hbm>> -> memref<160xi32, #tpu.memory_space<hbm>>
      %dma_start3A_50 = tpu.memref_slice %arg5[%add3A_48] : memref<320000xi32, #tpu.memory_space<hbm>> -> memref<160xi32, #tpu.memory_space<hbm>>
      tpu.enqueue_dma source(%dma_start3A_50 : memref<160xi32, #tpu.memory_space<hbm>>) target(%arg11 : memref<160xi32, #tpu.memory_space<vmem>>) target_semaphore(%arg16 : memref<!tpu.dma_semaphore, #tpu.memory_space<semaphore_mem>>)
      %dma_wait3A = arith.constant 0 : i32
      %dma_wait3A_51 = tpu.memref_slice %arg9[%dma_wait3A] : memref<8000xi32, #tpu.memory_space<vmem>> -> memref<160xi32, #tpu.memory_space<vmem>>
      %dma_wait3A_52 = arith.constant 0 : i32
      %dma_wait3A_53 = arith.constant 0 : i32
      %dma_wait3A_54 = tpu.memref_slice %arg2[%dma_wait3A_52, %dma_wait3A_53] : memref<10000x128xf32, #tpu.memory_space<hbm>> -> memref<10000x128xf32, #tpu.memory_space<hbm>>
      tpu.wait_indirect_dma semaphore(%arg15 : memref<!tpu.dma_semaphore, #tpu.memory_space<semaphore_mem>>) src(%dma_wait3A_54 : memref<10000x128xf32, #tpu.memory_space<hbm>>) dst(%arg12 : memref<160x128xf32, #tpu.memory_space<vmem>>)
      %dma_wait3A_55 = arith.constant 0 : i32
      %dma_wait3A_56 = tpu.memref_slice %arg5[%dma_wait3A_55] : memref<320000xi32, #tpu.memory_space<hbm>> -> memref<160xi32, #tpu.memory_space<hbm>>
      %dma_wait3A_57 = arith.constant 0 : i32
      %dma_wait3A_58 = tpu.memref_slice %arg5[%dma_wait3A_57] : memref<320000xi32, #tpu.memory_space<hbm>> -> memref<160xi32, #tpu.memory_space<hbm>>
      tpu.wait_dma2 semaphore(%arg15 : memref<!tpu.dma_semaphore, #tpu.memory_space<semaphore_mem>>) src(%dma_wait3A_58 : memref<160xi32, #tpu.memory_space<hbm>>) dst(%arg10 : memref<160xi32, #tpu.memory_space<vmem>>)
      "tpu.region"() ({
        %run_scoped3A = tpu.sem_alloc : memref<!tpu.dma_semaphore, #tpu.memory_space<semaphore_mem>>
        %dma_start3A_142 = arith.constant 0 : i32
        %dma_start3A_143 = arith.constant 0 : i32
        %dma_start3A_144 = tpu.memref_slice %arg14[%dma_start3A_142, %dma_start3A_143] : memref<10000x128xf32, #tpu.memory_space<vmem_shared>> -> memref<10000x128xf32, #tpu.memory_space<vmem_shared>>
        tpu.enqueue_indirect_dma source(%arg12 : memref<160x128xf32, #tpu.memory_space<vmem>>) target(%dma_start3A_144 : memref<10000x128xf32, #tpu.memory_space<vmem_shared>>) offsets(%arg10 : memref<160xi32, #tpu.memory_space<vmem>>) semaphore(%run_scoped3A : memref<!tpu.dma_semaphore, #tpu.memory_space<semaphore_mem>>) {add = true}
        %dma_wait3A_145 = arith.constant 0 : i32
        %dma_wait3A_146 = arith.constant 0 : i32
        %dma_wait3A_147 = tpu.memref_slice %arg14[%dma_wait3A_145, %dma_wait3A_146] : memref<10000x128xf32, #tpu.memory_space<vmem_shared>> -> memref<10000x128xf32, #tpu.memory_space<vmem_shared>>
        tpu.wait_indirect_dma semaphore(%run_scoped3A : memref<!tpu.dma_semaphore, #tpu.memory_space<semaphore_mem>>) src(%arg12 : memref<160x128xf32, #tpu.memory_space<vmem>>) dst(%dma_wait3A_147 : memref<10000x128xf32, #tpu.memory_space<vmem_shared>>)
        tpu.yield
      }) : () -> ()
      %dma_wait3A_59 = arith.constant 0 : i32
      %dma_wait3A_60 = tpu.memref_slice %arg9[%dma_wait3A_59] : memref<8000xi32, #tpu.memory_space<vmem>> -> memref<160xi32, #tpu.memory_space<vmem>>
      %dma_wait3A_61 = arith.constant 0 : i32
      %dma_wait3A_62 = arith.constant 0 : i32
      %dma_wait3A_63 = tpu.memref_slice %arg2[%dma_wait3A_61, %dma_wait3A_62] : memref<10000x128xf32, #tpu.memory_space<hbm>> -> memref<10000x128xf32, #tpu.memory_space<hbm>>
      tpu.wait_indirect_dma semaphore(%arg16 : memref<!tpu.dma_semaphore, #tpu.memory_space<semaphore_mem>>) src(%dma_wait3A_63 : memref<10000x128xf32, #tpu.memory_space<hbm>>) dst(%arg13 : memref<160x128xf32, #tpu.memory_space<vmem>>)
      %dma_wait3A_64 = arith.constant 0 : i32
      %dma_wait3A_65 = tpu.memref_slice %arg5[%dma_wait3A_64] : memref<320000xi32, #tpu.memory_space<hbm>> -> memref<160xi32, #tpu.memory_space<hbm>>
      %dma_wait3A_66 = arith.constant 0 : i32
      %dma_wait3A_67 = tpu.memref_slice %arg5[%dma_wait3A_66] : memref<320000xi32, #tpu.memory_space<hbm>> -> memref<160xi32, #tpu.memory_space<hbm>>
      tpu.wait_dma2 semaphore(%arg16 : memref<!tpu.dma_semaphore, #tpu.memory_space<semaphore_mem>>) src(%dma_wait3A_67 : memref<160xi32, #tpu.memory_space<hbm>>) dst(%arg11 : memref<160xi32, #tpu.memory_space<vmem>>)
      "tpu.region"() ({
        %run_scoped3A = tpu.sem_alloc : memref<!tpu.dma_semaphore, #tpu.memory_space<semaphore_mem>>
        %dma_start3A_142 = arith.constant 0 : i32
        %dma_start3A_143 = arith.constant 0 : i32
        %dma_start3A_144 = tpu.memref_slice %arg14[%dma_start3A_142, %dma_start3A_143] : memref<10000x128xf32, #tpu.memory_space<vmem_shared>> -> memref<10000x128xf32, #tpu.memory_space<vmem_shared>>
        tpu.enqueue_indirect_dma source(%arg13 : memref<160x128xf32, #tpu.memory_space<vmem>>) target(%dma_start3A_144 : memref<10000x128xf32, #tpu.memory_space<vmem_shared>>) offsets(%arg11 : memref<160xi32, #tpu.memory_space<vmem>>) semaphore(%run_scoped3A : memref<!tpu.dma_semaphore, #tpu.memory_space<semaphore_mem>>) {add = true}
        %dma_wait3A_145 = arith.constant 0 : i32
        %dma_wait3A_146 = arith.constant 0 : i32
        %dma_wait3A_147 = tpu.memref_slice %arg14[%dma_wait3A_145, %dma_wait3A_146] : memref<10000x128xf32, #tpu.memory_space<vmem_shared>> -> memref<10000x128xf32, #tpu.memory_space<vmem_shared>>
        tpu.wait_indirect_dma semaphore(%run_scoped3A : memref<!tpu.dma_semaphore, #tpu.memory_space<semaphore_mem>>) src(%arg13 : memref<160x128xf32, #tpu.memory_space<vmem>>) dst(%dma_wait3A_147 : memref<10000x128xf32, #tpu.memory_space<vmem_shared>>)
        tpu.yield
      }) : () -> ()
      %add3A_68 = arith.constant 8000 : i32
      %add3A_69 = arith.addi %mul3A_0, %add3A_68 : i32
      "tpu.region"() ({
        %run_scoped3A = tpu.sem_alloc : memref<!tpu.dma_semaphore, #tpu.memory_space<semaphore_mem>>
        %dma_start3A_142 = arith.constant 0 : i32
        %dma_start3A_143 = tpu.memref_slice %arg9[%dma_start3A_142] : memref<8000xi32, #tpu.memory_space<vmem>> -> memref<8000xi32, #tpu.memory_space<vmem>>
        %dma_start3A_144 = tpu.memref_slice %arg4[%add3A_69] : memref<320000xi32, #tpu.memory_space<hbm>> -> memref<8000xi32, #tpu.memory_space<hbm>>
        %dma_start3A_145 = arith.constant 0 : i32
        %dma_start3A_146 = tpu.memref_slice %arg9[%dma_start3A_145] : memref<8000xi32, #tpu.memory_space<vmem>> -> memref<8000xi32, #tpu.memory_space<vmem>>
        %dma_start3A_147 = tpu.memref_slice %arg4[%add3A_69] : memref<320000xi32, #tpu.memory_space<hbm>> -> memref<8000xi32, #tpu.memory_space<hbm>>
        tpu.enqueue_dma source(%dma_start3A_147 : memref<8000xi32, #tpu.memory_space<hbm>>) target(%dma_start3A_146 : memref<8000xi32, #tpu.memory_space<vmem>>) target_semaphore(%run_scoped3A : memref<!tpu.dma_semaphore, #tpu.memory_space<semaphore_mem>>)
        %dma_wait3A_148 = arith.constant 0 : i32
        %dma_wait3A_149 = tpu.memref_slice %arg9[%dma_wait3A_148] : memref<8000xi32, #tpu.memory_space<vmem>> -> memref<8000xi32, #tpu.memory_space<vmem>>
        %dma_wait3A_150 = tpu.memref_slice %arg4[%add3A_69] : memref<320000xi32, #tpu.memory_space<hbm>> -> memref<8000xi32, #tpu.memory_space<hbm>>
        %dma_wait3A_151 = arith.constant 0 : i32
        %dma_wait3A_152 = tpu.memref_slice %arg9[%dma_wait3A_151] : memref<8000xi32, #tpu.memory_space<vmem>> -> memref<8000xi32, #tpu.memory_space<vmem>>
        %dma_wait3A_153 = tpu.memref_slice %arg4[%add3A_69] : memref<320000xi32, #tpu.memory_space<hbm>> -> memref<8000xi32, #tpu.memory_space<hbm>>
        tpu.wait_dma2 semaphore(%run_scoped3A : memref<!tpu.dma_semaphore, #tpu.memory_space<semaphore_mem>>) src(%dma_wait3A_153 : memref<8000xi32, #tpu.memory_space<hbm>>) dst(%dma_wait3A_152 : memref<8000xi32, #tpu.memory_space<vmem>>)
        tpu.yield
      }) : () -> ()
      %add3A_70 = arith.constant 8000 : i32
      %add3A_71 = arith.addi %mul3A_0, %add3A_70 : i32
      %dma_start3A_72 = arith.constant 0 : i32
      %dma_start3A_73 = tpu.memref_slice %arg9[%dma_start3A_72] : memref<8000xi32, #tpu.memory_space<vmem>> -> memref<160xi32, #tpu.memory_space<vmem>>
      %dma_start3A_74 = arith.constant 0 : i32
      %dma_start3A_75 = arith.constant 0 : i32
      %dma_start3A_76 = tpu.memref_slice %arg2[%dma_start3A_74, %dma_start3A_75] : memref<10000x128xf32, #tpu.memory_space<hbm>> -> memref<10000x128xf32, #tpu.memory_space<hbm>>
      tpu.enqueue_indirect_dma source(%dma_start3A_76 : memref<10000x128xf32, #tpu.memory_space<hbm>>) target(%arg12 : memref<160x128xf32, #tpu.memory_space<vmem>>) offsets(%dma_start3A_73 : memref<160xi32, #tpu.memory_space<vmem>>) semaphore(%arg15 : memref<!tpu.dma_semaphore, #tpu.memory_space<semaphore_mem>>)
      %add3A_77 = arith.constant 0 : i32
      %add3A_78 = arith.addi %add3A_71, %add3A_77 : i32
      %dma_start3A_79 = tpu.memref_slice %arg5[%add3A_78] : memref<320000xi32, #tpu.memory_space<hbm>> -> memref<160xi32, #tpu.memory_space<hbm>>
      %dma_start3A_80 = tpu.memref_slice %arg5[%add3A_78] : memref<320000xi32, #tpu.memory_space<hbm>> -> memref<160xi32, #tpu.memory_space<hbm>>
      tpu.enqueue_dma source(%dma_start3A_80 : memref<160xi32, #tpu.memory_space<hbm>>) target(%arg10 : memref<160xi32, #tpu.memory_space<vmem>>) target_semaphore(%arg15 : memref<!tpu.dma_semaphore, #tpu.memory_space<semaphore_mem>>)
      %scan3A_81 = arith.constant 0 : i32
      %scan3A_82 = arith.constant 0 : i32
      %scan3A_83 = arith.constant 24 : i32
      %scan3A_84 = arith.addi %scan3A_82, %scan3A_83 : i32
      %scan3A_85 = arith.constant 1 : i32
      scf.for %scan3A_142 = %scan3A_82 to %scan3A_84 step %scan3A_85  : i32 {
        %mul3A_143 = arith.constant 2 : i32
        %mul3A_144 = arith.muli %mul3A_143, %scan3A_142 : i32
        %add3A_145 = arith.constant 1 : i32
        %add3A_146 = arith.addi %mul3A_144, %add3A_145 : i32
        %mul3A_147 = arith.constant 160 : i32
        %mul3A_148 = arith.muli %add3A_146, %mul3A_147 : i32
        %dma_start3A_149 = tpu.memref_slice %arg9[%mul3A_148] : memref<8000xi32, #tpu.memory_space<vmem>> -> memref<160xi32, #tpu.memory_space<vmem>>
        %dma_start3A_150 = arith.constant 0 : i32
        %dma_start3A_151 = arith.constant 0 : i32
        %dma_start3A_152 = tpu.memref_slice %arg2[%dma_start3A_150, %dma_start3A_151] : memref<10000x128xf32, #tpu.memory_space<hbm>> -> memref<10000x128xf32, #tpu.memory_space<hbm>>
        tpu.enqueue_indirect_dma source(%dma_start3A_152 : memref<10000x128xf32, #tpu.memory_space<hbm>>) target(%arg13 : memref<160x128xf32, #tpu.memory_space<vmem>>) offsets(%dma_start3A_149 : memref<160xi32, #tpu.memory_space<vmem>>) semaphore(%arg16 : memref<!tpu.dma_semaphore, #tpu.memory_space<semaphore_mem>>)
        %mul3A_153 = arith.constant 160 : i32
        %mul3A_154 = arith.muli %add3A_146, %mul3A_153 : i32
        %add3A_155 = arith.addi %add3A_71, %mul3A_154 : i32
        %dma_start3A_156 = tpu.memref_slice %arg5[%add3A_155] : memref<320000xi32, #tpu.memory_space<hbm>> -> memref<160xi32, #tpu.memory_space<hbm>>
        %dma_start3A_157 = tpu.memref_slice %arg5[%add3A_155] : memref<320000xi32, #tpu.memory_space<hbm>> -> memref<160xi32, #tpu.memory_space<hbm>>
        tpu.enqueue_dma source(%dma_start3A_157 : memref<160xi32, #tpu.memory_space<hbm>>) target(%arg11 : memref<160xi32, #tpu.memory_space<vmem>>) target_semaphore(%arg16 : memref<!tpu.dma_semaphore, #tpu.memory_space<semaphore_mem>>)
        %dma_wait3A_158 = arith.constant 0 : i32
        %dma_wait3A_159 = tpu.memref_slice %arg9[%dma_wait3A_158] : memref<8000xi32, #tpu.memory_space<vmem>> -> memref<160xi32, #tpu.memory_space<vmem>>
        %dma_wait3A_160 = arith.constant 0 : i32
        %dma_wait3A_161 = arith.constant 0 : i32
        %dma_wait3A_162 = tpu.memref_slice %arg2[%dma_wait3A_160, %dma_wait3A_161] : memref<10000x128xf32, #tpu.memory_space<hbm>> -> memref<10000x128xf32, #tpu.memory_space<hbm>>
        tpu.wait_indirect_dma semaphore(%arg15 : memref<!tpu.dma_semaphore, #tpu.memory_space<semaphore_mem>>) src(%dma_wait3A_162 : memref<10000x128xf32, #tpu.memory_space<hbm>>) dst(%arg12 : memref<160x128xf32, #tpu.memory_space<vmem>>)
        %dma_wait3A_163 = arith.constant 0 : i32
        %dma_wait3A_164 = tpu.memref_slice %arg5[%dma_wait3A_163] : memref<320000xi32, #tpu.memory_space<hbm>> -> memref<160xi32, #tpu.memory_space<hbm>>
        %dma_wait3A_165 = arith.constant 0 : i32
        %dma_wait3A_166 = tpu.memref_slice %arg5[%dma_wait3A_165] : memref<320000xi32, #tpu.memory_space<hbm>> -> memref<160xi32, #tpu.memory_space<hbm>>
        tpu.wait_dma2 semaphore(%arg15 : memref<!tpu.dma_semaphore, #tpu.memory_space<semaphore_mem>>) src(%dma_wait3A_166 : memref<160xi32, #tpu.memory_space<hbm>>) dst(%arg10 : memref<160xi32, #tpu.memory_space<vmem>>)
        "tpu.region"() ({
          %run_scoped3A = tpu.sem_alloc : memref<!tpu.dma_semaphore, #tpu.memory_space<semaphore_mem>>
          %dma_start3A_191 = arith.constant 0 : i32
          %dma_start3A_192 = arith.constant 0 : i32
          %dma_start3A_193 = tpu.memref_slice %arg14[%dma_start3A_191, %dma_start3A_192] : memref<10000x128xf32, #tpu.memory_space<vmem_shared>> -> memref<10000x128xf32, #tpu.memory_space<vmem_shared>>
          tpu.enqueue_indirect_dma source(%arg12 : memref<160x128xf32, #tpu.memory_space<vmem>>) target(%dma_start3A_193 : memref<10000x128xf32, #tpu.memory_space<vmem_shared>>) offsets(%arg10 : memref<160xi32, #tpu.memory_space<vmem>>) semaphore(%run_scoped3A : memref<!tpu.dma_semaphore, #tpu.memory_space<semaphore_mem>>) {add = true}
          %dma_wait3A_194 = arith.constant 0 : i32
          %dma_wait3A_195 = arith.constant 0 : i32
          %dma_wait3A_196 = tpu.memref_slice %arg14[%dma_wait3A_194, %dma_wait3A_195] : memref<10000x128xf32, #tpu.memory_space<vmem_shared>> -> memref<10000x128xf32, #tpu.memory_space<vmem_shared>>
          tpu.wait_indirect_dma semaphore(%run_scoped3A : memref<!tpu.dma_semaphore, #tpu.memory_space<semaphore_mem>>) src(%arg12 : memref<160x128xf32, #tpu.memory_space<vmem>>) dst(%dma_wait3A_196 : memref<10000x128xf32, #tpu.memory_space<vmem_shared>>)
          tpu.yield
        }) : () -> ()
        %mul3A_167 = arith.constant 2 : i32
        %mul3A_168 = arith.muli %mul3A_167, %scan3A_142 : i32
        %add3A_169 = arith.constant 2 : i32
        %add3A_170 = arith.addi %mul3A_168, %add3A_169 : i32
        %mul3A_171 = arith.constant 160 : i32
        %mul3A_172 = arith.muli %add3A_170, %mul3A_171 : i32
        %dma_start3A_173 = tpu.memref_slice %arg9[%mul3A_172] : memref<8000xi32, #tpu.memory_space<vmem>> -> memref<160xi32, #tpu.memory_space<vmem>>
        %dma_start3A_174 = arith.constant 0 : i32
        %dma_start3A_175 = arith.constant 0 : i32
        %dma_start3A_176 = tpu.memref_slice %arg2[%dma_start3A_174, %dma_start3A_175] : memref<10000x128xf32, #tpu.memory_space<hbm>> -> memref<10000x128xf32, #tpu.memory_space<hbm>>
        tpu.enqueue_indirect_dma source(%dma_start3A_176 : memref<10000x128xf32, #tpu.memory_space<hbm>>) target(%arg12 : memref<160x128xf32, #tpu.memory_space<vmem>>) offsets(%dma_start3A_173 : memref<160xi32, #tpu.memory_space<vmem>>) semaphore(%arg15 : memref<!tpu.dma_semaphore, #tpu.memory_space<semaphore_mem>>)
        %mul3A_177 = arith.constant 160 : i32
        %mul3A_178 = arith.muli %add3A_170, %mul3A_177 : i32
        %add3A_179 = arith.addi %add3A_71, %mul3A_178 : i32
        %dma_start3A_180 = tpu.memref_slice %arg5[%add3A_179] : memref<320000xi32, #tpu.memory_space<hbm>> -> memref<160xi32, #tpu.memory_space<hbm>>
        %dma_start3A_181 = tpu.memref_slice %arg5[%add3A_179] : memref<320000xi32, #tpu.memory_space<hbm>> -> memref<160xi32, #tpu.memory_space<hbm>>
        tpu.enqueue_dma source(%dma_start3A_181 : memref<160xi32, #tpu.memory_space<hbm>>) target(%arg10 : memref<160xi32, #tpu.memory_space<vmem>>) target_semaphore(%arg15 : memref<!tpu.dma_semaphore, #tpu.memory_space<semaphore_mem>>)
        %dma_wait3A_182 = arith.constant 0 : i32
        %dma_wait3A_183 = tpu.memref_slice %arg9[%dma_wait3A_182] : memref<8000xi32, #tpu.memory_space<vmem>> -> memref<160xi32, #tpu.memory_space<vmem>>
        %dma_wait3A_184 = arith.constant 0 : i32
        %dma_wait3A_185 = arith.constant 0 : i32
        %dma_wait3A_186 = tpu.memref_slice %arg2[%dma_wait3A_184, %dma_wait3A_185] : memref<10000x128xf32, #tpu.memory_space<hbm>> -> memref<10000x128xf32, #tpu.memory_space<hbm>>
        tpu.wait_indirect_dma semaphore(%arg16 : memref<!tpu.dma_semaphore, #tpu.memory_space<semaphore_mem>>) src(%dma_wait3A_186 : memref<10000x128xf32, #tpu.memory_space<hbm>>) dst(%arg13 : memref<160x128xf32, #tpu.memory_space<vmem>>)
        %dma_wait3A_187 = arith.constant 0 : i32
        %dma_wait3A_188 = tpu.memref_slice %arg5[%dma_wait3A_187] : memref<320000xi32, #tpu.memory_space<hbm>> -> memref<160xi32, #tpu.memory_space<hbm>>
        %dma_wait3A_189 = arith.constant 0 : i32
        %dma_wait3A_190 = tpu.memref_slice %arg5[%dma_wait3A_189] : memref<320000xi32, #tpu.memory_space<hbm>> -> memref<160xi32, #tpu.memory_space<hbm>>
        tpu.wait_dma2 semaphore(%arg16 : memref<!tpu.dma_semaphore, #tpu.memory_space<semaphore_mem>>) src(%dma_wait3A_190 : memref<160xi32, #tpu.memory_space<hbm>>) dst(%arg11 : memref<160xi32, #tpu.memory_space<vmem>>)
        "tpu.region"() ({
          %run_scoped3A = tpu.sem_alloc : memref<!tpu.dma_semaphore, #tpu.memory_space<semaphore_mem>>
          %dma_start3A_191 = arith.constant 0 : i32
          %dma_start3A_192 = arith.constant 0 : i32
          %dma_start3A_193 = tpu.memref_slice %arg14[%dma_start3A_191, %dma_start3A_192] : memref<10000x128xf32, #tpu.memory_space<vmem_shared>> -> memref<10000x128xf32, #tpu.memory_space<vmem_shared>>
          tpu.enqueue_indirect_dma source(%arg13 : memref<160x128xf32, #tpu.memory_space<vmem>>) target(%dma_start3A_193 : memref<10000x128xf32, #tpu.memory_space<vmem_shared>>) offsets(%arg11 : memref<160xi32, #tpu.memory_space<vmem>>) semaphore(%run_scoped3A : memref<!tpu.dma_semaphore, #tpu.memory_space<semaphore_mem>>) {add = true}
          %dma_wait3A_194 = arith.constant 0 : i32
          %dma_wait3A_195 = arith.constant 0 : i32
          %dma_wait3A_196 = tpu.memref_slice %arg14[%dma_wait3A_194, %dma_wait3A_195] : memref<10000x128xf32, #tpu.memory_space<vmem_shared>> -> memref<10000x128xf32, #tpu.memory_space<vmem_shared>>
          tpu.wait_indirect_dma semaphore(%run_scoped3A : memref<!tpu.dma_semaphore, #tpu.memory_space<semaphore_mem>>) src(%arg13 : memref<160x128xf32, #tpu.memory_space<vmem>>) dst(%dma_wait3A_196 : memref<10000x128xf32, #tpu.memory_space<vmem_shared>>)
          tpu.yield
        }) : () -> ()
      }
      %scan3A_86 = arith.constant 24 : i32
      %dma_start3A_87 = arith.constant 7840 : i32
      %dma_start3A_88 = tpu.memref_slice %arg9[%dma_start3A_87] : memref<8000xi32, #tpu.memory_space<vmem>> -> memref<160xi32, #tpu.memory_space<vmem>>
      %dma_start3A_89 = arith.constant 0 : i32
      %dma_start3A_90 = arith.constant 0 : i32
      %dma_start3A_91 = tpu.memref_slice %arg2[%dma_start3A_89, %dma_start3A_90] : memref<10000x128xf32, #tpu.memory_space<hbm>> -> memref<10000x128xf32, #tpu.memory_space<hbm>>
      tpu.enqueue_indirect_dma source(%dma_start3A_91 : memref<10000x128xf32, #tpu.memory_space<hbm>>) target(%arg13 : memref<160x128xf32, #tpu.memory_space<vmem>>) offsets(%dma_start3A_88 : memref<160xi32, #tpu.memory_space<vmem>>) semaphore(%arg16 : memref<!tpu.dma_semaphore, #tpu.memory_space<semaphore_mem>>)
      %add3A_92 = arith.constant 7840 : i32
      %add3A_93 = arith.addi %add3A_71, %add3A_92 : i32
      %dma_start3A_94 = tpu.memref_slice %arg5[%add3A_93] : memref<320000xi32, #tpu.memory_space<hbm>> -> memref<160xi32, #tpu.memory_space<hbm>>
      %dma_start3A_95 = tpu.memref_slice %arg5[%add3A_93] : memref<320000xi32, #tpu.memory_space<hbm>> -> memref<160xi32, #tpu.memory_space<hbm>>
      tpu.enqueue_dma source(%dma_start3A_95 : memref<160xi32, #tpu.memory_space<hbm>>) target(%arg11 : memref<160xi32, #tpu.memory_space<vmem>>) target_semaphore(%arg16 : memref<!tpu.dma_semaphore, #tpu.memory_space<semaphore_mem>>)
      %dma_wait3A_96 = arith.constant 0 : i32
      %dma_wait3A_97 = tpu.memref_slice %arg9[%dma_wait3A_96] : memref<8000xi32, #tpu.memory_space<vmem>> -> memref<160xi32, #tpu.memory_space<vmem>>
      %dma_wait3A_98 = arith.constant 0 : i32
      %dma_wait3A_99 = arith.constant 0 : i32
      %dma_wait3A_100 = tpu.memref_slice %arg2[%dma_wait3A_98, %dma_wait3A_99] : memref<10000x128xf32, #tpu.memory_space<hbm>> -> memref<10000x128xf32, #tpu.memory_space<hbm>>
      tpu.wait_indirect_dma semaphore(%arg15 : memref<!tpu.dma_semaphore, #tpu.memory_space<semaphore_mem>>) src(%dma_wait3A_100 : memref<10000x128xf32, #tpu.memory_space<hbm>>) dst(%arg12 : memref<160x128xf32, #tpu.memory_space<vmem>>)
      %dma_wait3A_101 = arith.constant 0 : i32
      %dma_wait3A_102 = tpu.memref_slice %arg5[%dma_wait3A_101] : memref<320000xi32, #tpu.memory_space<hbm>> -> memref<160xi32, #tpu.memory_space<hbm>>
      %dma_wait3A_103 = arith.constant 0 : i32
      %dma_wait3A_104 = tpu.memref_slice %arg5[%dma_wait3A_103] : memref<320000xi32, #tpu.memory_space<hbm>> -> memref<160xi32, #tpu.memory_space<hbm>>
      tpu.wait_dma2 semaphore(%arg15 : memref<!tpu.dma_semaphore, #tpu.memory_space<semaphore_mem>>) src(%dma_wait3A_104 : memref<160xi32, #tpu.memory_space<hbm>>) dst(%arg10 : memref<160xi32, #tpu.memory_space<vmem>>)
      "tpu.region"() ({
        %run_scoped3A = tpu.sem_alloc : memref<!tpu.dma_semaphore, #tpu.memory_space<semaphore_mem>>
        %dma_start3A_142 = arith.constant 0 : i32
        %dma_start3A_143 = arith.constant 0 : i32
        %dma_start3A_144 = tpu.memref_slice %arg14[%dma_start3A_142, %dma_start3A_143] : memref<10000x128xf32, #tpu.memory_space<vmem_shared>> -> memref<10000x128xf32, #tpu.memory_space<vmem_shared>>
        tpu.enqueue_indirect_dma source(%arg12 : memref<160x128xf32, #tpu.memory_space<vmem>>) target(%dma_start3A_144 : memref<10000x128xf32, #tpu.memory_space<vmem_shared>>) offsets(%arg10 : memref<160xi32, #tpu.memory_space<vmem>>) semaphore(%run_scoped3A : memref<!tpu.dma_semaphore, #tpu.memory_space<semaphore_mem>>) {add = true}
        %dma_wait3A_145 = arith.constant 0 : i32
        %dma_wait3A_146 = arith.constant 0 : i32
        %dma_wait3A_147 = tpu.memref_slice %arg14[%dma_wait3A_145, %dma_wait3A_146] : memref<10000x128xf32, #tpu.memory_space<vmem_shared>> -> memref<10000x128xf32, #tpu.memory_space<vmem_shared>>
        tpu.wait_indirect_dma semaphore(%run_scoped3A : memref<!tpu.dma_semaphore, #tpu.memory_space<semaphore_mem>>) src(%arg12 : memref<160x128xf32, #tpu.memory_space<vmem>>) dst(%dma_wait3A_147 : memref<10000x128xf32, #tpu.memory_space<vmem_shared>>)
        tpu.yield
      }) : () -> ()
      %dma_wait3A_105 = arith.constant 0 : i32
      %dma_wait3A_106 = tpu.memref_slice %arg9[%dma_wait3A_105] : memref<8000xi32, #tpu.memory_space<vmem>> -> memref<160xi32, #tpu.memory_space<vmem>>
      %dma_wait3A_107 = arith.constant 0 : i32
      %dma_wait3A_108 = arith.constant 0 : i32
      %dma_wait3A_109 = tpu.memref_slice %arg2[%dma_wait3A_107, %dma_wait3A_108] : memref<10000x128xf32, #tpu.memory_space<hbm>> -> memref<10000x128xf32, #tpu.memory_space<hbm>>
      tpu.wait_indirect_dma semaphore(%arg16 : memref<!tpu.dma_semaphore, #tpu.memory_space<semaphore_mem>>) src(%dma_wait3A_109 : memref<10000x128xf32, #tpu.memory_space<hbm>>) dst(%arg13 : memref<160x128xf32, #tpu.memory_space<vmem>>)
      %dma_wait3A_110 = arith.constant 0 : i32
      %dma_wait3A_111 = tpu.memref_slice %arg5[%dma_wait3A_110] : memref<320000xi32, #tpu.memory_space<hbm>> -> memref<160xi32, #tpu.memory_space<hbm>>
      %dma_wait3A_112 = arith.constant 0 : i32
      %dma_wait3A_113 = tpu.memref_slice %arg5[%dma_wait3A_112] : memref<320000xi32, #tpu.memory_space<hbm>> -> memref<160xi32, #tpu.memory_space<hbm>>
      tpu.wait_dma2 semaphore(%arg16 : memref<!tpu.dma_semaphore, #tpu.memory_space<semaphore_mem>>) src(%dma_wait3A_113 : memref<160xi32, #tpu.memory_space<hbm>>) dst(%arg11 : memref<160xi32, #tpu.memory_space<vmem>>)
      "tpu.region"() ({
        %run_scoped3A = tpu.sem_alloc : memref<!tpu.dma_semaphore, #tpu.memory_space<semaphore_mem>>
        %dma_start3A_142 = arith.constant 0 : i32
        %dma_start3A_143 = arith.constant 0 : i32
        %dma_start3A_144 = tpu.memref_slice %arg14[%dma_start3A_142, %dma_start3A_143] : memref<10000x128xf32, #tpu.memory_space<vmem_shared>> -> memref<10000x128xf32, #tpu.memory_space<vmem_shared>>
        tpu.enqueue_indirect_dma source(%arg13 : memref<160x128xf32, #tpu.memory_space<vmem>>) target(%dma_start3A_144 : memref<10000x128xf32, #tpu.memory_space<vmem_shared>>) offsets(%arg11 : memref<160xi32, #tpu.memory_space<vmem>>) semaphore(%run_scoped3A : memref<!tpu.dma_semaphore, #tpu.memory_space<semaphore_mem>>) {add = true}
        %dma_wait3A_145 = arith.constant 0 : i32
        %dma_wait3A_146 = arith.constant 0 : i32
        %dma_wait3A_147 = tpu.memref_slice %arg14[%dma_wait3A_145, %dma_wait3A_146] : memref<10000x128xf32, #tpu.memory_space<vmem_shared>> -> memref<10000x128xf32, #tpu.memory_space<vmem_shared>>
        tpu.wait_indirect_dma semaphore(%run_scoped3A : memref<!tpu.dma_semaphore, #tpu.memory_space<semaphore_mem>>) src(%arg13 : memref<160x128xf32, #tpu.memory_space<vmem>>) dst(%dma_wait3A_147 : memref<10000x128xf32, #tpu.memory_space<vmem_shared>>)
        tpu.yield
      }) : () -> ()
      %add3A_114 = arith.constant 16000 : i32
      %add3A_115 = arith.addi %mul3A_0, %add3A_114 : i32
      "tpu.region"() ({
        %run_scoped3A = tpu.sem_alloc : memref<!tpu.dma_semaphore, #tpu.memory_space<semaphore_mem>>
        %dma_start3A_142 = arith.constant 0 : i32
        %dma_start3A_143 = tpu.memref_slice %arg9[%dma_start3A_142] : memref<8000xi32, #tpu.memory_space<vmem>> -> memref<4000xi32, #tpu.memory_space<vmem>>
        %dma_start3A_144 = tpu.memref_slice %arg4[%add3A_115] : memref<320000xi32, #tpu.memory_space<hbm>> -> memref<4000xi32, #tpu.memory_space<hbm>>
        %dma_start3A_145 = arith.constant 0 : i32
        %dma_start3A_146 = tpu.memref_slice %arg9[%dma_start3A_145] : memref<8000xi32, #tpu.memory_space<vmem>> -> memref<4000xi32, #tpu.memory_space<vmem>>
        %dma_start3A_147 = tpu.memref_slice %arg4[%add3A_115] : memref<320000xi32, #tpu.memory_space<hbm>> -> memref<4000xi32, #tpu.memory_space<hbm>>
        tpu.enqueue_dma source(%dma_start3A_147 : memref<4000xi32, #tpu.memory_space<hbm>>) target(%dma_start3A_146 : memref<4000xi32, #tpu.memory_space<vmem>>) target_semaphore(%run_scoped3A : memref<!tpu.dma_semaphore, #tpu.memory_space<semaphore_mem>>)
        %dma_wait3A_148 = arith.constant 0 : i32
        %dma_wait3A_149 = tpu.memref_slice %arg9[%dma_wait3A_148] : memref<8000xi32, #tpu.memory_space<vmem>> -> memref<4000xi32, #tpu.memory_space<vmem>>
        %dma_wait3A_150 = tpu.memref_slice %arg4[%add3A_115] : memref<320000xi32, #tpu.memory_space<hbm>> -> memref<4000xi32, #tpu.memory_space<hbm>>
        %dma_wait3A_151 = arith.constant 0 : i32
        %dma_wait3A_152 = tpu.memref_slice %arg9[%dma_wait3A_151] : memref<8000xi32, #tpu.memory_space<vmem>> -> memref<4000xi32, #tpu.memory_space<vmem>>
        %dma_wait3A_153 = tpu.memref_slice %arg4[%add3A_115] : memref<320000xi32, #tpu.memory_space<hbm>> -> memref<4000xi32, #tpu.memory_space<hbm>>
        tpu.wait_dma2 semaphore(%run_scoped3A : memref<!tpu.dma_semaphore, #tpu.memory_space<semaphore_mem>>) src(%dma_wait3A_153 : memref<4000xi32, #tpu.memory_space<hbm>>) dst(%dma_wait3A_152 : memref<4000xi32, #tpu.memory_space<vmem>>)
        tpu.yield
      }) : () -> ()
      %add3A_116 = arith.constant 16000 : i32
      %add3A_117 = arith.addi %mul3A_0, %add3A_116 : i32
      %dma_start3A_118 = arith.constant 0 : i32
      %dma_start3A_119 = tpu.memref_slice %arg9[%dma_start3A_118] : memref<8000xi32, #tpu.memory_space<vmem>> -> memref<160xi32, #tpu.memory_space<vmem>>
      %dma_start3A_120 = arith.constant 0 : i32
      %dma_start3A_121 = arith.constant 0 : i32
      %dma_start3A_122 = tpu.memref_slice %arg2[%dma_start3A_120, %dma_start3A_121] : memref<10000x128xf32, #tpu.memory_space<hbm>> -> memref<10000x128xf32, #tpu.memory_space<hbm>>
      tpu.enqueue_indirect_dma source(%dma_start3A_122 : memref<10000x128xf32, #tpu.memory_space<hbm>>) target(%arg12 : memref<160x128xf32, #tpu.memory_space<vmem>>) offsets(%dma_start3A_119 : memref<160xi32, #tpu.memory_space<vmem>>) semaphore(%arg15 : memref<!tpu.dma_semaphore, #tpu.memory_space<semaphore_mem>>)
      %add3A_123 = arith.constant 0 : i32
      %add3A_124 = arith.addi %add3A_117, %add3A_123 : i32
      %dma_start3A_125 = tpu.memref_slice %arg5[%add3A_124] : memref<320000xi32, #tpu.memory_space<hbm>> -> memref<160xi32, #tpu.memory_space<hbm>>
      %dma_start3A_126 = tpu.memref_slice %arg5[%add3A_124] : memref<320000xi32, #tpu.memory_space<hbm>> -> memref<160xi32, #tpu.memory_space<hbm>>
      tpu.enqueue_dma source(%dma_start3A_126 : memref<160xi32, #tpu.memory_space<hbm>>) target(%arg10 : memref<160xi32, #tpu.memory_space<vmem>>) target_semaphore(%arg15 : memref<!tpu.dma_semaphore, #tpu.memory_space<semaphore_mem>>)
      %scan3A_127 = arith.constant 0 : i32
      %scan3A_128 = arith.constant 0 : i32
      %scan3A_129 = arith.constant 12 : i32
      %scan3A_130 = arith.addi %scan3A_128, %scan3A_129 : i32
      %scan3A_131 = arith.constant 1 : i32
      scf.for %scan3A_142 = %scan3A_128 to %scan3A_130 step %scan3A_131  : i32 {
        %mul3A_143 = arith.constant 2 : i32
        %mul3A_144 = arith.muli %mul3A_143, %scan3A_142 : i32
        %add3A_145 = arith.constant 1 : i32
        %add3A_146 = arith.addi %mul3A_144, %add3A_145 : i32
        %mul3A_147 = arith.constant 160 : i32
        %mul3A_148 = arith.muli %add3A_146, %mul3A_147 : i32
        %dma_start3A_149 = tpu.memref_slice %arg9[%mul3A_148] : memref<8000xi32, #tpu.memory_space<vmem>> -> memref<160xi32, #tpu.memory_space<vmem>>
        %dma_start3A_150 = arith.constant 0 : i32
        %dma_start3A_151 = arith.constant 0 : i32
        %dma_start3A_152 = tpu.memref_slice %arg2[%dma_start3A_150, %dma_start3A_151] : memref<10000x128xf32, #tpu.memory_space<hbm>> -> memref<10000x128xf32, #tpu.memory_space<hbm>>
        tpu.enqueue_indirect_dma source(%dma_start3A_152 : memref<10000x128xf32, #tpu.memory_space<hbm>>) target(%arg13 : memref<160x128xf32, #tpu.memory_space<vmem>>) offsets(%dma_start3A_149 : memref<160xi32, #tpu.memory_space<vmem>>) semaphore(%arg16 : memref<!tpu.dma_semaphore, #tpu.memory_space<semaphore_mem>>)
        %mul3A_153 = arith.constant 160 : i32
        %mul3A_154 = arith.muli %add3A_146, %mul3A_153 : i32
        %add3A_155 = arith.addi %add3A_117, %mul3A_154 : i32
        %dma_start3A_156 = tpu.memref_slice %arg5[%add3A_155] : memref<320000xi32, #tpu.memory_space<hbm>> -> memref<160xi32, #tpu.memory_space<hbm>>
        %dma_start3A_157 = tpu.memref_slice %arg5[%add3A_155] : memref<320000xi32, #tpu.memory_space<hbm>> -> memref<160xi32, #tpu.memory_space<hbm>>
        tpu.enqueue_dma source(%dma_start3A_157 : memref<160xi32, #tpu.memory_space<hbm>>) target(%arg11 : memref<160xi32, #tpu.memory_space<vmem>>) target_semaphore(%arg16 : memref<!tpu.dma_semaphore, #tpu.memory_space<semaphore_mem>>)
        %dma_wait3A_158 = arith.constant 0 : i32
        %dma_wait3A_159 = tpu.memref_slice %arg9[%dma_wait3A_158] : memref<8000xi32, #tpu.memory_space<vmem>> -> memref<160xi32, #tpu.memory_space<vmem>>
        %dma_wait3A_160 = arith.constant 0 : i32
        %dma_wait3A_161 = arith.constant 0 : i32
        %dma_wait3A_162 = tpu.memref_slice %arg2[%dma_wait3A_160, %dma_wait3A_161] : memref<10000x128xf32, #tpu.memory_space<hbm>> -> memref<10000x128xf32, #tpu.memory_space<hbm>>
        tpu.wait_indirect_dma semaphore(%arg15 : memref<!tpu.dma_semaphore, #tpu.memory_space<semaphore_mem>>) src(%dma_wait3A_162 : memref<10000x128xf32, #tpu.memory_space<hbm>>) dst(%arg12 : memref<160x128xf32, #tpu.memory_space<vmem>>)
        %dma_wait3A_163 = arith.constant 0 : i32
        %dma_wait3A_164 = tpu.memref_slice %arg5[%dma_wait3A_163] : memref<320000xi32, #tpu.memory_space<hbm>> -> memref<160xi32, #tpu.memory_space<hbm>>
        %dma_wait3A_165 = arith.constant 0 : i32
        %dma_wait3A_166 = tpu.memref_slice %arg5[%dma_wait3A_165] : memref<320000xi32, #tpu.memory_space<hbm>> -> memref<160xi32, #tpu.memory_space<hbm>>
        tpu.wait_dma2 semaphore(%arg15 : memref<!tpu.dma_semaphore, #tpu.memory_space<semaphore_mem>>) src(%dma_wait3A_166 : memref<160xi32, #tpu.memory_space<hbm>>) dst(%arg10 : memref<160xi32, #tpu.memory_space<vmem>>)
        "tpu.region"() ({
          %run_scoped3A = tpu.sem_alloc : memref<!tpu.dma_semaphore, #tpu.memory_space<semaphore_mem>>
          %dma_start3A_191 = arith.constant 0 : i32
          %dma_start3A_192 = arith.constant 0 : i32
          %dma_start3A_193 = tpu.memref_slice %arg14[%dma_start3A_191, %dma_start3A_192] : memref<10000x128xf32, #tpu.memory_space<vmem_shared>> -> memref<10000x128xf32, #tpu.memory_space<vmem_shared>>
          tpu.enqueue_indirect_dma source(%arg12 : memref<160x128xf32, #tpu.memory_space<vmem>>) target(%dma_start3A_193 : memref<10000x128xf32, #tpu.memory_space<vmem_shared>>) offsets(%arg10 : memref<160xi32, #tpu.memory_space<vmem>>) semaphore(%run_scoped3A : memref<!tpu.dma_semaphore, #tpu.memory_space<semaphore_mem>>) {add = true}
          %dma_wait3A_194 = arith.constant 0 : i32
          %dma_wait3A_195 = arith.constant 0 : i32
          %dma_wait3A_196 = tpu.memref_slice %arg14[%dma_wait3A_194, %dma_wait3A_195] : memref<10000x128xf32, #tpu.memory_space<vmem_shared>> -> memref<10000x128xf32, #tpu.memory_space<vmem_shared>>
          tpu.wait_indirect_dma semaphore(%run_scoped3A : memref<!tpu.dma_semaphore, #tpu.memory_space<semaphore_mem>>) src(%arg12 : memref<160x128xf32, #tpu.memory_space<vmem>>) dst(%dma_wait3A_196 : memref<10000x128xf32, #tpu.memory_space<vmem_shared>>)
          tpu.yield
        }) : () -> ()
        %mul3A_167 = arith.constant 2 : i32
        %mul3A_168 = arith.muli %mul3A_167, %scan3A_142 : i32
        %add3A_169 = arith.constant 2 : i32
        %add3A_170 = arith.addi %mul3A_168, %add3A_169 : i32
        %mul3A_171 = arith.constant 160 : i32
        %mul3A_172 = arith.muli %add3A_170, %mul3A_171 : i32
        %dma_start3A_173 = tpu.memref_slice %arg9[%mul3A_172] : memref<8000xi32, #tpu.memory_space<vmem>> -> memref<160xi32, #tpu.memory_space<vmem>>
        %dma_start3A_174 = arith.constant 0 : i32
        %dma_start3A_175 = arith.constant 0 : i32
        %dma_start3A_176 = tpu.memref_slice %arg2[%dma_start3A_174, %dma_start3A_175] : memref<10000x128xf32, #tpu.memory_space<hbm>> -> memref<10000x128xf32, #tpu.memory_space<hbm>>
        tpu.enqueue_indirect_dma source(%dma_start3A_176 : memref<10000x128xf32, #tpu.memory_space<hbm>>) target(%arg12 : memref<160x128xf32, #tpu.memory_space<vmem>>) offsets(%dma_start3A_173 : memref<160xi32, #tpu.memory_space<vmem>>) semaphore(%arg15 : memref<!tpu.dma_semaphore, #tpu.memory_space<semaphore_mem>>)
        %mul3A_177 = arith.constant 160 : i32
        %mul3A_178 = arith.muli %add3A_170, %mul3A_177 : i32
        %add3A_179 = arith.addi %add3A_117, %mul3A_178 : i32
        %dma_start3A_180 = tpu.memref_slice %arg5[%add3A_179] : memref<320000xi32, #tpu.memory_space<hbm>> -> memref<160xi32, #tpu.memory_space<hbm>>
        %dma_start3A_181 = tpu.memref_slice %arg5[%add3A_179] : memref<320000xi32, #tpu.memory_space<hbm>> -> memref<160xi32, #tpu.memory_space<hbm>>
        tpu.enqueue_dma source(%dma_start3A_181 : memref<160xi32, #tpu.memory_space<hbm>>) target(%arg10 : memref<160xi32, #tpu.memory_space<vmem>>) target_semaphore(%arg15 : memref<!tpu.dma_semaphore, #tpu.memory_space<semaphore_mem>>)
        %dma_wait3A_182 = arith.constant 0 : i32
        %dma_wait3A_183 = tpu.memref_slice %arg9[%dma_wait3A_182] : memref<8000xi32, #tpu.memory_space<vmem>> -> memref<160xi32, #tpu.memory_space<vmem>>
        %dma_wait3A_184 = arith.constant 0 : i32
        %dma_wait3A_185 = arith.constant 0 : i32
        %dma_wait3A_186 = tpu.memref_slice %arg2[%dma_wait3A_184, %dma_wait3A_185] : memref<10000x128xf32, #tpu.memory_space<hbm>> -> memref<10000x128xf32, #tpu.memory_space<hbm>>
        tpu.wait_indirect_dma semaphore(%arg16 : memref<!tpu.dma_semaphore, #tpu.memory_space<semaphore_mem>>) src(%dma_wait3A_186 : memref<10000x128xf32, #tpu.memory_space<hbm>>) dst(%arg13 : memref<160x128xf32, #tpu.memory_space<vmem>>)
        %dma_wait3A_187 = arith.constant 0 : i32
        %dma_wait3A_188 = tpu.memref_slice %arg5[%dma_wait3A_187] : memref<320000xi32, #tpu.memory_space<hbm>> -> memref<160xi32, #tpu.memory_space<hbm>>
        %dma_wait3A_189 = arith.constant 0 : i32
        %dma_wait3A_190 = tpu.memref_slice %arg5[%dma_wait3A_189] : memref<320000xi32, #tpu.memory_space<hbm>> -> memref<160xi32, #tpu.memory_space<hbm>>
        tpu.wait_dma2 semaphore(%arg16 : memref<!tpu.dma_semaphore, #tpu.memory_space<semaphore_mem>>) src(%dma_wait3A_190 : memref<160xi32, #tpu.memory_space<hbm>>) dst(%arg11 : memref<160xi32, #tpu.memory_space<vmem>>)
        "tpu.region"() ({
          %run_scoped3A = tpu.sem_alloc : memref<!tpu.dma_semaphore, #tpu.memory_space<semaphore_mem>>
          %dma_start3A_191 = arith.constant 0 : i32
          %dma_start3A_192 = arith.constant 0 : i32
          %dma_start3A_193 = tpu.memref_slice %arg14[%dma_start3A_191, %dma_start3A_192] : memref<10000x128xf32, #tpu.memory_space<vmem_shared>> -> memref<10000x128xf32, #tpu.memory_space<vmem_shared>>
          tpu.enqueue_indirect_dma source(%arg13 : memref<160x128xf32, #tpu.memory_space<vmem>>) target(%dma_start3A_193 : memref<10000x128xf32, #tpu.memory_space<vmem_shared>>) offsets(%arg11 : memref<160xi32, #tpu.memory_space<vmem>>) semaphore(%run_scoped3A : memref<!tpu.dma_semaphore, #tpu.memory_space<semaphore_mem>>) {add = true}
          %dma_wait3A_194 = arith.constant 0 : i32
          %dma_wait3A_195 = arith.constant 0 : i32
          %dma_wait3A_196 = tpu.memref_slice %arg14[%dma_wait3A_194, %dma_wait3A_195] : memref<10000x128xf32, #tpu.memory_space<vmem_shared>> -> memref<10000x128xf32, #tpu.memory_space<vmem_shared>>
          tpu.wait_indirect_dma semaphore(%run_scoped3A : memref<!tpu.dma_semaphore, #tpu.memory_space<semaphore_mem>>) src(%arg13 : memref<160x128xf32, #tpu.memory_space<vmem>>) dst(%dma_wait3A_196 : memref<10000x128xf32, #tpu.memory_space<vmem_shared>>)
          tpu.yield
        }) : () -> ()
      }
      %scan3A_132 = arith.constant 12 : i32
      %dma_wait3A_133 = arith.constant 0 : i32
      %dma_wait3A_134 = tpu.memref_slice %arg9[%dma_wait3A_133] : memref<8000xi32, #tpu.memory_space<vmem>> -> memref<160xi32, #tpu.memory_space<vmem>>
      %dma_wait3A_135 = arith.constant 0 : i32
      %dma_wait3A_136 = arith.constant 0 : i32
      %dma_wait3A_137 = tpu.memref_slice %arg2[%dma_wait3A_135, %dma_wait3A_136] : memref<10000x128xf32, #tpu.memory_space<hbm>> -> memref<10000x128xf32, #tpu.memory_space<hbm>>
      tpu.wait_indirect_dma semaphore(%arg15 : memref<!tpu.dma_semaphore, #tpu.memory_space<semaphore_mem>>) src(%dma_wait3A_137 : memref<10000x128xf32, #tpu.memory_space<hbm>>) dst(%arg12 : memref<160x128xf32, #tpu.memory_space<vmem>>)
      %dma_wait3A_138 = arith.constant 0 : i32
      %dma_wait3A_139 = tpu.memref_slice %arg5[%dma_wait3A_138] : memref<320000xi32, #tpu.memory_space<hbm>> -> memref<160xi32, #tpu.memory_space<hbm>>
      %dma_wait3A_140 = arith.constant 0 : i32
      %dma_wait3A_141 = tpu.memref_slice %arg5[%dma_wait3A_140] : memref<320000xi32, #tpu.memory_space<hbm>> -> memref<160xi32, #tpu.memory_space<hbm>>
      tpu.wait_dma2 semaphore(%arg15 : memref<!tpu.dma_semaphore, #tpu.memory_space<semaphore_mem>>) src(%dma_wait3A_141 : memref<160xi32, #tpu.memory_space<hbm>>) dst(%arg10 : memref<160xi32, #tpu.memory_space<vmem>>)
      "tpu.region"() ({
        %run_scoped3A = tpu.sem_alloc : memref<!tpu.dma_semaphore, #tpu.memory_space<semaphore_mem>>
        %dma_start3A_142 = arith.constant 0 : i32
        %dma_start3A_143 = arith.constant 0 : i32
        %dma_start3A_144 = tpu.memref_slice %arg14[%dma_start3A_142, %dma_start3A_143] : memref<10000x128xf32, #tpu.memory_space<vmem_shared>> -> memref<10000x128xf32, #tpu.memory_space<vmem_shared>>
        tpu.enqueue_indirect_dma source(%arg12 : memref<160x128xf32, #tpu.memory_space<vmem>>) target(%dma_start3A_144 : memref<10000x128xf32, #tpu.memory_space<vmem_shared>>) offsets(%arg10 : memref<160xi32, #tpu.memory_space<vmem>>) semaphore(%run_scoped3A : memref<!tpu.dma_semaphore, #tpu.memory_space<semaphore_mem>>) {add = true}
        %dma_wait3A_145 = arith.constant 0 : i32
        %dma_wait3A_146 = arith.constant 0 : i32
        %dma_wait3A_147 = tpu.memref_slice %arg14[%dma_wait3A_145, %dma_wait3A_146] : memref<10000x128xf32, #tpu.memory_space<vmem_shared>> -> memref<10000x128xf32, #tpu.memory_space<vmem_shared>>
        tpu.wait_indirect_dma semaphore(%run_scoped3A : memref<!tpu.dma_semaphore, #tpu.memory_space<semaphore_mem>>) src(%arg12 : memref<160x128xf32, #tpu.memory_space<vmem>>) dst(%dma_wait3A_147 : memref<10000x128xf32, #tpu.memory_space<vmem_shared>>)
        tpu.yield
      }) : () -> ()
    } else {
    }
    %eq3A_10 = arith.constant 1 : i32
    %eq3A_11 = arith.cmpi eq, %arg0, %eq3A_10 : i32
    %convert_element_type3A_12 = arith.extui %eq3A_11 : i1 to i32
    %cond3A_13 = arith.constant 0 : i32
    %cond3A_14 = arith.cmpi ne, %convert_element_type3A_12, %cond3A_13 : i32
    scf.if %cond3A_14 {
      %add3A = arith.constant 0 : i32
      %add3A_26 = arith.addi %mul3A_0, %add3A : i32
      "tpu.region"() ({
        %run_scoped3A = tpu.sem_alloc : memref<!tpu.dma_semaphore, #tpu.memory_space<semaphore_mem>>
        %dma_start3A_142 = arith.constant 0 : i32
        %dma_start3A_143 = tpu.memref_slice %arg9[%dma_start3A_142] : memref<8000xi32, #tpu.memory_space<vmem>> -> memref<8000xi32, #tpu.memory_space<vmem>>
        %dma_start3A_144 = tpu.memref_slice %arg4[%add3A_26] : memref<320000xi32, #tpu.memory_space<hbm>> -> memref<8000xi32, #tpu.memory_space<hbm>>
        %dma_start3A_145 = arith.constant 0 : i32
        %dma_start3A_146 = tpu.memref_slice %arg9[%dma_start3A_145] : memref<8000xi32, #tpu.memory_space<vmem>> -> memref<8000xi32, #tpu.memory_space<vmem>>
        %dma_start3A_147 = tpu.memref_slice %arg4[%add3A_26] : memref<320000xi32, #tpu.memory_space<hbm>> -> memref<8000xi32, #tpu.memory_space<hbm>>
        tpu.enqueue_dma source(%dma_start3A_147 : memref<8000xi32, #tpu.memory_space<hbm>>) target(%dma_start3A_146 : memref<8000xi32, #tpu.memory_space<vmem>>) target_semaphore(%run_scoped3A : memref<!tpu.dma_semaphore, #tpu.memory_space<semaphore_mem>>)
        %dma_wait3A_148 = arith.constant 0 : i32
        %dma_wait3A_149 = tpu.memref_slice %arg9[%dma_wait3A_148] : memref<8000xi32, #tpu.memory_space<vmem>> -> memref<8000xi32, #tpu.memory_space<vmem>>
        %dma_wait3A_150 = tpu.memref_slice %arg4[%add3A_26] : memref<320000xi32, #tpu.memory_space<hbm>> -> memref<8000xi32, #tpu.memory_space<hbm>>
        %dma_wait3A_151 = arith.constant 0 : i32
        %dma_wait3A_152 = tpu.memref_slice %arg9[%dma_wait3A_151] : memref<8000xi32, #tpu.memory_space<vmem>> -> memref<8000xi32, #tpu.memory_space<vmem>>
        %dma_wait3A_153 = tpu.memref_slice %arg4[%add3A_26] : memref<320000xi32, #tpu.memory_space<hbm>> -> memref<8000xi32, #tpu.memory_space<hbm>>
        tpu.wait_dma2 semaphore(%run_scoped3A : memref<!tpu.dma_semaphore, #tpu.memory_space<semaphore_mem>>) src(%dma_wait3A_153 : memref<8000xi32, #tpu.memory_space<hbm>>) dst(%dma_wait3A_152 : memref<8000xi32, #tpu.memory_space<vmem>>)
        tpu.yield
      }) : () -> ()
      %add3A_27 = arith.constant 0 : i32
      %add3A_28 = arith.addi %mul3A_0, %add3A_27 : i32
      %dma_start3A = arith.constant 0 : i32
      %dma_start3A_29 = tpu.memref_slice %arg9[%dma_start3A] : memref<8000xi32, #tpu.memory_space<vmem>> -> memref<160xi32, #tpu.memory_space<vmem>>
      %dma_start3A_30 = arith.constant 0 : i32
      %dma_start3A_31 = arith.constant 0 : i32
      %dma_start3A_32 = tpu.memref_slice %arg3[%dma_start3A_30, %dma_start3A_31] : memref<10000x128xf32, #tpu.memory_space<hbm>> -> memref<10000x128xf32, #tpu.memory_space<hbm>>
      tpu.enqueue_indirect_dma source(%dma_start3A_32 : memref<10000x128xf32, #tpu.memory_space<hbm>>) target(%arg12 : memref<160x128xf32, #tpu.memory_space<vmem>>) offsets(%dma_start3A_29 : memref<160xi32, #tpu.memory_space<vmem>>) semaphore(%arg15 : memref<!tpu.dma_semaphore, #tpu.memory_space<semaphore_mem>>)
      %add3A_33 = arith.constant 0 : i32
      %add3A_34 = arith.addi %add3A_28, %add3A_33 : i32
      %dma_start3A_35 = tpu.memref_slice %arg5[%add3A_34] : memref<320000xi32, #tpu.memory_space<hbm>> -> memref<160xi32, #tpu.memory_space<hbm>>
      %dma_start3A_36 = tpu.memref_slice %arg5[%add3A_34] : memref<320000xi32, #tpu.memory_space<hbm>> -> memref<160xi32, #tpu.memory_space<hbm>>
      tpu.enqueue_dma source(%dma_start3A_36 : memref<160xi32, #tpu.memory_space<hbm>>) target(%arg10 : memref<160xi32, #tpu.memory_space<vmem>>) target_semaphore(%arg15 : memref<!tpu.dma_semaphore, #tpu.memory_space<semaphore_mem>>)
      %scan3A = arith.constant 0 : i32
      %scan3A_37 = arith.constant 0 : i32
      %scan3A_38 = arith.constant 24 : i32
      %scan3A_39 = arith.addi %scan3A_37, %scan3A_38 : i32
      %scan3A_40 = arith.constant 1 : i32
      scf.for %scan3A_142 = %scan3A_37 to %scan3A_39 step %scan3A_40  : i32 {
        %mul3A_143 = arith.constant 2 : i32
        %mul3A_144 = arith.muli %mul3A_143, %scan3A_142 : i32
        %add3A_145 = arith.constant 1 : i32
        %add3A_146 = arith.addi %mul3A_144, %add3A_145 : i32
        %mul3A_147 = arith.constant 160 : i32
        %mul3A_148 = arith.muli %add3A_146, %mul3A_147 : i32
        %dma_start3A_149 = tpu.memref_slice %arg9[%mul3A_148] : memref<8000xi32, #tpu.memory_space<vmem>> -> memref<160xi32, #tpu.memory_space<vmem>>
        %dma_start3A_150 = arith.constant 0 : i32
        %dma_start3A_151 = arith.constant 0 : i32
        %dma_start3A_152 = tpu.memref_slice %arg3[%dma_start3A_150, %dma_start3A_151] : memref<10000x128xf32, #tpu.memory_space<hbm>> -> memref<10000x128xf32, #tpu.memory_space<hbm>>
        tpu.enqueue_indirect_dma source(%dma_start3A_152 : memref<10000x128xf32, #tpu.memory_space<hbm>>) target(%arg13 : memref<160x128xf32, #tpu.memory_space<vmem>>) offsets(%dma_start3A_149 : memref<160xi32, #tpu.memory_space<vmem>>) semaphore(%arg16 : memref<!tpu.dma_semaphore, #tpu.memory_space<semaphore_mem>>)
        %mul3A_153 = arith.constant 160 : i32
        %mul3A_154 = arith.muli %add3A_146, %mul3A_153 : i32
        %add3A_155 = arith.addi %add3A_28, %mul3A_154 : i32
        %dma_start3A_156 = tpu.memref_slice %arg5[%add3A_155] : memref<320000xi32, #tpu.memory_space<hbm>> -> memref<160xi32, #tpu.memory_space<hbm>>
        %dma_start3A_157 = tpu.memref_slice %arg5[%add3A_155] : memref<320000xi32, #tpu.memory_space<hbm>> -> memref<160xi32, #tpu.memory_space<hbm>>
        tpu.enqueue_dma source(%dma_start3A_157 : memref<160xi32, #tpu.memory_space<hbm>>) target(%arg11 : memref<160xi32, #tpu.memory_space<vmem>>) target_semaphore(%arg16 : memref<!tpu.dma_semaphore, #tpu.memory_space<semaphore_mem>>)
        %dma_wait3A_158 = arith.constant 0 : i32
        %dma_wait3A_159 = tpu.memref_slice %arg9[%dma_wait3A_158] : memref<8000xi32, #tpu.memory_space<vmem>> -> memref<160xi32, #tpu.memory_space<vmem>>
        %dma_wait3A_160 = arith.constant 0 : i32
        %dma_wait3A_161 = arith.constant 0 : i32
        %dma_wait3A_162 = tpu.memref_slice %arg3[%dma_wait3A_160, %dma_wait3A_161] : memref<10000x128xf32, #tpu.memory_space<hbm>> -> memref<10000x128xf32, #tpu.memory_space<hbm>>
        tpu.wait_indirect_dma semaphore(%arg15 : memref<!tpu.dma_semaphore, #tpu.memory_space<semaphore_mem>>) src(%dma_wait3A_162 : memref<10000x128xf32, #tpu.memory_space<hbm>>) dst(%arg12 : memref<160x128xf32, #tpu.memory_space<vmem>>)
        %dma_wait3A_163 = arith.constant 0 : i32
        %dma_wait3A_164 = tpu.memref_slice %arg5[%dma_wait3A_163] : memref<320000xi32, #tpu.memory_space<hbm>> -> memref<160xi32, #tpu.memory_space<hbm>>
        %dma_wait3A_165 = arith.constant 0 : i32
        %dma_wait3A_166 = tpu.memref_slice %arg5[%dma_wait3A_165] : memref<320000xi32, #tpu.memory_space<hbm>> -> memref<160xi32, #tpu.memory_space<hbm>>
        tpu.wait_dma2 semaphore(%arg15 : memref<!tpu.dma_semaphore, #tpu.memory_space<semaphore_mem>>) src(%dma_wait3A_166 : memref<160xi32, #tpu.memory_space<hbm>>) dst(%arg10 : memref<160xi32, #tpu.memory_space<vmem>>)
        "tpu.region"() ({
          %run_scoped3A = tpu.sem_alloc : memref<!tpu.dma_semaphore, #tpu.memory_space<semaphore_mem>>
          %dma_start3A_191 = arith.constant 0 : i32
          %dma_start3A_192 = arith.constant 0 : i32
          %dma_start3A_193 = tpu.memref_slice %arg14[%dma_start3A_191, %dma_start3A_192] : memref<10000x128xf32, #tpu.memory_space<vmem_shared>> -> memref<10000x128xf32, #tpu.memory_space<vmem_shared>>
          tpu.enqueue_indirect_dma source(%arg12 : memref<160x128xf32, #tpu.memory_space<vmem>>) target(%dma_start3A_193 : memref<10000x128xf32, #tpu.memory_space<vmem_shared>>) offsets(%arg10 : memref<160xi32, #tpu.memory_space<vmem>>) semaphore(%run_scoped3A : memref<!tpu.dma_semaphore, #tpu.memory_space<semaphore_mem>>) {add = true}
          %dma_wait3A_194 = arith.constant 0 : i32
          %dma_wait3A_195 = arith.constant 0 : i32
          %dma_wait3A_196 = tpu.memref_slice %arg14[%dma_wait3A_194, %dma_wait3A_195] : memref<10000x128xf32, #tpu.memory_space<vmem_shared>> -> memref<10000x128xf32, #tpu.memory_space<vmem_shared>>
          tpu.wait_indirect_dma semaphore(%run_scoped3A : memref<!tpu.dma_semaphore, #tpu.memory_space<semaphore_mem>>) src(%arg12 : memref<160x128xf32, #tpu.memory_space<vmem>>) dst(%dma_wait3A_196 : memref<10000x128xf32, #tpu.memory_space<vmem_shared>>)
          tpu.yield
        }) : () -> ()
        %mul3A_167 = arith.constant 2 : i32
        %mul3A_168 = arith.muli %mul3A_167, %scan3A_142 : i32
        %add3A_169 = arith.constant 2 : i32
        %add3A_170 = arith.addi %mul3A_168, %add3A_169 : i32
        %mul3A_171 = arith.constant 160 : i32
        %mul3A_172 = arith.muli %add3A_170, %mul3A_171 : i32
        %dma_start3A_173 = tpu.memref_slice %arg9[%mul3A_172] : memref<8000xi32, #tpu.memory_space<vmem>> -> memref<160xi32, #tpu.memory_space<vmem>>
        %dma_start3A_174 = arith.constant 0 : i32
        %dma_start3A_175 = arith.constant 0 : i32
        %dma_start3A_176 = tpu.memref_slice %arg3[%dma_start3A_174, %dma_start3A_175] : memref<10000x128xf32, #tpu.memory_space<hbm>> -> memref<10000x128xf32, #tpu.memory_space<hbm>>
        tpu.enqueue_indirect_dma source(%dma_start3A_176 : memref<10000x128xf32, #tpu.memory_space<hbm>>) target(%arg12 : memref<160x128xf32, #tpu.memory_space<vmem>>) offsets(%dma_start3A_173 : memref<160xi32, #tpu.memory_space<vmem>>) semaphore(%arg15 : memref<!tpu.dma_semaphore, #tpu.memory_space<semaphore_mem>>)
        %mul3A_177 = arith.constant 160 : i32
        %mul3A_178 = arith.muli %add3A_170, %mul3A_177 : i32
        %add3A_179 = arith.addi %add3A_28, %mul3A_178 : i32
        %dma_start3A_180 = tpu.memref_slice %arg5[%add3A_179] : memref<320000xi32, #tpu.memory_space<hbm>> -> memref<160xi32, #tpu.memory_space<hbm>>
        %dma_start3A_181 = tpu.memref_slice %arg5[%add3A_179] : memref<320000xi32, #tpu.memory_space<hbm>> -> memref<160xi32, #tpu.memory_space<hbm>>
        tpu.enqueue_dma source(%dma_start3A_181 : memref<160xi32, #tpu.memory_space<hbm>>) target(%arg10 : memref<160xi32, #tpu.memory_space<vmem>>) target_semaphore(%arg15 : memref<!tpu.dma_semaphore, #tpu.memory_space<semaphore_mem>>)
        %dma_wait3A_182 = arith.constant 0 : i32
        %dma_wait3A_183 = tpu.memref_slice %arg9[%dma_wait3A_182] : memref<8000xi32, #tpu.memory_space<vmem>> -> memref<160xi32, #tpu.memory_space<vmem>>
        %dma_wait3A_184 = arith.constant 0 : i32
        %dma_wait3A_185 = arith.constant 0 : i32
        %dma_wait3A_186 = tpu.memref_slice %arg3[%dma_wait3A_184, %dma_wait3A_185] : memref<10000x128xf32, #tpu.memory_space<hbm>> -> memref<10000x128xf32, #tpu.memory_space<hbm>>
        tpu.wait_indirect_dma semaphore(%arg16 : memref<!tpu.dma_semaphore, #tpu.memory_space<semaphore_mem>>) src(%dma_wait3A_186 : memref<10000x128xf32, #tpu.memory_space<hbm>>) dst(%arg13 : memref<160x128xf32, #tpu.memory_space<vmem>>)
        %dma_wait3A_187 = arith.constant 0 : i32
        %dma_wait3A_188 = tpu.memref_slice %arg5[%dma_wait3A_187] : memref<320000xi32, #tpu.memory_space<hbm>> -> memref<160xi32, #tpu.memory_space<hbm>>
        %dma_wait3A_189 = arith.constant 0 : i32
        %dma_wait3A_190 = tpu.memref_slice %arg5[%dma_wait3A_189] : memref<320000xi32, #tpu.memory_space<hbm>> -> memref<160xi32, #tpu.memory_space<hbm>>
        tpu.wait_dma2 semaphore(%arg16 : memref<!tpu.dma_semaphore, #tpu.memory_space<semaphore_mem>>) src(%dma_wait3A_190 : memref<160xi32, #tpu.memory_space<hbm>>) dst(%arg11 : memref<160xi32, #tpu.memory_space<vmem>>)
        "tpu.region"() ({
          %run_scoped3A = tpu.sem_alloc : memref<!tpu.dma_semaphore, #tpu.memory_space<semaphore_mem>>
          %dma_start3A_191 = arith.constant 0 : i32
          %dma_start3A_192 = arith.constant 0 : i32
          %dma_start3A_193 = tpu.memref_slice %arg14[%dma_start3A_191, %dma_start3A_192] : memref<10000x128xf32, #tpu.memory_space<vmem_shared>> -> memref<10000x128xf32, #tpu.memory_space<vmem_shared>>
          tpu.enqueue_indirect_dma source(%arg13 : memref<160x128xf32, #tpu.memory_space<vmem>>) target(%dma_start3A_193 : memref<10000x128xf32, #tpu.memory_space<vmem_shared>>) offsets(%arg11 : memref<160xi32, #tpu.memory_space<vmem>>) semaphore(%run_scoped3A : memref<!tpu.dma_semaphore, #tpu.memory_space<semaphore_mem>>) {add = true}
          %dma_wait3A_194 = arith.constant 0 : i32
          %dma_wait3A_195 = arith.constant 0 : i32
          %dma_wait3A_196 = tpu.memref_slice %arg14[%dma_wait3A_194, %dma_wait3A_195] : memref<10000x128xf32, #tpu.memory_space<vmem_shared>> -> memref<10000x128xf32, #tpu.memory_space<vmem_shared>>
          tpu.wait_indirect_dma semaphore(%run_scoped3A : memref<!tpu.dma_semaphore, #tpu.memory_space<semaphore_mem>>) src(%arg13 : memref<160x128xf32, #tpu.memory_space<vmem>>) dst(%dma_wait3A_196 : memref<10000x128xf32, #tpu.memory_space<vmem_shared>>)
          tpu.yield
        }) : () -> ()
      }
      %scan3A_41 = arith.constant 24 : i32
      %dma_start3A_42 = arith.constant 7840 : i32
      %dma_start3A_43 = tpu.memref_slice %arg9[%dma_start3A_42] : memref<8000xi32, #tpu.memory_space<vmem>> -> memref<160xi32, #tpu.memory_space<vmem>>
      %dma_start3A_44 = arith.constant 0 : i32
      %dma_start3A_45 = arith.constant 0 : i32
      %dma_start3A_46 = tpu.memref_slice %arg3[%dma_start3A_44, %dma_start3A_45] : memref<10000x128xf32, #tpu.memory_space<hbm>> -> memref<10000x128xf32, #tpu.memory_space<hbm>>
      tpu.enqueue_indirect_dma source(%dma_start3A_46 : memref<10000x128xf32, #tpu.memory_space<hbm>>) target(%arg13 : memref<160x128xf32, #tpu.memory_space<vmem>>) offsets(%dma_start3A_43 : memref<160xi32, #tpu.memory_space<vmem>>) semaphore(%arg16 : memref<!tpu.dma_semaphore, #tpu.memory_space<semaphore_mem>>)
      %add3A_47 = arith.constant 7840 : i32
      %add3A_48 = arith.addi %add3A_28, %add3A_47 : i32
      %dma_start3A_49 = tpu.memref_slice %arg5[%add3A_48] : memref<320000xi32, #tpu.memory_space<hbm>> -> memref<160xi32, #tpu.memory_space<hbm>>
      %dma_start3A_50 = tpu.memref_slice %arg5[%add3A_48] : memref<320000xi32, #tpu.memory_space<hbm>> -> memref<160xi32, #tpu.memory_space<hbm>>
      tpu.enqueue_dma source(%dma_start3A_50 : memref<160xi32, #tpu.memory_space<hbm>>) target(%arg11 : memref<160xi32, #tpu.memory_space<vmem>>) target_semaphore(%arg16 : memref<!tpu.dma_semaphore, #tpu.memory_space<semaphore_mem>>)
      %dma_wait3A = arith.constant 0 : i32
      %dma_wait3A_51 = tpu.memref_slice %arg9[%dma_wait3A] : memref<8000xi32, #tpu.memory_space<vmem>> -> memref<160xi32, #tpu.memory_space<vmem>>
      %dma_wait3A_52 = arith.constant 0 : i32
      %dma_wait3A_53 = arith.constant 0 : i32
      %dma_wait3A_54 = tpu.memref_slice %arg3[%dma_wait3A_52, %dma_wait3A_53] : memref<10000x128xf32, #tpu.memory_space<hbm>> -> memref<10000x128xf32, #tpu.memory_space<hbm>>
      tpu.wait_indirect_dma semaphore(%arg15 : memref<!tpu.dma_semaphore, #tpu.memory_space<semaphore_mem>>) src(%dma_wait3A_54 : memref<10000x128xf32, #tpu.memory_space<hbm>>) dst(%arg12 : memref<160x128xf32, #tpu.memory_space<vmem>>)
      %dma_wait3A_55 = arith.constant 0 : i32
      %dma_wait3A_56 = tpu.memref_slice %arg5[%dma_wait3A_55] : memref<320000xi32, #tpu.memory_space<hbm>> -> memref<160xi32, #tpu.memory_space<hbm>>
      %dma_wait3A_57 = arith.constant 0 : i32
      %dma_wait3A_58 = tpu.memref_slice %arg5[%dma_wait3A_57] : memref<320000xi32, #tpu.memory_space<hbm>> -> memref<160xi32, #tpu.memory_space<hbm>>
      tpu.wait_dma2 semaphore(%arg15 : memref<!tpu.dma_semaphore, #tpu.memory_space<semaphore_mem>>) src(%dma_wait3A_58 : memref<160xi32, #tpu.memory_space<hbm>>) dst(%arg10 : memref<160xi32, #tpu.memory_space<vmem>>)
      "tpu.region"() ({
        %run_scoped3A = tpu.sem_alloc : memref<!tpu.dma_semaphore, #tpu.memory_space<semaphore_mem>>
        %dma_start3A_142 = arith.constant 0 : i32
        %dma_start3A_143 = arith.constant 0 : i32
        %dma_start3A_144 = tpu.memref_slice %arg14[%dma_start3A_142, %dma_start3A_143] : memref<10000x128xf32, #tpu.memory_space<vmem_shared>> -> memref<10000x128xf32, #tpu.memory_space<vmem_shared>>
        tpu.enqueue_indirect_dma source(%arg12 : memref<160x128xf32, #tpu.memory_space<vmem>>) target(%dma_start3A_144 : memref<10000x128xf32, #tpu.memory_space<vmem_shared>>) offsets(%arg10 : memref<160xi32, #tpu.memory_space<vmem>>) semaphore(%run_scoped3A : memref<!tpu.dma_semaphore, #tpu.memory_space<semaphore_mem>>) {add = true}
        %dma_wait3A_145 = arith.constant 0 : i32
        %dma_wait3A_146 = arith.constant 0 : i32
        %dma_wait3A_147 = tpu.memref_slice %arg14[%dma_wait3A_145, %dma_wait3A_146] : memref<10000x128xf32, #tpu.memory_space<vmem_shared>> -> memref<10000x128xf32, #tpu.memory_space<vmem_shared>>
        tpu.wait_indirect_dma semaphore(%run_scoped3A : memref<!tpu.dma_semaphore, #tpu.memory_space<semaphore_mem>>) src(%arg12 : memref<160x128xf32, #tpu.memory_space<vmem>>) dst(%dma_wait3A_147 : memref<10000x128xf32, #tpu.memory_space<vmem_shared>>)
        tpu.yield
      }) : () -> ()
      %dma_wait3A_59 = arith.constant 0 : i32
      %dma_wait3A_60 = tpu.memref_slice %arg9[%dma_wait3A_59] : memref<8000xi32, #tpu.memory_space<vmem>> -> memref<160xi32, #tpu.memory_space<vmem>>
      %dma_wait3A_61 = arith.constant 0 : i32
      %dma_wait3A_62 = arith.constant 0 : i32
      %dma_wait3A_63 = tpu.memref_slice %arg3[%dma_wait3A_61, %dma_wait3A_62] : memref<10000x128xf32, #tpu.memory_space<hbm>> -> memref<10000x128xf32, #tpu.memory_space<hbm>>
      tpu.wait_indirect_dma semaphore(%arg16 : memref<!tpu.dma_semaphore, #tpu.memory_space<semaphore_mem>>) src(%dma_wait3A_63 : memref<10000x128xf32, #tpu.memory_space<hbm>>) dst(%arg13 : memref<160x128xf32, #tpu.memory_space<vmem>>)
      %dma_wait3A_64 = arith.constant 0 : i32
      %dma_wait3A_65 = tpu.memref_slice %arg5[%dma_wait3A_64] : memref<320000xi32, #tpu.memory_space<hbm>> -> memref<160xi32, #tpu.memory_space<hbm>>
      %dma_wait3A_66 = arith.constant 0 : i32
      %dma_wait3A_67 = tpu.memref_slice %arg5[%dma_wait3A_66] : memref<320000xi32, #tpu.memory_space<hbm>> -> memref<160xi32, #tpu.memory_space<hbm>>
      tpu.wait_dma2 semaphore(%arg16 : memref<!tpu.dma_semaphore, #tpu.memory_space<semaphore_mem>>) src(%dma_wait3A_67 : memref<160xi32, #tpu.memory_space<hbm>>) dst(%arg11 : memref<160xi32, #tpu.memory_space<vmem>>)
      "tpu.region"() ({
        %run_scoped3A = tpu.sem_alloc : memref<!tpu.dma_semaphore, #tpu.memory_space<semaphore_mem>>
        %dma_start3A_142 = arith.constant 0 : i32
        %dma_start3A_143 = arith.constant 0 : i32
        %dma_start3A_144 = tpu.memref_slice %arg14[%dma_start3A_142, %dma_start3A_143] : memref<10000x128xf32, #tpu.memory_space<vmem_shared>> -> memref<10000x128xf32, #tpu.memory_space<vmem_shared>>
        tpu.enqueue_indirect_dma source(%arg13 : memref<160x128xf32, #tpu.memory_space<vmem>>) target(%dma_start3A_144 : memref<10000x128xf32, #tpu.memory_space<vmem_shared>>) offsets(%arg11 : memref<160xi32, #tpu.memory_space<vmem>>) semaphore(%run_scoped3A : memref<!tpu.dma_semaphore, #tpu.memory_space<semaphore_mem>>) {add = true}
        %dma_wait3A_145 = arith.constant 0 : i32
        %dma_wait3A_146 = arith.constant 0 : i32
        %dma_wait3A_147 = tpu.memref_slice %arg14[%dma_wait3A_145, %dma_wait3A_146] : memref<10000x128xf32, #tpu.memory_space<vmem_shared>> -> memref<10000x128xf32, #tpu.memory_space<vmem_shared>>
        tpu.wait_indirect_dma semaphore(%run_scoped3A : memref<!tpu.dma_semaphore, #tpu.memory_space<semaphore_mem>>) src(%arg13 : memref<160x128xf32, #tpu.memory_space<vmem>>) dst(%dma_wait3A_147 : memref<10000x128xf32, #tpu.memory_space<vmem_shared>>)
        tpu.yield
      }) : () -> ()
      %add3A_68 = arith.constant 8000 : i32
      %add3A_69 = arith.addi %mul3A_0, %add3A_68 : i32
      "tpu.region"() ({
        %run_scoped3A = tpu.sem_alloc : memref<!tpu.dma_semaphore, #tpu.memory_space<semaphore_mem>>
        %dma_start3A_142 = arith.constant 0 : i32
        %dma_start3A_143 = tpu.memref_slice %arg9[%dma_start3A_142] : memref<8000xi32, #tpu.memory_space<vmem>> -> memref<8000xi32, #tpu.memory_space<vmem>>
        %dma_start3A_144 = tpu.memref_slice %arg4[%add3A_69] : memref<320000xi32, #tpu.memory_space<hbm>> -> memref<8000xi32, #tpu.memory_space<hbm>>
        %dma_start3A_145 = arith.constant 0 : i32
        %dma_start3A_146 = tpu.memref_slice %arg9[%dma_start3A_145] : memref<8000xi32, #tpu.memory_space<vmem>> -> memref<8000xi32, #tpu.memory_space<vmem>>
        %dma_start3A_147 = tpu.memref_slice %arg4[%add3A_69] : memref<320000xi32, #tpu.memory_space<hbm>> -> memref<8000xi32, #tpu.memory_space<hbm>>
        tpu.enqueue_dma source(%dma_start3A_147 : memref<8000xi32, #tpu.memory_space<hbm>>) target(%dma_start3A_146 : memref<8000xi32, #tpu.memory_space<vmem>>) target_semaphore(%run_scoped3A : memref<!tpu.dma_semaphore, #tpu.memory_space<semaphore_mem>>)
        %dma_wait3A_148 = arith.constant 0 : i32
        %dma_wait3A_149 = tpu.memref_slice %arg9[%dma_wait3A_148] : memref<8000xi32, #tpu.memory_space<vmem>> -> memref<8000xi32, #tpu.memory_space<vmem>>
        %dma_wait3A_150 = tpu.memref_slice %arg4[%add3A_69] : memref<320000xi32, #tpu.memory_space<hbm>> -> memref<8000xi32, #tpu.memory_space<hbm>>
        %dma_wait3A_151 = arith.constant 0 : i32
        %dma_wait3A_152 = tpu.memref_slice %arg9[%dma_wait3A_151] : memref<8000xi32, #tpu.memory_space<vmem>> -> memref<8000xi32, #tpu.memory_space<vmem>>
        %dma_wait3A_153 = tpu.memref_slice %arg4[%add3A_69] : memref<320000xi32, #tpu.memory_space<hbm>> -> memref<8000xi32, #tpu.memory_space<hbm>>
        tpu.wait_dma2 semaphore(%run_scoped3A : memref<!tpu.dma_semaphore, #tpu.memory_space<semaphore_mem>>) src(%dma_wait3A_153 : memref<8000xi32, #tpu.memory_space<hbm>>) dst(%dma_wait3A_152 : memref<8000xi32, #tpu.memory_space<vmem>>)
        tpu.yield
      }) : () -> ()
      %add3A_70 = arith.constant 8000 : i32
      %add3A_71 = arith.addi %mul3A_0, %add3A_70 : i32
      %dma_start3A_72 = arith.constant 0 : i32
      %dma_start3A_73 = tpu.memref_slice %arg9[%dma_start3A_72] : memref<8000xi32, #tpu.memory_space<vmem>> -> memref<160xi32, #tpu.memory_space<vmem>>
      %dma_start3A_74 = arith.constant 0 : i32
      %dma_start3A_75 = arith.constant 0 : i32
      %dma_start3A_76 = tpu.memref_slice %arg3[%dma_start3A_74, %dma_start3A_75] : memref<10000x128xf32, #tpu.memory_space<hbm>> -> memref<10000x128xf32, #tpu.memory_space<hbm>>
      tpu.enqueue_indirect_dma source(%dma_start3A_76 : memref<10000x128xf32, #tpu.memory_space<hbm>>) target(%arg12 : memref<160x128xf32, #tpu.memory_space<vmem>>) offsets(%dma_start3A_73 : memref<160xi32, #tpu.memory_space<vmem>>) semaphore(%arg15 : memref<!tpu.dma_semaphore, #tpu.memory_space<semaphore_mem>>)
      %add3A_77 = arith.constant 0 : i32
      %add3A_78 = arith.addi %add3A_71, %add3A_77 : i32
      %dma_start3A_79 = tpu.memref_slice %arg5[%add3A_78] : memref<320000xi32, #tpu.memory_space<hbm>> -> memref<160xi32, #tpu.memory_space<hbm>>
      %dma_start3A_80 = tpu.memref_slice %arg5[%add3A_78] : memref<320000xi32, #tpu.memory_space<hbm>> -> memref<160xi32, #tpu.memory_space<hbm>>
      tpu.enqueue_dma source(%dma_start3A_80 : memref<160xi32, #tpu.memory_space<hbm>>) target(%arg10 : memref<160xi32, #tpu.memory_space<vmem>>) target_semaphore(%arg15 : memref<!tpu.dma_semaphore, #tpu.memory_space<semaphore_mem>>)
      %scan3A_81 = arith.constant 0 : i32
      %scan3A_82 = arith.constant 0 : i32
      %scan3A_83 = arith.constant 24 : i32
      %scan3A_84 = arith.addi %scan3A_82, %scan3A_83 : i32
      %scan3A_85 = arith.constant 1 : i32
      scf.for %scan3A_142 = %scan3A_82 to %scan3A_84 step %scan3A_85  : i32 {
        %mul3A_143 = arith.constant 2 : i32
        %mul3A_144 = arith.muli %mul3A_143, %scan3A_142 : i32
        %add3A_145 = arith.constant 1 : i32
        %add3A_146 = arith.addi %mul3A_144, %add3A_145 : i32
        %mul3A_147 = arith.constant 160 : i32
        %mul3A_148 = arith.muli %add3A_146, %mul3A_147 : i32
        %dma_start3A_149 = tpu.memref_slice %arg9[%mul3A_148] : memref<8000xi32, #tpu.memory_space<vmem>> -> memref<160xi32, #tpu.memory_space<vmem>>
        %dma_start3A_150 = arith.constant 0 : i32
        %dma_start3A_151 = arith.constant 0 : i32
        %dma_start3A_152 = tpu.memref_slice %arg3[%dma_start3A_150, %dma_start3A_151] : memref<10000x128xf32, #tpu.memory_space<hbm>> -> memref<10000x128xf32, #tpu.memory_space<hbm>>
        tpu.enqueue_indirect_dma source(%dma_start3A_152 : memref<10000x128xf32, #tpu.memory_space<hbm>>) target(%arg13 : memref<160x128xf32, #tpu.memory_space<vmem>>) offsets(%dma_start3A_149 : memref<160xi32, #tpu.memory_space<vmem>>) semaphore(%arg16 : memref<!tpu.dma_semaphore, #tpu.memory_space<semaphore_mem>>)
        %mul3A_153 = arith.constant 160 : i32
        %mul3A_154 = arith.muli %add3A_146, %mul3A_153 : i32
        %add3A_155 = arith.addi %add3A_71, %mul3A_154 : i32
        %dma_start3A_156 = tpu.memref_slice %arg5[%add3A_155] : memref<320000xi32, #tpu.memory_space<hbm>> -> memref<160xi32, #tpu.memory_space<hbm>>
        %dma_start3A_157 = tpu.memref_slice %arg5[%add3A_155] : memref<320000xi32, #tpu.memory_space<hbm>> -> memref<160xi32, #tpu.memory_space<hbm>>
        tpu.enqueue_dma source(%dma_start3A_157 : memref<160xi32, #tpu.memory_space<hbm>>) target(%arg11 : memref<160xi32, #tpu.memory_space<vmem>>) target_semaphore(%arg16 : memref<!tpu.dma_semaphore, #tpu.memory_space<semaphore_mem>>)
        %dma_wait3A_158 = arith.constant 0 : i32
        %dma_wait3A_159 = tpu.memref_slice %arg9[%dma_wait3A_158] : memref<8000xi32, #tpu.memory_space<vmem>> -> memref<160xi32, #tpu.memory_space<vmem>>
        %dma_wait3A_160 = arith.constant 0 : i32
        %dma_wait3A_161 = arith.constant 0 : i32
        %dma_wait3A_162 = tpu.memref_slice %arg3[%dma_wait3A_160, %dma_wait3A_161] : memref<10000x128xf32, #tpu.memory_space<hbm>> -> memref<10000x128xf32, #tpu.memory_space<hbm>>
        tpu.wait_indirect_dma semaphore(%arg15 : memref<!tpu.dma_semaphore, #tpu.memory_space<semaphore_mem>>) src(%dma_wait3A_162 : memref<10000x128xf32, #tpu.memory_space<hbm>>) dst(%arg12 : memref<160x128xf32, #tpu.memory_space<vmem>>)
        %dma_wait3A_163 = arith.constant 0 : i32
        %dma_wait3A_164 = tpu.memref_slice %arg5[%dma_wait3A_163] : memref<320000xi32, #tpu.memory_space<hbm>> -> memref<160xi32, #tpu.memory_space<hbm>>
        %dma_wait3A_165 = arith.constant 0 : i32
        %dma_wait3A_166 = tpu.memref_slice %arg5[%dma_wait3A_165] : memref<320000xi32, #tpu.memory_space<hbm>> -> memref<160xi32, #tpu.memory_space<hbm>>
        tpu.wait_dma2 semaphore(%arg15 : memref<!tpu.dma_semaphore, #tpu.memory_space<semaphore_mem>>) src(%dma_wait3A_166 : memref<160xi32, #tpu.memory_space<hbm>>) dst(%arg10 : memref<160xi32, #tpu.memory_space<vmem>>)
        "tpu.region"() ({
          %run_scoped3A = tpu.sem_alloc : memref<!tpu.dma_semaphore, #tpu.memory_space<semaphore_mem>>
          %dma_start3A_191 = arith.constant 0 : i32
          %dma_start3A_192 = arith.constant 0 : i32
          %dma_start3A_193 = tpu.memref_slice %arg14[%dma_start3A_191, %dma_start3A_192] : memref<10000x128xf32, #tpu.memory_space<vmem_shared>> -> memref<10000x128xf32, #tpu.memory_space<vmem_shared>>
          tpu.enqueue_indirect_dma source(%arg12 : memref<160x128xf32, #tpu.memory_space<vmem>>) target(%dma_start3A_193 : memref<10000x128xf32, #tpu.memory_space<vmem_shared>>) offsets(%arg10 : memref<160xi32, #tpu.memory_space<vmem>>) semaphore(%run_scoped3A : memref<!tpu.dma_semaphore, #tpu.memory_space<semaphore_mem>>) {add = true}
          %dma_wait3A_194 = arith.constant 0 : i32
          %dma_wait3A_195 = arith.constant 0 : i32
          %dma_wait3A_196 = tpu.memref_slice %arg14[%dma_wait3A_194, %dma_wait3A_195] : memref<10000x128xf32, #tpu.memory_space<vmem_shared>> -> memref<10000x128xf32, #tpu.memory_space<vmem_shared>>
          tpu.wait_indirect_dma semaphore(%run_scoped3A : memref<!tpu.dma_semaphore, #tpu.memory_space<semaphore_mem>>) src(%arg12 : memref<160x128xf32, #tpu.memory_space<vmem>>) dst(%dma_wait3A_196 : memref<10000x128xf32, #tpu.memory_space<vmem_shared>>)
          tpu.yield
        }) : () -> ()
        %mul3A_167 = arith.constant 2 : i32
        %mul3A_168 = arith.muli %mul3A_167, %scan3A_142 : i32
        %add3A_169 = arith.constant 2 : i32
        %add3A_170 = arith.addi %mul3A_168, %add3A_169 : i32
        %mul3A_171 = arith.constant 160 : i32
        %mul3A_172 = arith.muli %add3A_170, %mul3A_171 : i32
        %dma_start3A_173 = tpu.memref_slice %arg9[%mul3A_172] : memref<8000xi32, #tpu.memory_space<vmem>> -> memref<160xi32, #tpu.memory_space<vmem>>
        %dma_start3A_174 = arith.constant 0 : i32
        %dma_start3A_175 = arith.constant 0 : i32
        %dma_start3A_176 = tpu.memref_slice %arg3[%dma_start3A_174, %dma_start3A_175] : memref<10000x128xf32, #tpu.memory_space<hbm>> -> memref<10000x128xf32, #tpu.memory_space<hbm>>
        tpu.enqueue_indirect_dma source(%dma_start3A_176 : memref<10000x128xf32, #tpu.memory_space<hbm>>) target(%arg12 : memref<160x128xf32, #tpu.memory_space<vmem>>) offsets(%dma_start3A_173 : memref<160xi32, #tpu.memory_space<vmem>>) semaphore(%arg15 : memref<!tpu.dma_semaphore, #tpu.memory_space<semaphore_mem>>)
        %mul3A_177 = arith.constant 160 : i32
        %mul3A_178 = arith.muli %add3A_170, %mul3A_177 : i32
        %add3A_179 = arith.addi %add3A_71, %mul3A_178 : i32
        %dma_start3A_180 = tpu.memref_slice %arg5[%add3A_179] : memref<320000xi32, #tpu.memory_space<hbm>> -> memref<160xi32, #tpu.memory_space<hbm>>
        %dma_start3A_181 = tpu.memref_slice %arg5[%add3A_179] : memref<320000xi32, #tpu.memory_space<hbm>> -> memref<160xi32, #tpu.memory_space<hbm>>
        tpu.enqueue_dma source(%dma_start3A_181 : memref<160xi32, #tpu.memory_space<hbm>>) target(%arg10 : memref<160xi32, #tpu.memory_space<vmem>>) target_semaphore(%arg15 : memref<!tpu.dma_semaphore, #tpu.memory_space<semaphore_mem>>)
        %dma_wait3A_182 = arith.constant 0 : i32
        %dma_wait3A_183 = tpu.memref_slice %arg9[%dma_wait3A_182] : memref<8000xi32, #tpu.memory_space<vmem>> -> memref<160xi32, #tpu.memory_space<vmem>>
        %dma_wait3A_184 = arith.constant 0 : i32
        %dma_wait3A_185 = arith.constant 0 : i32
        %dma_wait3A_186 = tpu.memref_slice %arg3[%dma_wait3A_184, %dma_wait3A_185] : memref<10000x128xf32, #tpu.memory_space<hbm>> -> memref<10000x128xf32, #tpu.memory_space<hbm>>
        tpu.wait_indirect_dma semaphore(%arg16 : memref<!tpu.dma_semaphore, #tpu.memory_space<semaphore_mem>>) src(%dma_wait3A_186 : memref<10000x128xf32, #tpu.memory_space<hbm>>) dst(%arg13 : memref<160x128xf32, #tpu.memory_space<vmem>>)
        %dma_wait3A_187 = arith.constant 0 : i32
        %dma_wait3A_188 = tpu.memref_slice %arg5[%dma_wait3A_187] : memref<320000xi32, #tpu.memory_space<hbm>> -> memref<160xi32, #tpu.memory_space<hbm>>
        %dma_wait3A_189 = arith.constant 0 : i32
        %dma_wait3A_190 = tpu.memref_slice %arg5[%dma_wait3A_189] : memref<320000xi32, #tpu.memory_space<hbm>> -> memref<160xi32, #tpu.memory_space<hbm>>
        tpu.wait_dma2 semaphore(%arg16 : memref<!tpu.dma_semaphore, #tpu.memory_space<semaphore_mem>>) src(%dma_wait3A_190 : memref<160xi32, #tpu.memory_space<hbm>>) dst(%arg11 : memref<160xi32, #tpu.memory_space<vmem>>)
        "tpu.region"() ({
          %run_scoped3A = tpu.sem_alloc : memref<!tpu.dma_semaphore, #tpu.memory_space<semaphore_mem>>
          %dma_start3A_191 = arith.constant 0 : i32
          %dma_start3A_192 = arith.constant 0 : i32
          %dma_start3A_193 = tpu.memref_slice %arg14[%dma_start3A_191, %dma_start3A_192] : memref<10000x128xf32, #tpu.memory_space<vmem_shared>> -> memref<10000x128xf32, #tpu.memory_space<vmem_shared>>
          tpu.enqueue_indirect_dma source(%arg13 : memref<160x128xf32, #tpu.memory_space<vmem>>) target(%dma_start3A_193 : memref<10000x128xf32, #tpu.memory_space<vmem_shared>>) offsets(%arg11 : memref<160xi32, #tpu.memory_space<vmem>>) semaphore(%run_scoped3A : memref<!tpu.dma_semaphore, #tpu.memory_space<semaphore_mem>>) {add = true}
          %dma_wait3A_194 = arith.constant 0 : i32
          %dma_wait3A_195 = arith.constant 0 : i32
          %dma_wait3A_196 = tpu.memref_slice %arg14[%dma_wait3A_194, %dma_wait3A_195] : memref<10000x128xf32, #tpu.memory_space<vmem_shared>> -> memref<10000x128xf32, #tpu.memory_space<vmem_shared>>
          tpu.wait_indirect_dma semaphore(%run_scoped3A : memref<!tpu.dma_semaphore, #tpu.memory_space<semaphore_mem>>) src(%arg13 : memref<160x128xf32, #tpu.memory_space<vmem>>) dst(%dma_wait3A_196 : memref<10000x128xf32, #tpu.memory_space<vmem_shared>>)
          tpu.yield
        }) : () -> ()
      }
      %scan3A_86 = arith.constant 24 : i32
      %dma_start3A_87 = arith.constant 7840 : i32
      %dma_start3A_88 = tpu.memref_slice %arg9[%dma_start3A_87] : memref<8000xi32, #tpu.memory_space<vmem>> -> memref<160xi32, #tpu.memory_space<vmem>>
      %dma_start3A_89 = arith.constant 0 : i32
      %dma_start3A_90 = arith.constant 0 : i32
      %dma_start3A_91 = tpu.memref_slice %arg3[%dma_start3A_89, %dma_start3A_90] : memref<10000x128xf32, #tpu.memory_space<hbm>> -> memref<10000x128xf32, #tpu.memory_space<hbm>>
      tpu.enqueue_indirect_dma source(%dma_start3A_91 : memref<10000x128xf32, #tpu.memory_space<hbm>>) target(%arg13 : memref<160x128xf32, #tpu.memory_space<vmem>>) offsets(%dma_start3A_88 : memref<160xi32, #tpu.memory_space<vmem>>) semaphore(%arg16 : memref<!tpu.dma_semaphore, #tpu.memory_space<semaphore_mem>>)
      %add3A_92 = arith.constant 7840 : i32
      %add3A_93 = arith.addi %add3A_71, %add3A_92 : i32
      %dma_start3A_94 = tpu.memref_slice %arg5[%add3A_93] : memref<320000xi32, #tpu.memory_space<hbm>> -> memref<160xi32, #tpu.memory_space<hbm>>
      %dma_start3A_95 = tpu.memref_slice %arg5[%add3A_93] : memref<320000xi32, #tpu.memory_space<hbm>> -> memref<160xi32, #tpu.memory_space<hbm>>
      tpu.enqueue_dma source(%dma_start3A_95 : memref<160xi32, #tpu.memory_space<hbm>>) target(%arg11 : memref<160xi32, #tpu.memory_space<vmem>>) target_semaphore(%arg16 : memref<!tpu.dma_semaphore, #tpu.memory_space<semaphore_mem>>)
      %dma_wait3A_96 = arith.constant 0 : i32
      %dma_wait3A_97 = tpu.memref_slice %arg9[%dma_wait3A_96] : memref<8000xi32, #tpu.memory_space<vmem>> -> memref<160xi32, #tpu.memory_space<vmem>>
      %dma_wait3A_98 = arith.constant 0 : i32
      %dma_wait3A_99 = arith.constant 0 : i32
      %dma_wait3A_100 = tpu.memref_slice %arg3[%dma_wait3A_98, %dma_wait3A_99] : memref<10000x128xf32, #tpu.memory_space<hbm>> -> memref<10000x128xf32, #tpu.memory_space<hbm>>
      tpu.wait_indirect_dma semaphore(%arg15 : memref<!tpu.dma_semaphore, #tpu.memory_space<semaphore_mem>>) src(%dma_wait3A_100 : memref<10000x128xf32, #tpu.memory_space<hbm>>) dst(%arg12 : memref<160x128xf32, #tpu.memory_space<vmem>>)
      %dma_wait3A_101 = arith.constant 0 : i32
      %dma_wait3A_102 = tpu.memref_slice %arg5[%dma_wait3A_101] : memref<320000xi32, #tpu.memory_space<hbm>> -> memref<160xi32, #tpu.memory_space<hbm>>
      %dma_wait3A_103 = arith.constant 0 : i32
      %dma_wait3A_104 = tpu.memref_slice %arg5[%dma_wait3A_103] : memref<320000xi32, #tpu.memory_space<hbm>> -> memref<160xi32, #tpu.memory_space<hbm>>
      tpu.wait_dma2 semaphore(%arg15 : memref<!tpu.dma_semaphore, #tpu.memory_space<semaphore_mem>>) src(%dma_wait3A_104 : memref<160xi32, #tpu.memory_space<hbm>>) dst(%arg10 : memref<160xi32, #tpu.memory_space<vmem>>)
      "tpu.region"() ({
        %run_scoped3A = tpu.sem_alloc : memref<!tpu.dma_semaphore, #tpu.memory_space<semaphore_mem>>
        %dma_start3A_142 = arith.constant 0 : i32
        %dma_start3A_143 = arith.constant 0 : i32
        %dma_start3A_144 = tpu.memref_slice %arg14[%dma_start3A_142, %dma_start3A_143] : memref<10000x128xf32, #tpu.memory_space<vmem_shared>> -> memref<10000x128xf32, #tpu.memory_space<vmem_shared>>
        tpu.enqueue_indirect_dma source(%arg12 : memref<160x128xf32, #tpu.memory_space<vmem>>) target(%dma_start3A_144 : memref<10000x128xf32, #tpu.memory_space<vmem_shared>>) offsets(%arg10 : memref<160xi32, #tpu.memory_space<vmem>>) semaphore(%run_scoped3A : memref<!tpu.dma_semaphore, #tpu.memory_space<semaphore_mem>>) {add = true}
        %dma_wait3A_145 = arith.constant 0 : i32
        %dma_wait3A_146 = arith.constant 0 : i32
        %dma_wait3A_147 = tpu.memref_slice %arg14[%dma_wait3A_145, %dma_wait3A_146] : memref<10000x128xf32, #tpu.memory_space<vmem_shared>> -> memref<10000x128xf32, #tpu.memory_space<vmem_shared>>
        tpu.wait_indirect_dma semaphore(%run_scoped3A : memref<!tpu.dma_semaphore, #tpu.memory_space<semaphore_mem>>) src(%arg12 : memref<160x128xf32, #tpu.memory_space<vmem>>) dst(%dma_wait3A_147 : memref<10000x128xf32, #tpu.memory_space<vmem_shared>>)
        tpu.yield
      }) : () -> ()
      %dma_wait3A_105 = arith.constant 0 : i32
      %dma_wait3A_106 = tpu.memref_slice %arg9[%dma_wait3A_105] : memref<8000xi32, #tpu.memory_space<vmem>> -> memref<160xi32, #tpu.memory_space<vmem>>
      %dma_wait3A_107 = arith.constant 0 : i32
      %dma_wait3A_108 = arith.constant 0 : i32
      %dma_wait3A_109 = tpu.memref_slice %arg3[%dma_wait3A_107, %dma_wait3A_108] : memref<10000x128xf32, #tpu.memory_space<hbm>> -> memref<10000x128xf32, #tpu.memory_space<hbm>>
      tpu.wait_indirect_dma semaphore(%arg16 : memref<!tpu.dma_semaphore, #tpu.memory_space<semaphore_mem>>) src(%dma_wait3A_109 : memref<10000x128xf32, #tpu.memory_space<hbm>>) dst(%arg13 : memref<160x128xf32, #tpu.memory_space<vmem>>)
      %dma_wait3A_110 = arith.constant 0 : i32
      %dma_wait3A_111 = tpu.memref_slice %arg5[%dma_wait3A_110] : memref<320000xi32, #tpu.memory_space<hbm>> -> memref<160xi32, #tpu.memory_space<hbm>>
      %dma_wait3A_112 = arith.constant 0 : i32
      %dma_wait3A_113 = tpu.memref_slice %arg5[%dma_wait3A_112] : memref<320000xi32, #tpu.memory_space<hbm>> -> memref<160xi32, #tpu.memory_space<hbm>>
      tpu.wait_dma2 semaphore(%arg16 : memref<!tpu.dma_semaphore, #tpu.memory_space<semaphore_mem>>) src(%dma_wait3A_113 : memref<160xi32, #tpu.memory_space<hbm>>) dst(%arg11 : memref<160xi32, #tpu.memory_space<vmem>>)
      "tpu.region"() ({
        %run_scoped3A = tpu.sem_alloc : memref<!tpu.dma_semaphore, #tpu.memory_space<semaphore_mem>>
        %dma_start3A_142 = arith.constant 0 : i32
        %dma_start3A_143 = arith.constant 0 : i32
        %dma_start3A_144 = tpu.memref_slice %arg14[%dma_start3A_142, %dma_start3A_143] : memref<10000x128xf32, #tpu.memory_space<vmem_shared>> -> memref<10000x128xf32, #tpu.memory_space<vmem_shared>>
        tpu.enqueue_indirect_dma source(%arg13 : memref<160x128xf32, #tpu.memory_space<vmem>>) target(%dma_start3A_144 : memref<10000x128xf32, #tpu.memory_space<vmem_shared>>) offsets(%arg11 : memref<160xi32, #tpu.memory_space<vmem>>) semaphore(%run_scoped3A : memref<!tpu.dma_semaphore, #tpu.memory_space<semaphore_mem>>) {add = true}
        %dma_wait3A_145 = arith.constant 0 : i32
        %dma_wait3A_146 = arith.constant 0 : i32
        %dma_wait3A_147 = tpu.memref_slice %arg14[%dma_wait3A_145, %dma_wait3A_146] : memref<10000x128xf32, #tpu.memory_space<vmem_shared>> -> memref<10000x128xf32, #tpu.memory_space<vmem_shared>>
        tpu.wait_indirect_dma semaphore(%run_scoped3A : memref<!tpu.dma_semaphore, #tpu.memory_space<semaphore_mem>>) src(%arg13 : memref<160x128xf32, #tpu.memory_space<vmem>>) dst(%dma_wait3A_147 : memref<10000x128xf32, #tpu.memory_space<vmem_shared>>)
        tpu.yield
      }) : () -> ()
      %add3A_114 = arith.constant 16000 : i32
      %add3A_115 = arith.addi %mul3A_0, %add3A_114 : i32
      "tpu.region"() ({
        %run_scoped3A = tpu.sem_alloc : memref<!tpu.dma_semaphore, #tpu.memory_space<semaphore_mem>>
        %dma_start3A_142 = arith.constant 0 : i32
        %dma_start3A_143 = tpu.memref_slice %arg9[%dma_start3A_142] : memref<8000xi32, #tpu.memory_space<vmem>> -> memref<4000xi32, #tpu.memory_space<vmem>>
        %dma_start3A_144 = tpu.memref_slice %arg4[%add3A_115] : memref<320000xi32, #tpu.memory_space<hbm>> -> memref<4000xi32, #tpu.memory_space<hbm>>
        %dma_start3A_145 = arith.constant 0 : i32
        %dma_start3A_146 = tpu.memref_slice %arg9[%dma_start3A_145] : memref<8000xi32, #tpu.memory_space<vmem>> -> memref<4000xi32, #tpu.memory_space<vmem>>
        %dma_start3A_147 = tpu.memref_slice %arg4[%add3A_115] : memref<320000xi32, #tpu.memory_space<hbm>> -> memref<4000xi32, #tpu.memory_space<hbm>>
        tpu.enqueue_dma source(%dma_start3A_147 : memref<4000xi32, #tpu.memory_space<hbm>>) target(%dma_start3A_146 : memref<4000xi32, #tpu.memory_space<vmem>>) target_semaphore(%run_scoped3A : memref<!tpu.dma_semaphore, #tpu.memory_space<semaphore_mem>>)
        %dma_wait3A_148 = arith.constant 0 : i32
        %dma_wait3A_149 = tpu.memref_slice %arg9[%dma_wait3A_148] : memref<8000xi32, #tpu.memory_space<vmem>> -> memref<4000xi32, #tpu.memory_space<vmem>>
        %dma_wait3A_150 = tpu.memref_slice %arg4[%add3A_115] : memref<320000xi32, #tpu.memory_space<hbm>> -> memref<4000xi32, #tpu.memory_space<hbm>>
        %dma_wait3A_151 = arith.constant 0 : i32
        %dma_wait3A_152 = tpu.memref_slice %arg9[%dma_wait3A_151] : memref<8000xi32, #tpu.memory_space<vmem>> -> memref<4000xi32, #tpu.memory_space<vmem>>
        %dma_wait3A_153 = tpu.memref_slice %arg4[%add3A_115] : memref<320000xi32, #tpu.memory_space<hbm>> -> memref<4000xi32, #tpu.memory_space<hbm>>
        tpu.wait_dma2 semaphore(%run_scoped3A : memref<!tpu.dma_semaphore, #tpu.memory_space<semaphore_mem>>) src(%dma_wait3A_153 : memref<4000xi32, #tpu.memory_space<hbm>>) dst(%dma_wait3A_152 : memref<4000xi32, #tpu.memory_space<vmem>>)
        tpu.yield
      }) : () -> ()
      %add3A_116 = arith.constant 16000 : i32
      %add3A_117 = arith.addi %mul3A_0, %add3A_116 : i32
      %dma_start3A_118 = arith.constant 0 : i32
      %dma_start3A_119 = tpu.memref_slice %arg9[%dma_start3A_118] : memref<8000xi32, #tpu.memory_space<vmem>> -> memref<160xi32, #tpu.memory_space<vmem>>
      %dma_start3A_120 = arith.constant 0 : i32
      %dma_start3A_121 = arith.constant 0 : i32
      %dma_start3A_122 = tpu.memref_slice %arg3[%dma_start3A_120, %dma_start3A_121] : memref<10000x128xf32, #tpu.memory_space<hbm>> -> memref<10000x128xf32, #tpu.memory_space<hbm>>
      tpu.enqueue_indirect_dma source(%dma_start3A_122 : memref<10000x128xf32, #tpu.memory_space<hbm>>) target(%arg12 : memref<160x128xf32, #tpu.memory_space<vmem>>) offsets(%dma_start3A_119 : memref<160xi32, #tpu.memory_space<vmem>>) semaphore(%arg15 : memref<!tpu.dma_semaphore, #tpu.memory_space<semaphore_mem>>)
      %add3A_123 = arith.constant 0 : i32
      %add3A_124 = arith.addi %add3A_117, %add3A_123 : i32
      %dma_start3A_125 = tpu.memref_slice %arg5[%add3A_124] : memref<320000xi32, #tpu.memory_space<hbm>> -> memref<160xi32, #tpu.memory_space<hbm>>
      %dma_start3A_126 = tpu.memref_slice %arg5[%add3A_124] : memref<320000xi32, #tpu.memory_space<hbm>> -> memref<160xi32, #tpu.memory_space<hbm>>
      tpu.enqueue_dma source(%dma_start3A_126 : memref<160xi32, #tpu.memory_space<hbm>>) target(%arg10 : memref<160xi32, #tpu.memory_space<vmem>>) target_semaphore(%arg15 : memref<!tpu.dma_semaphore, #tpu.memory_space<semaphore_mem>>)
      %scan3A_127 = arith.constant 0 : i32
      %scan3A_128 = arith.constant 0 : i32
      %scan3A_129 = arith.constant 12 : i32
      %scan3A_130 = arith.addi %scan3A_128, %scan3A_129 : i32
      %scan3A_131 = arith.constant 1 : i32
      scf.for %scan3A_142 = %scan3A_128 to %scan3A_130 step %scan3A_131  : i32 {
        %mul3A_143 = arith.constant 2 : i32
        %mul3A_144 = arith.muli %mul3A_143, %scan3A_142 : i32
        %add3A_145 = arith.constant 1 : i32
        %add3A_146 = arith.addi %mul3A_144, %add3A_145 : i32
        %mul3A_147 = arith.constant 160 : i32
        %mul3A_148 = arith.muli %add3A_146, %mul3A_147 : i32
        %dma_start3A_149 = tpu.memref_slice %arg9[%mul3A_148] : memref<8000xi32, #tpu.memory_space<vmem>> -> memref<160xi32, #tpu.memory_space<vmem>>
        %dma_start3A_150 = arith.constant 0 : i32
        %dma_start3A_151 = arith.constant 0 : i32
        %dma_start3A_152 = tpu.memref_slice %arg3[%dma_start3A_150, %dma_start3A_151] : memref<10000x128xf32, #tpu.memory_space<hbm>> -> memref<10000x128xf32, #tpu.memory_space<hbm>>
        tpu.enqueue_indirect_dma source(%dma_start3A_152 : memref<10000x128xf32, #tpu.memory_space<hbm>>) target(%arg13 : memref<160x128xf32, #tpu.memory_space<vmem>>) offsets(%dma_start3A_149 : memref<160xi32, #tpu.memory_space<vmem>>) semaphore(%arg16 : memref<!tpu.dma_semaphore, #tpu.memory_space<semaphore_mem>>)
        %mul3A_153 = arith.constant 160 : i32
        %mul3A_154 = arith.muli %add3A_146, %mul3A_153 : i32
        %add3A_155 = arith.addi %add3A_117, %mul3A_154 : i32
        %dma_start3A_156 = tpu.memref_slice %arg5[%add3A_155] : memref<320000xi32, #tpu.memory_space<hbm>> -> memref<160xi32, #tpu.memory_space<hbm>>
        %dma_start3A_157 = tpu.memref_slice %arg5[%add3A_155] : memref<320000xi32, #tpu.memory_space<hbm>> -> memref<160xi32, #tpu.memory_space<hbm>>
        tpu.enqueue_dma source(%dma_start3A_157 : memref<160xi32, #tpu.memory_space<hbm>>) target(%arg11 : memref<160xi32, #tpu.memory_space<vmem>>) target_semaphore(%arg16 : memref<!tpu.dma_semaphore, #tpu.memory_space<semaphore_mem>>)
        %dma_wait3A_158 = arith.constant 0 : i32
        %dma_wait3A_159 = tpu.memref_slice %arg9[%dma_wait3A_158] : memref<8000xi32, #tpu.memory_space<vmem>> -> memref<160xi32, #tpu.memory_space<vmem>>
        %dma_wait3A_160 = arith.constant 0 : i32
        %dma_wait3A_161 = arith.constant 0 : i32
        %dma_wait3A_162 = tpu.memref_slice %arg3[%dma_wait3A_160, %dma_wait3A_161] : memref<10000x128xf32, #tpu.memory_space<hbm>> -> memref<10000x128xf32, #tpu.memory_space<hbm>>
        tpu.wait_indirect_dma semaphore(%arg15 : memref<!tpu.dma_semaphore, #tpu.memory_space<semaphore_mem>>) src(%dma_wait3A_162 : memref<10000x128xf32, #tpu.memory_space<hbm>>) dst(%arg12 : memref<160x128xf32, #tpu.memory_space<vmem>>)
        %dma_wait3A_163 = arith.constant 0 : i32
        %dma_wait3A_164 = tpu.memref_slice %arg5[%dma_wait3A_163] : memref<320000xi32, #tpu.memory_space<hbm>> -> memref<160xi32, #tpu.memory_space<hbm>>
        %dma_wait3A_165 = arith.constant 0 : i32
        %dma_wait3A_166 = tpu.memref_slice %arg5[%dma_wait3A_165] : memref<320000xi32, #tpu.memory_space<hbm>> -> memref<160xi32, #tpu.memory_space<hbm>>
        tpu.wait_dma2 semaphore(%arg15 : memref<!tpu.dma_semaphore, #tpu.memory_space<semaphore_mem>>) src(%dma_wait3A_166 : memref<160xi32, #tpu.memory_space<hbm>>) dst(%arg10 : memref<160xi32, #tpu.memory_space<vmem>>)
        "tpu.region"() ({
          %run_scoped3A = tpu.sem_alloc : memref<!tpu.dma_semaphore, #tpu.memory_space<semaphore_mem>>
          %dma_start3A_191 = arith.constant 0 : i32
          %dma_start3A_192 = arith.constant 0 : i32
          %dma_start3A_193 = tpu.memref_slice %arg14[%dma_start3A_191, %dma_start3A_192] : memref<10000x128xf32, #tpu.memory_space<vmem_shared>> -> memref<10000x128xf32, #tpu.memory_space<vmem_shared>>
          tpu.enqueue_indirect_dma source(%arg12 : memref<160x128xf32, #tpu.memory_space<vmem>>) target(%dma_start3A_193 : memref<10000x128xf32, #tpu.memory_space<vmem_shared>>) offsets(%arg10 : memref<160xi32, #tpu.memory_space<vmem>>) semaphore(%run_scoped3A : memref<!tpu.dma_semaphore, #tpu.memory_space<semaphore_mem>>) {add = true}
          %dma_wait3A_194 = arith.constant 0 : i32
          %dma_wait3A_195 = arith.constant 0 : i32
          %dma_wait3A_196 = tpu.memref_slice %arg14[%dma_wait3A_194, %dma_wait3A_195] : memref<10000x128xf32, #tpu.memory_space<vmem_shared>> -> memref<10000x128xf32, #tpu.memory_space<vmem_shared>>
          tpu.wait_indirect_dma semaphore(%run_scoped3A : memref<!tpu.dma_semaphore, #tpu.memory_space<semaphore_mem>>) src(%arg12 : memref<160x128xf32, #tpu.memory_space<vmem>>) dst(%dma_wait3A_196 : memref<10000x128xf32, #tpu.memory_space<vmem_shared>>)
          tpu.yield
        }) : () -> ()
        %mul3A_167 = arith.constant 2 : i32
        %mul3A_168 = arith.muli %mul3A_167, %scan3A_142 : i32
        %add3A_169 = arith.constant 2 : i32
        %add3A_170 = arith.addi %mul3A_168, %add3A_169 : i32
        %mul3A_171 = arith.constant 160 : i32
        %mul3A_172 = arith.muli %add3A_170, %mul3A_171 : i32
        %dma_start3A_173 = tpu.memref_slice %arg9[%mul3A_172] : memref<8000xi32, #tpu.memory_space<vmem>> -> memref<160xi32, #tpu.memory_space<vmem>>
        %dma_start3A_174 = arith.constant 0 : i32
        %dma_start3A_175 = arith.constant 0 : i32
        %dma_start3A_176 = tpu.memref_slice %arg3[%dma_start3A_174, %dma_start3A_175] : memref<10000x128xf32, #tpu.memory_space<hbm>> -> memref<10000x128xf32, #tpu.memory_space<hbm>>
        tpu.enqueue_indirect_dma source(%dma_start3A_176 : memref<10000x128xf32, #tpu.memory_space<hbm>>) target(%arg12 : memref<160x128xf32, #tpu.memory_space<vmem>>) offsets(%dma_start3A_173 : memref<160xi32, #tpu.memory_space<vmem>>) semaphore(%arg15 : memref<!tpu.dma_semaphore, #tpu.memory_space<semaphore_mem>>)
        %mul3A_177 = arith.constant 160 : i32
        %mul3A_178 = arith.muli %add3A_170, %mul3A_177 : i32
        %add3A_179 = arith.addi %add3A_117, %mul3A_178 : i32
        %dma_start3A_180 = tpu.memref_slice %arg5[%add3A_179] : memref<320000xi32, #tpu.memory_space<hbm>> -> memref<160xi32, #tpu.memory_space<hbm>>
        %dma_start3A_181 = tpu.memref_slice %arg5[%add3A_179] : memref<320000xi32, #tpu.memory_space<hbm>> -> memref<160xi32, #tpu.memory_space<hbm>>
        tpu.enqueue_dma source(%dma_start3A_181 : memref<160xi32, #tpu.memory_space<hbm>>) target(%arg10 : memref<160xi32, #tpu.memory_space<vmem>>) target_semaphore(%arg15 : memref<!tpu.dma_semaphore, #tpu.memory_space<semaphore_mem>>)
        %dma_wait3A_182 = arith.constant 0 : i32
        %dma_wait3A_183 = tpu.memref_slice %arg9[%dma_wait3A_182] : memref<8000xi32, #tpu.memory_space<vmem>> -> memref<160xi32, #tpu.memory_space<vmem>>
        %dma_wait3A_184 = arith.constant 0 : i32
        %dma_wait3A_185 = arith.constant 0 : i32
        %dma_wait3A_186 = tpu.memref_slice %arg3[%dma_wait3A_184, %dma_wait3A_185] : memref<10000x128xf32, #tpu.memory_space<hbm>> -> memref<10000x128xf32, #tpu.memory_space<hbm>>
        tpu.wait_indirect_dma semaphore(%arg16 : memref<!tpu.dma_semaphore, #tpu.memory_space<semaphore_mem>>) src(%dma_wait3A_186 : memref<10000x128xf32, #tpu.memory_space<hbm>>) dst(%arg13 : memref<160x128xf32, #tpu.memory_space<vmem>>)
        %dma_wait3A_187 = arith.constant 0 : i32
        %dma_wait3A_188 = tpu.memref_slice %arg5[%dma_wait3A_187] : memref<320000xi32, #tpu.memory_space<hbm>> -> memref<160xi32, #tpu.memory_space<hbm>>
        %dma_wait3A_189 = arith.constant 0 : i32
        %dma_wait3A_190 = tpu.memref_slice %arg5[%dma_wait3A_189] : memref<320000xi32, #tpu.memory_space<hbm>> -> memref<160xi32, #tpu.memory_space<hbm>>
        tpu.wait_dma2 semaphore(%arg16 : memref<!tpu.dma_semaphore, #tpu.memory_space<semaphore_mem>>) src(%dma_wait3A_190 : memref<160xi32, #tpu.memory_space<hbm>>) dst(%arg11 : memref<160xi32, #tpu.memory_space<vmem>>)
        "tpu.region"() ({
          %run_scoped3A = tpu.sem_alloc : memref<!tpu.dma_semaphore, #tpu.memory_space<semaphore_mem>>
          %dma_start3A_191 = arith.constant 0 : i32
          %dma_start3A_192 = arith.constant 0 : i32
          %dma_start3A_193 = tpu.memref_slice %arg14[%dma_start3A_191, %dma_start3A_192] : memref<10000x128xf32, #tpu.memory_space<vmem_shared>> -> memref<10000x128xf32, #tpu.memory_space<vmem_shared>>
          tpu.enqueue_indirect_dma source(%arg13 : memref<160x128xf32, #tpu.memory_space<vmem>>) target(%dma_start3A_193 : memref<10000x128xf32, #tpu.memory_space<vmem_shared>>) offsets(%arg11 : memref<160xi32, #tpu.memory_space<vmem>>) semaphore(%run_scoped3A : memref<!tpu.dma_semaphore, #tpu.memory_space<semaphore_mem>>) {add = true}
          %dma_wait3A_194 = arith.constant 0 : i32
          %dma_wait3A_195 = arith.constant 0 : i32
          %dma_wait3A_196 = tpu.memref_slice %arg14[%dma_wait3A_194, %dma_wait3A_195] : memref<10000x128xf32, #tpu.memory_space<vmem_shared>> -> memref<10000x128xf32, #tpu.memory_space<vmem_shared>>
          tpu.wait_indirect_dma semaphore(%run_scoped3A : memref<!tpu.dma_semaphore, #tpu.memory_space<semaphore_mem>>) src(%arg13 : memref<160x128xf32, #tpu.memory_space<vmem>>) dst(%dma_wait3A_196 : memref<10000x128xf32, #tpu.memory_space<vmem_shared>>)
          tpu.yield
        }) : () -> ()
      }
      %scan3A_132 = arith.constant 12 : i32
      %dma_wait3A_133 = arith.constant 0 : i32
      %dma_wait3A_134 = tpu.memref_slice %arg9[%dma_wait3A_133] : memref<8000xi32, #tpu.memory_space<vmem>> -> memref<160xi32, #tpu.memory_space<vmem>>
      %dma_wait3A_135 = arith.constant 0 : i32
      %dma_wait3A_136 = arith.constant 0 : i32
      %dma_wait3A_137 = tpu.memref_slice %arg3[%dma_wait3A_135, %dma_wait3A_136] : memref<10000x128xf32, #tpu.memory_space<hbm>> -> memref<10000x128xf32, #tpu.memory_space<hbm>>
      tpu.wait_indirect_dma semaphore(%arg15 : memref<!tpu.dma_semaphore, #tpu.memory_space<semaphore_mem>>) src(%dma_wait3A_137 : memref<10000x128xf32, #tpu.memory_space<hbm>>) dst(%arg12 : memref<160x128xf32, #tpu.memory_space<vmem>>)
      %dma_wait3A_138 = arith.constant 0 : i32
      %dma_wait3A_139 = tpu.memref_slice %arg5[%dma_wait3A_138] : memref<320000xi32, #tpu.memory_space<hbm>> -> memref<160xi32, #tpu.memory_space<hbm>>
      %dma_wait3A_140 = arith.constant 0 : i32
      %dma_wait3A_141 = tpu.memref_slice %arg5[%dma_wait3A_140] : memref<320000xi32, #tpu.memory_space<hbm>> -> memref<160xi32, #tpu.memory_space<hbm>>
      tpu.wait_dma2 semaphore(%arg15 : memref<!tpu.dma_semaphore, #tpu.memory_space<semaphore_mem>>) src(%dma_wait3A_141 : memref<160xi32, #tpu.memory_space<hbm>>) dst(%arg10 : memref<160xi32, #tpu.memory_space<vmem>>)
      "tpu.region"() ({
        %run_scoped3A = tpu.sem_alloc : memref<!tpu.dma_semaphore, #tpu.memory_space<semaphore_mem>>
        %dma_start3A_142 = arith.constant 0 : i32
        %dma_start3A_143 = arith.constant 0 : i32
        %dma_start3A_144 = tpu.memref_slice %arg14[%dma_start3A_142, %dma_start3A_143] : memref<10000x128xf32, #tpu.memory_space<vmem_shared>> -> memref<10000x128xf32, #tpu.memory_space<vmem_shared>>
        tpu.enqueue_indirect_dma source(%arg12 : memref<160x128xf32, #tpu.memory_space<vmem>>) target(%dma_start3A_144 : memref<10000x128xf32, #tpu.memory_space<vmem_shared>>) offsets(%arg10 : memref<160xi32, #tpu.memory_space<vmem>>) semaphore(%run_scoped3A : memref<!tpu.dma_semaphore, #tpu.memory_space<semaphore_mem>>) {add = true}
        %dma_wait3A_145 = arith.constant 0 : i32
        %dma_wait3A_146 = arith.constant 0 : i32
        %dma_wait3A_147 = tpu.memref_slice %arg14[%dma_wait3A_145, %dma_wait3A_146] : memref<10000x128xf32, #tpu.memory_space<vmem_shared>> -> memref<10000x128xf32, #tpu.memory_space<vmem_shared>>
        tpu.wait_indirect_dma semaphore(%run_scoped3A : memref<!tpu.dma_semaphore, #tpu.memory_space<semaphore_mem>>) src(%arg12 : memref<160x128xf32, #tpu.memory_space<vmem>>) dst(%dma_wait3A_147 : memref<10000x128xf32, #tpu.memory_space<vmem_shared>>)
        tpu.yield
      }) : () -> ()
    } else {
    }
    %barrier3A_15 = arith.constant 0 : index
    tpu.barrier barrier_id(%barrier3A_15)
    %eq3A_16 = arith.constant 0 : i32
    %eq3A_17 = arith.cmpi eq, %arg0, %eq3A_16 : i32
    %convert_element_type3A_18 = arith.extui %eq3A_17 : i1 to i32
    %cond3A_19 = arith.constant 0 : i32
    %cond3A_20 = arith.cmpi ne, %convert_element_type3A_18, %cond3A_19 : i32
    scf.if %cond3A_20 {
      %add3A = arith.constant 0 : i32
      %add3A_26 = arith.addi %add3A, %mul3A_2 : i32
      "tpu.region"() ({
        %run_scoped3A = tpu.sem_alloc : memref<!tpu.dma_semaphore, #tpu.memory_space<semaphore_mem>>
        %dma_start3A = arith.constant 0 : i32
        %dma_start3A_32 = tpu.memref_slice %arg7[%add3A_26, %dma_start3A] : memref<10000x128xf32, #tpu.memory_space<hbm>> -> memref<624x128xf32, #tpu.memory_space<hbm>>
        %dma_start3A_33 = arith.constant 0 : i32
        %dma_start3A_34 = tpu.memref_slice %arg14[%mul3A_2, %dma_start3A_33] : memref<10000x128xf32, #tpu.memory_space<vmem_shared>> -> memref<624x128xf32, #tpu.memory_space<vmem_shared>>
        tpu.enqueue_dma source(%dma_start3A_34 : memref<624x128xf32, #tpu.memory_space<vmem_shared>>) target(%dma_start3A_32 : memref<624x128xf32, #tpu.memory_space<hbm>>) target_semaphore(%run_scoped3A : memref<!tpu.dma_semaphore, #tpu.memory_space<semaphore_mem>>)
        %dma_wait3A = arith.constant 0 : i32
        %dma_wait3A_35 = tpu.memref_slice %arg7[%add3A_26, %dma_wait3A] : memref<10000x128xf32, #tpu.memory_space<hbm>> -> memref<624x128xf32, #tpu.memory_space<hbm>>
        %dma_wait3A_36 = arith.constant 0 : i32
        %dma_wait3A_37 = tpu.memref_slice %arg14[%mul3A_2, %dma_wait3A_36] : memref<10000x128xf32, #tpu.memory_space<vmem_shared>> -> memref<624x128xf32, #tpu.memory_space<vmem_shared>>
        tpu.wait_dma2 semaphore(%run_scoped3A : memref<!tpu.dma_semaphore, #tpu.memory_space<semaphore_mem>>) src(%dma_wait3A_37 : memref<624x128xf32, #tpu.memory_space<vmem_shared>>) dst(%dma_wait3A_35 : memref<624x128xf32, #tpu.memory_space<hbm>>)
        tpu.yield
      }) : () -> ()
      %eq3A_27 = arith.constant 15 : i32
      %eq3A_28 = arith.cmpi eq, %arg1, %eq3A_27 : i32
      %convert_element_type3A_29 = arith.extui %eq3A_28 : i1 to i32
      %cond3A_30 = arith.constant 0 : i32
      %cond3A_31 = arith.cmpi ne, %convert_element_type3A_29, %cond3A_30 : i32
      scf.if %cond3A_31 {
        "tpu.region"() ({
          %run_scoped3A = tpu.sem_alloc : memref<!tpu.dma_semaphore, #tpu.memory_space<semaphore_mem>>
          %dma_start3A = arith.constant 9984 : i32
          %dma_start3A_32 = arith.constant 0 : i32
          %dma_start3A_33 = tpu.memref_slice %arg7[%dma_start3A, %dma_start3A_32] : memref<10000x128xf32, #tpu.memory_space<hbm>> -> memref<16x128xf32, #tpu.memory_space<hbm>>
          %dma_start3A_34 = arith.constant 9984 : i32
          %dma_start3A_35 = arith.constant 0 : i32
          %dma_start3A_36 = tpu.memref_slice %arg14[%dma_start3A_34, %dma_start3A_35] : memref<10000x128xf32, #tpu.memory_space<vmem_shared>> -> memref<16x128xf32, #tpu.memory_space<vmem_shared>>
          tpu.enqueue_dma source(%dma_start3A_36 : memref<16x128xf32, #tpu.memory_space<vmem_shared>>) target(%dma_start3A_33 : memref<16x128xf32, #tpu.memory_space<hbm>>) target_semaphore(%run_scoped3A : memref<!tpu.dma_semaphore, #tpu.memory_space<semaphore_mem>>)
          %dma_wait3A = arith.constant 9984 : i32
          %dma_wait3A_37 = arith.constant 0 : i32
          %dma_wait3A_38 = tpu.memref_slice %arg7[%dma_wait3A, %dma_wait3A_37] : memref<10000x128xf32, #tpu.memory_space<hbm>> -> memref<16x128xf32, #tpu.memory_space<hbm>>
          %dma_wait3A_39 = arith.constant 9984 : i32
          %dma_wait3A_40 = arith.constant 0 : i32
          %dma_wait3A_41 = tpu.memref_slice %arg14[%dma_wait3A_39, %dma_wait3A_40] : memref<10000x128xf32, #tpu.memory_space<vmem_shared>> -> memref<16x128xf32, #tpu.memory_space<vmem_shared>>
          tpu.wait_dma2 semaphore(%run_scoped3A : memref<!tpu.dma_semaphore, #tpu.memory_space<semaphore_mem>>) src(%dma_wait3A_41 : memref<16x128xf32, #tpu.memory_space<vmem_shared>>) dst(%dma_wait3A_38 : memref<16x128xf32, #tpu.memory_space<hbm>>)
          tpu.yield
        }) : () -> ()
      } else {
      }
    } else {
    }
    %eq3A_21 = arith.constant 1 : i32
    %eq3A_22 = arith.cmpi eq, %arg0, %eq3A_21 : i32
    %convert_element_type3A_23 = arith.extui %eq3A_22 : i1 to i32
    %cond3A_24 = arith.constant 0 : i32
    %cond3A_25 = arith.cmpi ne, %convert_element_type3A_23, %cond3A_24 : i32
    scf.if %cond3A_25 {
      %add3A = arith.constant 0 : i32
      %add3A_26 = arith.addi %add3A, %mul3A_2 : i32
      "tpu.region"() ({
        %run_scoped3A = tpu.sem_alloc : memref<!tpu.dma_semaphore, #tpu.memory_space<semaphore_mem>>
        %dma_start3A = arith.constant 0 : i32
        %dma_start3A_32 = tpu.memref_slice %arg8[%add3A_26, %dma_start3A] : memref<10000x128xf32, #tpu.memory_space<hbm>> -> memref<624x128xf32, #tpu.memory_space<hbm>>
        %dma_start3A_33 = arith.constant 0 : i32
        %dma_start3A_34 = tpu.memref_slice %arg14[%mul3A_2, %dma_start3A_33] : memref<10000x128xf32, #tpu.memory_space<vmem_shared>> -> memref<624x128xf32, #tpu.memory_space<vmem_shared>>
        tpu.enqueue_dma source(%dma_start3A_34 : memref<624x128xf32, #tpu.memory_space<vmem_shared>>) target(%dma_start3A_32 : memref<624x128xf32, #tpu.memory_space<hbm>>) target_semaphore(%run_scoped3A : memref<!tpu.dma_semaphore, #tpu.memory_space<semaphore_mem>>)
        %dma_wait3A = arith.constant 0 : i32
        %dma_wait3A_35 = tpu.memref_slice %arg8[%add3A_26, %dma_wait3A] : memref<10000x128xf32, #tpu.memory_space<hbm>> -> memref<624x128xf32, #tpu.memory_space<hbm>>
        %dma_wait3A_36 = arith.constant 0 : i32
        %dma_wait3A_37 = tpu.memref_slice %arg14[%mul3A_2, %dma_wait3A_36] : memref<10000x128xf32, #tpu.memory_space<vmem_shared>> -> memref<624x128xf32, #tpu.memory_space<vmem_shared>>
        tpu.wait_dma2 semaphore(%run_scoped3A : memref<!tpu.dma_semaphore, #tpu.memory_space<semaphore_mem>>) src(%dma_wait3A_37 : memref<624x128xf32, #tpu.memory_space<vmem_shared>>) dst(%dma_wait3A_35 : memref<624x128xf32, #tpu.memory_space<hbm>>)
        tpu.yield
      }) : () -> ()
      %eq3A_27 = arith.constant 15 : i32
      %eq3A_28 = arith.cmpi eq, %arg1, %eq3A_27 : i32
      %convert_element_type3A_29 = arith.extui %eq3A_28 : i1 to i32
      %cond3A_30 = arith.constant 0 : i32
      %cond3A_31 = arith.cmpi ne, %convert_element_type3A_29, %cond3A_30 : i32
      scf.if %cond3A_31 {
        "tpu.region"() ({
          %run_scoped3A = tpu.sem_alloc : memref<!tpu.dma_semaphore, #tpu.memory_space<semaphore_mem>>
          %dma_start3A = arith.constant 9984 : i32
          %dma_start3A_32 = arith.constant 0 : i32
          %dma_start3A_33 = tpu.memref_slice %arg8[%dma_start3A, %dma_start3A_32] : memref<10000x128xf32, #tpu.memory_space<hbm>> -> memref<16x128xf32, #tpu.memory_space<hbm>>
          %dma_start3A_34 = arith.constant 9984 : i32
          %dma_start3A_35 = arith.constant 0 : i32
          %dma_start3A_36 = tpu.memref_slice %arg14[%dma_start3A_34, %dma_start3A_35] : memref<10000x128xf32, #tpu.memory_space<vmem_shared>> -> memref<16x128xf32, #tpu.memory_space<vmem_shared>>
          tpu.enqueue_dma source(%dma_start3A_36 : memref<16x128xf32, #tpu.memory_space<vmem_shared>>) target(%dma_start3A_33 : memref<16x128xf32, #tpu.memory_space<hbm>>) target_semaphore(%run_scoped3A : memref<!tpu.dma_semaphore, #tpu.memory_space<semaphore_mem>>)
          %dma_wait3A = arith.constant 9984 : i32
          %dma_wait3A_37 = arith.constant 0 : i32
          %dma_wait3A_38 = tpu.memref_slice %arg8[%dma_wait3A, %dma_wait3A_37] : memref<10000x128xf32, #tpu.memory_space<hbm>> -> memref<16x128xf32, #tpu.memory_space<hbm>>
          %dma_wait3A_39 = arith.constant 9984 : i32
          %dma_wait3A_40 = arith.constant 0 : i32
          %dma_wait3A_41 = tpu.memref_slice %arg14[%dma_wait3A_39, %dma_wait3A_40] : memref<10000x128xf32, #tpu.memory_space<vmem_shared>> -> memref<16x128xf32, #tpu.memory_space<vmem_shared>>
          tpu.wait_dma2 semaphore(%run_scoped3A : memref<!tpu.dma_semaphore, #tpu.memory_space<semaphore_mem>>) src(%dma_wait3A_41 : memref<16x128xf32, #tpu.memory_space<vmem_shared>>) dst(%dma_wait3A_38 : memref<16x128xf32, #tpu.memory_space<hbm>>)
          tpu.yield
        }) : () -> ()
      } else {
      }
    } else {
    }
    return
  }
}

module attributes {stable_mosaic.version = 14 : i64} {
  func.func @_gate1_body(%arg0: i32, %arg1: memref<2000x128xf32, #tpu.memory_space<vmem>>, %arg2: memref<2000x128xf32, #tpu.memory_space<vmem>>, %arg3: memref<2000x128xf32, #tpu.memory_space<vmem>>, %arg4: memref<2000x128xf32, #tpu.memory_space<vmem>>, %arg5: memref<128x256xf32, #tpu.memory_space<vmem>>, %arg6: memref<128x256xf32, #tpu.memory_space<vmem>>, %arg7: memref<128x256xf32, #tpu.memory_space<vmem>>, %arg8: memref<128x256xf32, #tpu.memory_space<vmem>>, %arg9: memref<1x256xf32, #tpu.memory_space<vmem>>, %arg10: memref<2000x128xf32, #tpu.memory_space<vmem>>, %arg11: memref<2000x128xf32, #tpu.memory_space<vmem>>) attributes {dimension_semantics = [#tpu.dimension_semantics<arbitrary>], iteration_bounds = array<i64: 5>, scalar_prefetch = 0 : i64, scratch_operands = 0 : i64, tpu.core_type = #tpu.core_type<tc>, window_params = [{transform_indices = @transform_0, window_bounds = array<i64: 2000, 128>}, {transform_indices = @transform_1, window_bounds = array<i64: 2000, 128>}, {transform_indices = @transform_2, window_bounds = array<i64: 2000, 128>}, {transform_indices = @transform_3, window_bounds = array<i64: 2000, 128>}, {transform_indices = @transform_4, window_bounds = array<i64: 128, 256>}, {transform_indices = @transform_5, window_bounds = array<i64: 128, 256>}, {transform_indices = @transform_6, window_bounds = array<i64: 128, 256>}, {transform_indices = @transform_7, window_bounds = array<i64: 128, 256>}, {pipeline_mode = #tpu.pipeline_mode<synchronous>, transform_indices = @transform_8, window_bounds = array<i64: 1, 256>}, {transform_indices = @transform_9, window_bounds = array<i64: 2000, 128>}, {transform_indices = @transform_10, window_bounds = array<i64: 2000, 128>}]} {
    %get3A = arith.constant 0 : index
    %get3A_0 = arith.constant 0 : index
    %get3A_1 = vector.load %arg1[%get3A, %get3A_0] : memref<2000x128xf32, #tpu.memory_space<vmem>>, vector<2000x128xf32>
    %get3A_2 = arith.constant 0 : index
    %get3A_3 = arith.constant 0 : index
    %get3A_4 = vector.load %arg5[%get3A_2, %get3A_3] : memref<128x256xf32, #tpu.memory_space<vmem>>, vector<128x256xf32>
    %dot_general3A = arith.constant dense<0.000000e+00> : vector<2000x256xf32>
    %dot_general3A_5 = tpu.matmul %get3A_1, %get3A_4, %dot_general3A {dimension_numbers = #tpu.dot_dimension_numbers<[1], [0], [0], [1], [0, 0, 1, 1], [], []>, transpose_lhs_hint = false} : vector<2000x128xf32>, vector<128x256xf32>, vector<2000x256xf32> -> vector<2000x256xf32>
    %get3A_6 = arith.constant 0 : index
    %get3A_7 = arith.constant 0 : index
    %get3A_8 = vector.load %arg2[%get3A_6, %get3A_7] : memref<2000x128xf32, #tpu.memory_space<vmem>>, vector<2000x128xf32>
    %get3A_9 = arith.constant 0 : index
    %get3A_10 = arith.constant 0 : index
    %get3A_11 = vector.load %arg6[%get3A_9, %get3A_10] : memref<128x256xf32, #tpu.memory_space<vmem>>, vector<128x256xf32>
    %dot_general3A_12 = arith.constant dense<0.000000e+00> : vector<2000x256xf32>
    %dot_general3A_13 = tpu.matmul %get3A_8, %get3A_11, %dot_general3A_12 {dimension_numbers = #tpu.dot_dimension_numbers<[1], [0], [0], [1], [0, 0, 1, 1], [], []>, transpose_lhs_hint = false} : vector<2000x128xf32>, vector<128x256xf32>, vector<2000x256xf32> -> vector<2000x256xf32>
    %add3A = arith.addf %dot_general3A_5, %dot_general3A_13 : vector<2000x256xf32>
    %get3A_14 = arith.constant 0 : index
    %get3A_15 = arith.constant 0 : index
    %get3A_16 = vector.load %arg3[%get3A_14, %get3A_15] : memref<2000x128xf32, #tpu.memory_space<vmem>>, vector<2000x128xf32>
    %get3A_17 = arith.constant 0 : index
    %get3A_18 = arith.constant 0 : index
    %get3A_19 = vector.load %arg7[%get3A_17, %get3A_18] : memref<128x256xf32, #tpu.memory_space<vmem>>, vector<128x256xf32>
    %dot_general3A_20 = arith.constant dense<0.000000e+00> : vector<2000x256xf32>
    %dot_general3A_21 = tpu.matmul %get3A_16, %get3A_19, %dot_general3A_20 {dimension_numbers = #tpu.dot_dimension_numbers<[1], [0], [0], [1], [0, 0, 1, 1], [], []>, transpose_lhs_hint = false} : vector<2000x128xf32>, vector<128x256xf32>, vector<2000x256xf32> -> vector<2000x256xf32>
    %add3A_22 = arith.addf %add3A, %dot_general3A_21 : vector<2000x256xf32>
    %get3A_23 = arith.constant 0 : index
    %get3A_24 = arith.constant 0 : index
    %get3A_25 = vector.load %arg4[%get3A_23, %get3A_24] : memref<2000x128xf32, #tpu.memory_space<vmem>>, vector<2000x128xf32>
    %get3A_26 = arith.constant 0 : index
    %get3A_27 = arith.constant 0 : index
    %get3A_28 = vector.load %arg8[%get3A_26, %get3A_27] : memref<128x256xf32, #tpu.memory_space<vmem>>, vector<128x256xf32>
    %dot_general3A_29 = arith.constant dense<0.000000e+00> : vector<2000x256xf32>
    %dot_general3A_30 = tpu.matmul %get3A_25, %get3A_28, %dot_general3A_29 {dimension_numbers = #tpu.dot_dimension_numbers<[1], [0], [0], [1], [0, 0, 1, 1], [], []>, transpose_lhs_hint = false} : vector<2000x128xf32>, vector<128x256xf32>, vector<2000x256xf32> -> vector<2000x256xf32>
    %add3A_31 = arith.addf %add3A_22, %dot_general3A_30 : vector<2000x256xf32>
    %get3A_32 = arith.constant 0 : index
    %get3A_33 = arith.constant 0 : index
    %get3A_34 = vector.load %arg9[%get3A_32, %get3A_33] : memref<1x256xf32, #tpu.memory_space<vmem>>, vector<1x256xf32>
    %add3A_35 = vector.broadcast %get3A_34 : vector<1x256xf32> to vector<2000x256xf32>
    %add3A_36 = arith.addf %add3A_31, %add3A_35 : vector<2000x256xf32>
    %logistic3A = arith.negf %add3A_36 : vector<2000x256xf32>
    %logistic3A_37 = math.exp %logistic3A : vector<2000x256xf32>
    %logistic3A_38 = arith.constant 1.000000e+00 : f32
    %logistic3A_39 = vector.broadcast %logistic3A_38 : f32 to vector<2000x256xf32>
    %logistic3A_40 = arith.addf %logistic3A_39, %logistic3A_37 : vector<2000x256xf32>
    %logistic3A_41 = arith.divf %logistic3A_39, %logistic3A_40 : vector<2000x256xf32>
    %slice3A = vector.extract_strided_slice %logistic3A_41 {offsets = [0, 0], sizes = [2000, 128], strides = [1, 1]} : vector<2000x256xf32> to vector<2000x128xf32>
    %swap3A = arith.constant 0 : index
    %swap3A_42 = arith.constant 0 : index
    %swap3A_43 = vector.load %arg10[%swap3A, %swap3A_42] : memref<2000x128xf32, #tpu.memory_space<vmem>>, vector<2000x128xf32>
    tpu.vector_store %arg10[%swap3A, %swap3A_42], %slice3A {strides = array<i32>} : memref<2000x128xf32, #tpu.memory_space<vmem>>, vector<2000x128xf32>,
    %slice3A_44 = vector.extract_strided_slice %logistic3A_41 {offsets = [0, 128], sizes = [2000, 128], strides = [1, 1]} : vector<2000x256xf32> to vector<2000x128xf32>
    %get3A_45 = arith.constant 0 : index
    %get3A_46 = arith.constant 0 : index
    %get3A_47 = vector.load %arg4[%get3A_45, %get3A_46] : memref<2000x128xf32, #tpu.memory_space<vmem>>, vector<2000x128xf32>
    %mul3A = arith.mulf %slice3A_44, %get3A_47 : vector<2000x128xf32>
    %swap3A_48 = arith.constant 0 : index
    %swap3A_49 = arith.constant 0 : index
    %swap3A_50 = vector.load %arg11[%swap3A_48, %swap3A_49] : memref<2000x128xf32, #tpu.memory_space<vmem>>, vector<2000x128xf32>
    tpu.vector_store %arg11[%swap3A_48, %swap3A_49], %mul3A {strides = array<i32>} : memref<2000x128xf32, #tpu.memory_space<vmem>>, vector<2000x128xf32>,
    return
  }
  func.func @transform_0(%arg0: i32) -> (i32, i32) {
    %add3A = arith.constant 0 : i32
    %add3A_0 = arith.addi %add3A, %arg0 : i32
    %c0_i32 = arith.constant 0 : i32
    %c0_i32_1 = arith.constant 0 : i32
    return %add3A_0, %c0_i32 : i32, i32
  }
  func.func @transform_1(%arg0: i32) -> (i32, i32) {
    %add3A = arith.constant 0 : i32
    %add3A_0 = arith.addi %add3A, %arg0 : i32
    %c0_i32 = arith.constant 0 : i32
    %c0_i32_1 = arith.constant 0 : i32
    return %add3A_0, %c0_i32 : i32, i32
  }
  func.func @transform_2(%arg0: i32) -> (i32, i32) {
    %add3A = arith.constant 0 : i32
    %add3A_0 = arith.addi %add3A, %arg0 : i32
    %c0_i32 = arith.constant 0 : i32
    %c0_i32_1 = arith.constant 0 : i32
    return %add3A_0, %c0_i32 : i32, i32
  }
  func.func @transform_3(%arg0: i32) -> (i32, i32) {
    %add3A = arith.constant 0 : i32
    %add3A_0 = arith.addi %add3A, %arg0 : i32
    %c0_i32 = arith.constant 0 : i32
    %c0_i32_1 = arith.constant 0 : i32
    return %add3A_0, %c0_i32 : i32, i32
  }
  func.func @transform_4(%arg0: i32) -> (i32, i32) {
    %c0_i32 = arith.constant 0 : i32
    %c0_i32_0 = arith.constant 0 : i32
    %c0_i32_1 = arith.constant 0 : i32
    return %c0_i32, %c0_i32_0 : i32, i32
  }
  func.func @transform_5(%arg0: i32) -> (i32, i32) {
    %c1_i32 = arith.constant 1 : i32
    %c0_i32 = arith.constant 0 : i32
    %c0_i32_0 = arith.constant 0 : i32
    return %c1_i32, %c0_i32 : i32, i32
  }
  func.func @transform_6(%arg0: i32) -> (i32, i32) {
    %c0_i32 = arith.constant 0 : i32
    %c0_i32_0 = arith.constant 0 : i32
    %c0_i32_1 = arith.constant 0 : i32
    return %c0_i32, %c0_i32_0 : i32, i32
  }
  func.func @transform_7(%arg0: i32) -> (i32, i32) {
    %c1_i32 = arith.constant 1 : i32
    %c0_i32 = arith.constant 0 : i32
    %c0_i32_0 = arith.constant 0 : i32
    return %c1_i32, %c0_i32 : i32, i32
  }
  func.func @transform_8(%arg0: i32) -> (i32, i32) {
    %c0_i32 = arith.constant 0 : i32
    %c0_i32_0 = arith.constant 0 : i32
    %c0_i32_1 = arith.constant 0 : i32
    return %c0_i32, %c0_i32_0 : i32, i32
  }
  func.func @transform_9(%arg0: i32) -> (i32, i32) {
    %add3A = arith.constant 0 : i32
    %add3A_0 = arith.addi %add3A, %arg0 : i32
    %c0_i32 = arith.constant 0 : i32
    %c0_i32_1 = arith.constant 0 : i32
    return %add3A_0, %c0_i32 : i32, i32
  }
  func.func @transform_10(%arg0: i32) -> (i32, i32) {
    %add3A = arith.constant 0 : i32
    %add3A_0 = arith.addi %add3A, %arg0 : i32
    %c0_i32 = arith.constant 0 : i32
    %c0_i32_1 = arith.constant 0 : i32
    return %add3A_0, %c0_i32 : i32, i32
  }
}

module attributes {stable_mosaic.version = 14 : i64} {
  func.func @_gate2_body(%arg0: i32, %arg1: memref<2000x128xf32, #tpu.memory_space<vmem>>, %arg2: memref<2000x128xf32, #tpu.memory_space<vmem>>, %arg3: memref<2000x128xf32, #tpu.memory_space<vmem>>, %arg4: memref<2000x128xf32, #tpu.memory_space<vmem>>, %arg5: memref<2000x128xf32, #tpu.memory_space<vmem>>, %arg6: memref<2000x128xf32, #tpu.memory_space<vmem>>, %arg7: memref<2000x128xf32, #tpu.memory_space<vmem>>, %arg8: memref<128x128xf32, #tpu.memory_space<vmem>>, %arg9: memref<128x128xf32, #tpu.memory_space<vmem>>, %arg10: memref<128x128xf32, #tpu.memory_space<vmem>>, %arg11: memref<128x128xf32, #tpu.memory_space<vmem>>, %arg12: memref<1x128xf32, #tpu.memory_space<vmem>>, %arg13: memref<2000x128xf32, #tpu.memory_space<vmem>>) attributes {dimension_semantics = [#tpu.dimension_semantics<arbitrary>], iteration_bounds = array<i64: 5>, scalar_prefetch = 0 : i64, scratch_operands = 0 : i64, tpu.core_type = #tpu.core_type<tc>, window_params = [{transform_indices = @transform_0, window_bounds = array<i64: 2000, 128>}, {transform_indices = @transform_1, window_bounds = array<i64: 2000, 128>}, {transform_indices = @transform_2, window_bounds = array<i64: 2000, 128>}, {transform_indices = @transform_3, window_bounds = array<i64: 2000, 128>}, {transform_indices = @transform_4, window_bounds = array<i64: 2000, 128>}, {transform_indices = @transform_5, window_bounds = array<i64: 2000, 128>}, {transform_indices = @transform_6, window_bounds = array<i64: 2000, 128>}, {transform_indices = @transform_7, window_bounds = array<i64: 128, 128>}, {transform_indices = @transform_8, window_bounds = array<i64: 128, 128>}, {transform_indices = @transform_9, window_bounds = array<i64: 128, 128>}, {transform_indices = @transform_10, window_bounds = array<i64: 128, 128>}, {pipeline_mode = #tpu.pipeline_mode<synchronous>, transform_indices = @transform_11, window_bounds = array<i64: 1, 128>}, {transform_indices = @transform_12, window_bounds = array<i64: 2000, 128>}]} {
    %get3A = arith.constant 0 : index
    %get3A_0 = arith.constant 0 : index
    %get3A_1 = vector.load %arg1[%get3A, %get3A_0] : memref<2000x128xf32, #tpu.memory_space<vmem>>, vector<2000x128xf32>
    %get3A_2 = arith.constant 0 : index
    %get3A_3 = arith.constant 0 : index
    %get3A_4 = vector.load %arg8[%get3A_2, %get3A_3] : memref<128x128xf32, #tpu.memory_space<vmem>>, vector<128x128xf32>
    %dot_general3A = arith.constant dense<0.000000e+00> : vector<2000x128xf32>
    %dot_general3A_5 = tpu.matmul %get3A_1, %get3A_4, %dot_general3A {dimension_numbers = #tpu.dot_dimension_numbers<[1], [0], [0], [1], [0, 0, 1, 1], [], []>, transpose_lhs_hint = false} : vector<2000x128xf32>, vector<128x128xf32>, vector<2000x128xf32> -> vector<2000x128xf32>
    %get3A_6 = arith.constant 0 : index
    %get3A_7 = arith.constant 0 : index
    %get3A_8 = vector.load %arg2[%get3A_6, %get3A_7] : memref<2000x128xf32, #tpu.memory_space<vmem>>, vector<2000x128xf32>
    %get3A_9 = arith.constant 0 : index
    %get3A_10 = arith.constant 0 : index
    %get3A_11 = vector.load %arg3[%get3A_9, %get3A_10] : memref<2000x128xf32, #tpu.memory_space<vmem>>, vector<2000x128xf32>
    %add3A = arith.addf %get3A_8, %get3A_11 : vector<2000x128xf32>
    %get3A_12 = arith.constant 0 : index
    %get3A_13 = arith.constant 0 : index
    %get3A_14 = vector.load %arg9[%get3A_12, %get3A_13] : memref<128x128xf32, #tpu.memory_space<vmem>>, vector<128x128xf32>
    %dot_general3A_15 = arith.constant dense<0.000000e+00> : vector<2000x128xf32>
    %dot_general3A_16 = tpu.matmul %add3A, %get3A_14, %dot_general3A_15 {dimension_numbers = #tpu.dot_dimension_numbers<[1], [0], [0], [1], [0, 0, 1, 1], [], []>, transpose_lhs_hint = false} : vector<2000x128xf32>, vector<128x128xf32>, vector<2000x128xf32> -> vector<2000x128xf32>
    %add3A_17 = arith.addf %dot_general3A_5, %dot_general3A_16 : vector<2000x128xf32>
    %get3A_18 = arith.constant 0 : index
    %get3A_19 = arith.constant 0 : index
    %get3A_20 = vector.load %arg4[%get3A_18, %get3A_19] : memref<2000x128xf32, #tpu.memory_space<vmem>>, vector<2000x128xf32>
    %get3A_21 = arith.constant 0 : index
    %get3A_22 = arith.constant 0 : index
    %get3A_23 = vector.load %arg10[%get3A_21, %get3A_22] : memref<128x128xf32, #tpu.memory_space<vmem>>, vector<128x128xf32>
    %dot_general3A_24 = arith.constant dense<0.000000e+00> : vector<2000x128xf32>
    %dot_general3A_25 = tpu.matmul %get3A_20, %get3A_23, %dot_general3A_24 {dimension_numbers = #tpu.dot_dimension_numbers<[1], [0], [0], [1], [0, 0, 1, 1], [], []>, transpose_lhs_hint = false} : vector<2000x128xf32>, vector<128x128xf32>, vector<2000x128xf32> -> vector<2000x128xf32>
    %add3A_26 = arith.addf %add3A_17, %dot_general3A_25 : vector<2000x128xf32>
    %get3A_27 = arith.constant 0 : index
    %get3A_28 = arith.constant 0 : index
    %get3A_29 = vector.load %arg5[%get3A_27, %get3A_28] : memref<2000x128xf32, #tpu.memory_space<vmem>>, vector<2000x128xf32>
    %get3A_30 = arith.constant 0 : index
    %get3A_31 = arith.constant 0 : index
    %get3A_32 = vector.load %arg11[%get3A_30, %get3A_31] : memref<128x128xf32, #tpu.memory_space<vmem>>, vector<128x128xf32>
    %dot_general3A_33 = arith.constant dense<0.000000e+00> : vector<2000x128xf32>
    %dot_general3A_34 = tpu.matmul %get3A_29, %get3A_32, %dot_general3A_33 {dimension_numbers = #tpu.dot_dimension_numbers<[1], [0], [0], [1], [0, 0, 1, 1], [], []>, transpose_lhs_hint = false} : vector<2000x128xf32>, vector<128x128xf32>, vector<2000x128xf32> -> vector<2000x128xf32>
    %add3A_35 = arith.addf %add3A_26, %dot_general3A_34 : vector<2000x128xf32>
    %get3A_36 = arith.constant 0 : index
    %get3A_37 = arith.constant 0 : index
    %get3A_38 = vector.load %arg12[%get3A_36, %get3A_37] : memref<1x128xf32, #tpu.memory_space<vmem>>, vector<1x128xf32>
    %add3A_39 = vector.broadcast %get3A_38 : vector<1x128xf32> to vector<2000x128xf32>
    %add3A_40 = arith.addf %add3A_35, %add3A_39 : vector<2000x128xf32>
    %tanh3A = math.tanh %add3A_40 : vector<2000x128xf32>
    %get3A_41 = arith.constant 0 : index
    %get3A_42 = arith.constant 0 : index
    %get3A_43 = vector.load %arg6[%get3A_41, %get3A_42] : memref<2000x128xf32, #tpu.memory_space<vmem>>, vector<2000x128xf32>
    %get3A_44 = arith.constant 0 : index
    %get3A_45 = arith.constant 0 : index
    %get3A_46 = vector.load %arg7[%get3A_44, %get3A_45] : memref<2000x128xf32, #tpu.memory_space<vmem>>, vector<2000x128xf32>
    %mul3A = arith.mulf %get3A_43, %get3A_46 : vector<2000x128xf32>
    %sub3A = arith.constant 1.000000e+00 : f32
    %sub3A_47 = vector.broadcast %sub3A : f32 to vector<2000x128xf32>
    %sub3A_48 = arith.subf %sub3A_47, %get3A_43 : vector<2000x128xf32>
    %mul3A_49 = arith.mulf %sub3A_48, %tanh3A : vector<2000x128xf32>
    %add3A_50 = arith.addf %mul3A, %mul3A_49 : vector<2000x128xf32>
    %swap3A = arith.constant 0 : index
    %swap3A_51 = arith.constant 0 : index
    %swap3A_52 = vector.load %arg13[%swap3A, %swap3A_51] : memref<2000x128xf32, #tpu.memory_space<vmem>>, vector<2000x128xf32>
    tpu.vector_store %arg13[%swap3A, %swap3A_51], %add3A_50 {strides = array<i32>} : memref<2000x128xf32, #tpu.memory_space<vmem>>, vector<2000x128xf32>,
    return
  }
  func.func @transform_0(%arg0: i32) -> (i32, i32) {
    %add3A = arith.constant 0 : i32
    %add3A_0 = arith.addi %add3A, %arg0 : i32
    %c0_i32 = arith.constant 0 : i32
    %c0_i32_1 = arith.constant 0 : i32
    return %add3A_0, %c0_i32 : i32, i32
  }
  func.func @transform_1(%arg0: i32) -> (i32, i32) {
    %add3A = arith.constant 0 : i32
    %add3A_0 = arith.addi %add3A, %arg0 : i32
    %c0_i32 = arith.constant 0 : i32
    %c0_i32_1 = arith.constant 0 : i32
    return %add3A_0, %c0_i32 : i32, i32
  }
  func.func @transform_2(%arg0: i32) -> (i32, i32) {
    %add3A = arith.constant 5 : i32
    %add3A_0 = arith.addi %add3A, %arg0 : i32
    %c0_i32 = arith.constant 0 : i32
    %c0_i32_1 = arith.constant 0 : i32
    return %add3A_0, %c0_i32 : i32, i32
  }
  func.func @transform_3(%arg0: i32) -> (i32, i32) {
    %add3A = arith.constant 0 : i32
    %add3A_0 = arith.addi %add3A, %arg0 : i32
    %c0_i32 = arith.constant 0 : i32
    %c0_i32_1 = arith.constant 0 : i32
    return %add3A_0, %c0_i32 : i32, i32
  }
  func.func @transform_4(%arg0: i32) -> (i32, i32) {
    %add3A = arith.constant 0 : i32
    %add3A_0 = arith.addi %add3A, %arg0 : i32
    %c0_i32 = arith.constant 0 : i32
    %c0_i32_1 = arith.constant 0 : i32
    return %add3A_0, %c0_i32 : i32, i32
  }
  func.func @transform_5(%arg0: i32) -> (i32, i32) {
    %add3A = arith.constant 0 : i32
    %add3A_0 = arith.addi %add3A, %arg0 : i32
    %c0_i32 = arith.constant 0 : i32
    %c0_i32_1 = arith.constant 0 : i32
    return %add3A_0, %c0_i32 : i32, i32
  }
  func.func @transform_6(%arg0: i32) -> (i32, i32) {
    %add3A = arith.constant 0 : i32
    %add3A_0 = arith.addi %add3A, %arg0 : i32
    %c0_i32 = arith.constant 0 : i32
    %c0_i32_1 = arith.constant 0 : i32
    return %add3A_0, %c0_i32 : i32, i32
  }
  func.func @transform_7(%arg0: i32) -> (i32, i32) {
    %c0_i32 = arith.constant 0 : i32
    %c0_i32_0 = arith.constant 0 : i32
    %c0_i32_1 = arith.constant 0 : i32
    return %c0_i32, %c0_i32_0 : i32, i32
  }
  func.func @transform_8(%arg0: i32) -> (i32, i32) {
    %c1_i32 = arith.constant 1 : i32
    %c0_i32 = arith.constant 0 : i32
    %c0_i32_0 = arith.constant 0 : i32
    return %c1_i32, %c0_i32 : i32, i32
  }
  func.func @transform_9(%arg0: i32) -> (i32, i32) {
    %c0_i32 = arith.constant 0 : i32
    %c0_i32_0 = arith.constant 0 : i32
    %c0_i32_1 = arith.constant 0 : i32
    return %c0_i32, %c0_i32_0 : i32, i32
  }
  func.func @transform_10(%arg0: i32) -> (i32, i32) {
    %c1_i32 = arith.constant 1 : i32
    %c0_i32 = arith.constant 0 : i32
    %c0_i32_0 = arith.constant 0 : i32
    return %c1_i32, %c0_i32 : i32, i32
  }
  func.func @transform_11(%arg0: i32) -> (i32, i32) {
    %c0_i32 = arith.constant 0 : i32
    %c0_i32_0 = arith.constant 0 : i32
    %c0_i32_1 = arith.constant 0 : i32
    return %c0_i32, %c0_i32_0 : i32, i32
  }
  func.func @transform_12(%arg0: i32) -> (i32, i32) {
    %add3A = arith.constant 0 : i32
    %add3A_0 = arith.addi %add3A, %arg0 : i32
    %c0_i32 = arith.constant 0 : i32
    %c0_i32_1 = arith.constant 0 : i32
    return %add3A_0, %c0_i32 : i32, i32
  }
}

</mosaic_0001>

<sc_bundles>
// kernel: kernel.6.cloned.1.call-start
scs
__scs_entry_jumppad:
0x0: {  	(pc) =	sbr.rel $0x88, $3  }
0x1: {  	(tag) =	ssettag $0x0;
	lr =	simm.s32 $0x1  }
0x2: {  	[smem:$0x3F98] =	sst lr;
	_ =	strace $0xD0000000  }
0x3: {  	_ = 	snop  }
0x4: {  	_ = 	snop  }
0x5: {  	_ = 	snop  }
0x6: {  	_ = 	snop  }
0x7: {  	_ = 	snop  }
__scs_overlays_trampoline_lowered:
0x8: {  	[smem:$0x3FA7] =	sst s0  }
0x9: {  	[smem:$0x3FA8] =	sst s1  }
0xa: {  	[smem:$0x3FA9] =	sst s2  }
0xb: {  	[smem:$0x3FAA] =	sst s3  }
0xc: {  	[smem:$0x3FAB] =	sst s4  }
0xd: {  	[smem:$0x3FAC] =	sst s5  }
0xe: {  	[smem:$0x3FAD] =	sst s6  }
0xf: {  	[smem:$0x3FAE] =	sst s7  }
0x10: {  	[smem:$0x3FAF] =	sst s8  }
0x11: {  	[smem:$0x3FB0] =	sst s9;
	s0 =	simm.s32 @!p0 $0x0  }
0x12: {  	s1 =	sld [smem:$0x3F96];
	s0 =	simm.s32 @p0 $0x1  }
0x13: {  	[smem:$0x3FB1] =	sst s0;
	s0 =	simm.s32 @!p1 $0x0  }
0x14: {  	s2 =	sld [smem:$0x3F95];
	s0 =	simm.s32 @p1 $0x1  }
0x15: {  	[smem:$0x3FB2] =	sst s0;
	s0 =	simm.s32 @!p2 $0x0  }
0x16: {  	s3 =	sld [smem:$0x3FDB];
	s0 =	simm.s32 @p2 $0x1  }
0x17: {  	s4 =	simm.s32 $0x1BF5;
	[smem:$0x3FB4] =	sst s0  }
0x18: {  	s0 =	sld [smem:$0x3F97];
	_ =	swait.ge [sflag:s4], $0x0  }
0x19: {  	s7 =	sld [smem:$0x3F98]  }
0x1a: {  	s8 =	sadd.s32 $0xFFFFE003, lr  }
0x1b: {  	s9 =	sadd.s32 $0xFFFFFEF7, lr;
	s5 =	simm.s32 $0xFFFFFFFF;
	p2 =	slt.u32 s8, $0xFFFFF086  }
0x1c: {  	p1 =	slt.u32 s9, $0xF7A;
	s5 =	simm.s32 @!p2 $0x0  }
0x1d: {  	s5 =	simm.s32 @p1 $0x1;
	p0 =	seq.s32 s7, s2  }
0x1e: {  	s7 =	smul.u32 @!p0 $0xF7A, s2;
	p2 =	seq.s32 @!p0 s5, $0x0  }
0x1f: {  	s9 =	smul.u32 $0xF7A, s1;
	s8 =	simm.s32 @!p0 $0x1BF5;
	p2 =	por !p2, p0  }
0x20: {  	[sflag:s8] =	ssyncset.s32 @!p0 $0xFFFFF086;
	s6 =	sadd.s32 @!p0 s3, s7;
	s7 =	simm.s32 @!p0 $0x108  }
0x21: {  	s3 =	sadd.s32 s3, s9;
	s6 =	sadd.s32 @!p0 $0x88, s6;
	s7 =	simm.s32 @p2 $0x1082  }
0x22: {  	[simem:s7], [sflag:s8] =	dma.local @!p0 [hbm:s6], $0xF7A  }
0x23: {  	s9 =	sor.u32 $0xD0000000, s2;
	s6 =	simm.s32 $0x108;
	_ =	swait.ge @!p0 [sflag:s8], $0x0  }
0x24: {  	s3 =	sadd.s32 $0x88, s3;
	s6 =	simm.s32 @!p1 $0x1082;
	[sflag:s4] =	ssyncset.s32 $0xFFFFF086  }
0x25: {  	[simem:s6], [sflag:s4] =	dma.local [hbm:s3], $0xF7A  }
0x26: {  	[smem:$0x3F98] =	sst s1;
	(tag) =	ssettag s2;
	_ =	strace s9  }
0x27: {  	s1 =	sld [smem:$0x3FA8]  }
0x28: {  	s2 =	sld [smem:$0x3FA9]  }
0x29: {  	s4 =	sld [smem:$0x3FAB]  }
0x2a: {  	p0 =	seq.s32 s5, $0x0;
	s5 =	sld [smem:$0x3FAC]  }
0x2b: {  	s6 =	sld [smem:$0x3FAD]  }
0x2c: {  	s7 =	sld [smem:$0x3FAE]  }
0x2d: {  	s3 =	simm.s32 $0x108;
	s8 =	sld [smem:$0x3FAF]  }
0x2e: {  	s3 =	simm.s32 @!p0 $0x1082;
	s9 =	sld [smem:$0x3FB0]  }
0x2f: {  	lr =	sadd.s32 s0, s3;
	s0 =	sld [smem:$0x3FA7]  }
0x30: {  	s3 =	sld [smem:$0x3FAA]  }
0x31: {  	[smem:$0x3FB3] =	sst s10  }
0x32: {  	s10 =	sld [smem:$0x3FB1];
	_ =	sdelay $0x3  }
0x33: {  	p0 =	seq.s32 s10, $0x1;
	s10 =	sld [smem:$0x3FB3];
	_ =	sdelay $0x3  }
0x34: {  	[smem:$0x3FB3] =	sst s10  }
0x35: {  	s10 =	sld [smem:$0x3FB2];
	_ =	sdelay $0x3  }
0x36: {  	p1 =	seq.s32 s10, $0x1;
	s10 =	sld [smem:$0x3FB3];
	_ =	sdelay $0x3  }
0x37: {  	[smem:$0x3FB3] =	sst s10  }
0x38: {  	s10 =	sld [smem:$0x3FB4]  }
0x39: {  	_ = 	snop;
	(pc) =	sbr.ind lr, $3  }
0x3a: {  	_ = 	snop  }
0x3b: {  	_ = 	snop  }
0x3c: {  	p2 =	seq.s32 s10, $0x1;
	s10 =	sld [smem:$0x3FB3]  }
0x3d: {  	_ =	shalt  }
0x3e: {  	_ =	shalt  }
0x3f: {  	_ =	shalt  }
0x40: {  	_ =	shalt  }
0x41: {  	_ =	shalt  }
0x42: {  	_ =	shalt  }
0x43: {  	_ =	shalt  }
0x44: {  	_ =	shalt  }
0x45: {  	_ =	shalt  }
0x46: {  	_ =	shalt  }
0x47: {  	_ =	shalt  }
0x48: {  	_ =	shalt  }
0x49: {  	_ =	shalt  }
0x4a: {  	_ =	shalt  }
0x4b: {  	_ =	shalt  }
0x4c: {  	_ =	shalt  }
0x4d: {  	_ =	shalt  }
0x4e: {  	_ =	shalt  }
0x4f: {  	_ =	shalt  }
0x50: {  	_ =	shalt  }
0x51: {  	_ =	shalt  }
0x52: {  	_ =	shalt  }
0x53: {  	_ =	shalt  }
0x54: {  	_ =	shalt  }
0x55: {  	_ =	shalt  }
0x56: {  	_ =	shalt  }
0x57: {  	_ =	shalt  }
0x58: {  	_ =	shalt  }
0x59: {  	_ =	shalt  }
0x5a: {  	_ =	shalt  }
0x5b: {  	_ =	shalt  }
0x5c: {  	_ =	shalt  }
0x5d: {  	_ =	shalt  }
0x5e: {  	_ =	shalt  }
0x5f: {  	_ =	shalt  }
0x60: {  	_ =	shalt  }
0x61: {  	_ =	shalt  }
0x62: {  	_ =	shalt  }
0x63: {  	_ =	shalt  }
0x64: {  	_ =	shalt  }
0x65: {  	_ =	shalt  }
0x66: {  	_ =	shalt  }
0x67: {  	_ =	shalt  }
0x68: {  	_ =	shalt  }
0x69: {  	_ =	shalt  }
0x6a: {  	_ =	shalt  }
0x6b: {  	_ =	shalt  }
0x6c: {  	_ =	shalt  }
0x6d: {  	_ =	shalt  }
0x6e: {  	_ =	shalt  }
0x6f: {  	_ =	shalt  }
0x70: {  	_ =	shalt  }
0x71: {  	_ =	shalt  }
0x72: {  	_ =	shalt  }
0x73: {  	_ =	shalt  }
0x74: {  	_ =	shalt  }
0x75: {  	_ =	shalt  }
0x76: {  	_ =	shalt  }
0x77: {  	_ =	shalt  }
0x78: {  	_ =	shalt  }
0x79: {  	_ =	shalt  }
0x7a: {  	_ =	shalt  }
0x7b: {  	_ =	shalt  }
0x7c: {  	_ =	shalt  }
0x7d: {  	_ =	shalt  }
0x7e: {  	_ =	shalt  }
0x7f: {  	_ =	shalt  }
0x80: {  	_ =	shalt  }
0x81: {  	_ =	shalt  }
0x82: {  	_ =	shalt  }
0x83: {  	_ =	shalt  }
0x84: {  	_ =	shalt  }
0x85: {  	_ =	shalt  }
0x86: {  	_ =	shalt  }
0x87: {  	_ =	shalt  }
.Lfunc_end0:
.L_simem_size_0:
called_computation_lowered:
.L_overlay_start_0:
0x88: {  	s2 =	sld [smem:$0x3FD9]  }
0x89: {  	s3 =	sld [smem:$0x3FFE];
	_ =	sdelay $0x1  }
0x8a: {  	s1 =	srdreg.scid  }
0x8b: {  	s0 =	sand.u32 $0x1, s1  }
0x8c: {  	s17 =	sshll.u32 s0, $0xA;
	s2 =	sadd.s32 s3, s2  }
0x8d: {  	s2 =	sadd.s32 s2, s17  }
0x8e: {  	[smem:$0x3FBF] =	sst s2  }
0x8f: {  	_ = 	snop  }
0x90: {  	s2 =	sld [smem:$0x3FC9]  }
0x91: {  	s18 =	sld [smem:$0x3FC8]  }
0x92: {  	s4 =	sld [smem:$0x3FD0];
	(tm) =	ssettm $0x1  }
0x93: {  	s5 =	sld [smem:$0x3FFB];
	_ =	sdelay $0x3  }
0x94: {  	_ =	strace s5  }
0x95: {  	s5 =	sld [smem:$0x3FFC];
	_ =	sdelay $0x3  }
0x96: {  	_ =	strace s5  }
0x97: {  	s5 =	sld [smem:$0x3FFD];
	_ =	sdelay $0x3  }
0x98: {  	_ =	strace s5  }
0x99: {  	_ =	strace $0x8FFFFFFF  }
0x9a: {  	s19 =	sld [smem:$0x3FDB];
	_ =	sdelay $0x1  }
0x9b: {  	s6 =	simm.s32 $_scs_section_size  }
0x9c: {  	s7 =	simm.s32 $_size__tile_overlayer_lowered;
	s8 =	simm.s32 $_tile_overlayer_lowered  }
0x9d: {  	s22 =	simm.s32 $0x1BFF;
	s21 =	sshll.u32 s8, $0x1;
	s5 =	sadd.s32 s6, s19  }
0x9e: {  	s9 =	simm.s32 $0x0;
	s20 =	sshll.u32 s7, $0x1;
	s7 =	sadd.s32 s21, s5  }
0x9f: {  	[timem:s9], [sflag:s22] =	dma.local [hbm:s7], s20  }
0xa0: {  	_ =	swait.ge [sflag:s22], s20  }
0xa1: {  	s6 =	ssub.s32 $0x0, s20;
	[sflag:s22] =	ssyncset.done $0x0  }
0xa2: {  	[sflag:s22] =	ssyncadd.s32 s6;
	_ =	sdelay $0x1  }
0xa3: {  	s23 =	simm.s32 $0x1B8B  }
0xa4: {  	_ =	swait.ge [sflag:s23], $0x1  }
0xa5: {  	[sflag:s23] =	ssyncset.done $0x0  }
0xa6: {  	s25 =	simm.s32 $0x1B8E;
	s24 =	sld [smem:$0x3FFE];
	[sflag:s23] =	ssyncadd.s32 $0xFFFFFFFF  }
0xa7: {  	s26 =	simm.s32 $execute0_lowered;
	[smem:$0x3FD2] =	sst s25  }
0xa8: {  	s7 =	sshll.u32 s26, $0x1;
	_ =	strace $0x80000046;
	[dreg:$0x1] =	wrdreg $0xFFFFFFFF  }
0xa9: {  	s28 =	simm.s32 $_size_execute0_lowered;
	s5 =	sadd.s32 s5, s7;
	[dreg:$0x0] =	wrdreg $0x0  }
0xaa: {  	s7 =	sshll.u32 s28, $0x1;
	[dreg:$0x2] =	wrdreg s5  }
0xab: {  	[dreg:$0x3] =	wrdreg s7  }
0xac: {  	[dreg:$0x4] =	wrdreg $0xC0  }
0xad: {  	_ =	task [dreg:s9], $0x5FFFF  }
0xae: {  	[dreg:$0x1] =	wrdreg $0xFFFFFFFF  }
0xaf: {  	[dreg:$0x0] =	wrdreg $0x60  }
0xb0: {  	[dreg:$0x2] =	wrdreg s2  }
0xb1: {  	[dreg:$0x3] =	wrdreg s18  }
0xb2: {  	[dreg:$0x4] =	wrdreg s24  }
0xb3: {  	[dreg:$0x5] =	wrdreg s4  }
0xb4: {  	[dreg:$0x6] =	wrdreg $0xC1800  }
0xb5: {  	[dreg:$0x7] =	wrdreg $0x9  }
0xb6: {  	_ =	task.clear_ibuf [dreg:s9], $0x8FFFF;
	_ =	strace $0x90000046  }
0xb7: {  	s29 =	simm.s32 $0x9;
	_ =	strace $0x80000048  }
0xb8: {  	_ =	swait.ge [sflag:s29], $0x1  }
0xb9: {  	[sflag:s29] =	ssyncadd.s32 $0xFFFFFFFF  }
0xba: {  	_ =	strace $0x90000048  }
0xbb: {  	_ =	sfence  }
0xbc: {  	s30 =	sld [smem:$0x0];
	_ =	sdelay $0x2  }
0xbd: {  	s31 =	sshll.u32 s1, $0xD;
	s1 =	sshrl.u32 s1, $0x2  }
0xbe: {  	s3 =	sand.u32 $0x4000, s31;
	s1 =	sadd.s32 s1, s30  }
0xbf: {  	s0 =	sor.u32 s3, s0;
	s1 =	sshll.u32 s1, $0x11  }
0xc0: {  	s0 =	sor.u32 s1, s0  }
0xc1: {  	s0 =	sadd.s32 $0x8F2B, s0  }
0xc2: {  	[sflag:s0] =	ssyncadd.remote.s32 $0x1  }
0xc3: {  	_ =	sfence.sel $0xFFFF  }
0xc4: {  	[dreg:$0x0] =	wrdreg $0xFFFFFFFF;
	(pc) =	sbr.abs _section_cstart, $3  }
0xc5: {  	[dreg:$0x1] =	wrdreg $0xFFFFFFFF  }
0xc6: {  	_ =	task.clear_ibuf [dreg:s9], $0x2FFFF;
	_ =	strace $0x9FFFFFFF  }
0xc7: {  	(tm) =	ssettm $0x7FFFFFFF  }
tec
execute0_lowered:
.L_overlay_start_1:
0x0: {  	(tag) =	ssettag $0x1  }
0x1: {  	s1 =	rddreg [dreg:$0x0]  }
0x2: {  	s2 =	rddreg [dreg:$0x1]  }
0x3: {  	s0 =	rddreg [dreg:$0x2]  }
0x4: {  	s13 =	rddreg [dreg:$0x3]  }
0x5: {  	s4 =	rddreg [dreg:$0x4]  }
0x6: {  	s5 =	simm.s32 $0x0;
	s6 =	srdreg.scid;
	s14 =	stileid.u32  }
0x7: {  	s28 =	simm.s32 $0x1F80;
	s29 =	simm.s32 $0x7180;
	s30 =	simm.s32 $0x2080  }
0x8: {  	s31 =	simm.s32 $0x1;
	[smem:$0x7FF] =	sst s5;
	s3 =	sadd.s32 $0xCC00, s0  }
0x9: {  	s8 =	sadd.s32 $0x2E00, s0;
	s6 =	sand.u32 $0x1, s6;
	s10 =	smul.u32 $0x4E000, s14  }
0xa: {  	s7 =	sadd.s32 $0x16A00, s0;
	s21 =	sadd.s32 $0x19200, s0;
	s11 =	smul.u32 $0x4E20, s14  }
0xb: {  	s20 =	sshll.u32 s14, $0x6;
	s24 =	smul.u32 $0x9C4, s14;
	p0 =	sne.s32 s14, $0xF  }
0xc: {  	p2 =	seq.s32 s14, $0xF;
	_ =	strace $0x80000047;
	s9 =	ssub.s32 $0x2, s6  }
0xd: {  	[dreg:$0x6] =	wrdreg s21;
	p1 =	sne.s32 s6, $0x0;
	s6 =	simm.s32 $0x1EA0  }
0xe: {  	s18 =	sshrl.u32 s9, $0x1;
	s19 =	sshrl.u32 s10, $0x2;
	s10 =	sor.u32 $0x1C03, s20  }
0xf: {  	s22 =	sshrl.u32 s11, $0x3;
	s11 =	sadd.s32 $0x138000, s4;
	s20 =	smul.u32 $0x2700, s14  }
0x10: {  	s0 =	ssub.s32 s9, s18;
	s9 =	sadd.s32 s19, s4;
	s12 =	sadd.s32 s8, s22  }
0x11: {  	s16 =	sadd.s32 $0x3E8, s22;
	s15 =	sadd.s32 s3, s22;
	[dreg:$0x7] =	wrdreg s9  }
0x12: {  	[dreg:$0x8] =	wrdreg s15;
	s23 =	sadd.s32 $0x3D4, s12;
	s15 =	sadd.s32 s3, s16  }
0x13: {  	s16 =	sadd.s32 s8, s16;
	s9 =	sadd.s32 $0x7D0, s22;
	s17 =	sadd.s32 $0x7BC, s12  }
.Ltmp0:
0x14: {  	s25 =	sadd.s32 s13, s20;
	s26 =	sadd.s32 s21, s20;
	(pc) =	sbr.rel .LBB2_1-.Ltmp0, $4  }
0x15: {  	s22 =	smax.u32 s0, $0x1;
	s0 =	simm.s32 $0x2;
	[dreg:$0x9] =	wrdreg s23  }
0x16: {  	s18 =	sadd.s32 s3, s9;
	s19 =	sadd.s32 s8, s9;
	[dreg:$0xa] =	wrdreg s25  }
0x17: {  	[dreg:$0xb] =	wrdreg s26;
	s23 =	sadd.s32 s24, s8;
	s24 =	simm.s32 $0x3  }
0x18: {  	s25 =	simm.s32 $0xA0;
	s26 =	simm.s32 $0x2180;
	s3 =	simm.s32 $0x0  }
.LBB2_16:
0x19: {  	s8 =	sadd.s32 $0x27000, s8;
	s9 =	sshrl.u32 s11, $0x3  }
0x1a: {  	[hbm:s8], [sflag:s10] =	dma.local [spmem:s9], $0x100  }
0x1b: {  	_ =	swait.ge [sflag:s24], $0x100  }
0x1c: {  	[sflag:s24] =	ssyncset.done $0x0  }
0x1d: {  	[sflag:s24] =	ssyncadd.s32 $0xFFFFFF00  }
.LBB2_17:
0x1e: {  	s3 =	sadd.s32 $0x1, s3  }
0x1f: {  	p3 =	sne.s32 s3, s22  }
.Ltmp1:
0x20: {  	_ = 	snop;
	(pc) =	sbr.rel @!p3 .LBB2_18-.Ltmp1, $1  }
0x21: {  	_ =	sdelay $0x3  }
.LBB2_1:
0x22: {  	s8 =	rddreg [dreg:$0x7]  }
0x23: {  	s20 =	sshrl.u32 s8, $0x3  }
0x24: {  	[spmem:s20], [sflag:s10] =	dma.local [hbm:s7], $0x2700  }
0x25: {  	_ =	swait.ge [sflag:s24], $0x2700  }
0x26: {  	[sflag:s24] =	ssyncset.done $0x0  }
0x27: {  	s8 =	sshrl.u32 @!p0 s11, $0x3;
	[sflag:s24] =	ssyncadd.s32 $0xFFFFD900  }
0x28: {  	[spmem:s8], [sflag:s10] =	dma.local @!p0 [hbm:s7], $0x100  }
0x29: {  	s8 =	simm.s32 @!p0 $0x3  }
0x2a: {  	_ =	swait.ge @!p0 [sflag:s8], $0x100  }
0x2b: {  	[sflag:s8] =	ssyncset.done @!p0 $0x0  }
0x2c: {  	[sflag:s8] =	ssyncadd.s32 @!p0 $0xFFFFFF00  }
0x2d: {  	[bflag:$0x0] =	sbarrier.arrive $0xFFFF  }
.Ltmp2:
0x2e: {  	s21 =	rddreg [dreg:$0x8];
	(pc) =	sbr.rel @p1 .LBB2_9-.Ltmp2, $4  }
0x2f: {  	[tilespmem:s5], [sflag:$0x3] =	stream.linear.gather [hbm4b:s21+s5], $0x1F40, $0x38;
	[tilespmem:$0x1FA00] =	vst v63  }
0x30: {  	_ =	swait.ge [sflag:s24], $0x1F40  }
0x31: {  	[sflag:s24] =	ssyncset.done $0x0  }
0x32: {  	[sflag:s24] =	ssyncadd.s32 $0xFFFFE0C0  }
0x33: {  	[tilespmem:s26], [sflag:$0x1] =	stream.indirect.gather [hbm4b:s1+s25], $0x80, s5, s25, $0xb8;
	[tilespmem:$0x1FA00] =	vst v63  }
0x34: {  	_ = 	snop  }
0x35: {  	[tilespmem:s28], [sflag:$0x1] =	stream.linear.gather [hbm4b:s12+s5], $0xA0, $0x38;
	[tilespmem:$0x1FA00] =	vst v63  }
0x36: {  	s8 =	simm.s32 $0xA0;
	s9 =	sadd.s32 $0xFFFFFC40, s23  }
0x37: {  	[tilespmem:s29], [sflag:$0x2] =	stream.indirect.gather [hbm4b:s1+s25], $0x80, s8, s25, $0xb8;
	[tilespmem:$0x1FA00] =	vst v63  }
0x38: {  	s13 =	sadd.s32 $0x3D4, s9  }
0x39: {  	[tilespmem:s30], [sflag:$0x2] =	stream.linear.gather [hbm4b:s13+s5], $0xA0, $0x38;
	[tilespmem:$0x1FA00] =	vst v63  }
0x3a: {  	_ =	swait.ge [sflag:s31], $0x5000  }
0x3b: {  	[sflag:s31] =	ssyncset.done $0x0  }
0x3c: {  	[sflag:s31] =	ssyncadd.s32 $0xFFFFB000  }
0x3d: {  	_ =	swait.ge [sflag:s31], $0xA0  }
0x3e: {  	[sflag:s31] =	ssyncset.done $0x0  }
0x3f: {  	[sflag:s31] =	ssyncadd.s32 $0xFFFFFF60  }
0x40: {  	[spmem:s4] =	stream.indirect.scatter.add.f32 [tilespmem:s26], [sflag:$0x3], $0x80, s28, s25, $0xb8;
	[tilespmem:$0x1FA00] =	vst v63  }
0x41: {  	_ =	swait.ge [sflag:s24], $0x5000  }
0x42: {  	[sflag:s24] =	ssyncset.done $0x0  }
0x43: {  	s14 =	simm.s32 $0x140;
	[sflag:s24] =	ssyncadd.s32 $0xFFFFB000  }
0x44: {  	[tilespmem:s26], [sflag:$0x1] =	stream.indirect.gather [hbm4b:s1+s25], $0x80, s14, s25, $0xb8;
	[tilespmem:$0x1FA00] =	vst v63  }
0x45: {  	s21 =	sadd.s32 $0x3E8, s9  }
0x46: {  	[tilespmem:s28], [sflag:$0x1] =	stream.linear.gather [hbm4b:s21+s5], $0xA0, $0x38;
	[tilespmem:$0x1FA00] =	vst v63  }
0x47: {  	_ =	swait.ge [sflag:s0], $0x5000  }
0x48: {  	[sflag:s0] =	ssyncset.done $0x0  }
0x49: {  	[sflag:s0] =	ssyncadd.s32 $0xFFFFB000  }
0x4a: {  	_ =	swait.ge [sflag:s0], $0xA0  }
0x4b: {  	[sflag:s0] =	ssyncset.done $0x0  }
0x4c: {  	[sflag:s0] =	ssyncadd.s32 $0xFFFFFF60  }
0x4d: {  	[spmem:s4] =	stream.indirect.scatter.add.f32 [tilespmem:s29], [sflag:$0x3], $0x80, s30, s25, $0xb8;
	[tilespmem:$0x1FA00] =	vst v63  }
0x4e: {  	s9 =	simm.s32 $0xFFFFFC90;
	_ =	swait.ge [sflag:s24], $0x5000  }
0x4f: {  	s8 =	simm.s32 $0xFFFFFC68;
	s21 =	simm.s32 $0x280;
	[sflag:s24] =	ssyncset.done $0x0  }
.LBB2_3:
0x50: {  	s13 =	sadd.s32 $0xFFFFFF60, s21  }
0x51: {  	s14 =	sadd.s32 s8, s23;
	[sflag:s24] =	ssyncadd.s32 $0xFFFFB000;
	s8 =	smov.u32 s9  }
0x52: {  	[tilespmem:s29], [sflag:$0x2] =	stream.indirect.gather [hbm4b:s1+s25], $0x80, s13, s25, $0xb8;
	[tilespmem:$0x1FA00] =	vst v63  }
0x53: {  	p3 =	sne.s32 s9, $0xFFFFFFD8;
	s9 =	sadd.s32 $0x28, s9;
	s13 =	sadd.s32 $0x3D4, s14  }
0x54: {  	[tilespmem:s30], [sflag:$0x2] =	stream.linear.gather [hbm4b:s13+s5], $0xA0, $0x38;
	[tilespmem:$0x1FA00] =	vst v63  }
0x55: {  	_ =	swait.ge [sflag:s31], $0x5000  }
0x56: {  	[sflag:s31] =	ssyncset.done $0x0  }
0x57: {  	[sflag:s31] =	ssyncadd.s32 $0xFFFFB000  }
0x58: {  	_ =	swait.ge [sflag:s31], $0xA0  }
0x59: {  	[sflag:s31] =	ssyncset.done $0x0  }
0x5a: {  	[sflag:s31] =	ssyncadd.s32 $0xFFFFFF60  }
0x5b: {  	[spmem:s4] =	stream.indirect.scatter.add.f32 [tilespmem:s26], [sflag:$0x3], $0x80, s28, s25, $0xb8;
	[tilespmem:$0x1FA00] =	vst v63  }
0x5c: {  	_ =	swait.ge [sflag:s24], $0x5000  }
0x5d: {  	[sflag:s24] =	ssyncset.done $0x0  }
0x5e: {  	[sflag:s24] =	ssyncadd.s32 $0xFFFFB000  }
0x5f: {  	[tilespmem:s26], [sflag:$0x1] =	stream.indirect.gather [hbm4b:s1+s25], $0x80, s21, s25, $0xb8;
	[tilespmem:$0x1FA00] =	vst v63  }
0x60: {  	s13 =	sadd.s32 $0x3E8, s14  }
0x61: {  	[tilespmem:s28], [sflag:$0x1] =	stream.linear.gather [hbm4b:s13+s5], $0xA0, $0x38;
	[tilespmem:$0x1FA00] =	vst v63  }
0x62: {  	_ =	swait.ge [sflag:s0], $0x5000  }
0x63: {  	[sflag:s0] =	ssyncset.done $0x0  }
0x64: {  	[sflag:s0] =	ssyncadd.s32 $0xFFFFB000  }
0x65: {  	_ =	swait.ge [sflag:s0], $0xA0  }
.Ltmp3:
0x66: {  	[sflag:s0] =	ssyncset.done $0x0;
	(pc) =	sbr.rel @p3 .LBB2_3-.Ltmp3, $4  }
0x67: {  	[sflag:s0] =	ssyncadd.s32 $0xFFFFFF60  }
0x68: {  	[spmem:s4] =	stream.indirect.scatter.add.f32 [tilespmem:s29], [sflag:$0x3], $0x80, s30, s25, $0xb8;
	[tilespmem:$0x1FA00] =	vst v63  }
0x69: {  	_ =	swait.ge [sflag:s24], $0x5000  }
0x6a: {  	s21 =	sadd.s32 $0x140, s21;
	[sflag:s24] =	ssyncset.done $0x0  }
0x6b: {  	s9 =	sadd.s32 $0xFFFFFF60, s21;
	s8 =	sadd.s32 s8, s23;
	[sflag:s24] =	ssyncadd.s32 $0xFFFFB000  }
0x6c: {  	[tilespmem:s29], [sflag:$0x2] =	stream.indirect.gather [hbm4b:s1+s25], $0x80, s9, s25, $0xb8;
	[tilespmem:$0x1FA00] =	vst v63  }
0x6d: {  	s14 =	sadd.s32 $0x3D4, s8  }
0x6e: {  	[tilespmem:s30], [sflag:$0x2] =	stream.linear.gather [hbm4b:s14+s5], $0xA0, $0x38;
	[tilespmem:$0x1FA00] =	vst v63  }
0x6f: {  	_ =	swait.ge [sflag:s31], $0x5000  }
0x70: {  	[sflag:s31] =	ssyncset.done $0x0  }
0x71: {  	[sflag:s31] =	ssyncadd.s32 $0xFFFFB000  }
0x72: {  	_ =	swait.ge [sflag:s31], $0xA0  }
0x73: {  	[sflag:s31] =	ssyncset.done $0x0  }
0x74: {  	[sflag:s31] =	ssyncadd.s32 $0xFFFFFF60  }
0x75: {  	[spmem:s4] =	stream.indirect.scatter.add.f32 [tilespmem:s26], [sflag:$0x3], $0x80, s28, s25, $0xb8;
	[tilespmem:$0x1FA00] =	vst v63  }
0x76: {  	_ =	swait.ge [sflag:s24], $0x5000  }
0x77: {  	[sflag:s24] =	ssyncset.done $0x0  }
0x78: {  	[sflag:s24] =	ssyncadd.s32 $0xFFFFB000  }
0x79: {  	[tilespmem:s26], [sflag:$0x1] =	stream.indirect.gather [hbm4b:s1+s25], $0x80, s21, s25, $0xb8;
	[tilespmem:$0x1FA00] =	vst v63  }
0x7a: {  	s8 =	sadd.s32 $0x3E8, s8  }
0x7b: {  	[tilespmem:s28], [sflag:$0x1] =	stream.linear.gather [hbm4b:s8+s5], $0xA0, $0x38;
	[tilespmem:$0x1FA00] =	vst v63  }
0x7c: {  	_ =	swait.ge [sflag:s0], $0x5000  }
0x7d: {  	[sflag:s0] =	ssyncset.done $0x0  }
0x7e: {  	[sflag:s0] =	ssyncadd.s32 $0xFFFFB000  }
0x7f: {  	_ =	swait.ge [sflag:s0], $0xA0  }
0x80: {  	[sflag:s0] =	ssyncset.done $0x0  }
0x81: {  	[sflag:s0] =	ssyncadd.s32 $0xFFFFFF60  }
0x82: {  	[spmem:s4] =	stream.indirect.scatter.add.f32 [tilespmem:s29], [sflag:$0x3], $0x80, s30, s25, $0xb8;
	[tilespmem:$0x1FA00] =	vst v63  }
0x83: {  	_ =	swait.ge [sflag:s24], $0x5000  }
0x84: {  	[sflag:s24] =	ssyncset.done $0x0  }
0x85: {  	[sflag:s24] =	ssyncadd.s32 $0xFFFFB000  }
0x86: {  	[tilespmem:s29], [sflag:$0x2] =	stream.indirect.gather [hbm4b:s1+s25], $0x80, s6, s25, $0xb8;
	[tilespmem:$0x1FA00] =	vst v63  }
0x87: {  	s13 =	rddreg [dreg:$0x9]  }
0x88: {  	[tilespmem:s30], [sflag:$0x2] =	stream.linear.gather [hbm4b:s13+s5], $0xA0, $0x38;
	[tilespmem:$0x1FA00] =	vst v63  }
0x89: {  	_ =	swait.ge [sflag:s31], $0x5000  }
0x8a: {  	[sflag:s31] =	ssyncset.done $0x0  }
0x8b: {  	[sflag:s31] =	ssyncadd.s32 $0xFFFFB000  }
0x8c: {  	_ =	swait.ge [sflag:s31], $0xA0  }
0x8d: {  	[sflag:s31] =	ssyncset.done $0x0  }
0x8e: {  	[sflag:s31] =	ssyncadd.s32 $0xFFFFFF60  }
0x8f: {  	[spmem:s4] =	stream.indirect.scatter.add.f32 [tilespmem:s26], [sflag:$0x3], $0x80, s28, s25, $0xb8;
	[tilespmem:$0x1FA00] =	vst v63  }
0x90: {  	_ =	swait.ge [sflag:s24], $0x5000  }
0x91: {  	[sflag:s24] =	ssyncset.done $0x0  }
0x92: {  	[sflag:s24] =	ssyncadd.s32 $0xFFFFB000  }
0x93: {  	_ =	swait.ge [sflag:s0], $0x5000  }
0x94: {  	[sflag:s0] =	ssyncset.done $0x0  }
0x95: {  	[sflag:s0] =	ssyncadd.s32 $0xFFFFB000  }
0x96: {  	_ =	swait.ge [sflag:s0], $0xA0  }
0x97: {  	[sflag:s0] =	ssyncset.done $0x0  }
0x98: {  	[sflag:s0] =	ssyncadd.s32 $0xFFFFFF60  }
0x99: {  	[spmem:s4] =	stream.indirect.scatter.add.f32 [tilespmem:s29], [sflag:$0x3], $0x80, s30, s25, $0xb8;
	[tilespmem:$0x1FA00] =	vst v63  }
0x9a: {  	_ =	swait.ge [sflag:s24], $0x5000  }
0x9b: {  	[sflag:s24] =	ssyncset.done $0x0  }
0x9c: {  	[sflag:s24] =	ssyncadd.s32 $0xFFFFB000  }
0x9d: {  	[tilespmem:s5], [sflag:$0x3] =	stream.linear.gather [hbm4b:s15+s5], $0x1F40, $0x38;
	[tilespmem:$0x1FA00] =	vst v63  }
0x9e: {  	_ =	swait.ge [sflag:s24], $0x1F40  }
0x9f: {  	[sflag:s24] =	ssyncset.done $0x0  }
0xa0: {  	[sflag:s24] =	ssyncadd.s32 $0xFFFFE0C0  }
0xa1: {  	[tilespmem:s26], [sflag:$0x1] =	stream.indirect.gather [hbm4b:s1+s25], $0x80, s5, s25, $0xb8;
	[tilespmem:$0x1FA00] =	vst v63  }
0xa2: {  	_ = 	snop  }
0xa3: {  	[tilespmem:s28], [sflag:$0x1] =	stream.linear.gather [hbm4b:s16+s5], $0xA0, $0x38;
	[tilespmem:$0x1FA00] =	vst v63  }
0xa4: {  	s14 =	simm.s32 $0xA0;
	s21 =	sadd.s32 $0xFFFFFC40, s23  }
0xa5: {  	[tilespmem:s29], [sflag:$0x2] =	stream.indirect.gather [hbm4b:s1+s25], $0x80, s14, s25, $0xb8;
	[tilespmem:$0x1FA00] =	vst v63  }
0xa6: {  	s13 =	sadd.s32 $0x7BC, s21  }
0xa7: {  	[tilespmem:s30], [sflag:$0x2] =	stream.linear.gather [hbm4b:s13+s5], $0xA0, $0x38;
	[tilespmem:$0x1FA00] =	vst v63  }
0xa8: {  	_ =	swait.ge [sflag:s31], $0x5000  }
0xa9: {  	[sflag:s31] =	ssyncset.done $0x0  }
0xaa: {  	[sflag:s31] =	ssyncadd.s32 $0xFFFFB000  }
0xab: {  	_ =	swait.ge [sflag:s31], $0xA0  }
0xac: {  	[sflag:s31] =	ssyncset.done $0x0  }
0xad: {  	[sflag:s31] =	ssyncadd.s32 $0xFFFFFF60  }
0xae: {  	[spmem:s4] =	stream.indirect.scatter.add.f32 [tilespmem:s26], [sflag:$0x3], $0x80, s28, s25, $0xb8;
	[tilespmem:$0x1FA00] =	vst v63  }
0xaf: {  	_ =	swait.ge [sflag:s24], $0x5000  }
0xb0: {  	[sflag:s24] =	ssyncset.done $0x0  }
0xb1: {  	s14 =	simm.s32 $0x140;
	[sflag:s24] =	ssyncadd.s32 $0xFFFFB000  }
0xb2: {  	[tilespmem:s26], [sflag:$0x1] =	stream.indirect.gather [hbm4b:s1+s25], $0x80, s14, s25, $0xb8;
	[tilespmem:$0x1FA00] =	vst v63  }
0xb3: {  	s21 =	sadd.s32 $0x7D0, s21  }
0xb4: {  	[tilespmem:s28], [sflag:$0x1] =	stream.linear.gather [hbm4b:s21+s5], $0xA0, $0x38;
	[tilespmem:$0x1FA00] =	vst v63  }
0xb5: {  	_ =	swait.ge [sflag:s0], $0x5000  }
0xb6: {  	[sflag:s0] =	ssyncset.done $0x0  }
0xb7: {  	[sflag:s0] =	ssyncadd.s32 $0xFFFFB000  }
0xb8: {  	_ =	swait.ge [sflag:s0], $0xA0  }
0xb9: {  	[sflag:s0] =	ssyncset.done $0x0  }
0xba: {  	[sflag:s0] =	ssyncadd.s32 $0xFFFFFF60  }
0xbb: {  	[spmem:s4] =	stream.indirect.scatter.add.f32 [tilespmem:s29], [sflag:$0x3], $0x80, s30, s25, $0xb8;
	[tilespmem:$0x1FA00] =	vst v63  }
0xbc: {  	s9 =	simm.s32 $0xFFFFFC90;
	_ =	swait.ge [sflag:s24], $0x5000  }
0xbd: {  	s8 =	simm.s32 $0xFFFFFC68;
	s21 =	simm.s32 $0x280;
	[sflag:s24] =	ssyncset.done $0x0  }
.LBB2_5:
0xbe: {  	s13 =	sadd.s32 $0xFFFFFF60, s21  }
0xbf: {  	s14 =	sadd.s32 s8, s23;
	[sflag:s24] =	ssyncadd.s32 $0xFFFFB000;
	s8 =	smov.u32 s9  }
0xc0: {  	[tilespmem:s29], [sflag:$0x2] =	stream.indirect.gather [hbm4b:s1+s25], $0x80, s13, s25, $0xb8;
	[tilespmem:$0x1FA00] =	vst v63  }
0xc1: {  	p3 =	sne.s32 s9, $0xFFFFFFD8;
	s9 =	sadd.s32 $0x28, s9;
	s13 =	sadd.s32 $0x7BC, s14  }
0xc2: {  	[tilespmem:s30], [sflag:$0x2] =	stream.linear.gather [hbm4b:s13+s5], $0xA0, $0x38;
	[tilespmem:$0x1FA00] =	vst v63  }
0xc3: {  	_ =	swait.ge [sflag:s31], $0x5000  }
0xc4: {  	[sflag:s31] =	ssyncset.done $0x0  }
0xc5: {  	[sflag:s31] =	ssyncadd.s32 $0xFFFFB000  }
0xc6: {  	_ =	swait.ge [sflag:s31], $0xA0  }
0xc7: {  	[sflag:s31] =	ssyncset.done $0x0  }
0xc8: {  	[sflag:s31] =	ssyncadd.s32 $0xFFFFFF60  }
0xc9: {  	[spmem:s4] =	stream.indirect.scatter.add.f32 [tilespmem:s26], [sflag:$0x3], $0x80, s28, s25, $0xb8;
	[tilespmem:$0x1FA00] =	vst v63  }
0xca: {  	_ =	swait.ge [sflag:s24], $0x5000  }
0xcb: {  	[sflag:s24] =	ssyncset.done $0x0  }
0xcc: {  	[sflag:s24] =	ssyncadd.s32 $0xFFFFB000  }
0xcd: {  	[tilespmem:s26], [sflag:$0x1] =	stream.indirect.gather [hbm4b:s1+s25], $0x80, s21, s25, $0xb8;
	[tilespmem:$0x1FA00] =	vst v63  }
0xce: {  	s13 =	sadd.s32 $0x7D0, s14  }
0xcf: {  	[tilespmem:s28], [sflag:$0x1] =	stream.linear.gather [hbm4b:s13+s5], $0xA0, $0x38;
	[tilespmem:$0x1FA00] =	vst v63  }
0xd0: {  	_ =	swait.ge [sflag:s0], $0x5000  }
0xd1: {  	[sflag:s0] =	ssyncset.done $0x0  }
0xd2: {  	[sflag:s0] =	ssyncadd.s32 $0xFFFFB000  }
0xd3: {  	_ =	swait.ge [sflag:s0], $0xA0  }
.Ltmp4:
0xd4: {  	[sflag:s0] =	ssyncset.done $0x0;
	(pc) =	sbr.rel @p3 .LBB2_5-.Ltmp4, $4  }
0xd5: {  	[sflag:s0] =	ssyncadd.s32 $0xFFFFFF60  }
0xd6: {  	[spmem:s4] =	stream.indirect.scatter.add.f32 [tilespmem:s29], [sflag:$0x3], $0x80, s30, s25, $0xb8;
	[tilespmem:$0x1FA00] =	vst v63  }
0xd7: {  	_ =	swait.ge [sflag:s24], $0x5000  }
0xd8: {  	s21 =	sadd.s32 $0x140, s21;
	[sflag:s24] =	ssyncset.done $0x0  }
0xd9: {  	s9 =	sadd.s32 $0xFFFFFF60, s21;
	s8 =	sadd.s32 s8, s23;
	[sflag:s24] =	ssyncadd.s32 $0xFFFFB000  }
0xda: {  	[tilespmem:s29], [sflag:$0x2] =	stream.indirect.gather [hbm4b:s1+s25], $0x80, s9, s25, $0xb8;
	[tilespmem:$0x1FA00] =	vst v63  }
0xdb: {  	s13 =	sadd.s32 $0x7BC, s8  }
0xdc: {  	[tilespmem:s30], [sflag:$0x2] =	stream.linear.gather [hbm4b:s13+s5], $0xA0, $0x38;
	[tilespmem:$0x1FA00] =	vst v63  }
0xdd: {  	_ =	swait.ge [sflag:s31], $0x5000  }
0xde: {  	[sflag:s31] =	ssyncset.done $0x0  }
0xdf: {  	[sflag:s31] =	ssyncadd.s32 $0xFFFFB000  }
0xe0: {  	_ =	swait.ge [sflag:s31], $0xA0  }
0xe1: {  	[sflag:s31] =	ssyncset.done $0x0  }
0xe2: {  	[sflag:s31] =	ssyncadd.s32 $0xFFFFFF60  }
0xe3: {  	[spmem:s4] =	stream.indirect.scatter.add.f32 [tilespmem:s26], [sflag:$0x3], $0x80, s28, s25, $0xb8;
	[tilespmem:$0x1FA00] =	vst v63  }
0xe4: {  	_ =	swait.ge [sflag:s24], $0x5000  }
0xe5: {  	[sflag:s24] =	ssyncset.done $0x0  }
0xe6: {  	[sflag:s24] =	ssyncadd.s32 $0xFFFFB000  }
0xe7: {  	[tilespmem:s26], [sflag:$0x1] =	stream.indirect.gather [hbm4b:s1+s25], $0x80, s21, s25, $0xb8;
	[tilespmem:$0x1FA00] =	vst v63  }
0xe8: {  	s8 =	sadd.s32 $0x7D0, s8  }
0xe9: {  	[tilespmem:s28], [sflag:$0x1] =	stream.linear.gather [hbm4b:s8+s5], $0xA0, $0x38;
	[tilespmem:$0x1FA00] =	vst v63  }
0xea: {  	_ =	swait.ge [sflag:s0], $0x5000  }
0xeb: {  	[sflag:s0] =	ssyncset.done $0x0  }
0xec: {  	[sflag:s0] =	ssyncadd.s32 $0xFFFFB000  }
0xed: {  	_ =	swait.ge [sflag:s0], $0xA0  }
0xee: {  	[sflag:s0] =	ssyncset.done $0x0  }
0xef: {  	[sflag:s0] =	ssyncadd.s32 $0xFFFFFF60  }
0xf0: {  	[spmem:s4] =	stream.indirect.scatter.add.f32 [tilespmem:s29], [sflag:$0x3], $0x80, s30, s25, $0xb8;
	[tilespmem:$0x1FA00] =	vst v63  }
0xf1: {  	_ =	swait.ge [sflag:s24], $0x5000  }
0xf2: {  	[sflag:s24] =	ssyncset.done $0x0  }
0xf3: {  	[sflag:s24] =	ssyncadd.s32 $0xFFFFB000  }
0xf4: {  	[tilespmem:s29], [sflag:$0x2] =	stream.indirect.gather [hbm4b:s1+s25], $0x80, s6, s25, $0xb8;
	[tilespmem:$0x1FA00] =	vst v63  }
0xf5: {  	_ = 	snop  }
0xf6: {  	[tilespmem:s30], [sflag:$0x2] =	stream.linear.gather [hbm4b:s17+s5], $0xA0, $0x38;
	[tilespmem:$0x1FA00] =	vst v63  }
0xf7: {  	_ =	swait.ge [sflag:s31], $0x5000  }
0xf8: {  	[sflag:s31] =	ssyncset.done $0x0  }
0xf9: {  	[sflag:s31] =	ssyncadd.s32 $0xFFFFB000  }
0xfa: {  	_ =	swait.ge [sflag:s31], $0xA0  }
0xfb: {  	[sflag:s31] =	ssyncset.done $0x0  }
0xfc: {  	[sflag:s31] =	ssyncadd.s32 $0xFFFFFF60  }
0xfd: {  	[spmem:s4] =	stream.indirect.scatter.add.f32 [tilespmem:s26], [sflag:$0x3], $0x80, s28, s25, $0xb8;
	[tilespmem:$0x1FA00] =	vst v63  }
0xfe: {  	_ =	swait.ge [sflag:s24], $0x5000  }
0xff: {  	[sflag:s24] =	ssyncset.done $0x0  }
0x100: {  	[sflag:s24] =	ssyncadd.s32 $0xFFFFB000  }
0x101: {  	_ =	swait.ge [sflag:s0], $0x5000  }
0x102: {  	[sflag:s0] =	ssyncset.done $0x0  }
0x103: {  	[sflag:s0] =	ssyncadd.s32 $0xFFFFB000  }
0x104: {  	_ =	swait.ge [sflag:s0], $0xA0  }
0x105: {  	[sflag:s0] =	ssyncset.done $0x0  }
0x106: {  	[sflag:s0] =	ssyncadd.s32 $0xFFFFFF60  }
0x107: {  	[spmem:s4] =	stream.indirect.scatter.add.f32 [tilespmem:s29], [sflag:$0x3], $0x80, s30, s25, $0xb8;
	[tilespmem:$0x1FA00] =	vst v63  }
0x108: {  	_ =	swait.ge [sflag:s24], $0x5000  }
0x109: {  	[sflag:s24] =	ssyncset.done $0x0  }
0x10a: {  	[sflag:s24] =	ssyncadd.s32 $0xFFFFB000  }
0x10b: {  	[tilespmem:s5], [sflag:$0x3] =	stream.linear.gather [hbm4b:s18+s5], $0xFA0, $0x38;
	[tilespmem:$0x1FA00] =	vst v63  }
0x10c: {  	_ =	swait.ge [sflag:s24], $0xFA0  }
0x10d: {  	[sflag:s24] =	ssyncset.done $0x0  }
0x10e: {  	[sflag:s24] =	ssyncadd.s32 $0xFFFFF060  }
0x10f: {  	[tilespmem:s26], [sflag:$0x1] =	stream.indirect.gather [hbm4b:s1+s25], $0x80, s5, s25, $0xb8;
	[tilespmem:$0x1FA00] =	vst v63  }
0x110: {  	_ = 	snop  }
0x111: {  	[tilespmem:s28], [sflag:$0x1] =	stream.linear.gather [hbm4b:s19+s5], $0xA0, $0x38;
	[tilespmem:$0x1FA00] =	vst v63  }
0x112: {  	s14 =	simm.s32 $0xA0;
	s21 =	sadd.s32 $0xFFFFFE20, s23  }
0x113: {  	[tilespmem:s29], [sflag:$0x2] =	stream.indirect.gather [hbm4b:s1+s25], $0x80, s14, s25, $0xb8;
	[tilespmem:$0x1FA00] =	vst v63  }
0x114: {  	s13 =	sadd.s32 $0x9C4, s21  }
0x115: {  	[tilespmem:s30], [sflag:$0x2] =	stream.linear.gather [hbm4b:s13+s5], $0xA0, $0x38;
	[tilespmem:$0x1FA00] =	vst v63  }
0x116: {  	_ =	swait.ge [sflag:s31], $0x5000  }
0x117: {  	[sflag:s31] =	ssyncset.done $0x0  }
0x118: {  	[sflag:s31] =	ssyncadd.s32 $0xFFFFB000  }
0x119: {  	_ =	swait.ge [sflag:s31], $0xA0  }
0x11a: {  	[sflag:s31] =	ssyncset.done $0x0  }
0x11b: {  	[sflag:s31] =	ssyncadd.s32 $0xFFFFFF60  }
0x11c: {  	[spmem:s4] =	stream.indirect.scatter.add.f32 [tilespmem:s26], [sflag:$0x3], $0x80, s28, s25, $0xb8;
	[tilespmem:$0x1FA00] =	vst v63  }
0x11d: {  	_ =	swait.ge [sflag:s24], $0x5000  }
0x11e: {  	[sflag:s24] =	ssyncset.done $0x0  }
0x11f: {  	s14 =	simm.s32 $0x140;
	[sflag:s24] =	ssyncadd.s32 $0xFFFFB000  }
0x120: {  	[tilespmem:s26], [sflag:$0x1] =	stream.indirect.gather [hbm4b:s1+s25], $0x80, s14, s25, $0xb8;
	[tilespmem:$0x1FA00] =	vst v63  }
0x121: {  	s21 =	sadd.s32 $0x9D8, s21  }
0x122: {  	[tilespmem:s28], [sflag:$0x1] =	stream.linear.gather [hbm4b:s21+s5], $0xA0, $0x38;
	[tilespmem:$0x1FA00] =	vst v63  }
0x123: {  	_ =	swait.ge [sflag:s0], $0x5000  }
0x124: {  	[sflag:s0] =	ssyncset.done $0x0  }
0x125: {  	[sflag:s0] =	ssyncadd.s32 $0xFFFFB000  }
0x126: {  	_ =	swait.ge [sflag:s0], $0xA0  }
0x127: {  	[sflag:s0] =	ssyncset.done $0x0  }
0x128: {  	[sflag:s0] =	ssyncadd.s32 $0xFFFFFF60  }
0x129: {  	[spmem:s4] =	stream.indirect.scatter.add.f32 [tilespmem:s29], [sflag:$0x3], $0x80, s30, s25, $0xb8;
	[tilespmem:$0x1FA00] =	vst v63  }
0x12a: {  	s9 =	simm.s32 $0xFFFFFE70;
	_ =	swait.ge [sflag:s24], $0x5000  }
0x12b: {  	s8 =	simm.s32 $0xFFFFFE48;
	s21 =	simm.s32 $0x280;
	[sflag:s24] =	ssyncset.done $0x0  }
.LBB2_7:
0x12c: {  	s13 =	sadd.s32 $0xFFFFFF60, s21  }
0x12d: {  	s14 =	sadd.s32 s8, s23;
	[sflag:s24] =	ssyncadd.s32 $0xFFFFB000;
	s8 =	smov.u32 s9  }
0x12e: {  	[tilespmem:s29], [sflag:$0x2] =	stream.indirect.gather [hbm4b:s1+s25], $0x80, s13, s25, $0xb8;
	[tilespmem:$0x1FA00] =	vst v63  }
0x12f: {  	p3 =	sne.s32 s9, $0xFFFFFFD8;
	s9 =	sadd.s32 $0x28, s9;
	s13 =	sadd.s32 $0x9C4, s14  }
0x130: {  	[tilespmem:s30], [sflag:$0x2] =	stream.linear.gather [hbm4b:s13+s5], $0xA0, $0x38;
	[tilespmem:$0x1FA00] =	vst v63  }
0x131: {  	_ =	swait.ge [sflag:s31], $0x5000  }
0x132: {  	[sflag:s31] =	ssyncset.done $0x0  }
0x133: {  	[sflag:s31] =	ssyncadd.s32 $0xFFFFB000  }
0x134: {  	_ =	swait.ge [sflag:s31], $0xA0  }
0x135: {  	[sflag:s31] =	ssyncset.done $0x0  }
0x136: {  	[sflag:s31] =	ssyncadd.s32 $0xFFFFFF60  }
0x137: {  	[spmem:s4] =	stream.indirect.scatter.add.f32 [tilespmem:s26], [sflag:$0x3], $0x80, s28, s25, $0xb8;
	[tilespmem:$0x1FA00] =	vst v63  }
0x138: {  	_ =	swait.ge [sflag:s24], $0x5000  }
0x139: {  	[sflag:s24] =	ssyncset.done $0x0  }
0x13a: {  	[sflag:s24] =	ssyncadd.s32 $0xFFFFB000  }
0x13b: {  	[tilespmem:s26], [sflag:$0x1] =	stream.indirect.gather [hbm4b:s1+s25], $0x80, s21, s25, $0xb8;
	[tilespmem:$0x1FA00] =	vst v63  }
0x13c: {  	s13 =	sadd.s32 $0x9D8, s14  }
0x13d: {  	[tilespmem:s28], [sflag:$0x1] =	stream.linear.gather [hbm4b:s13+s5], $0xA0, $0x38;
	[tilespmem:$0x1FA00] =	vst v63  }
0x13e: {  	_ =	swait.ge [sflag:s0], $0x5000  }
0x13f: {  	[sflag:s0] =	ssyncset.done $0x0  }
0x140: {  	[sflag:s0] =	ssyncadd.s32 $0xFFFFB000  }
0x141: {  	_ =	swait.ge [sflag:s0], $0xA0  }
.Ltmp5:
0x142: {  	[sflag:s0] =	ssyncset.done $0x0;
	(pc) =	sbr.rel @p3 .LBB2_7-.Ltmp5, $4  }
0x143: {  	[sflag:s0] =	ssyncadd.s32 $0xFFFFFF60  }
0x144: {  	[spmem:s4] =	stream.indirect.scatter.add.f32 [tilespmem:s29], [sflag:$0x3], $0x80, s30, s25, $0xb8;
	[tilespmem:$0x1FA00] =	vst v63  }
0x145: {  	_ =	swait.ge [sflag:s24], $0x5000  }
0x146: {  	s21 =	sadd.s32 $0x140, s21;
	[sflag:s24] =	ssyncset.done $0x0  }
0x147: {  	s9 =	sadd.s32 $0xFFFFFF60, s21;
	s8 =	sadd.s32 s8, s23;
	[sflag:s24] =	ssyncadd.s32 $0xFFFFB000  }
0x148: {  	[tilespmem:s29], [sflag:$0x2] =	stream.indirect.gather [hbm4b:s1+s25], $0x80, s9, s25, $0xb8;
	[tilespmem:$0x1FA00] =	vst v63  }
0x149: {  	s14 =	sadd.s32 $0x9C4, s8  }
0x14a: {  	[tilespmem:s30], [sflag:$0x2] =	stream.linear.gather [hbm4b:s14+s5], $0xA0, $0x38;
	[tilespmem:$0x1FA00] =	vst v63  }
0x14b: {  	_ =	swait.ge [sflag:s31], $0x5000  }
0x14c: {  	[sflag:s31] =	ssyncset.done $0x0  }
0x14d: {  	[sflag:s31] =	ssyncadd.s32 $0xFFFFB000  }
0x14e: {  	_ =	swait.ge [sflag:s31], $0xA0  }
0x14f: {  	[sflag:s31] =	ssyncset.done $0x0  }
0x150: {  	[sflag:s31] =	ssyncadd.s32 $0xFFFFFF60  }
0x151: {  	[spmem:s4] =	stream.indirect.scatter.add.f32 [tilespmem:s26], [sflag:$0x3], $0x80, s28, s25, $0xb8;
	[tilespmem:$0x1FA00] =	vst v63  }
0x152: {  	_ =	swait.ge [sflag:s24], $0x5000  }
0x153: {  	[sflag:s24] =	ssyncset.done $0x0  }
0x154: {  	[sflag:s24] =	ssyncadd.s32 $0xFFFFB000  }
0x155: {  	[tilespmem:s26], [sflag:$0x1] =	stream.indirect.gather [hbm4b:s1+s25], $0x80, s21, s25, $0xb8;
	[tilespmem:$0x1FA00] =	vst v63  }
0x156: {  	s8 =	sadd.s32 $0x9D8, s8  }
0x157: {  	[tilespmem:s28], [sflag:$0x1] =	stream.linear.gather [hbm4b:s8+s5], $0xA0, $0x38;
	[tilespmem:$0x1FA00] =	vst v63  }
0x158: {  	_ =	swait.ge [sflag:s0], $0x5000  }
0x159: {  	[sflag:s0] =	ssyncset.done $0x0  }
0x15a: {  	[sflag:s0] =	ssyncadd.s32 $0xFFFFB000  }
0x15b: {  	_ =	swait.ge [sflag:s0], $0xA0  }
0x15c: {  	[sflag:s0] =	ssyncset.done $0x0  }
0x15d: {  	[sflag:s0] =	ssyncadd.s32 $0xFFFFFF60  }
0x15e: {  	[spmem:s4] =	stream.indirect.scatter.add.f32 [tilespmem:s29], [sflag:$0x3], $0x80, s30, s25, $0xb8;
	[tilespmem:$0x1FA00] =	vst v63  }
0x15f: {  	_ =	swait.ge [sflag:s24], $0x5000  }
0x160: {  	[sflag:s24] =	ssyncset.done $0x0  }
0x161: {  	[sflag:s24] =	ssyncadd.s32 $0xFFFFB000  }
0x162: {  	_ =	swait.ge [sflag:s31], $0x5000  }
0x163: {  	[sflag:s31] =	ssyncset.done $0x0  }
0x164: {  	[sflag:s31] =	ssyncadd.s32 $0xFFFFB000  }
0x165: {  	_ =	swait.ge [sflag:s31], $0xA0  }
0x166: {  	[sflag:s31] =	ssyncset.done $0x0  }
0x167: {  	[sflag:s31] =	ssyncadd.s32 $0xFFFFFF60  }
0x168: {  	[spmem:s4] =	stream.indirect.scatter.add.f32 [tilespmem:s26], [sflag:$0x3], $0x80, s28, s25, $0xb8;
	[tilespmem:$0x1FA00] =	vst v63  }
0x169: {  	_ =	swait.ge [sflag:s24], $0x5000  }
0x16a: {  	[sflag:s24] =	ssyncset.done $0x0  }
0x16b: {  	[sflag:s24] =	ssyncadd.s32 $0xFFFFB000  }
0x16c: {  	[bflag:$0x0] =	sbarrier.arrive $0xFFFF  }
0x16d: {  	s21 =	rddreg [dreg:$0xb]  }
0x16e: {  	[hbm:s21], [sflag:s10] =	dma.local [spmem:s20], $0x2700  }
.Ltmp6:
0x16f: {  	_ = 	snop;
	(pc) =	sbr.rel @p2 .LBB2_16-.Ltmp6, $4  }
.Ltmp7:
0x170: {  	_ = 	snop;
	(pc) =	sbr.rel @!p2 .LBB2_17-.Ltmp7, $4  }
0x171: {  	_ =	swait.ge [sflag:s24], $0x2700  }
0x172: {  	[sflag:s24] =	ssyncset.done $0x0  }
0x173: {  	s8 =	rddreg [dreg:$0x6];
	[sflag:s24] =	ssyncadd.s32 $0xFFFFD900  }
0x174: {  	_ = 	snop  }
.LBB2_9:
0x175: {  	[tilespmem:s26], [sflag:$0x1] =	stream.indirect.gather [hbm4b:s2+s25], $0x80, s5, s25, $0xb8;
	[tilespmem:$0x1FA00] =	vst v63  }
0x176: {  	_ = 	snop  }
0x177: {  	[tilespmem:s28], [sflag:$0x1] =	stream.linear.gather [hbm4b:s12+s5], $0xA0, $0x38;
	[tilespmem:$0x1FA00] =	vst v63  }
0x178: {  	s8 =	simm.s32 $0xA0;
	s9 =	sadd.s32 $0xFFFFFC40, s23  }
0x179: {  	[tilespmem:s29], [sflag:$0x2] =	stream.indirect.gather [hbm4b:s2+s25], $0x80, s8, s25, $0xb8;
	[tilespmem:$0x1FA00] =	vst v63  }
0x17a: {  	s13 =	sadd.s32 $0x3D4, s9  }
0x17b: {  	[tilespmem:s30], [sflag:$0x2] =	stream.linear.gather [hbm4b:s13+s5], $0xA0, $0x38;
	[tilespmem:$0x1FA00] =	vst v63  }
0x17c: {  	_ =	swait.ge [sflag:s31], $0x5000  }
0x17d: {  	[sflag:s31] =	ssyncset.done $0x0  }
0x17e: {  	[sflag:s31] =	ssyncadd.s32 $0xFFFFB000  }
0x17f: {  	_ =	swait.ge [sflag:s31], $0xA0  }
0x180: {  	[sflag:s31] =	ssyncset.done $0x0  }
0x181: {  	[sflag:s31] =	ssyncadd.s32 $0xFFFFFF60  }
0x182: {  	[spmem:s4] =	stream.indirect.scatter.add.f32 [tilespmem:s26], [sflag:$0x3], $0x80, s28, s25, $0xb8;
	[tilespmem:$0x1FA00] =	vst v63  }
0x183: {  	_ =	swait.ge [sflag:s24], $0x5000  }
0x184: {  	[sflag:s24] =	ssyncset.done $0x0  }
0x185: {  	s14 =	simm.s32 $0x140;
	[sflag:s24] =	ssyncadd.s32 $0xFFFFB000  }
0x186: {  	[tilespmem:s26], [sflag:$0x1] =	stream.indirect.gather [hbm4b:s2+s25], $0x80, s14, s25, $0xb8;
	[tilespmem:$0x1FA00] =	vst v63  }
0x187: {  	s21 =	sadd.s32 $0x3E8, s9  }
0x188: {  	[tilespmem:s28], [sflag:$0x1] =	stream.linear.gather [hbm4b:s21+s5], $0xA0, $0x38;
	[tilespmem:$0x1FA00] =	vst v63  }
0x189: {  	_ =	swait.ge [sflag:s0], $0x5000  }
0x18a: {  	[sflag:s0] =	ssyncset.done $0x0  }
0x18b: {  	[sflag:s0] =	ssyncadd.s32 $0xFFFFB000  }
0x18c: {  	_ =	swait.ge [sflag:s0], $0xA0  }
0x18d: {  	[sflag:s0] =	ssyncset.done $0x0  }
0x18e: {  	[sflag:s0] =	ssyncadd.s32 $0xFFFFFF60  }
0x18f: {  	[spmem:s4] =	stream.indirect.scatter.add.f32 [tilespmem:s29], [sflag:$0x3], $0x80, s30, s25, $0xb8;
	[tilespmem:$0x1FA00] =	vst v63  }
0x190: {  	s9 =	simm.s32 $0xFFFFFC90;
	_ =	swait.ge [sflag:s24], $0x5000  }
0x191: {  	s8 =	simm.s32 $0xFFFFFC68;
	s21 =	simm.s32 $0x280;
	[sflag:s24] =	ssyncset.done $0x0  }
.LBB2_10:
0x192: {  	s13 =	sadd.s32 $0xFFFFFF60, s21  }
0x193: {  	s14 =	sadd.s32 s8, s23;
	[sflag:s24] =	ssyncadd.s32 $0xFFFFB000;
	s8 =	smov.u32 s9  }
0x194: {  	[tilespmem:s29], [sflag:$0x2] =	stream.indirect.gather [hbm4b:s2+s25], $0x80, s13, s25, $0xb8;
	[tilespmem:$0x1FA00] =	vst v63  }
0x195: {  	p3 =	sne.s32 s9, $0xFFFFFFD8;
	s9 =	sadd.s32 $0x28, s9;
	s13 =	sadd.s32 $0x3D4, s14  }
0x196: {  	[tilespmem:s30], [sflag:$0x2] =	stream.linear.gather [hbm4b:s13+s5], $0xA0, $0x38;
	[tilespmem:$0x1FA00] =	vst v63  }
0x197: {  	_ =	swait.ge [sflag:s31], $0x5000  }
0x198: {  	[sflag:s31] =	ssyncset.done $0x0  }
0x199: {  	[sflag:s31] =	ssyncadd.s32 $0xFFFFB000  }
0x19a: {  	_ =	swait.ge [sflag:s31], $0xA0  }
0x19b: {  	[sflag:s31] =	ssyncset.done $0x0  }
0x19c: {  	[sflag:s31] =	ssyncadd.s32 $0xFFFFFF60  }
0x19d: {  	[spmem:s4] =	stream.indirect.scatter.add.f32 [tilespmem:s26], [sflag:$0x3], $0x80, s28, s25, $0xb8;
	[tilespmem:$0x1FA00] =	vst v63  }
0x19e: {  	_ =	swait.ge [sflag:s24], $0x5000  }
0x19f: {  	[sflag:s24] =	ssyncset.done $0x0  }
0x1a0: {  	[sflag:s24] =	ssyncadd.s32 $0xFFFFB000  }
0x1a1: {  	[tilespmem:s26], [sflag:$0x1] =	stream.indirect.gather [hbm4b:s2+s25], $0x80, s21, s25, $0xb8;
	[tilespmem:$0x1FA00] =	vst v63  }
0x1a2: {  	s13 =	sadd.s32 $0x3E8, s14  }
0x1a3: {  	[tilespmem:s28], [sflag:$0x1] =	stream.linear.gather [hbm4b:s13+s5], $0xA0, $0x38;
	[tilespmem:$0x1FA00] =	vst v63  }
0x1a4: {  	_ =	swait.ge [sflag:s0], $0x5000  }
0x1a5: {  	[sflag:s0] =	ssyncset.done $0x0  }
0x1a6: {  	[sflag:s0] =	ssyncadd.s32 $0xFFFFB000  }
0x1a7: {  	_ =	swait.ge [sflag:s0], $0xA0  }
.Ltmp8:
0x1a8: {  	[sflag:s0] =	ssyncset.done $0x0;
	(pc) =	sbr.rel @p3 .LBB2_10-.Ltmp8, $4  }
0x1a9: {  	[sflag:s0] =	ssyncadd.s32 $0xFFFFFF60  }
0x1aa: {  	[spmem:s4] =	stream.indirect.scatter.add.f32 [tilespmem:s29], [sflag:$0x3], $0x80, s30, s25, $0xb8;
	[tilespmem:$0x1FA00] =	vst v63  }
0x1ab: {  	_ =	swait.ge [sflag:s24], $0x5000  }
0x1ac: {  	s21 =	sadd.s32 $0x140, s21;
	[sflag:s24] =	ssyncset.done $0x0  }
0x1ad: {  	s9 =	sadd.s32 $0xFFFFFF60, s21;
	s8 =	sadd.s32 s8, s23;
	[sflag:s24] =	ssyncadd.s32 $0xFFFFB000  }
0x1ae: {  	[tilespmem:s29], [sflag:$0x2] =	stream.indirect.gather [hbm4b:s2+s25], $0x80, s9, s25, $0xb8;
	[tilespmem:$0x1FA00] =	vst v63  }
0x1af: {  	s14 =	sadd.s32 $0x3D4, s8  }
0x1b0: {  	[tilespmem:s30], [sflag:$0x2] =	stream.linear.gather [hbm4b:s14+s5], $0xA0, $0x38;
	[tilespmem:$0x1FA00] =	vst v63  }
0x1b1: {  	_ =	swait.ge [sflag:s31], $0x5000  }
0x1b2: {  	[sflag:s31] =	ssyncset.done $0x0  }
0x1b3: {  	[sflag:s31] =	ssyncadd.s32 $0xFFFFB000  }
0x1b4: {  	_ =	swait.ge [sflag:s31], $0xA0  }
0x1b5: {  	[sflag:s31] =	ssyncset.done $0x0  }
0x1b6: {  	[sflag:s31] =	ssyncadd.s32 $0xFFFFFF60  }
0x1b7: {  	[spmem:s4] =	stream.indirect.scatter.add.f32 [tilespmem:s26], [sflag:$0x3], $0x80, s28, s25, $0xb8;
	[tilespmem:$0x1FA00] =	vst v63  }
0x1b8: {  	_ =	swait.ge [sflag:s24], $0x5000  }
0x1b9: {  	[sflag:s24] =	ssyncset.done $0x0  }
0x1ba: {  	[sflag:s24] =	ssyncadd.s32 $0xFFFFB000  }
0x1bb: {  	[tilespmem:s26], [sflag:$0x1] =	stream.indirect.gather [hbm4b:s2+s25], $0x80, s21, s25, $0xb8;
	[tilespmem:$0x1FA00] =	vst v63  }
0x1bc: {  	s8 =	sadd.s32 $0x3E8, s8  }
0x1bd: {  	[tilespmem:s28], [sflag:$0x1] =	stream.linear.gather [hbm4b:s8+s5], $0xA0, $0x38;
	[tilespmem:$0x1FA00] =	vst v63  }
0x1be: {  	_ =	swait.ge [sflag:s0], $0x5000  }
0x1bf: {  	[sflag:s0] =	ssyncset.done $0x0  }
0x1c0: {  	[sflag:s0] =	ssyncadd.s32 $0xFFFFB000  }
0x1c1: {  	_ =	swait.ge [sflag:s0], $0xA0  }
0x1c2: {  	[sflag:s0] =	ssyncset.done $0x0  }
0x1c3: {  	[sflag:s0] =	ssyncadd.s32 $0xFFFFFF60  }
0x1c4: {  	[spmem:s4] =	stream.indirect.scatter.add.f32 [tilespmem:s29], [sflag:$0x3], $0x80, s30, s25, $0xb8;
	[tilespmem:$0x1FA00] =	vst v63  }
0x1c5: {  	_ =	swait.ge [sflag:s24], $0x5000  }
0x1c6: {  	[sflag:s24] =	ssyncset.done $0x0  }
0x1c7: {  	[sflag:s24] =	ssyncadd.s32 $0xFFFFB000  }
0x1c8: {  	[tilespmem:s29], [sflag:$0x2] =	stream.indirect.gather [hbm4b:s2+s25], $0x80, s6, s25, $0xb8;
	[tilespmem:$0x1FA00] =	vst v63  }
0x1c9: {  	s13 =	rddreg [dreg:$0x9]  }
0x1ca: {  	[tilespmem:s30], [sflag:$0x2] =	stream.linear.gather [hbm4b:s13+s5], $0xA0, $0x38;
	[tilespmem:$0x1FA00] =	vst v63  }
0x1cb: {  	_ =	swait.ge [sflag:s31], $0x5000  }
0x1cc: {  	[sflag:s31] =	ssyncset.done $0x0  }
0x1cd: {  	[sflag:s31] =	ssyncadd.s32 $0xFFFFB000  }
0x1ce: {  	_ =	swait.ge [sflag:s31], $0xA0  }
0x1cf: {  	[sflag:s31] =	ssyncset.done $0x0  }
0x1d0: {  	[sflag:s31] =	ssyncadd.s32 $0xFFFFFF60  }
0x1d1: {  	[spmem:s4] =	stream.indirect.scatter.add.f32 [tilespmem:s26], [sflag:$0x3], $0x80, s28, s25, $0xb8;
	[tilespmem:$0x1FA00] =	vst v63  }
0x1d2: {  	_ =	swait.ge [sflag:s24], $0x5000  }
0x1d3: {  	[sflag:s24] =	ssyncset.done $0x0  }
0x1d4: {  	[sflag:s24] =	ssyncadd.s32 $0xFFFFB000  }
0x1d5: {  	_ =	swait.ge [sflag:s0], $0x5000  }
0x1d6: {  	[sflag:s0] =	ssyncset.done $0x0  }
0x1d7: {  	[sflag:s0] =	ssyncadd.s32 $0xFFFFB000  }
0x1d8: {  	_ =	swait.ge [sflag:s0], $0xA0  }
0x1d9: {  	[sflag:s0] =	ssyncset.done $0x0  }
0x1da: {  	[sflag:s0] =	ssyncadd.s32 $0xFFFFFF60  }
0x1db: {  	[spmem:s4] =	stream.indirect.scatter.add.f32 [tilespmem:s29], [sflag:$0x3], $0x80, s30, s25, $0xb8;
	[tilespmem:$0x1FA00] =	vst v63  }
0x1dc: {  	_ =	swait.ge [sflag:s24], $0x5000  }
0x1dd: {  	[sflag:s24] =	ssyncset.done $0x0  }
0x1de: {  	[sflag:s24] =	ssyncadd.s32 $0xFFFFB000  }
0x1df: {  	[tilespmem:s5], [sflag:$0x3] =	stream.linear.gather [hbm4b:s15+s5], $0x1F40, $0x38;
	[tilespmem:$0x1FA00] =	vst v63  }
0x1e0: {  	_ =	swait.ge [sflag:s24], $0x1F40  }
0x1e1: {  	[sflag:s24] =	ssyncset.done $0x0  }
0x1e2: {  	[sflag:s24] =	ssyncadd.s32 $0xFFFFE0C0  }
0x1e3: {  	[tilespmem:s26], [sflag:$0x1] =	stream.indirect.gather [hbm4b:s2+s25], $0x80, s5, s25, $0xb8;
	[tilespmem:$0x1FA00] =	vst v63  }
0x1e4: {  	_ = 	snop  }
0x1e5: {  	[tilespmem:s28], [sflag:$0x1] =	stream.linear.gather [hbm4b:s16+s5], $0xA0, $0x38;
	[tilespmem:$0x1FA00] =	vst v63  }
0x1e6: {  	s14 =	simm.s32 $0xA0;
	s21 =	sadd.s32 $0xFFFFFC40, s23  }
0x1e7: {  	[tilespmem:s29], [sflag:$0x2] =	stream.indirect.gather [hbm4b:s2+s25], $0x80, s14, s25, $0xb8;
	[tilespmem:$0x1FA00] =	vst v63  }
0x1e8: {  	s13 =	sadd.s32 $0x7BC, s21  }
0x1e9: {  	[tilespmem:s30], [sflag:$0x2] =	stream.linear.gather [hbm4b:s13+s5], $0xA0, $0x38;
	[tilespmem:$0x1FA00] =	vst v63  }
0x1ea: {  	_ =	swait.ge [sflag:s31], $0x5000  }
0x1eb: {  	[sflag:s31] =	ssyncset.done $0x0  }
0x1ec: {  	[sflag:s31] =	ssyncadd.s32 $0xFFFFB000  }
0x1ed: {  	_ =	swait.ge [sflag:s31], $0xA0  }
0x1ee: {  	[sflag:s31] =	ssyncset.done $0x0  }
0x1ef: {  	[sflag:s31] =	ssyncadd.s32 $0xFFFFFF60  }
0x1f0: {  	[spmem:s4] =	stream.indirect.scatter.add.f32 [tilespmem:s26], [sflag:$0x3], $0x80, s28, s25, $0xb8;
	[tilespmem:$0x1FA00] =	vst v63  }
0x1f1: {  	_ =	swait.ge [sflag:s24], $0x5000  }
0x1f2: {  	[sflag:s24] =	ssyncset.done $0x0  }
0x1f3: {  	s14 =	simm.s32 $0x140;
	[sflag:s24] =	ssyncadd.s32 $0xFFFFB000  }
0x1f4: {  	[tilespmem:s26], [sflag:$0x1] =	stream.indirect.gather [hbm4b:s2+s25], $0x80, s14, s25, $0xb8;
	[tilespmem:$0x1FA00] =	vst v63  }
0x1f5: {  	s21 =	sadd.s32 $0x7D0, s21  }
0x1f6: {  	[tilespmem:s28], [sflag:$0x1] =	stream.linear.gather [hbm4b:s21+s5], $0xA0, $0x38;
	[tilespmem:$0x1FA00] =	vst v63  }
0x1f7: {  	_ =	swait.ge [sflag:s0], $0x5000  }
0x1f8: {  	[sflag:s0] =	ssyncset.done $0x0  }
0x1f9: {  	[sflag:s0] =	ssyncadd.s32 $0xFFFFB000  }
0x1fa: {  	_ =	swait.ge [sflag:s0], $0xA0  }
0x1fb: {  	[sflag:s0] =	ssyncset.done $0x0  }
0x1fc: {  	[sflag:s0] =	ssyncadd.s32 $0xFFFFFF60  }
0x1fd: {  	[spmem:s4] =	stream.indirect.scatter.add.f32 [tilespmem:s29], [sflag:$0x3], $0x80, s30, s25, $0xb8;
	[tilespmem:$0x1FA00] =	vst v63  }
0x1fe: {  	s9 =	simm.s32 $0xFFFFFC90;
	_ =	swait.ge [sflag:s24], $0x5000  }
0x1ff: {  	s8 =	simm.s32 $0xFFFFFC68;
	s21 =	simm.s32 $0x280;
	[sflag:s24] =	ssyncset.done $0x0  }
.LBB2_12:
0x200: {  	s13 =	sadd.s32 $0xFFFFFF60, s21  }
0x201: {  	s14 =	sadd.s32 s8, s23;
	[sflag:s24] =	ssyncadd.s32 $0xFFFFB000;
	s8 =	smov.u32 s9  }
0x202: {  	[tilespmem:s29], [sflag:$0x2] =	stream.indirect.gather [hbm4b:s2+s25], $0x80, s13, s25, $0xb8;
	[tilespmem:$0x1FA00] =	vst v63  }
0x203: {  	p3 =	sne.s32 s9, $0xFFFFFFD8;
	s9 =	sadd.s32 $0x28, s9;
	s13 =	sadd.s32 $0x7BC, s14  }
0x204: {  	[tilespmem:s30], [sflag:$0x2] =	stream.linear.gather [hbm4b:s13+s5], $0xA0, $0x38;
	[tilespmem:$0x1FA00] =	vst v63  }
0x205: {  	_ =	swait.ge [sflag:s31], $0x5000  }
0x206: {  	[sflag:s31] =	ssyncset.done $0x0  }
0x207: {  	[sflag:s31] =	ssyncadd.s32 $0xFFFFB000  }
0x208: {  	_ =	swait.ge [sflag:s31], $0xA0  }
0x209: {  	[sflag:s31] =	ssyncset.done $0x0  }
0x20a: {  	[sflag:s31] =	ssyncadd.s32 $0xFFFFFF60  }
0x20b: {  	[spmem:s4] =	stream.indirect.scatter.add.f32 [tilespmem:s26], [sflag:$0x3], $0x80, s28, s25, $0xb8;
	[tilespmem:$0x1FA00] =	vst v63  }
0x20c: {  	_ =	swait.ge [sflag:s24], $0x5000  }
0x20d: {  	[sflag:s24] =	ssyncset.done $0x0  }
0x20e: {  	[sflag:s24] =	ssyncadd.s32 $0xFFFFB000  }
0x20f: {  	[tilespmem:s26], [sflag:$0x1] =	stream.indirect.gather [hbm4b:s2+s25], $0x80, s21, s25, $0xb8;
	[tilespmem:$0x1FA00] =	vst v63  }
0x210: {  	s13 =	sadd.s32 $0x7D0, s14  }
0x211: {  	[tilespmem:s28], [sflag:$0x1] =	stream.linear.gather [hbm4b:s13+s5], $0xA0, $0x38;
	[tilespmem:$0x1FA00] =	vst v63  }
0x212: {  	_ =	swait.ge [sflag:s0], $0x5000  }
0x213: {  	[sflag:s0] =	ssyncset.done $0x0  }
0x214: {  	[sflag:s0] =	ssyncadd.s32 $0xFFFFB000  }
0x215: {  	_ =	swait.ge [sflag:s0], $0xA0  }
.Ltmp9:
0x216: {  	[sflag:s0] =	ssyncset.done $0x0;
	(pc) =	sbr.rel @p3 .LBB2_12-.Ltmp9, $4  }
0x217: {  	[sflag:s0] =	ssyncadd.s32 $0xFFFFFF60  }
0x218: {  	[spmem:s4] =	stream.indirect.scatter.add.f32 [tilespmem:s29], [sflag:$0x3], $0x80, s30, s25, $0xb8;
	[tilespmem:$0x1FA00] =	vst v63  }
0x219: {  	_ =	swait.ge [sflag:s24], $0x5000  }
0x21a: {  	s21 =	sadd.s32 $0x140, s21;
	[sflag:s24] =	ssyncset.done $0x0  }
0x21b: {  	s9 =	sadd.s32 $0xFFFFFF60, s21;
	s8 =	sadd.s32 s8, s23;
	[sflag:s24] =	ssyncadd.s32 $0xFFFFB000  }
0x21c: {  	[tilespmem:s29], [sflag:$0x2] =	stream.indirect.gather [hbm4b:s2+s25], $0x80, s9, s25, $0xb8;
	[tilespmem:$0x1FA00] =	vst v63  }
0x21d: {  	s13 =	sadd.s32 $0x7BC, s8  }
0x21e: {  	[tilespmem:s30], [sflag:$0x2] =	stream.linear.gather [hbm4b:s13+s5], $0xA0, $0x38;
	[tilespmem:$0x1FA00] =	vst v63  }
0x21f: {  	_ =	swait.ge [sflag:s31], $0x5000  }
0x220: {  	[sflag:s31] =	ssyncset.done $0x0  }
0x221: {  	[sflag:s31] =	ssyncadd.s32 $0xFFFFB000  }
0x222: {  	_ =	swait.ge [sflag:s31], $0xA0  }
0x223: {  	[sflag:s31] =	ssyncset.done $0x0  }
0x224: {  	[sflag:s31] =	ssyncadd.s32 $0xFFFFFF60  }
0x225: {  	[spmem:s4] =	stream.indirect.scatter.add.f32 [tilespmem:s26], [sflag:$0x3], $0x80, s28, s25, $0xb8;
	[tilespmem:$0x1FA00] =	vst v63  }
0x226: {  	_ =	swait.ge [sflag:s24], $0x5000  }
0x227: {  	[sflag:s24] =	ssyncset.done $0x0  }
0x228: {  	[sflag:s24] =	ssyncadd.s32 $0xFFFFB000  }
0x229: {  	[tilespmem:s26], [sflag:$0x1] =	stream.indirect.gather [hbm4b:s2+s25], $0x80, s21, s25, $0xb8;
	[tilespmem:$0x1FA00] =	vst v63  }
0x22a: {  	s8 =	sadd.s32 $0x7D0, s8  }
0x22b: {  	[tilespmem:s28], [sflag:$0x1] =	stream.linear.gather [hbm4b:s8+s5], $0xA0, $0x38;
	[tilespmem:$0x1FA00] =	vst v63  }
0x22c: {  	_ =	swait.ge [sflag:s0], $0x5000  }
0x22d: {  	[sflag:s0] =	ssyncset.done $0x0  }
0x22e: {  	[sflag:s0] =	ssyncadd.s32 $0xFFFFB000  }
0x22f: {  	_ =	swait.ge [sflag:s0], $0xA0  }
0x230: {  	[sflag:s0] =	ssyncset.done $0x0  }
0x231: {  	[sflag:s0] =	ssyncadd.s32 $0xFFFFFF60  }
0x232: {  	[spmem:s4] =	stream.indirect.scatter.add.f32 [tilespmem:s29], [sflag:$0x3], $0x80, s30, s25, $0xb8;
	[tilespmem:$0x1FA00] =	vst v63  }
0x233: {  	_ =	swait.ge [sflag:s24], $0x5000  }
0x234: {  	[sflag:s24] =	ssyncset.done $0x0  }
0x235: {  	[sflag:s24] =	ssyncadd.s32 $0xFFFFB000  }
0x236: {  	[tilespmem:s29], [sflag:$0x2] =	stream.indirect.gather [hbm4b:s2+s25], $0x80, s6, s25, $0xb8;
	[tilespmem:$0x1FA00] =	vst v63  }
0x237: {  	_ = 	snop  }
0x238: {  	[tilespmem:s30], [sflag:$0x2] =	stream.linear.gather [hbm4b:s17+s5], $0xA0, $0x38;
	[tilespmem:$0x1FA00] =	vst v63  }
0x239: {  	_ =	swait.ge [sflag:s31], $0x5000  }
0x23a: {  	[sflag:s31] =	ssyncset.done $0x0  }
0x23b: {  	[sflag:s31] =	ssyncadd.s32 $0xFFFFB000  }
0x23c: {  	_ =	swait.ge [sflag:s31], $0xA0  }
0x23d: {  	[sflag:s31] =	ssyncset.done $0x0  }
0x23e: {  	[sflag:s31] =	ssyncadd.s32 $0xFFFFFF60  }
0x23f: {  	[spmem:s4] =	stream.indirect.scatter.add.f32 [tilespmem:s26], [sflag:$0x3], $0x80, s28, s25, $0xb8;
	[tilespmem:$0x1FA00] =	vst v63  }
0x240: {  	_ =	swait.ge [sflag:s24], $0x5000  }
0x241: {  	[sflag:s24] =	ssyncset.done $0x0  }
0x242: {  	[sflag:s24] =	ssyncadd.s32 $0xFFFFB000  }
0x243: {  	_ =	swait.ge [sflag:s0], $0x5000  }
0x244: {  	[sflag:s0] =	ssyncset.done $0x0  }
0x245: {  	[sflag:s0] =	ssyncadd.s32 $0xFFFFB000  }
0x246: {  	_ =	swait.ge [sflag:s0], $0xA0  }
0x247: {  	[sflag:s0] =	ssyncset.done $0x0  }
0x248: {  	[sflag:s0] =	ssyncadd.s32 $0xFFFFFF60  }
0x249: {  	[spmem:s4] =	stream.indirect.scatter.add.f32 [tilespmem:s29], [sflag:$0x3], $0x80, s30, s25, $0xb8;
	[tilespmem:$0x1FA00] =	vst v63  }
0x24a: {  	_ =	swait.ge [sflag:s24], $0x5000  }
0x24b: {  	[sflag:s24] =	ssyncset.done $0x0  }
0x24c: {  	[sflag:s24] =	ssyncadd.s32 $0xFFFFB000  }
0x24d: {  	[tilespmem:s5], [sflag:$0x3] =	stream.linear.gather [hbm4b:s18+s5], $0xFA0, $0x38;
	[tilespmem:$0x1FA00] =	vst v63  }
0x24e: {  	_ =	swait.ge [sflag:s24], $0xFA0  }
0x24f: {  	[sflag:s24] =	ssyncset.done $0x0  }
0x250: {  	[sflag:s24] =	ssyncadd.s32 $0xFFFFF060  }
0x251: {  	[tilespmem:s26], [sflag:$0x1] =	stream.indirect.gather [hbm4b:s2+s25], $0x80, s5, s25, $0xb8;
	[tilespmem:$0x1FA00] =	vst v63  }
0x252: {  	_ = 	snop  }
0x253: {  	[tilespmem:s28], [sflag:$0x1] =	stream.linear.gather [hbm4b:s19+s5], $0xA0, $0x38;
	[tilespmem:$0x1FA00] =	vst v63  }
0x254: {  	s14 =	simm.s32 $0xA0;
	s21 =	sadd.s32 $0xFFFFFE20, s23  }
0x255: {  	[tilespmem:s29], [sflag:$0x2] =	stream.indirect.gather [hbm4b:s2+s25], $0x80, s14, s25, $0xb8;
	[tilespmem:$0x1FA00] =	vst v63  }
0x256: {  	s13 =	sadd.s32 $0x9C4, s21  }
0x257: {  	[tilespmem:s30], [sflag:$0x2] =	stream.linear.gather [hbm4b:s13+s5], $0xA0, $0x38;
	[tilespmem:$0x1FA00] =	vst v63  }
0x258: {  	_ =	swait.ge [sflag:s31], $0x5000  }
0x259: {  	[sflag:s31] =	ssyncset.done $0x0  }
0x25a: {  	[sflag:s31] =	ssyncadd.s32 $0xFFFFB000  }
0x25b: {  	_ =	swait.ge [sflag:s31], $0xA0  }
0x25c: {  	[sflag:s31] =	ssyncset.done $0x0  }
0x25d: {  	[sflag:s31] =	ssyncadd.s32 $0xFFFFFF60  }
0x25e: {  	[spmem:s4] =	stream.indirect.scatter.add.f32 [tilespmem:s26], [sflag:$0x3], $0x80, s28, s25, $0xb8;
	[tilespmem:$0x1FA00] =	vst v63  }
0x25f: {  	_ =	swait.ge [sflag:s24], $0x5000  }
0x260: {  	[sflag:s24] =	ssyncset.done $0x0  }
0x261: {  	s14 =	simm.s32 $0x140;
	[sflag:s24] =	ssyncadd.s32 $0xFFFFB000  }
0x262: {  	[tilespmem:s26], [sflag:$0x1] =	stream.indirect.gather [hbm4b:s2+s25], $0x80, s14, s25, $0xb8;
	[tilespmem:$0x1FA00] =	vst v63  }
0x263: {  	s21 =	sadd.s32 $0x9D8, s21  }
0x264: {  	[tilespmem:s28], [sflag:$0x1] =	stream.linear.gather [hbm4b:s21+s5], $0xA0, $0x38;
	[tilespmem:$0x1FA00] =	vst v63  }
0x265: {  	_ =	swait.ge [sflag:s0], $0x5000  }
0x266: {  	[sflag:s0] =	ssyncset.done $0x0  }
0x267: {  	[sflag:s0] =	ssyncadd.s32 $0xFFFFB000  }
0x268: {  	_ =	swait.ge [sflag:s0], $0xA0  }
0x269: {  	[sflag:s0] =	ssyncset.done $0x0  }
0x26a: {  	[sflag:s0] =	ssyncadd.s32 $0xFFFFFF60  }
0x26b: {  	[spmem:s4] =	stream.indirect.scatter.add.f32 [tilespmem:s29], [sflag:$0x3], $0x80, s30, s25, $0xb8;
	[tilespmem:$0x1FA00] =	vst v63  }
0x26c: {  	s9 =	simm.s32 $0xFFFFFE70;
	_ =	swait.ge [sflag:s24], $0x5000  }
0x26d: {  	s8 =	simm.s32 $0xFFFFFE48;
	s21 =	simm.s32 $0x280;
	[sflag:s24] =	ssyncset.done $0x0  }
.LBB2_14:
0x26e: {  	s13 =	sadd.s32 $0xFFFFFF60, s21  }
0x26f: {  	s14 =	sadd.s32 s8, s23;
	[sflag:s24] =	ssyncadd.s32 $0xFFFFB000;
	s8 =	smov.u32 s9  }
0x270: {  	[tilespmem:s29], [sflag:$0x2] =	stream.indirect.gather [hbm4b:s2+s25], $0x80, s13, s25, $0xb8;
	[tilespmem:$0x1FA00] =	vst v63  }
0x271: {  	p3 =	sne.s32 s9, $0xFFFFFFD8;
	s9 =	sadd.s32 $0x28, s9;
	s13 =	sadd.s32 $0x9C4, s14  }
0x272: {  	[tilespmem:s30], [sflag:$0x2] =	stream.linear.gather [hbm4b:s13+s5], $0xA0, $0x38;
	[tilespmem:$0x1FA00] =	vst v63  }
0x273: {  	_ =	swait.ge [sflag:s31], $0x5000  }
0x274: {  	[sflag:s31] =	ssyncset.done $0x0  }
0x275: {  	[sflag:s31] =	ssyncadd.s32 $0xFFFFB000  }
0x276: {  	_ =	swait.ge [sflag:s31], $0xA0  }
0x277: {  	[sflag:s31] =	ssyncset.done $0x0  }
0x278: {  	[sflag:s31] =	ssyncadd.s32 $0xFFFFFF60  }
0x279: {  	[spmem:s4] =	stream.indirect.scatter.add.f32 [tilespmem:s26], [sflag:$0x3], $0x80, s28, s25, $0xb8;
	[tilespmem:$0x1FA00] =	vst v63  }
0x27a: {  	_ =	swait.ge [sflag:s24], $0x5000  }
0x27b: {  	[sflag:s24] =	ssyncset.done $0x0  }
0x27c: {  	[sflag:s24] =	ssyncadd.s32 $0xFFFFB000  }
0x27d: {  	[tilespmem:s26], [sflag:$0x1] =	stream.indirect.gather [hbm4b:s2+s25], $0x80, s21, s25, $0xb8;
	[tilespmem:$0x1FA00] =	vst v63  }
0x27e: {  	s13 =	sadd.s32 $0x9D8, s14  }
0x27f: {  	[tilespmem:s28], [sflag:$0x1] =	stream.linear.gather [hbm4b:s13+s5], $0xA0, $0x38;
	[tilespmem:$0x1FA00] =	vst v63  }
0x280: {  	_ =	swait.ge [sflag:s0], $0x5000  }
0x281: {  	[sflag:s0] =	ssyncset.done $0x0  }
0x282: {  	[sflag:s0] =	ssyncadd.s32 $0xFFFFB000  }
0x283: {  	_ =	swait.ge [sflag:s0], $0xA0  }
.Ltmp10:
0x284: {  	[sflag:s0] =	ssyncset.done $0x0;
	(pc) =	sbr.rel @p3 .LBB2_14-.Ltmp10, $4  }
0x285: {  	[sflag:s0] =	ssyncadd.s32 $0xFFFFFF60  }
0x286: {  	[spmem:s4] =	stream.indirect.scatter.add.f32 [tilespmem:s29], [sflag:$0x3], $0x80, s30, s25, $0xb8;
	[tilespmem:$0x1FA00] =	vst v63  }
0x287: {  	_ =	swait.ge [sflag:s24], $0x5000  }
0x288: {  	s21 =	sadd.s32 $0x140, s21;
	[sflag:s24] =	ssyncset.done $0x0  }
0x289: {  	s9 =	sadd.s32 $0xFFFFFF60, s21;
	s8 =	sadd.s32 s8, s23;
	[sflag:s24] =	ssyncadd.s32 $0xFFFFB000  }
0x28a: {  	[tilespmem:s29], [sflag:$0x2] =	stream.indirect.gather [hbm4b:s2+s25], $0x80, s9, s25, $0xb8;
	[tilespmem:$0x1FA00] =	vst v63  }
0x28b: {  	s14 =	sadd.s32 $0x9C4, s8  }
0x28c: {  	[tilespmem:s30], [sflag:$0x2] =	stream.linear.gather [hbm4b:s14+s5], $0xA0, $0x38;
	[tilespmem:$0x1FA00] =	vst v63  }
0x28d: {  	_ =	swait.ge [sflag:s31], $0x5000  }
0x28e: {  	[sflag:s31] =	ssyncset.done $0x0  }
0x28f: {  	[sflag:s31] =	ssyncadd.s32 $0xFFFFB000  }
0x290: {  	_ =	swait.ge [sflag:s31], $0xA0  }
0x291: {  	[sflag:s31] =	ssyncset.done $0x0  }
0x292: {  	[sflag:s31] =	ssyncadd.s32 $0xFFFFFF60  }
0x293: {  	[spmem:s4] =	stream.indirect.scatter.add.f32 [tilespmem:s26], [sflag:$0x3], $0x80, s28, s25, $0xb8;
	[tilespmem:$0x1FA00] =	vst v63  }
0x294: {  	_ =	swait.ge [sflag:s24], $0x5000  }
0x295: {  	[sflag:s24] =	ssyncset.done $0x0  }
0x296: {  	[sflag:s24] =	ssyncadd.s32 $0xFFFFB000  }
0x297: {  	[tilespmem:s26], [sflag:$0x1] =	stream.indirect.gather [hbm4b:s2+s25], $0x80, s21, s25, $0xb8;
	[tilespmem:$0x1FA00] =	vst v63  }
0x298: {  	s8 =	sadd.s32 $0x9D8, s8  }
0x299: {  	[tilespmem:s28], [sflag:$0x1] =	stream.linear.gather [hbm4b:s8+s5], $0xA0, $0x38;
	[tilespmem:$0x1FA00] =	vst v63  }
0x29a: {  	_ =	swait.ge [sflag:s0], $0x5000  }
0x29b: {  	[sflag:s0] =	ssyncset.done $0x0  }
0x29c: {  	[sflag:s0] =	ssyncadd.s32 $0xFFFFB000  }
0x29d: {  	_ =	swait.ge [sflag:s0], $0xA0  }
0x29e: {  	[sflag:s0] =	ssyncset.done $0x0  }
0x29f: {  	[sflag:s0] =	ssyncadd.s32 $0xFFFFFF60  }
0x2a0: {  	[spmem:s4] =	stream.indirect.scatter.add.f32 [tilespmem:s29], [sflag:$0x3], $0x80, s30, s25, $0xb8;
	[tilespmem:$0x1FA00] =	vst v63  }
0x2a1: {  	_ =	swait.ge [sflag:s24], $0x5000  }
0x2a2: {  	[sflag:s24] =	ssyncset.done $0x0  }
0x2a3: {  	[sflag:s24] =	ssyncadd.s32 $0xFFFFB000  }
0x2a4: {  	_ =	swait.ge [sflag:s31], $0x5000  }
0x2a5: {  	[sflag:s31] =	ssyncset.done $0x0  }
0x2a6: {  	[sflag:s31] =	ssyncadd.s32 $0xFFFFB000  }
0x2a7: {  	_ =	swait.ge [sflag:s31], $0xA0  }
0x2a8: {  	[sflag:s31] =	ssyncset.done $0x0  }
0x2a9: {  	[sflag:s31] =	ssyncadd.s32 $0xFFFFFF60  }
0x2aa: {  	[spmem:s4] =	stream.indirect.scatter.add.f32 [tilespmem:s26], [sflag:$0x3], $0x80, s28, s25, $0xb8;
	[tilespmem:$0x1FA00] =	vst v63  }
0x2ab: {  	_ =	swait.ge [sflag:s24], $0x5000  }
0x2ac: {  	[sflag:s24] =	ssyncset.done $0x0  }
0x2ad: {  	[sflag:s24] =	ssyncadd.s32 $0xFFFFB000  }
0x2ae: {  	[bflag:$0x0] =	sbarrier.arrive $0xFFFF  }
0x2af: {  	s21 =	rddreg [dreg:$0xa]  }
0x2b0: {  	[hbm:s21], [sflag:s10] =	dma.local [spmem:s20], $0x2700  }
.Ltmp11:
0x2b1: {  	_ = 	snop;
	(pc) =	sbr.rel @p0 .LBB2_17-.Ltmp11, $4  }
.Ltmp12:
0x2b2: {  	_ =	swait.ge [sflag:s24], $0x2700;
	(pc) =	sbr.rel @!p0 .LBB2_16-.Ltmp12, $4  }
0x2b3: {  	[sflag:s24] =	ssyncset.done $0x0  }
0x2b4: {  	[sflag:s24] =	ssyncadd.s32 $0xFFFFD900  }
0x2b5: {  	s8 =	rddreg [dreg:$0x3]  }
0x2b6: {  	_ = 	snop  }
.LBB2_18:
0x2b7: {  	_ =	sfence.sel $0x180000  }
0x2b8: {  	[bflag:$0x0] =	sbarrier.arrive $0xFFFF  }
0x2b9: {  	_ =	strace $0x90000047  }
0x2ba: {  	s0 =	stileid.u32;
	[bflag:$0x2] =	sbarrier.arrive $0xFFFF  }
0x2bb: {  	p0 =	sne.s32 s0, $0x0;
	s0 =	rddreg [dreg:$0x5]  }
0x2bc: {  	s0 =	sadd.s32 @!p0 $0x100000, s0  }
0x2bd: {  	[sflag:s0] =	ssyncadd.tile.s32 @!p0 $0x1;
	_ =	shalt  }
.Lfunc_end2:
_tile_overlayer_lowered:
.L_overlay_start_2:
0x2be: {  	(tag) =	ssettag $0x2  }
0x2bf: {  	s0 =	rddreg [dreg:$0x0];
	s2 =	stileid.u32  }
0x2c0: {  	s1 =	rddreg [dreg:$0x1];
	p0 =	sne.s32 s2, $0x0  }
0x2c1: {  	s3 =	rddreg [dreg:$0x2];
	[bflag:$0x3] =	sbarrier.arrive $0xFFFF;
	s2 =	simm.s32 @!p0 $0x1C03  }
0x2c2: {  	[timem:s3], [sflag:s2] =	dma.local @!p0 [hbm:s0], s1  }
0x2c3: {  	s0 =	simm.s32 @!p0 $0x3  }
0x2c4: {  	_ =	swait.ge @!p0 [sflag:s0], s1  }
0x2c5: {  	s1 =	ssub.s32 @!p0 $0x0, s1;
	[sflag:s0] =	ssyncset.done @!p0 $0x0  }
0x2c6: {  	[sflag:s0] =	ssyncadd.s32 @!p0 s1  }
0x2c7: {  	[bflag:$0x3] =	sbarrier.arrive $0xFFFF  }
0x2c8: {  	_ =	shalt  }

// kernel: kernel.9.cloned.1.call-start
scs
__scs_entry_jumppad:
0x0: {  	(pc) =	sbr.rel $0x88, $3  }
0x1: {  	(tag) =	ssettag $0x0;
	lr =	simm.s32 $0x1  }
0x2: {  	[smem:$0x3F98] =	sst lr;
	_ =	strace $0xD0000000  }
0x3: {  	_ = 	snop  }
0x4: {  	_ = 	snop  }
0x5: {  	_ = 	snop  }
0x6: {  	_ = 	snop  }
0x7: {  	_ = 	snop  }
__scs_overlays_trampoline_lowered:
0x8: {  	[smem:$0x3FA7] =	sst s0  }
0x9: {  	[smem:$0x3FA8] =	sst s1  }
0xa: {  	[smem:$0x3FA9] =	sst s2  }
0xb: {  	[smem:$0x3FAA] =	sst s3  }
0xc: {  	[smem:$0x3FAB] =	sst s4  }
0xd: {  	[smem:$0x3FAC] =	sst s5  }
0xe: {  	[smem:$0x3FAD] =	sst s6  }
0xf: {  	[smem:$0x3FAE] =	sst s7  }
0x10: {  	[smem:$0x3FAF] =	sst s8  }
0x11: {  	[smem:$0x3FB0] =	sst s9;
	s0 =	simm.s32 @!p0 $0x0  }
0x12: {  	s1 =	sld [smem:$0x3F96];
	s0 =	simm.s32 @p0 $0x1  }
0x13: {  	[smem:$0x3FB1] =	sst s0;
	s0 =	simm.s32 @!p1 $0x0  }
0x14: {  	s2 =	sld [smem:$0x3F95];
	s0 =	simm.s32 @p1 $0x1  }
0x15: {  	[smem:$0x3FB2] =	sst s0;
	s0 =	simm.s32 @!p2 $0x0  }
0x16: {  	s3 =	sld [smem:$0x3FDB];
	s0 =	simm.s32 @p2 $0x1  }
0x17: {  	s4 =	simm.s32 $0x1BF5;
	[smem:$0x3FB4] =	sst s0  }
0x18: {  	s0 =	sld [smem:$0x3F97];
	_ =	swait.ge [sflag:s4], $0x0  }
0x19: {  	s7 =	sld [smem:$0x3F98]  }
0x1a: {  	s8 =	sadd.s32 $0xFFFFE003, lr  }
0x1b: {  	s9 =	sadd.s32 $0xFFFFFEF7, lr;
	s5 =	simm.s32 $0xFFFFFFFF;
	p2 =	slt.u32 s8, $0xFFFFF086  }
0x1c: {  	p1 =	slt.u32 s9, $0xF7A;
	s5 =	simm.s32 @!p2 $0x0  }
0x1d: {  	s5 =	simm.s32 @p1 $0x1;
	p0 =	seq.s32 s7, s2  }
0x1e: {  	s7 =	smul.u32 @!p0 $0xF7A, s2;
	p2 =	seq.s32 @!p0 s5, $0x0  }
0x1f: {  	s9 =	smul.u32 $0xF7A, s1;
	s8 =	simm.s32 @!p0 $0x1BF5;
	p2 =	por !p2, p0  }
0x20: {  	[sflag:s8] =	ssyncset.s32 @!p0 $0xFFFFF086;
	s6 =	sadd.s32 @!p0 s3, s7;
	s7 =	simm.s32 @!p0 $0x108  }
0x21: {  	s3 =	sadd.s32 s3, s9;
	s6 =	sadd.s32 @!p0 $0x88, s6;
	s7 =	simm.s32 @p2 $0x1082  }
0x22: {  	[simem:s7], [sflag:s8] =	dma.local @!p0 [hbm:s6], $0xF7A  }
0x23: {  	s9 =	sor.u32 $0xD0000000, s2;
	s6 =	simm.s32 $0x108;
	_ =	swait.ge @!p0 [sflag:s8], $0x0  }
0x24: {  	s3 =	sadd.s32 $0x88, s3;
	s6 =	simm.s32 @!p1 $0x1082;
	[sflag:s4] =	ssyncset.s32 $0xFFFFF086  }
0x25: {  	[simem:s6], [sflag:s4] =	dma.local [hbm:s3], $0xF7A  }
0x26: {  	[smem:$0x3F98] =	sst s1;
	(tag) =	ssettag s2;
	_ =	strace s9  }
0x27: {  	s1 =	sld [smem:$0x3FA8]  }
0x28: {  	s2 =	sld [smem:$0x3FA9]  }
0x29: {  	s4 =	sld [smem:$0x3FAB]  }
0x2a: {  	p0 =	seq.s32 s5, $0x0;
	s5 =	sld [smem:$0x3FAC]  }
0x2b: {  	s6 =	sld [smem:$0x3FAD]  }
0x2c: {  	s7 =	sld [smem:$0x3FAE]  }
0x2d: {  	s3 =	simm.s32 $0x108;
	s8 =	sld [smem:$0x3FAF]  }
0x2e: {  	s3 =	simm.s32 @!p0 $0x1082;
	s9 =	sld [smem:$0x3FB0]  }
0x2f: {  	lr =	sadd.s32 s0, s3;
	s0 =	sld [smem:$0x3FA7]  }
0x30: {  	s3 =	sld [smem:$0x3FAA]  }
0x31: {  	[smem:$0x3FB3] =	sst s10  }
0x32: {  	s10 =	sld [smem:$0x3FB1];
	_ =	sdelay $0x3  }
0x33: {  	p0 =	seq.s32 s10, $0x1;
	s10 =	sld [smem:$0x3FB3];
	_ =	sdelay $0x3  }
0x34: {  	[smem:$0x3FB3] =	sst s10  }
0x35: {  	s10 =	sld [smem:$0x3FB2];
	_ =	sdelay $0x3  }
0x36: {  	p1 =	seq.s32 s10, $0x1;
	s10 =	sld [smem:$0x3FB3];
	_ =	sdelay $0x3  }
0x37: {  	[smem:$0x3FB3] =	sst s10  }
0x38: {  	s10 =	sld [smem:$0x3FB4]  }
0x39: {  	_ = 	snop;
	(pc) =	sbr.ind lr, $3  }
0x3a: {  	_ = 	snop  }
0x3b: {  	_ = 	snop  }
0x3c: {  	p2 =	seq.s32 s10, $0x1;
	s10 =	sld [smem:$0x3FB3]  }
0x3d: {  	_ =	shalt  }
0x3e: {  	_ =	shalt  }
0x3f: {  	_ =	shalt  }
0x40: {  	_ =	shalt  }
0x41: {  	_ =	shalt  }
0x42: {  	_ =	shalt  }
0x43: {  	_ =	shalt  }
0x44: {  	_ =	shalt  }
0x45: {  	_ =	shalt  }
0x46: {  	_ =	shalt  }
0x47: {  	_ =	shalt  }
0x48: {  	_ =	shalt  }
0x49: {  	_ =	shalt  }
0x4a: {  	_ =	shalt  }
0x4b: {  	_ =	shalt  }
0x4c: {  	_ =	shalt  }
0x4d: {  	_ =	shalt  }
0x4e: {  	_ =	shalt  }
0x4f: {  	_ =	shalt  }
0x50: {  	_ =	shalt  }
0x51: {  	_ =	shalt  }
0x52: {  	_ =	shalt  }
0x53: {  	_ =	shalt  }
0x54: {  	_ =	shalt  }
0x55: {  	_ =	shalt  }
0x56: {  	_ =	shalt  }
0x57: {  	_ =	shalt  }
0x58: {  	_ =	shalt  }
0x59: {  	_ =	shalt  }
0x5a: {  	_ =	shalt  }
0x5b: {  	_ =	shalt  }
0x5c: {  	_ =	shalt  }
0x5d: {  	_ =	shalt  }
0x5e: {  	_ =	shalt  }
0x5f: {  	_ =	shalt  }
0x60: {  	_ =	shalt  }
0x61: {  	_ =	shalt  }
0x62: {  	_ =	shalt  }
0x63: {  	_ =	shalt  }
0x64: {  	_ =	shalt  }
0x65: {  	_ =	shalt  }
0x66: {  	_ =	shalt  }
0x67: {  	_ =	shalt  }
0x68: {  	_ =	shalt  }
0x69: {  	_ =	shalt  }
0x6a: {  	_ =	shalt  }
0x6b: {  	_ =	shalt  }
0x6c: {  	_ =	shalt  }
0x6d: {  	_ =	shalt  }
0x6e: {  	_ =	shalt  }
0x6f: {  	_ =	shalt  }
0x70: {  	_ =	shalt  }
0x71: {  	_ =	shalt  }
0x72: {  	_ =	shalt  }
0x73: {  	_ =	shalt  }
0x74: {  	_ =	shalt  }
0x75: {  	_ =	shalt  }
0x76: {  	_ =	shalt  }
0x77: {  	_ =	shalt  }
0x78: {  	_ =	shalt  }
0x79: {  	_ =	shalt  }
0x7a: {  	_ =	shalt  }
0x7b: {  	_ =	shalt  }
0x7c: {  	_ =	shalt  }
0x7d: {  	_ =	shalt  }
0x7e: {  	_ =	shalt  }
0x7f: {  	_ =	shalt  }
0x80: {  	_ =	shalt  }
0x81: {  	_ =	shalt  }
0x82: {  	_ =	shalt  }
0x83: {  	_ =	shalt  }
0x84: {  	_ =	shalt  }
0x85: {  	_ =	shalt  }
0x86: {  	_ =	shalt  }
0x87: {  	_ =	shalt  }
.Lfunc_end0:
.L_simem_size_0:
called_computation.1_lowered:
.L_overlay_start_0:
0x88: {  	s2 =	sld [smem:$0x3FD9]  }
0x89: {  	s3 =	sld [smem:$0x3FFE];
	_ =	sdelay $0x1  }
0x8a: {  	s1 =	srdreg.scid  }
0x8b: {  	s0 =	sand.u32 $0x1, s1  }
0x8c: {  	s17 =	sshll.u32 s0, $0xA;
	s2 =	sadd.s32 s3, s2  }
0x8d: {  	s2 =	sadd.s32 s2, s17  }
0x8e: {  	[smem:$0x3FBF] =	sst s2  }
0x8f: {  	_ = 	snop  }
0x90: {  	s2 =	sld [smem:$0x3FD0];
	(tm) =	ssettm $0x1  }
0x91: {  	s18 =	sld [smem:$0x3FFB];
	_ =	sdelay $0x3  }
0x92: {  	_ =	strace s18  }
0x93: {  	s3 =	sld [smem:$0x3FFC];
	_ =	sdelay $0x3  }
0x94: {  	_ =	strace s3  }
0x95: {  	s3 =	sld [smem:$0x3FFD];
	_ =	sdelay $0x3  }
0x96: {  	_ =	strace s3  }
0x97: {  	_ =	strace $0x8FFFFFFF  }
0x98: {  	s19 =	sld [smem:$0x3FDB];
	_ =	sdelay $0x1  }
0x99: {  	s4 =	simm.s32 $_scs_section_size  }
0x9a: {  	s5 =	simm.s32 $_size__tile_overlayer_lowered;
	s6 =	simm.s32 $_tile_overlayer_lowered  }
0x9b: {  	s22 =	simm.s32 $0x1BFF;
	s21 =	sshll.u32 s6, $0x1;
	s3 =	sadd.s32 s4, s19  }
0x9c: {  	s7 =	simm.s32 $0x0;
	s20 =	sshll.u32 s5, $0x1;
	s5 =	sadd.s32 s21, s3  }
0x9d: {  	[timem:s7], [sflag:s22] =	dma.local [hbm:s5], s20  }
0x9e: {  	_ =	swait.ge [sflag:s22], s20  }
0x9f: {  	s4 =	ssub.s32 $0x0, s20;
	[sflag:s22] =	ssyncset.done $0x0  }
0xa0: {  	[sflag:s22] =	ssyncadd.s32 s4;
	_ =	sdelay $0x1  }
0xa1: {  	s23 =	simm.s32 $0x1B8B  }
0xa2: {  	_ =	swait.ge [sflag:s23], $0x1  }
0xa3: {  	[sflag:s23] =	ssyncset.done $0x0  }
0xa4: {  	s25 =	simm.s32 $0x1B8E;
	s24 =	sld [smem:$0x3FFE];
	[sflag:s23] =	ssyncadd.s32 $0xFFFFFFFF  }
0xa5: {  	s26 =	simm.s32 $execute0_lowered;
	[smem:$0x3FD2] =	sst s25  }
0xa6: {  	s5 =	sshll.u32 s26, $0x1;
	_ =	strace $0x80000049;
	[dreg:$0x1] =	wrdreg $0xFFFFFFFF  }
0xa7: {  	s28 =	simm.s32 $_size_execute0_lowered;
	s3 =	sadd.s32 s3, s5;
	[dreg:$0x0] =	wrdreg $0x0  }
0xa8: {  	s5 =	sshll.u32 s28, $0x1;
	[dreg:$0x2] =	wrdreg s3  }
0xa9: {  	[dreg:$0x3] =	wrdreg s5  }
0xaa: {  	[dreg:$0x4] =	wrdreg $0xC0  }
0xab: {  	_ =	task [dreg:s7], $0x5FFFF  }
0xac: {  	[dreg:$0x1] =	wrdreg $0xFFFFFFFF  }
0xad: {  	[dreg:$0x0] =	wrdreg $0x60  }
0xae: {  	[dreg:$0x2] =	wrdreg s2  }
0xaf: {  	[dreg:$0x3] =	wrdreg s24  }
0xb0: {  	[dreg:$0x4] =	wrdreg $0xB5000  }
0xb1: {  	[dreg:$0x5] =	wrdreg $0x9  }
0xb2: {  	_ =	task.clear_ibuf [dreg:s7], $0x6FFFF;
	_ =	strace $0x90000049  }
0xb3: {  	s29 =	simm.s32 $0x9;
	_ =	strace $0x8000004B  }
0xb4: {  	_ =	swait.ge [sflag:s29], $0x1  }
0xb5: {  	[sflag:s29] =	ssyncadd.s32 $0xFFFFFFFF  }
0xb6: {  	_ =	strace $0x9000004B  }
0xb7: {  	_ =	sfence  }
0xb8: {  	s30 =	sld [smem:$0x0];
	_ =	sdelay $0x2  }
0xb9: {  	s31 =	sshll.u32 s1, $0xD;
	s1 =	sshrl.u32 s1, $0x2  }
0xba: {  	s3 =	sand.u32 $0x4000, s31;
	s1 =	sadd.s32 s1, s30  }
0xbb: {  	s0 =	sor.u32 s3, s0;
	s1 =	sshll.u32 s1, $0x11  }
0xbc: {  	s0 =	sor.u32 s1, s0  }
0xbd: {  	s0 =	sadd.s32 $0x8F2B, s0  }
0xbe: {  	[sflag:s0] =	ssyncadd.remote.s32 $0x1  }
0xbf: {  	_ =	sfence.sel $0xFFFF  }
0xc0: {  	[dreg:$0x0] =	wrdreg $0xFFFFFFFF;
	(pc) =	sbr.abs _section_cstart, $3  }
0xc1: {  	[dreg:$0x1] =	wrdreg $0xFFFFFFFF  }
0xc2: {  	_ =	task.clear_ibuf [dreg:s7], $0x2FFFF;
	_ =	strace $0x9FFFFFFF  }
0xc3: {  	(tm) =	ssettm $0x7FFFFFFF  }
tec
execute0_lowered:
.L_overlay_start_1:
0x0: {  	(tag) =	ssettag $0x1  }
0x1: {  	s1 =	rddreg [dreg:$0x0]  }
0x2: {  	s0 =	rddreg [dreg:$0x1];
	s17 =	stileid.u32  }
0x3: {  	s2 =	rddreg [dreg:$0x2];
	s9 =	smul.u32 $0x4E000, s17  }
0x4: {  	s3 =	simm.s32 $0x0;
	s5 =	srdreg.scid;
	s11 =	smul.u32 $0x26C0, s17  }
0x5: {  	[smem:$0x7FF] =	sst s3;
	s12 =	smul.u32 $0x2700, s17  }
0x6: {  	s4 =	sadd.s32 $0xCC00, s0;
	s6 =	sadd.s32 $0x2E00, s0;
	s13 =	smul.u32 $0x2760, s17  }
0x7: {  	s8 =	sand.u32 $0x1, s5;
	s5 =	sadd.s32 $0x16A00, s0;
	s25 =	smul.u32 $0x4D8, s17  }
0x8: {  	s0 =	sadd.s32 $0x67600, s0;
	s26 =	smul.u32 $0x4EC, s17;
	p1 =	sne.s32 s17, $0xF  }
0x9: {  	s30 =	sadd.s32 $0x138000, s2;
	_ =	strace $0x8000004A;
	s22 =	smul.u32 $0x27100, s8  }
0xa: {  	s7 =	ssub.s32 $0x2, s8;
	p0 =	seq.s32 s8, $0x1;
	s8 =	smul.u32 $0x138800, s8  }
0xb: {  	s10 =	sshrl.u32 s7, $0x1;
	s9 =	sshrl.u32 s9, $0x2;
	s11 =	sshrl.u32 s11, $0x3  }
0xc: {  	s13 =	sshrl.u32 s13, $0x3;
	s10 =	ssub.s32 s7, s10;
	s18 =	sadd.s32 s4, s11  }
0xd: {  	s7 =	sadd.s32 s6, s11;
	s14 =	sadd.s32 $0x258, s11;
	s11 =	sadd.s32 $0x4B0, s11  }
0xe: {  	s20 =	sadd.s32 $0x4D80, s13;
	[dreg:$0x4] =	wrdreg s18;
	s15 =	sadd.s32 s4, s14  }
0xf: {  	s23 =	sadd.s32 $0x4FD8, s13;
	s14 =	sadd.s32 s6, s14;
	[dreg:$0x5] =	wrdreg s15  }
0x10: {  	s16 =	sadd.s32 s6, s13;
	s19 =	sadd.s32 s4, s11;
	[dreg:$0x6] =	wrdreg s14  }
0x11: {  	s13 =	sadd.s32 $0x5230, s13;
	s11 =	sadd.s32 s6, s11;
	[dreg:$0x7] =	wrdreg s19  }
0x12: {  	s8 =	sshrl.u32 s8, $0x3;
	s21 =	sadd.s32 s4, s20;
	[dreg:$0x8] =	wrdreg s11  }
0x13: {  	s24 =	sadd.s32 s4, s23;
	s31 =	sadd.s32 s6, s23;
	[dreg:$0x9] =	wrdreg s21  }
0x14: {  	s4 =	sadd.s32 s4, s13;
	s13 =	sadd.s32 s6, s13;
	[dreg:$0xb] =	wrdreg s24  }
0x15: {  	s18 =	sadd.s32 $0x4FC4, s16;
	s23 =	sadd.s32 $0x521C, s16;
	[dreg:$0xc] =	wrdreg s31  }
0x16: {  	s29 =	smax.u32 s10, $0x1;
	s10 =	simm.s32 $0x1300;
	[dreg:$0xd] =	wrdreg s4  }
0x17: {  	s14 =	sadd.s32 s6, s20;
	s11 =	sadd.s32 s12, s22;
	[dreg:$0xe] =	wrdreg s13  }
0x18: {  	s19 =	sadd.s32 s25, s6;
	s20 =	sadd.s32 s26, s6;
	[dreg:$0xf] =	wrdreg s18  }
0x19: {  	s21 =	sadd.s32 s9, s2;
	[dreg:$0x10] =	wrdreg s23;
	s24 =	sadd.s32 $0x5244, s16  }
0x1a: {  	s25 =	sadd.s32 $0x5258, s16;
	s26 =	sadd.s32 $0x244, s7;
	s31 =	sadd.s32 $0x49C, s7  }
0x1b: {  	s4 =	sadd.s32 $0x4C4, s7;
	s6 =	simm.s32 $0x3;
	[dreg:$0xa] =	wrdreg s14  }
0x1c: {  	s9 =	simm.s32 $0x1500;
	s12 =	simm.s32 $0x1400;
	[dreg:$0x11] =	wrdreg s24  }
.Ltmp0:
0x1d: {  	s13 =	simm.s32 $0x1;
	[dreg:$0x12] =	wrdreg s25;
	(pc) =	sbr.rel .LBB2_1-.Ltmp0, $4  }
0x1e: {  	s16 =	simm.s32 $0x1220;
	s15 =	sadd.s32 s0, s11;
	[dreg:$0x13] =	wrdreg s26  }
0x1f: {  	s0 =	sadd.s32 s0, s8;
	s14 =	sshll.u32 s17, $0x6;
	[dreg:$0x14] =	wrdreg s31  }
0x20: {  	s8 =	simm.s32 $0xA0;
	s11 =	simm.s32 $0x6500;
	s17 =	simm.s32 $0x0  }
0x21: {  	s22 =	sor.u32 $0x1C03, s14;
	s28 =	sadd.s32 $0x27000, s0;
	s14 =	simm.s32 $0x2  }
.LBB2_11:
0x22: {  	s0 =	sadd.s32 $0xFFFFFF60, s24;
	s25 =	sadd.s32 s25, s20;
	[sflag:s6] =	ssyncadd.s32 $0xFFFFB000  }
0x23: {  	[tilespmem:s11], [sflag:$0x2] =	stream.indirect.gather [hbm4b:s1+s8], $0x80, s0, s8, $0xb8;
	[tilespmem:$0x1ED80] =	vst v63  }
0x24: {  	s31 =	sadd.s32 $0x521C, s25  }
0x25: {  	[tilespmem:s12], [sflag:$0x2] =	stream.linear.gather [hbm4b:s31+s3], $0xA0, $0x38;
	[tilespmem:$0x1ED80] =	vst v63  }
0x26: {  	_ =	swait.ge [sflag:s13], $0x5000  }
0x27: {  	[sflag:s13] =	ssyncset.done $0x0  }
0x28: {  	[sflag:s13] =	ssyncadd.s32 $0xFFFFB000  }
0x29: {  	_ =	swait.ge [sflag:s13], $0xA0  }
0x2a: {  	[sflag:s13] =	ssyncset.done $0x0  }
0x2b: {  	[sflag:s13] =	ssyncadd.s32 $0xFFFFFF60  }
0x2c: {  	[spmem:s2] =	stream.indirect.scatter.add.f32 [tilespmem:s9], [sflag:$0x3], $0x80, s10, s8, $0xb8;
	[tilespmem:$0x1ED80] =	vst v63  }
0x2d: {  	_ =	swait.ge [sflag:s6], $0x5000  }
0x2e: {  	[sflag:s6] =	ssyncset.done $0x0  }
0x2f: {  	[sflag:s6] =	ssyncadd.s32 $0xFFFFB000  }
0x30: {  	[tilespmem:s9], [sflag:$0x1] =	stream.indirect.gather [hbm4b:s1+s8], $0x80, s24, s8, $0xb8;
	[tilespmem:$0x1ED80] =	vst v63  }
0x31: {  	s25 =	sadd.s32 $0x5230, s25  }
0x32: {  	[tilespmem:s10], [sflag:$0x1] =	stream.linear.gather [hbm4b:s25+s3], $0xA0, $0x38;
	[tilespmem:$0x1ED80] =	vst v63  }
0x33: {  	_ =	swait.ge [sflag:s14], $0x5000  }
0x34: {  	[sflag:s14] =	ssyncset.done $0x0  }
0x35: {  	[sflag:s14] =	ssyncadd.s32 $0xFFFFB000  }
0x36: {  	_ =	swait.ge [sflag:s14], $0xA0  }
0x37: {  	[sflag:s14] =	ssyncset.done $0x0  }
0x38: {  	[sflag:s14] =	ssyncadd.s32 $0xFFFFFF60  }
0x39: {  	[spmem:s2] =	stream.indirect.scatter.add.f32 [tilespmem:s11], [sflag:$0x3], $0x80, s12, s8, $0xb8;
	[tilespmem:$0x1ED80] =	vst v63  }
0x3a: {  	_ =	swait.ge [sflag:s6], $0x5000  }
0x3b: {  	[sflag:s6] =	ssyncset.done $0x0  }
0x3c: {  	[sflag:s6] =	ssyncadd.s32 $0xFFFFB000  }
0x3d: {  	[tilespmem:s11], [sflag:$0x2] =	stream.indirect.gather [hbm4b:s1+s8], $0x80, s16, s8, $0xb8;
	[tilespmem:$0x1ED80] =	vst v63  }
0x3e: {  	s26 =	rddreg [dreg:$0x10]  }
0x3f: {  	[tilespmem:s12], [sflag:$0x2] =	stream.linear.gather [hbm4b:s26+s3], $0xA0, $0x38;
	[tilespmem:$0x1ED80] =	vst v63  }
0x40: {  	_ =	swait.ge [sflag:s13], $0x5000  }
0x41: {  	[sflag:s13] =	ssyncset.done $0x0  }
0x42: {  	[sflag:s13] =	ssyncadd.s32 $0xFFFFB000  }
0x43: {  	_ =	swait.ge [sflag:s13], $0xA0  }
0x44: {  	[sflag:s13] =	ssyncset.done $0x0  }
0x45: {  	[sflag:s13] =	ssyncadd.s32 $0xFFFFFF60  }
0x46: {  	[spmem:s2] =	stream.indirect.scatter.add.f32 [tilespmem:s9], [sflag:$0x3], $0x80, s10, s8, $0xb8;
	[tilespmem:$0x1ED80] =	vst v63  }
0x47: {  	_ =	swait.ge [sflag:s6], $0x5000  }
0x48: {  	[sflag:s6] =	ssyncset.done $0x0  }
0x49: {  	[sflag:s6] =	ssyncadd.s32 $0xFFFFB000  }
0x4a: {  	_ =	swait.ge [sflag:s14], $0x5000  }
0x4b: {  	[sflag:s14] =	ssyncset.done $0x0  }
0x4c: {  	[sflag:s14] =	ssyncadd.s32 $0xFFFFB000  }
0x4d: {  	_ =	swait.ge [sflag:s14], $0xA0  }
0x4e: {  	[sflag:s14] =	ssyncset.done $0x0  }
0x4f: {  	[sflag:s14] =	ssyncadd.s32 $0xFFFFFF60  }
0x50: {  	[spmem:s2] =	stream.indirect.scatter.add.f32 [tilespmem:s11], [sflag:$0x3], $0x80, s12, s8, $0xb8;
	[tilespmem:$0x1ED80] =	vst v63  }
0x51: {  	_ =	swait.ge [sflag:s6], $0x5000  }
0x52: {  	[sflag:s6] =	ssyncset.done $0x0  }
0x53: {  	s31 =	rddreg [dreg:$0xd];
	[sflag:s6] =	ssyncadd.s32 $0xFFFFB000  }
0x54: {  	[tilespmem:s3], [sflag:$0x3] =	stream.linear.gather [hbm4b:s31+s3], $0x1E0, $0x38;
	[tilespmem:$0x1ED80] =	vst v63  }
0x55: {  	_ =	swait.ge [sflag:s6], $0x1E0  }
0x56: {  	[sflag:s6] =	ssyncset.done $0x0  }
0x57: {  	[sflag:s6] =	ssyncadd.s32 $0xFFFFFE20  }
0x58: {  	[tilespmem:s9], [sflag:$0x1] =	stream.indirect.gather [hbm4b:s1+s8], $0x80, s3, s8, $0xb8;
	[tilespmem:$0x1ED80] =	vst v63  }
0x59: {  	s24 =	rddreg [dreg:$0xe]  }
0x5a: {  	[tilespmem:s10], [sflag:$0x1] =	stream.linear.gather [hbm4b:s24+s3], $0xA0, $0x38;
	[tilespmem:$0x1ED80] =	vst v63  }
0x5b: {  	_ = 	snop  }
0x5c: {  	[tilespmem:s11], [sflag:$0x2] =	stream.indirect.gather [hbm4b:s1+s8], $0x80, s8, s8, $0xb8;
	[tilespmem:$0x1ED80] =	vst v63  }
0x5d: {  	s25 =	rddreg [dreg:$0x11]  }
0x5e: {  	[tilespmem:s12], [sflag:$0x2] =	stream.linear.gather [hbm4b:s25+s3], $0xA0, $0x38;
	[tilespmem:$0x1ED80] =	vst v63  }
0x5f: {  	_ =	swait.ge [sflag:s13], $0x5000  }
0x60: {  	[sflag:s13] =	ssyncset.done $0x0  }
0x61: {  	[sflag:s13] =	ssyncadd.s32 $0xFFFFB000  }
0x62: {  	_ =	swait.ge [sflag:s13], $0xA0  }
0x63: {  	[sflag:s13] =	ssyncset.done $0x0  }
0x64: {  	[sflag:s13] =	ssyncadd.s32 $0xFFFFFF60  }
0x65: {  	[spmem:s2] =	stream.indirect.scatter.add.f32 [tilespmem:s9], [sflag:$0x3], $0x80, s10, s8, $0xb8;
	[tilespmem:$0x1ED80] =	vst v63  }
0x66: {  	_ =	swait.ge [sflag:s6], $0x5000  }
0x67: {  	[sflag:s6] =	ssyncset.done $0x0  }
0x68: {  	s26 =	simm.s32 $0x140;
	[sflag:s6] =	ssyncadd.s32 $0xFFFFB000  }
0x69: {  	[tilespmem:s9], [sflag:$0x1] =	stream.indirect.gather [hbm4b:s1+s8], $0x80, s26, s8, $0xb8;
	[tilespmem:$0x1ED80] =	vst v63  }
0x6a: {  	s31 =	rddreg [dreg:$0x12]  }
0x6b: {  	[tilespmem:s10], [sflag:$0x1] =	stream.linear.gather [hbm4b:s31+s3], $0xA0, $0x38;
	[tilespmem:$0x1ED80] =	vst v63  }
0x6c: {  	_ =	swait.ge [sflag:s14], $0x5000  }
0x6d: {  	[sflag:s14] =	ssyncset.done $0x0  }
0x6e: {  	[sflag:s14] =	ssyncadd.s32 $0xFFFFB000  }
0x6f: {  	_ =	swait.ge [sflag:s14], $0xA0  }
0x70: {  	[sflag:s14] =	ssyncset.done $0x0  }
0x71: {  	[sflag:s14] =	ssyncadd.s32 $0xFFFFFF60  }
0x72: {  	[spmem:s2] =	stream.indirect.scatter.add.f32 [tilespmem:s11], [sflag:$0x3], $0x80, s12, s8, $0xb8;
	[tilespmem:$0x1ED80] =	vst v63  }
0x73: {  	_ =	swait.ge [sflag:s6], $0x5000  }
0x74: {  	[sflag:s6] =	ssyncset.done $0x0  }
0x75: {  	[sflag:s6] =	ssyncadd.s32 $0xFFFFB000  }
0x76: {  	_ =	swait.ge [sflag:s13], $0x5000  }
0x77: {  	[sflag:s13] =	ssyncset.done $0x0  }
0x78: {  	[sflag:s13] =	ssyncadd.s32 $0xFFFFB000  }
0x79: {  	_ =	swait.ge [sflag:s13], $0xA0  }
0x7a: {  	[sflag:s13] =	ssyncset.done $0x0  }
0x7b: {  	[sflag:s13] =	ssyncadd.s32 $0xFFFFFF60  }
0x7c: {  	[spmem:s2] =	stream.indirect.scatter.add.f32 [tilespmem:s9], [sflag:$0x3], $0x80, s10, s8, $0xb8;
	[tilespmem:$0x1ED80] =	vst v63  }
.LBB2_12:
0x7d: {  	_ =	swait.ge [sflag:s6], $0x5000  }
0x7e: {  	[sflag:s6] =	ssyncset.done $0x0  }
0x7f: {  	[sflag:s6] =	ssyncadd.s32 $0xFFFFB000  }
0x80: {  	[bflag:$0x0] =	sbarrier.arrive $0xFFFF  }
0x81: {  	[hbm:s15], [sflag:s22] =	dma.local [spmem:s18], $0x2700  }
0x82: {  	s17 =	sadd.s32 $0x1, s17;
	_ =	swait.ge [sflag:s6], $0x2700  }
0x83: {  	p2 =	sne.s32 s17, s29;
	[sflag:s6] =	ssyncset.done $0x0  }
.Ltmp1:
0x84: {  	s0 =	simm.s32 @!p1 $0x3;
	[sflag:s6] =	ssyncadd.s32 $0xFFFFD900;
	(pc) =	sbr.rel @!p2 .LBB2_13-.Ltmp1, $4  }
0x85: {  	[hbm:s28], [sflag:s22] =	dma.local @!p1 [spmem:s23], $0x100  }
0x86: {  	_ =	swait.ge @!p1 [sflag:s0], $0x100  }
0x87: {  	[sflag:s0] =	ssyncset.done @!p1 $0x0  }
0x88: {  	[sflag:s0] =	ssyncadd.s32 @!p1 $0xFFFFFF00  }
.LBB2_1:
0x89: {  	s18 =	sshrl.u32 s21, $0x3  }
0x8a: {  	[spmem:s18], [sflag:s22] =	dma.local [hbm:s5], $0x2700  }
0x8b: {  	_ =	swait.ge [sflag:s6], $0x2700  }
0x8c: {  	[sflag:s6] =	ssyncset.done $0x0  }
0x8d: {  	s23 =	sshrl.u32 @!p1 s30, $0x3;
	s24 =	simm.s32 @!p1 $0x3;
	[sflag:s6] =	ssyncadd.s32 $0xFFFFD900  }
0x8e: {  	[spmem:s23], [sflag:s22] =	dma.local @!p1 [hbm:s5], $0x100  }
.Ltmp2:
0x8f: {  	_ =	swait.ge @!p1 [sflag:s24], $0x100;
	(pc) =	sbr.rel @!p0 .LBB2_2-.Ltmp2, $3  }
0x90: {  	[sflag:s24] =	ssyncset.done @!p1 $0x0  }
0x91: {  	[sflag:s24] =	ssyncadd.s32 @!p1 $0xFFFFFF00  }
0x92: {  	[bflag:$0x0] =	sbarrier.arrive $0xFFFF;
	_ =	sdelay $0x1  }
0x93: {  	s0 =	rddreg [dreg:$0x9]  }
0x94: {  	[tilespmem:s3], [sflag:$0x3] =	stream.linear.gather [hbm4b:s0+s3], $0x12C0, $0x38;
	[tilespmem:$0x1ED80] =	vst v63  }
0x95: {  	_ =	swait.ge [sflag:s6], $0x12C0  }
0x96: {  	[sflag:s6] =	ssyncset.done $0x0  }
0x97: {  	[sflag:s6] =	ssyncadd.s32 $0xFFFFED40  }
0x98: {  	[tilespmem:s9], [sflag:$0x1] =	stream.indirect.gather [hbm4b:s1+s8], $0x80, s3, s8, $0xb8;
	[tilespmem:$0x1ED80] =	vst v63  }
0x99: {  	s26 =	rddreg [dreg:$0xa]  }
0x9a: {  	[tilespmem:s10], [sflag:$0x1] =	stream.linear.gather [hbm4b:s26+s3], $0xA0, $0x38;
	[tilespmem:$0x1ED80] =	vst v63  }
0x9b: {  	s31 =	simm.s32 $0xA0;
	s24 =	sadd.s32 $0xFFFFFDD0, s20  }
0x9c: {  	[tilespmem:s11], [sflag:$0x2] =	stream.indirect.gather [hbm4b:s1+s8], $0x80, s31, s8, $0xb8;
	[tilespmem:$0x1ED80] =	vst v63  }
0x9d: {  	s25 =	sadd.s32 $0x4FC4, s24  }
0x9e: {  	[tilespmem:s12], [sflag:$0x2] =	stream.linear.gather [hbm4b:s25+s3], $0xA0, $0x38;
	[tilespmem:$0x1ED80] =	vst v63  }
0x9f: {  	_ =	swait.ge [sflag:s13], $0x5000  }
0xa0: {  	[sflag:s13] =	ssyncset.done $0x0  }
0xa1: {  	[sflag:s13] =	ssyncadd.s32 $0xFFFFB000  }
0xa2: {  	_ =	swait.ge [sflag:s13], $0xA0  }
0xa3: {  	[sflag:s13] =	ssyncset.done $0x0  }
0xa4: {  	[sflag:s13] =	ssyncadd.s32 $0xFFFFFF60  }
0xa5: {  	[spmem:s2] =	stream.indirect.scatter.add.f32 [tilespmem:s9], [sflag:$0x3], $0x80, s10, s8, $0xb8;
	[tilespmem:$0x1ED80] =	vst v63  }
0xa6: {  	_ =	swait.ge [sflag:s6], $0x5000  }
0xa7: {  	[sflag:s6] =	ssyncset.done $0x0  }
0xa8: {  	s26 =	simm.s32 $0x140;
	[sflag:s6] =	ssyncadd.s32 $0xFFFFB000  }
0xa9: {  	[tilespmem:s9], [sflag:$0x1] =	stream.indirect.gather [hbm4b:s1+s8], $0x80, s26, s8, $0xb8;
	[tilespmem:$0x1ED80] =	vst v63  }
0xaa: {  	s31 =	sadd.s32 $0x4FD8, s24  }
0xab: {  	[tilespmem:s10], [sflag:$0x1] =	stream.linear.gather [hbm4b:s31+s3], $0xA0, $0x38;
	[tilespmem:$0x1ED80] =	vst v63  }
0xac: {  	_ =	swait.ge [sflag:s14], $0x5000  }
0xad: {  	[sflag:s14] =	ssyncset.done $0x0  }
0xae: {  	[sflag:s14] =	ssyncadd.s32 $0xFFFFB000  }
0xaf: {  	_ =	swait.ge [sflag:s14], $0xA0  }
0xb0: {  	[sflag:s14] =	ssyncset.done $0x0  }
0xb1: {  	[sflag:s14] =	ssyncadd.s32 $0xFFFFFF60  }
0xb2: {  	[spmem:s2] =	stream.indirect.scatter.add.f32 [tilespmem:s11], [sflag:$0x3], $0x80, s12, s8, $0xb8;
	[tilespmem:$0x1ED80] =	vst v63  }
0xb3: {  	s24 =	simm.s32 $0x280;
	_ =	swait.ge [sflag:s6], $0x5000  }
0xb4: {  	s25 =	simm.s32 $0xFFFFFDF8;
	s26 =	simm.s32 $0xFFFFFE20;
	[sflag:s6] =	ssyncset.done $0x0  }
.LBB2_8:
0xb5: {  	s0 =	sadd.s32 $0xFFFFFF60, s24  }
0xb6: {  	s31 =	sadd.s32 s25, s20;
	[sflag:s6] =	ssyncadd.s32 $0xFFFFB000;
	s25 =	smov.u32 s26  }
0xb7: {  	[tilespmem:s11], [sflag:$0x2] =	stream.indirect.gather [hbm4b:s1+s8], $0x80, s0, s8, $0xb8;
	[tilespmem:$0x1ED80] =	vst v63  }
0xb8: {  	p2 =	sne.s32 s26, $0xFFFFFFD8;
	s26 =	sadd.s32 $0x28, s26;
	s0 =	sadd.s32 $0x4FC4, s31  }
0xb9: {  	[tilespmem:s12], [sflag:$0x2] =	stream.linear.gather [hbm4b:s0+s3], $0xA0, $0x38;
	[tilespmem:$0x1ED80] =	vst v63  }
0xba: {  	_ =	swait.ge [sflag:s13], $0x5000  }
0xbb: {  	[sflag:s13] =	ssyncset.done $0x0  }
0xbc: {  	[sflag:s13] =	ssyncadd.s32 $0xFFFFB000  }
0xbd: {  	_ =	swait.ge [sflag:s13], $0xA0  }
0xbe: {  	[sflag:s13] =	ssyncset.done $0x0  }
0xbf: {  	[sflag:s13] =	ssyncadd.s32 $0xFFFFFF60  }
0xc0: {  	[spmem:s2] =	stream.indirect.scatter.add.f32 [tilespmem:s9], [sflag:$0x3], $0x80, s10, s8, $0xb8;
	[tilespmem:$0x1ED80] =	vst v63  }
0xc1: {  	_ =	swait.ge [sflag:s6], $0x5000  }
0xc2: {  	[sflag:s6] =	ssyncset.done $0x0  }
0xc3: {  	[sflag:s6] =	ssyncadd.s32 $0xFFFFB000  }
0xc4: {  	[tilespmem:s9], [sflag:$0x1] =	stream.indirect.gather [hbm4b:s1+s8], $0x80, s24, s8, $0xb8;
	[tilespmem:$0x1ED80] =	vst v63  }
0xc5: {  	s0 =	sadd.s32 $0x4FD8, s31  }
0xc6: {  	[tilespmem:s10], [sflag:$0x1] =	stream.linear.gather [hbm4b:s0+s3], $0xA0, $0x38;
	[tilespmem:$0x1ED80] =	vst v63  }
0xc7: {  	_ =	swait.ge [sflag:s14], $0x5000  }
0xc8: {  	[sflag:s14] =	ssyncset.done $0x0  }
0xc9: {  	[sflag:s14] =	ssyncadd.s32 $0xFFFFB000  }
0xca: {  	_ =	swait.ge [sflag:s14], $0xA0  }
.Ltmp3:
0xcb: {  	[sflag:s14] =	ssyncset.done $0x0;
	(pc) =	sbr.rel @p2 .LBB2_8-.Ltmp3, $4  }
0xcc: {  	[sflag:s14] =	ssyncadd.s32 $0xFFFFFF60  }
0xcd: {  	[spmem:s2] =	stream.indirect.scatter.add.f32 [tilespmem:s11], [sflag:$0x3], $0x80, s12, s8, $0xb8;
	[tilespmem:$0x1ED80] =	vst v63  }
0xce: {  	_ =	swait.ge [sflag:s6], $0x5000  }
0xcf: {  	s24 =	sadd.s32 $0x140, s24;
	[sflag:s6] =	ssyncset.done $0x0  }
0xd0: {  	s0 =	sadd.s32 $0xFFFFFF60, s24;
	s25 =	sadd.s32 s25, s20;
	[sflag:s6] =	ssyncadd.s32 $0xFFFFB000  }
0xd1: {  	[tilespmem:s11], [sflag:$0x2] =	stream.indirect.gather [hbm4b:s1+s8], $0x80, s0, s8, $0xb8;
	[tilespmem:$0x1ED80] =	vst v63  }
0xd2: {  	s31 =	sadd.s32 $0x4FC4, s25  }
0xd3: {  	[tilespmem:s12], [sflag:$0x2] =	stream.linear.gather [hbm4b:s31+s3], $0xA0, $0x38;
	[tilespmem:$0x1ED80] =	vst v63  }
0xd4: {  	_ =	swait.ge [sflag:s13], $0x5000  }
0xd5: {  	[sflag:s13] =	ssyncset.done $0x0  }
0xd6: {  	[sflag:s13] =	ssyncadd.s32 $0xFFFFB000  }
0xd7: {  	_ =	swait.ge [sflag:s13], $0xA0  }
0xd8: {  	[sflag:s13] =	ssyncset.done $0x0  }
0xd9: {  	[sflag:s13] =	ssyncadd.s32 $0xFFFFFF60  }
0xda: {  	[spmem:s2] =	stream.indirect.scatter.add.f32 [tilespmem:s9], [sflag:$0x3], $0x80, s10, s8, $0xb8;
	[tilespmem:$0x1ED80] =	vst v63  }
0xdb: {  	_ =	swait.ge [sflag:s6], $0x5000  }
0xdc: {  	[sflag:s6] =	ssyncset.done $0x0  }
0xdd: {  	[sflag:s6] =	ssyncadd.s32 $0xFFFFB000  }
0xde: {  	[tilespmem:s9], [sflag:$0x1] =	stream.indirect.gather [hbm4b:s1+s8], $0x80, s24, s8, $0xb8;
	[tilespmem:$0x1ED80] =	vst v63  }
0xdf: {  	s26 =	sadd.s32 $0x4FD8, s25  }
0xe0: {  	[tilespmem:s10], [sflag:$0x1] =	stream.linear.gather [hbm4b:s26+s3], $0xA0, $0x38;
	[tilespmem:$0x1ED80] =	vst v63  }
0xe1: {  	_ =	swait.ge [sflag:s14], $0x5000  }
0xe2: {  	[sflag:s14] =	ssyncset.done $0x0  }
0xe3: {  	[sflag:s14] =	ssyncadd.s32 $0xFFFFB000  }
0xe4: {  	_ =	swait.ge [sflag:s14], $0xA0  }
0xe5: {  	[sflag:s14] =	ssyncset.done $0x0  }
0xe6: {  	[sflag:s14] =	ssyncadd.s32 $0xFFFFFF60  }
0xe7: {  	[spmem:s2] =	stream.indirect.scatter.add.f32 [tilespmem:s11], [sflag:$0x3], $0x80, s12, s8, $0xb8;
	[tilespmem:$0x1ED80] =	vst v63  }
0xe8: {  	_ =	swait.ge [sflag:s6], $0x5000  }
0xe9: {  	[sflag:s6] =	ssyncset.done $0x0  }
0xea: {  	[sflag:s6] =	ssyncadd.s32 $0xFFFFB000  }
0xeb: {  	[tilespmem:s11], [sflag:$0x2] =	stream.indirect.gather [hbm4b:s1+s8], $0x80, s16, s8, $0xb8;
	[tilespmem:$0x1ED80] =	vst v63  }
0xec: {  	s31 =	rddreg [dreg:$0xf]  }
0xed: {  	[tilespmem:s12], [sflag:$0x2] =	stream.linear.gather [hbm4b:s31+s3], $0xA0, $0x38;
	[tilespmem:$0x1ED80] =	vst v63  }
0xee: {  	_ =	swait.ge [sflag:s13], $0x5000  }
0xef: {  	[sflag:s13] =	ssyncset.done $0x0  }
0xf0: {  	[sflag:s13] =	ssyncadd.s32 $0xFFFFB000  }
0xf1: {  	_ =	swait.ge [sflag:s13], $0xA0  }
0xf2: {  	[sflag:s13] =	ssyncset.done $0x0  }
0xf3: {  	[sflag:s13] =	ssyncadd.s32 $0xFFFFFF60  }
0xf4: {  	[spmem:s2] =	stream.indirect.scatter.add.f32 [tilespmem:s9], [sflag:$0x3], $0x80, s10, s8, $0xb8;
	[tilespmem:$0x1ED80] =	vst v63  }
0xf5: {  	_ =	swait.ge [sflag:s6], $0x5000  }
0xf6: {  	[sflag:s6] =	ssyncset.done $0x0  }
0xf7: {  	[sflag:s6] =	ssyncadd.s32 $0xFFFFB000  }
0xf8: {  	_ =	swait.ge [sflag:s14], $0x5000  }
0xf9: {  	[sflag:s14] =	ssyncset.done $0x0  }
0xfa: {  	[sflag:s14] =	ssyncadd.s32 $0xFFFFB000  }
0xfb: {  	_ =	swait.ge [sflag:s14], $0xA0  }
0xfc: {  	[sflag:s14] =	ssyncset.done $0x0  }
0xfd: {  	[sflag:s14] =	ssyncadd.s32 $0xFFFFFF60  }
0xfe: {  	[spmem:s2] =	stream.indirect.scatter.add.f32 [tilespmem:s11], [sflag:$0x3], $0x80, s12, s8, $0xb8;
	[tilespmem:$0x1ED80] =	vst v63  }
0xff: {  	_ =	swait.ge [sflag:s6], $0x5000  }
0x100: {  	[sflag:s6] =	ssyncset.done $0x0  }
0x101: {  	s24 =	rddreg [dreg:$0xb];
	[sflag:s6] =	ssyncadd.s32 $0xFFFFB000  }
0x102: {  	[tilespmem:s3], [sflag:$0x3] =	stream.linear.gather [hbm4b:s24+s3], $0x12C0, $0x38;
	[tilespmem:$0x1ED80] =	vst v63  }
0x103: {  	_ =	swait.ge [sflag:s6], $0x12C0  }
0x104: {  	[sflag:s6] =	ssyncset.done $0x0  }
0x105: {  	[sflag:s6] =	ssyncadd.s32 $0xFFFFED40  }
0x106: {  	[tilespmem:s9], [sflag:$0x1] =	stream.indirect.gather [hbm4b:s1+s8], $0x80, s3, s8, $0xb8;
	[tilespmem:$0x1ED80] =	vst v63  }
0x107: {  	s25 =	rddreg [dreg:$0xc]  }
0x108: {  	[tilespmem:s10], [sflag:$0x1] =	stream.linear.gather [hbm4b:s25+s3], $0xA0, $0x38;
	[tilespmem:$0x1ED80] =	vst v63  }
0x109: {  	s26 =	simm.s32 $0xA0;
	s31 =	sadd.s32 $0xFFFFFDD0, s20  }
0x10a: {  	[tilespmem:s11], [sflag:$0x2] =	stream.indirect.gather [hbm4b:s1+s8], $0x80, s26, s8, $0xb8;
	[tilespmem:$0x1ED80] =	vst v63  }
0x10b: {  	s25 =	sadd.s32 $0x521C, s31  }
0x10c: {  	[tilespmem:s12], [sflag:$0x2] =	stream.linear.gather [hbm4b:s25+s3], $0xA0, $0x38;
	[tilespmem:$0x1ED80] =	vst v63  }
0x10d: {  	_ =	swait.ge [sflag:s13], $0x5000  }
0x10e: {  	[sflag:s13] =	ssyncset.done $0x0  }
0x10f: {  	[sflag:s13] =	ssyncadd.s32 $0xFFFFB000  }
0x110: {  	_ =	swait.ge [sflag:s13], $0xA0  }
0x111: {  	[sflag:s13] =	ssyncset.done $0x0  }
0x112: {  	[sflag:s13] =	ssyncadd.s32 $0xFFFFFF60  }
0x113: {  	[spmem:s2] =	stream.indirect.scatter.add.f32 [tilespmem:s9], [sflag:$0x3], $0x80, s10, s8, $0xb8;
	[tilespmem:$0x1ED80] =	vst v63  }
0x114: {  	_ =	swait.ge [sflag:s6], $0x5000  }
0x115: {  	[sflag:s6] =	ssyncset.done $0x0  }
0x116: {  	s26 =	simm.s32 $0x140;
	[sflag:s6] =	ssyncadd.s32 $0xFFFFB000  }
0x117: {  	[tilespmem:s9], [sflag:$0x1] =	stream.indirect.gather [hbm4b:s1+s8], $0x80, s26, s8, $0xb8;
	[tilespmem:$0x1ED80] =	vst v63  }
0x118: {  	s31 =	sadd.s32 $0x5230, s31  }
0x119: {  	[tilespmem:s10], [sflag:$0x1] =	stream.linear.gather [hbm4b:s31+s3], $0xA0, $0x38;
	[tilespmem:$0x1ED80] =	vst v63  }
0x11a: {  	_ =	swait.ge [sflag:s14], $0x5000  }
0x11b: {  	[sflag:s14] =	ssyncset.done $0x0  }
0x11c: {  	[sflag:s14] =	ssyncadd.s32 $0xFFFFB000  }
0x11d: {  	_ =	swait.ge [sflag:s14], $0xA0  }
0x11e: {  	[sflag:s14] =	ssyncset.done $0x0  }
0x11f: {  	[sflag:s14] =	ssyncadd.s32 $0xFFFFFF60  }
0x120: {  	[spmem:s2] =	stream.indirect.scatter.add.f32 [tilespmem:s11], [sflag:$0x3], $0x80, s12, s8, $0xb8;
	[tilespmem:$0x1ED80] =	vst v63  }
0x121: {  	s24 =	simm.s32 $0x280;
	_ =	swait.ge [sflag:s6], $0x5000  }
0x122: {  	s25 =	simm.s32 $0xFFFFFDF8;
	s26 =	simm.s32 $0xFFFFFE20;
	[sflag:s6] =	ssyncset.done $0x0  }
.LBB2_10:
0x123: {  	s0 =	sadd.s32 $0xFFFFFF60, s24  }
0x124: {  	s31 =	sadd.s32 s25, s20;
	[sflag:s6] =	ssyncadd.s32 $0xFFFFB000;
	s25 =	smov.u32 s26  }
0x125: {  	[tilespmem:s11], [sflag:$0x2] =	stream.indirect.gather [hbm4b:s1+s8], $0x80, s0, s8, $0xb8;
	[tilespmem:$0x1ED80] =	vst v63  }
0x126: {  	p2 =	sne.s32 s26, $0xFFFFFFD8;
	s26 =	sadd.s32 $0x28, s26;
	s0 =	sadd.s32 $0x521C, s31  }
0x127: {  	[tilespmem:s12], [sflag:$0x2] =	stream.linear.gather [hbm4b:s0+s3], $0xA0, $0x38;
	[tilespmem:$0x1ED80] =	vst v63  }
0x128: {  	_ =	swait.ge [sflag:s13], $0x5000  }
0x129: {  	[sflag:s13] =	ssyncset.done $0x0  }
0x12a: {  	[sflag:s13] =	ssyncadd.s32 $0xFFFFB000  }
0x12b: {  	_ =	swait.ge [sflag:s13], $0xA0  }
0x12c: {  	[sflag:s13] =	ssyncset.done $0x0  }
0x12d: {  	[sflag:s13] =	ssyncadd.s32 $0xFFFFFF60  }
0x12e: {  	[spmem:s2] =	stream.indirect.scatter.add.f32 [tilespmem:s9], [sflag:$0x3], $0x80, s10, s8, $0xb8;
	[tilespmem:$0x1ED80] =	vst v63  }
0x12f: {  	_ =	swait.ge [sflag:s6], $0x5000  }
0x130: {  	[sflag:s6] =	ssyncset.done $0x0  }
0x131: {  	[sflag:s6] =	ssyncadd.s32 $0xFFFFB000  }
0x132: {  	[tilespmem:s9], [sflag:$0x1] =	stream.indirect.gather [hbm4b:s1+s8], $0x80, s24, s8, $0xb8;
	[tilespmem:$0x1ED80] =	vst v63  }
0x133: {  	s0 =	sadd.s32 $0x5230, s31  }
0x134: {  	[tilespmem:s10], [sflag:$0x1] =	stream.linear.gather [hbm4b:s0+s3], $0xA0, $0x38;
	[tilespmem:$0x1ED80] =	vst v63  }
0x135: {  	_ =	swait.ge [sflag:s14], $0x5000  }
0x136: {  	[sflag:s14] =	ssyncset.done $0x0  }
0x137: {  	[sflag:s14] =	ssyncadd.s32 $0xFFFFB000  }
0x138: {  	_ =	swait.ge [sflag:s14], $0xA0  }
.Ltmp4:
0x139: {  	[sflag:s14] =	ssyncset.done $0x0;
	(pc) =	sbr.rel @p2 .LBB2_10-.Ltmp4, $4  }
0x13a: {  	[sflag:s14] =	ssyncadd.s32 $0xFFFFFF60  }
0x13b: {  	[spmem:s2] =	stream.indirect.scatter.add.f32 [tilespmem:s11], [sflag:$0x3], $0x80, s12, s8, $0xb8;
	[tilespmem:$0x1ED80] =	vst v63  }
0x13c: {  	_ =	swait.ge [sflag:s6], $0x5000  }
0x13d: {  	s24 =	sadd.s32 $0x140, s24;
	[sflag:s6] =	ssyncset.done $0x0  }
.Ltmp5:
0x13e: {  	_ = 	snop;
	(pc) =	sbr.rel .LBB2_11-.Ltmp5, $1  }
0x13f: {  	_ =	sdelay $0x3  }
.LBB2_2:
0x140: {  	s0 =	rddreg [dreg:$0x4]  }
0x141: {  	[tilespmem:s3], [sflag:$0x3] =	stream.linear.gather [hbm4b:s0+s3], $0x12C0, $0x38;
	[tilespmem:$0x1ED80] =	vst v63  }
0x142: {  	_ =	swait.ge [sflag:s6], $0x12C0  }
0x143: {  	[sflag:s6] =	ssyncset.done $0x0  }
0x144: {  	[sflag:s6] =	ssyncadd.s32 $0xFFFFED40  }
0x145: {  	[tilespmem:s9], [sflag:$0x1] =	stream.indirect.gather [hbm4b:s1+s8], $0x80, s3, s8, $0xb8;
	[tilespmem:$0x1ED80] =	vst v63  }
0x146: {  	_ = 	snop  }
0x147: {  	[tilespmem:s10], [sflag:$0x1] =	stream.linear.gather [hbm4b:s7+s3], $0xA0, $0x38;
	[tilespmem:$0x1ED80] =	vst v63  }
0x148: {  	s24 =	simm.s32 $0xA0;
	s25 =	sadd.s32 $0xFFFFFDD0, s19  }
0x149: {  	[tilespmem:s11], [sflag:$0x2] =	stream.indirect.gather [hbm4b:s1+s8], $0x80, s24, s8, $0xb8;
	[tilespmem:$0x1ED80] =	vst v63  }
0x14a: {  	s0 =	sadd.s32 $0x244, s25  }
0x14b: {  	[tilespmem:s12], [sflag:$0x2] =	stream.linear.gather [hbm4b:s0+s3], $0xA0, $0x38;
	[tilespmem:$0x1ED80] =	vst v63  }
0x14c: {  	_ =	swait.ge [sflag:s13], $0x5000  }
0x14d: {  	[sflag:s13] =	ssyncset.done $0x0  }
0x14e: {  	[sflag:s13] =	ssyncadd.s32 $0xFFFFB000  }
0x14f: {  	_ =	swait.ge [sflag:s13], $0xA0  }
0x150: {  	[sflag:s13] =	ssyncset.done $0x0  }
0x151: {  	[sflag:s13] =	ssyncadd.s32 $0xFFFFFF60  }
0x152: {  	[spmem:s2] =	stream.indirect.scatter.add.f32 [tilespmem:s9], [sflag:$0x3], $0x80, s10, s8, $0xb8;
	[tilespmem:$0x1ED80] =	vst v63  }
0x153: {  	_ =	swait.ge [sflag:s6], $0x5000  }
0x154: {  	[sflag:s6] =	ssyncset.done $0x0  }
0x155: {  	s26 =	simm.s32 $0x140;
	[sflag:s6] =	ssyncadd.s32 $0xFFFFB000  }
0x156: {  	[tilespmem:s9], [sflag:$0x1] =	stream.indirect.gather [hbm4b:s1+s8], $0x80, s26, s8, $0xb8;
	[tilespmem:$0x1ED80] =	vst v63  }
0x157: {  	s31 =	sadd.s32 $0x258, s25  }
0x158: {  	[tilespmem:s10], [sflag:$0x1] =	stream.linear.gather [hbm4b:s31+s3], $0xA0, $0x38;
	[tilespmem:$0x1ED80] =	vst v63  }
0x159: {  	_ =	swait.ge [sflag:s14], $0x5000  }
0x15a: {  	[sflag:s14] =	ssyncset.done $0x0  }
0x15b: {  	[sflag:s14] =	ssyncadd.s32 $0xFFFFB000  }
0x15c: {  	_ =	swait.ge [sflag:s14], $0xA0  }
0x15d: {  	[sflag:s14] =	ssyncset.done $0x0  }
0x15e: {  	[sflag:s14] =	ssyncadd.s32 $0xFFFFFF60  }
0x15f: {  	[spmem:s2] =	stream.indirect.scatter.add.f32 [tilespmem:s11], [sflag:$0x3], $0x80, s12, s8, $0xb8;
	[tilespmem:$0x1ED80] =	vst v63  }
0x160: {  	s25 =	simm.s32 $0xFFFFFDF8;
	_ =	swait.ge [sflag:s6], $0x5000  }
0x161: {  	s24 =	simm.s32 $0x280;
	s26 =	simm.s32 $0xFFFFFE20;
	[sflag:s6] =	ssyncset.done $0x0  }
.LBB2_3:
0x162: {  	s31 =	sadd.s32 $0xFFFFFF60, s24  }
0x163: {  	s0 =	sadd.s32 s25, s19;
	[sflag:s6] =	ssyncadd.s32 $0xFFFFB000;
	s25 =	smov.u32 s26  }
0x164: {  	[tilespmem:s11], [sflag:$0x2] =	stream.indirect.gather [hbm4b:s1+s8], $0x80, s31, s8, $0xb8;
	[tilespmem:$0x1ED80] =	vst v63  }
0x165: {  	p2 =	sne.s32 s26, $0xFFFFFFD8;
	s26 =	sadd.s32 $0x28, s26;
	s31 =	sadd.s32 $0x244, s0  }
0x166: {  	[tilespmem:s12], [sflag:$0x2] =	stream.linear.gather [hbm4b:s31+s3], $0xA0, $0x38;
	[tilespmem:$0x1ED80] =	vst v63  }
0x167: {  	_ =	swait.ge [sflag:s13], $0x5000  }
0x168: {  	[sflag:s13] =	ssyncset.done $0x0  }
0x169: {  	[sflag:s13] =	ssyncadd.s32 $0xFFFFB000  }
0x16a: {  	_ =	swait.ge [sflag:s13], $0xA0  }
0x16b: {  	[sflag:s13] =	ssyncset.done $0x0  }
0x16c: {  	[sflag:s13] =	ssyncadd.s32 $0xFFFFFF60  }
0x16d: {  	[spmem:s2] =	stream.indirect.scatter.add.f32 [tilespmem:s9], [sflag:$0x3], $0x80, s10, s8, $0xb8;
	[tilespmem:$0x1ED80] =	vst v63  }
0x16e: {  	_ =	swait.ge [sflag:s6], $0x5000  }
0x16f: {  	[sflag:s6] =	ssyncset.done $0x0  }
0x170: {  	[sflag:s6] =	ssyncadd.s32 $0xFFFFB000  }
0x171: {  	[tilespmem:s9], [sflag:$0x1] =	stream.indirect.gather [hbm4b:s1+s8], $0x80, s24, s8, $0xb8;
	[tilespmem:$0x1ED80] =	vst v63  }
0x172: {  	s0 =	sadd.s32 $0x258, s0  }
0x173: {  	[tilespmem:s10], [sflag:$0x1] =	stream.linear.gather [hbm4b:s0+s3], $0xA0, $0x38;
	[tilespmem:$0x1ED80] =	vst v63  }
0x174: {  	_ =	swait.ge [sflag:s14], $0x5000  }
0x175: {  	[sflag:s14] =	ssyncset.done $0x0  }
0x176: {  	[sflag:s14] =	ssyncadd.s32 $0xFFFFB000  }
0x177: {  	_ =	swait.ge [sflag:s14], $0xA0  }
.Ltmp6:
0x178: {  	[sflag:s14] =	ssyncset.done $0x0;
	(pc) =	sbr.rel @p2 .LBB2_3-.Ltmp6, $4  }
0x179: {  	[sflag:s14] =	ssyncadd.s32 $0xFFFFFF60  }
0x17a: {  	[spmem:s2] =	stream.indirect.scatter.add.f32 [tilespmem:s11], [sflag:$0x3], $0x80, s12, s8, $0xb8;
	[tilespmem:$0x1ED80] =	vst v63  }
0x17b: {  	_ =	swait.ge [sflag:s6], $0x5000  }
0x17c: {  	s24 =	sadd.s32 $0x140, s24;
	[sflag:s6] =	ssyncset.done $0x0  }
0x17d: {  	s0 =	sadd.s32 $0xFFFFFF60, s24;
	s25 =	sadd.s32 s25, s19;
	[sflag:s6] =	ssyncadd.s32 $0xFFFFB000  }
0x17e: {  	[tilespmem:s11], [sflag:$0x2] =	stream.indirect.gather [hbm4b:s1+s8], $0x80, s0, s8, $0xb8;
	[tilespmem:$0x1ED80] =	vst v63  }
0x17f: {  	s31 =	sadd.s32 $0x244, s25  }
0x180: {  	[tilespmem:s12], [sflag:$0x2] =	stream.linear.gather [hbm4b:s31+s3], $0xA0, $0x38;
	[tilespmem:$0x1ED80] =	vst v63  }
0x181: {  	_ =	swait.ge [sflag:s13], $0x5000  }
0x182: {  	[sflag:s13] =	ssyncset.done $0x0  }
0x183: {  	[sflag:s13] =	ssyncadd.s32 $0xFFFFB000  }
0x184: {  	_ =	swait.ge [sflag:s13], $0xA0  }
0x185: {  	[sflag:s13] =	ssyncset.done $0x0  }
0x186: {  	[sflag:s13] =	ssyncadd.s32 $0xFFFFFF60  }
0x187: {  	[spmem:s2] =	stream.indirect.scatter.add.f32 [tilespmem:s9], [sflag:$0x3], $0x80, s10, s8, $0xb8;
	[tilespmem:$0x1ED80] =	vst v63  }
0x188: {  	_ =	swait.ge [sflag:s6], $0x5000  }
0x189: {  	[sflag:s6] =	ssyncset.done $0x0  }
0x18a: {  	[sflag:s6] =	ssyncadd.s32 $0xFFFFB000  }
0x18b: {  	[tilespmem:s9], [sflag:$0x1] =	stream.indirect.gather [hbm4b:s1+s8], $0x80, s24, s8, $0xb8;
	[tilespmem:$0x1ED80] =	vst v63  }
0x18c: {  	s26 =	sadd.s32 $0x258, s25  }
0x18d: {  	[tilespmem:s10], [sflag:$0x1] =	stream.linear.gather [hbm4b:s26+s3], $0xA0, $0x38;
	[tilespmem:$0x1ED80] =	vst v63  }
0x18e: {  	_ =	swait.ge [sflag:s14], $0x5000  }
0x18f: {  	[sflag:s14] =	ssyncset.done $0x0  }
0x190: {  	[sflag:s14] =	ssyncadd.s32 $0xFFFFB000  }
0x191: {  	_ =	swait.ge [sflag:s14], $0xA0  }
0x192: {  	[sflag:s14] =	ssyncset.done $0x0  }
0x193: {  	[sflag:s14] =	ssyncadd.s32 $0xFFFFFF60  }
0x194: {  	[spmem:s2] =	stream.indirect.scatter.add.f32 [tilespmem:s11], [sflag:$0x3], $0x80, s12, s8, $0xb8;
	[tilespmem:$0x1ED80] =	vst v63  }
0x195: {  	_ =	swait.ge [sflag:s6], $0x5000  }
0x196: {  	[sflag:s6] =	ssyncset.done $0x0  }
0x197: {  	[sflag:s6] =	ssyncadd.s32 $0xFFFFB000  }
0x198: {  	[tilespmem:s11], [sflag:$0x2] =	stream.indirect.gather [hbm4b:s1+s8], $0x80, s16, s8, $0xb8;
	[tilespmem:$0x1ED80] =	vst v63  }
0x199: {  	s31 =	rddreg [dreg:$0x13]  }
0x19a: {  	[tilespmem:s12], [sflag:$0x2] =	stream.linear.gather [hbm4b:s31+s3], $0xA0, $0x38;
	[tilespmem:$0x1ED80] =	vst v63  }
0x19b: {  	_ =	swait.ge [sflag:s13], $0x5000  }
0x19c: {  	[sflag:s13] =	ssyncset.done $0x0  }
0x19d: {  	[sflag:s13] =	ssyncadd.s32 $0xFFFFB000  }
0x19e: {  	_ =	swait.ge [sflag:s13], $0xA0  }
0x19f: {  	[sflag:s13] =	ssyncset.done $0x0  }
0x1a0: {  	[sflag:s13] =	ssyncadd.s32 $0xFFFFFF60  }
0x1a1: {  	[spmem:s2] =	stream.indirect.scatter.add.f32 [tilespmem:s9], [sflag:$0x3], $0x80, s10, s8, $0xb8;
	[tilespmem:$0x1ED80] =	vst v63  }
0x1a2: {  	_ =	swait.ge [sflag:s6], $0x5000  }
0x1a3: {  	[sflag:s6] =	ssyncset.done $0x0  }
0x1a4: {  	[sflag:s6] =	ssyncadd.s32 $0xFFFFB000  }
0x1a5: {  	_ =	swait.ge [sflag:s14], $0x5000  }
0x1a6: {  	[sflag:s14] =	ssyncset.done $0x0  }
0x1a7: {  	[sflag:s14] =	ssyncadd.s32 $0xFFFFB000  }
0x1a8: {  	_ =	swait.ge [sflag:s14], $0xA0  }
0x1a9: {  	[sflag:s14] =	ssyncset.done $0x0  }
0x1aa: {  	[sflag:s14] =	ssyncadd.s32 $0xFFFFFF60  }
0x1ab: {  	[spmem:s2] =	stream.indirect.scatter.add.f32 [tilespmem:s11], [sflag:$0x3], $0x80, s12, s8, $0xb8;
	[tilespmem:$0x1ED80] =	vst v63  }
0x1ac: {  	_ =	swait.ge [sflag:s6], $0x5000  }
0x1ad: {  	[sflag:s6] =	ssyncset.done $0x0  }
0x1ae: {  	s24 =	rddreg [dreg:$0x5];
	[sflag:s6] =	ssyncadd.s32 $0xFFFFB000  }
0x1af: {  	[tilespmem:s3], [sflag:$0x3] =	stream.linear.gather [hbm4b:s24+s3], $0x12C0, $0x38;
	[tilespmem:$0x1ED80] =	vst v63  }
0x1b0: {  	_ =	swait.ge [sflag:s6], $0x12C0  }
0x1b1: {  	[sflag:s6] =	ssyncset.done $0x0  }
0x1b2: {  	[sflag:s6] =	ssyncadd.s32 $0xFFFFED40  }
0x1b3: {  	[tilespmem:s9], [sflag:$0x1] =	stream.indirect.gather [hbm4b:s1+s8], $0x80, s3, s8, $0xb8;
	[tilespmem:$0x1ED80] =	vst v63  }
0x1b4: {  	s25 =	rddreg [dreg:$0x6]  }
0x1b5: {  	[tilespmem:s10], [sflag:$0x1] =	stream.linear.gather [hbm4b:s25+s3], $0xA0, $0x38;
	[tilespmem:$0x1ED80] =	vst v63  }
0x1b6: {  	s26 =	simm.s32 $0xA0;
	s31 =	sadd.s32 $0xFFFFFDD0, s19  }
0x1b7: {  	[tilespmem:s11], [sflag:$0x2] =	stream.indirect.gather [hbm4b:s1+s8], $0x80, s26, s8, $0xb8;
	[tilespmem:$0x1ED80] =	vst v63  }
0x1b8: {  	s25 =	sadd.s32 $0x49C, s31  }
0x1b9: {  	[tilespmem:s12], [sflag:$0x2] =	stream.linear.gather [hbm4b:s25+s3], $0xA0, $0x38;
	[tilespmem:$0x1ED80] =	vst v63  }
0x1ba: {  	_ =	swait.ge [sflag:s13], $0x5000  }
0x1bb: {  	[sflag:s13] =	ssyncset.done $0x0  }
0x1bc: {  	[sflag:s13] =	ssyncadd.s32 $0xFFFFB000  }
0x1bd: {  	_ =	swait.ge [sflag:s13], $0xA0  }
0x1be: {  	[sflag:s13] =	ssyncset.done $0x0  }
0x1bf: {  	[sflag:s13] =	ssyncadd.s32 $0xFFFFFF60  }
0x1c0: {  	[spmem:s2] =	stream.indirect.scatter.add.f32 [tilespmem:s9], [sflag:$0x3], $0x80, s10, s8, $0xb8;
	[tilespmem:$0x1ED80] =	vst v63  }
0x1c1: {  	_ =	swait.ge [sflag:s6], $0x5000  }
0x1c2: {  	[sflag:s6] =	ssyncset.done $0x0  }
0x1c3: {  	s26 =	simm.s32 $0x140;
	[sflag:s6] =	ssyncadd.s32 $0xFFFFB000  }
0x1c4: {  	[tilespmem:s9], [sflag:$0x1] =	stream.indirect.gather [hbm4b:s1+s8], $0x80, s26, s8, $0xb8;
	[tilespmem:$0x1ED80] =	vst v63  }
0x1c5: {  	s31 =	sadd.s32 $0x4B0, s31  }
0x1c6: {  	[tilespmem:s10], [sflag:$0x1] =	stream.linear.gather [hbm4b:s31+s3], $0xA0, $0x38;
	[tilespmem:$0x1ED80] =	vst v63  }
0x1c7: {  	_ =	swait.ge [sflag:s14], $0x5000  }
0x1c8: {  	[sflag:s14] =	ssyncset.done $0x0  }
0x1c9: {  	[sflag:s14] =	ssyncadd.s32 $0xFFFFB000  }
0x1ca: {  	_ =	swait.ge [sflag:s14], $0xA0  }
0x1cb: {  	[sflag:s14] =	ssyncset.done $0x0  }
0x1cc: {  	[sflag:s14] =	ssyncadd.s32 $0xFFFFFF60  }
0x1cd: {  	[spmem:s2] =	stream.indirect.scatter.add.f32 [tilespmem:s11], [sflag:$0x3], $0x80, s12, s8, $0xb8;
	[tilespmem:$0x1ED80] =	vst v63  }
0x1ce: {  	s24 =	simm.s32 $0x280;
	_ =	swait.ge [sflag:s6], $0x5000  }
0x1cf: {  	s25 =	simm.s32 $0xFFFFFDF8;
	s26 =	simm.s32 $0xFFFFFE20;
	[sflag:s6] =	ssyncset.done $0x0  }
.LBB2_5:
0x1d0: {  	s0 =	sadd.s32 $0xFFFFFF60, s24  }
0x1d1: {  	s31 =	sadd.s32 s25, s19;
	[sflag:s6] =	ssyncadd.s32 $0xFFFFB000;
	s25 =	smov.u32 s26  }
0x1d2: {  	[tilespmem:s11], [sflag:$0x2] =	stream.indirect.gather [hbm4b:s1+s8], $0x80, s0, s8, $0xb8;
	[tilespmem:$0x1ED80] =	vst v63  }
0x1d3: {  	p2 =	sne.s32 s26, $0xFFFFFFD8;
	s26 =	sadd.s32 $0x28, s26;
	s0 =	sadd.s32 $0x49C, s31  }
0x1d4: {  	[tilespmem:s12], [sflag:$0x2] =	stream.linear.gather [hbm4b:s0+s3], $0xA0, $0x38;
	[tilespmem:$0x1ED80] =	vst v63  }
0x1d5: {  	_ =	swait.ge [sflag:s13], $0x5000  }
0x1d6: {  	[sflag:s13] =	ssyncset.done $0x0  }
0x1d7: {  	[sflag:s13] =	ssyncadd.s32 $0xFFFFB000  }
0x1d8: {  	_ =	swait.ge [sflag:s13], $0xA0  }
0x1d9: {  	[sflag:s13] =	ssyncset.done $0x0  }
0x1da: {  	[sflag:s13] =	ssyncadd.s32 $0xFFFFFF60  }
0x1db: {  	[spmem:s2] =	stream.indirect.scatter.add.f32 [tilespmem:s9], [sflag:$0x3], $0x80, s10, s8, $0xb8;
	[tilespmem:$0x1ED80] =	vst v63  }
0x1dc: {  	_ =	swait.ge [sflag:s6], $0x5000  }
0x1dd: {  	[sflag:s6] =	ssyncset.done $0x0  }
0x1de: {  	[sflag:s6] =	ssyncadd.s32 $0xFFFFB000  }
0x1df: {  	[tilespmem:s9], [sflag:$0x1] =	stream.indirect.gather [hbm4b:s1+s8], $0x80, s24, s8, $0xb8;
	[tilespmem:$0x1ED80] =	vst v63  }
0x1e0: {  	s0 =	sadd.s32 $0x4B0, s31  }
0x1e1: {  	[tilespmem:s10], [sflag:$0x1] =	stream.linear.gather [hbm4b:s0+s3], $0xA0, $0x38;
	[tilespmem:$0x1ED80] =	vst v63  }
0x1e2: {  	_ =	swait.ge [sflag:s14], $0x5000  }
0x1e3: {  	[sflag:s14] =	ssyncset.done $0x0  }
0x1e4: {  	[sflag:s14] =	ssyncadd.s32 $0xFFFFB000  }
0x1e5: {  	_ =	swait.ge [sflag:s14], $0xA0  }
.Ltmp7:
0x1e6: {  	[sflag:s14] =	ssyncset.done $0x0;
	(pc) =	sbr.rel @p2 .LBB2_5-.Ltmp7, $4  }
0x1e7: {  	[sflag:s14] =	ssyncadd.s32 $0xFFFFFF60  }
0x1e8: {  	[spmem:s2] =	stream.indirect.scatter.add.f32 [tilespmem:s11], [sflag:$0x3], $0x80, s12, s8, $0xb8;
	[tilespmem:$0x1ED80] =	vst v63  }
0x1e9: {  	_ =	swait.ge [sflag:s6], $0x5000  }
0x1ea: {  	s24 =	sadd.s32 $0x140, s24;
	[sflag:s6] =	ssyncset.done $0x0  }
0x1eb: {  	s0 =	sadd.s32 $0xFFFFFF60, s24;
	s25 =	sadd.s32 s25, s19;
	[sflag:s6] =	ssyncadd.s32 $0xFFFFB000  }
0x1ec: {  	[tilespmem:s11], [sflag:$0x2] =	stream.indirect.gather [hbm4b:s1+s8], $0x80, s0, s8, $0xb8;
	[tilespmem:$0x1ED80] =	vst v63  }
0x1ed: {  	s31 =	sadd.s32 $0x49C, s25  }
0x1ee: {  	[tilespmem:s12], [sflag:$0x2] =	stream.linear.gather [hbm4b:s31+s3], $0xA0, $0x38;
	[tilespmem:$0x1ED80] =	vst v63  }
0x1ef: {  	_ =	swait.ge [sflag:s13], $0x5000  }
0x1f0: {  	[sflag:s13] =	ssyncset.done $0x0  }
0x1f1: {  	[sflag:s13] =	ssyncadd.s32 $0xFFFFB000  }
0x1f2: {  	_ =	swait.ge [sflag:s13], $0xA0  }
0x1f3: {  	[sflag:s13] =	ssyncset.done $0x0  }
0x1f4: {  	[sflag:s13] =	ssyncadd.s32 $0xFFFFFF60  }
0x1f5: {  	[spmem:s2] =	stream.indirect.scatter.add.f32 [tilespmem:s9], [sflag:$0x3], $0x80, s10, s8, $0xb8;
	[tilespmem:$0x1ED80] =	vst v63  }
0x1f6: {  	_ =	swait.ge [sflag:s6], $0x5000  }
0x1f7: {  	[sflag:s6] =	ssyncset.done $0x0  }
0x1f8: {  	[sflag:s6] =	ssyncadd.s32 $0xFFFFB000  }
0x1f9: {  	[tilespmem:s9], [sflag:$0x1] =	stream.indirect.gather [hbm4b:s1+s8], $0x80, s24, s8, $0xb8;
	[tilespmem:$0x1ED80] =	vst v63  }
0x1fa: {  	s24 =	sadd.s32 $0x4B0, s25  }
0x1fb: {  	[tilespmem:s10], [sflag:$0x1] =	stream.linear.gather [hbm4b:s24+s3], $0xA0, $0x38;
	[tilespmem:$0x1ED80] =	vst v63  }
0x1fc: {  	_ =	swait.ge [sflag:s14], $0x5000  }
0x1fd: {  	[sflag:s14] =	ssyncset.done $0x0  }
0x1fe: {  	[sflag:s14] =	ssyncadd.s32 $0xFFFFB000  }
0x1ff: {  	_ =	swait.ge [sflag:s14], $0xA0  }
0x200: {  	[sflag:s14] =	ssyncset.done $0x0  }
0x201: {  	[sflag:s14] =	ssyncadd.s32 $0xFFFFFF60  }
0x202: {  	[spmem:s2] =	stream.indirect.scatter.add.f32 [tilespmem:s11], [sflag:$0x3], $0x80, s12, s8, $0xb8;
	[tilespmem:$0x1ED80] =	vst v63  }
0x203: {  	_ =	swait.ge [sflag:s6], $0x5000  }
0x204: {  	[sflag:s6] =	ssyncset.done $0x0  }
0x205: {  	[sflag:s6] =	ssyncadd.s32 $0xFFFFB000  }
0x206: {  	[tilespmem:s11], [sflag:$0x2] =	stream.indirect.gather [hbm4b:s1+s8], $0x80, s16, s8, $0xb8;
	[tilespmem:$0x1ED80] =	vst v63  }
0x207: {  	s25 =	rddreg [dreg:$0x14]  }
0x208: {  	[tilespmem:s12], [sflag:$0x2] =	stream.linear.gather [hbm4b:s25+s3], $0xA0, $0x38;
	[tilespmem:$0x1ED80] =	vst v63  }
0x209: {  	_ =	swait.ge [sflag:s13], $0x5000  }
0x20a: {  	[sflag:s13] =	ssyncset.done $0x0  }
0x20b: {  	[sflag:s13] =	ssyncadd.s32 $0xFFFFB000  }
0x20c: {  	_ =	swait.ge [sflag:s13], $0xA0  }
0x20d: {  	[sflag:s13] =	ssyncset.done $0x0  }
0x20e: {  	[sflag:s13] =	ssyncadd.s32 $0xFFFFFF60  }
0x20f: {  	[spmem:s2] =	stream.indirect.scatter.add.f32 [tilespmem:s9], [sflag:$0x3], $0x80, s10, s8, $0xb8;
	[tilespmem:$0x1ED80] =	vst v63  }
0x210: {  	_ =	swait.ge [sflag:s6], $0x5000  }
0x211: {  	[sflag:s6] =	ssyncset.done $0x0  }
0x212: {  	[sflag:s6] =	ssyncadd.s32 $0xFFFFB000  }
0x213: {  	_ =	swait.ge [sflag:s14], $0x5000  }
0x214: {  	[sflag:s14] =	ssyncset.done $0x0  }
0x215: {  	[sflag:s14] =	ssyncadd.s32 $0xFFFFB000  }
0x216: {  	_ =	swait.ge [sflag:s14], $0xA0  }
0x217: {  	[sflag:s14] =	ssyncset.done $0x0  }
0x218: {  	[sflag:s14] =	ssyncadd.s32 $0xFFFFFF60  }
0x219: {  	[spmem:s2] =	stream.indirect.scatter.add.f32 [tilespmem:s11], [sflag:$0x3], $0x80, s12, s8, $0xb8;
	[tilespmem:$0x1ED80] =	vst v63  }
0x21a: {  	_ =	swait.ge [sflag:s6], $0x5000  }
0x21b: {  	[sflag:s6] =	ssyncset.done $0x0  }
0x21c: {  	s26 =	rddreg [dreg:$0x7];
	[sflag:s6] =	ssyncadd.s32 $0xFFFFB000  }
0x21d: {  	[tilespmem:s3], [sflag:$0x3] =	stream.linear.gather [hbm4b:s26+s3], $0x140, $0x38;
	[tilespmem:$0x1ED80] =	vst v63  }
0x21e: {  	_ =	swait.ge [sflag:s6], $0x140  }
0x21f: {  	[sflag:s6] =	ssyncset.done $0x0  }
0x220: {  	[sflag:s6] =	ssyncadd.s32 $0xFFFFFEC0  }
0x221: {  	[tilespmem:s9], [sflag:$0x1] =	stream.indirect.gather [hbm4b:s1+s8], $0x80, s3, s8, $0xb8;
	[tilespmem:$0x1ED80] =	vst v63  }
0x222: {  	s31 =	rddreg [dreg:$0x8]  }
0x223: {  	[tilespmem:s10], [sflag:$0x1] =	stream.linear.gather [hbm4b:s31+s3], $0xA0, $0x38;
	[tilespmem:$0x1ED80] =	vst v63  }
0x224: {  	_ = 	snop  }
0x225: {  	[tilespmem:s11], [sflag:$0x2] =	stream.indirect.gather [hbm4b:s1+s8], $0x80, s8, s8, $0xb8;
	[tilespmem:$0x1ED80] =	vst v63  }
0x226: {  	_ = 	snop  }
0x227: {  	[tilespmem:s12], [sflag:$0x2] =	stream.linear.gather [hbm4b:s4+s3], $0xA0, $0x38;
	[tilespmem:$0x1ED80] =	vst v63  }
0x228: {  	_ =	swait.ge [sflag:s13], $0x5000  }
0x229: {  	[sflag:s13] =	ssyncset.done $0x0  }
0x22a: {  	[sflag:s13] =	ssyncadd.s32 $0xFFFFB000  }
0x22b: {  	_ =	swait.ge [sflag:s13], $0xA0  }
0x22c: {  	[sflag:s13] =	ssyncset.done $0x0  }
0x22d: {  	[sflag:s13] =	ssyncadd.s32 $0xFFFFFF60  }
0x22e: {  	[spmem:s2] =	stream.indirect.scatter.add.f32 [tilespmem:s9], [sflag:$0x3], $0x80, s10, s8, $0xb8;
	[tilespmem:$0x1ED80] =	vst v63  }
0x22f: {  	_ =	swait.ge [sflag:s6], $0x5000  }
0x230: {  	[sflag:s6] =	ssyncset.done $0x0  }
0x231: {  	[sflag:s6] =	ssyncadd.s32 $0xFFFFB000  }
0x232: {  	_ =	swait.ge [sflag:s14], $0x5000  }
0x233: {  	[sflag:s14] =	ssyncset.done $0x0  }
.Ltmp8:
0x234: {  	[sflag:s14] =	ssyncadd.s32 $0xFFFFB000;
	(pc) =	sbr.rel .LBB2_12-.Ltmp8, $4  }
0x235: {  	_ =	swait.ge [sflag:s14], $0xA0  }
0x236: {  	[sflag:s14] =	ssyncset.done $0x0  }
0x237: {  	[sflag:s14] =	ssyncadd.s32 $0xFFFFFF60  }
0x238: {  	[spmem:s2] =	stream.indirect.scatter.add.f32 [tilespmem:s11], [sflag:$0x3], $0x80, s12, s8, $0xb8;
	[tilespmem:$0x1ED80] =	vst v63  }
.LBB2_13:
0x239: {  	_ =	sfence.sel $0x180000  }
0x23a: {  	[bflag:$0x0] =	sbarrier.arrive $0xFFFF  }
0x23b: {  	_ =	strace $0x9000004A  }
0x23c: {  	s0 =	stileid.u32;
	[bflag:$0x2] =	sbarrier.arrive $0xFFFF  }
0x23d: {  	p0 =	sne.s32 s0, $0x0;
	s0 =	rddreg [dreg:$0x3]  }
0x23e: {  	s0 =	sadd.s32 @!p0 $0x100000, s0  }
0x23f: {  	[sflag:s0] =	ssyncadd.tile.s32 @!p0 $0x1;
	_ =	shalt  }
.Lfunc_end2:
_tile_overlayer_lowered:
.L_overlay_start_2:
0x240: {  	(tag) =	ssettag $0x2  }
0x241: {  	s0 =	rddreg [dreg:$0x0];
	s2 =	stileid.u32  }
0x242: {  	s1 =	rddreg [dreg:$0x1];
	p0 =	sne.s32 s2, $0x0  }
0x243: {  	s3 =	rddreg [dreg:$0x2];
	[bflag:$0x3] =	sbarrier.arrive $0xFFFF;
	s2 =	simm.s32 @!p0 $0x1C03  }
0x244: {  	[timem:s3], [sflag:s2] =	dma.local @!p0 [hbm:s0], s1  }
0x245: {  	s0 =	simm.s32 @!p0 $0x3  }
0x246: {  	_ =	swait.ge @!p0 [sflag:s0], s1  }
0x247: {  	s1 =	ssub.s32 @!p0 $0x0, s1;
	[sflag:s0] =	ssyncset.done @!p0 $0x0  }
0x248: {  	[sflag:s0] =	ssyncadd.s32 @!p0 s1  }
0x249: {  	[bflag:$0x3] =	sbarrier.arrive $0xFFFF  }
0x24a: {  	_ =	shalt  }

</sc_bundles>
